<compile_context>
chip_gen: v7x
topology: tpu7x:2x2x1
jax: 0.10.2.dev20260603
libtpu: 0.0.44.dev20260713+nightly
codegen_flags: <defaults>
</compile_context>

<pallas_src>
import functools
import math

import jax
import jax.numpy as jnp
from jax import lax
from jax.experimental import pallas as pl
from jax.experimental.pallas import tpu as pltpu
from jax.experimental.pallas import tpu_sc as plsc

F32 = jnp.float32
I32 = jnp.int32

AVG_D_LOG = math.log(33.0)

N = 10000
E = 320000
D = 128
ED = 16

NC = 2
NS = 16
NW = NC * NS
CHUNKS = 32
CSZ = 313
NPAD = CHUNKS * CSZ
CROW = 320
NPADC = CHUNKS * CROW
BSCAN = 512
NBLK = E // BSCAN
PKSH = 14
PKMASK = (1 << PKSH) - 1

_pallas_call = pl.pallas_call



def _mm_body(x_ref, w_ref, o_ref):
    o_ref[...] = jnp.dot(x_ref[...], w_ref[...], preferred_element_type=F32)


def _xb_matmul(x, Wb):
    return _pallas_call(
        _mm_body,
        out_shape=jax.ShapeDtypeStruct((N, D), F32),
    )(x, Wb)


def _edge_body(ea_ref, w_ref, b_ref, o_ref):
    o_ref[...] = (
        jnp.dot(ea_ref[...], w_ref[...], preferred_element_type=F32)
        + b_ref[...]
    )


def _edge_pre(edge_attr, Wc, b_pre):
    blk = 6400
    return _pallas_call(
        _edge_body,
        grid=(E // blk,),
        in_specs=[
            pl.BlockSpec((blk, ED), lambda i: (i, 0)),
            pl.BlockSpec((ED, D), lambda i: (0, 0)),
            pl.BlockSpec((1, D), lambda i: (0, 0)),
        ],
        out_specs=pl.BlockSpec((blk, D), lambda i: (i, 0)),
        out_shape=jax.ShapeDtypeStruct((E, D), F32),
    )(edge_attr, Wc, b_pre.reshape(1, D))



def _sc_body(xb_h, eaC_h, pk_h, S_h, Q_h, M_h, C_h,
             pkb, seleid, obuf, grows, xrows,
             accS, accQ, accM, accC, semd, sem1, sem2):
    wid = lax.axis_index("s") * NC + lax.axis_index("c")
    base = wid * CSZ
    iota16 = lax.iota(I32, 16)
    zeros16 = jnp.zeros((16,), F32)
    neg16 = jnp.full((16,), -3.0e38, F32)
    zeros16i = jnp.zeros((16,), I32)

    def _zi(i, _):
        seleid[pl.ds(i * 16, 16)] = zeros16i
        return 0
    lax.fori_loop(0, (BSCAN + 16) // 16, _zi, 0)

    def _za(i, _):
        s = pl.ds(i * 16, 16)
        accS[s] = zeros16
        accQ[s] = zeros16
        accM[s] = neg16
        return 0
    lax.fori_loop(0, CSZ * (D // 16), _za, 0)

    def _zc(i, _):
        accC[pl.ds(i * 16, 16)] = zeros16
        return 0
    lax.fori_loop(0, CROW // 16, _zc, 0)

    def _edg(j, _):
        o = obuf[pl.ds(j, 16)][0]
        for t in range(D // 16):
            s = pl.ds(o + t * 16, 16)
            gv = (grows[j, pl.ds(t * 16, 16)]
                  + xrows[j, pl.ds(t * 16, 16)])
            plsc.addupdate(accS.at[s], gv)
            plsc.addupdate(accQ.at[s], gv * gv)
            accM[s] = jnp.maximum(accM[s], gv)
        r = lax.shift_right_logical(o, 7)
        lane = r & 15
        rb = r - lane
        plsc.addupdate(accC.at[pl.ds(rb, 16)],
                       jnp.where(iota16 == lane, 1.0, 0.0))
        return 0

    def _wait_half(h):
        pltpu.make_async_copy(
            eaC_h.at[seleid.at[pl.ds(h * 16, 16)]],
            grows.at[pl.ds(h * 16, 16)], sem1).wait()
        pltpu.make_async_copy(
            eaC_h.at[seleid.at[pl.ds(h * 16, 16)]],
            xrows.at[pl.ds(h * 16, 16)], sem2).wait()

    def _drain_pend(pend):
        @pl.when(pend > 0)
        def _():
            _wait_half(0)
            lax.fori_loop(0, jnp.minimum(pend, 16), _edg, 0)

            @pl.when(pend > 16)
            def _():
                _wait_half(1)
                lax.fori_loop(16, pend, _edg, 0)

    pltpu.async_copy(pk_h.at[pl.ds(0, BSCAN)], pkb.at[pl.ds(0, BSCAN)], semd)

    def _blk(b, pend):
        eb = b * BSCAN
        cb = (b & 1) * BSCAN
        pltpu.make_async_copy(
            pk_h.at[pl.ds(eb, BSCAN)], pkb.at[pl.ds(cb, BSCAN)], semd).wait()

        @pl.when(b + 1 < NBLK)
        def _():
            nb_off = ((b + 1) & 1) * BSCAN
            pltpu.async_copy(
                pk_h.at[pl.ds((b + 1) * BSCAN, BSCAN)],
                pkb.at[pl.ds(nb_off, BSCAN)], semd)

        def _grp(i, cur):
            pv1 = pkb[pl.ds(cb + i * 32, 16)]
            pv2 = pkb[pl.ds(cb + i * 32 + 16, 16)]
            dv1 = pv1 & PKMASK
            dv2 = pv2 & PKMASK
            m1 = (dv1 >= base) & (dv1 < base + CSZ)
            m2 = (dv2 >= base) & (dv2 < base + CSZ)
            k1 = plsc.all_reduce_population_count(m1)[0]
            k2 = plsc.all_reduce_population_count(m2)[0]

            @pl.when(k1 > 0)
            def _():
                mi = jnp.where(m1, 1, 0)
                csum = plsc.cumsum(mi)
                pos = (cur + csum) - mi
                ev = eb + i * 32 + iota16
                plsc.store_scatter(seleid, [pos], ev, mask=m1)

            @pl.when(k2 > 0)
            def _():
                mi = jnp.where(m2, 1, 0)
                csum = plsc.cumsum(mi)
                pos = (cur + k1 + csum) - mi
                ev = eb + i * 32 + 16 + iota16
                plsc.store_scatter(seleid, [pos], ev, mask=m2)

            return cur + k1 + k2

        cur = lax.fori_loop(0, BSCAN // 32, _grp, jnp.int32(0))

        _drain_pend(pend)

        nbat = lax.shift_right_logical(cur + 15, 4)

        def _tail(jb, _):
            evv = seleid[pl.ds(jb * 16, 16)]
            rel = (evv - eb) & (BSCAN - 1)
            pkv = plsc.load_gather(pkb, [cb + rel])
            srcv = lax.shift_right_logical(pkv, PKSH)
            obuf[pl.ds(0, 16)] = ((pkv & PKMASK) - base) * D
            c1 = pltpu.async_copy(
                eaC_h.at[seleid.at[pl.ds(jb * 16, 16)]],
                grows.at[pl.ds(0, 16)], sem1)
            c2 = pltpu.async_copy(xb_h.at[srcv], xrows.at[pl.ds(0, 16)], sem2)
            c1.wait()
            c2.wait()
            kb = jnp.minimum(cur - jb * 16, 16)
            lax.fori_loop(0, kb, _edg, 0)
            return 0

        lax.fori_loop(2, jnp.maximum(nbat, 2), _tail, 0)

        for h in range(2):
            @pl.when(cur > h * 16)
            def _(h=h):
                evv = seleid[pl.ds(h * 16, 16)]
                rel = (evv - eb) & (BSCAN - 1)
                pkv = plsc.load_gather(pkb, [cb + rel])
                srcv = lax.shift_right_logical(pkv, PKSH)
                obuf[pl.ds(h * 16, 16)] = ((pkv & PKMASK) - base) * D
                pltpu.async_copy(
                    eaC_h.at[seleid.at[pl.ds(h * 16, 16)]],
                    grows.at[pl.ds(h * 16, 16)], sem1)
                pltpu.async_copy(
                    xb_h.at[srcv], xrows.at[pl.ds(h * 16, 16)], sem2)

        return jnp.minimum(cur, 32)

    pend = lax.fori_loop(0, NBLK, _blk, jnp.int32(0))
    _drain_pend(pend)

    pltpu.sync_copy(accS, S_h.at[pl.ds(base * D, CSZ * D)])
    pltpu.sync_copy(accQ, Q_h.at[pl.ds(base * D, CSZ * D)])
    pltpu.sync_copy(accM, M_h.at[pl.ds(base * D, CSZ * D)])
    pltpu.sync_copy(accC, C_h.at[pl.ds(wid * CROW, CROW)])


def _sc_segreduce(xb, eaC, pk):
    mesh = plsc.VectorSubcoreMesh(core_axis_name="c", subcore_axis_name="s")
    fn = functools.partial(
        pl.kernel,
        out_type=[
            jax.ShapeDtypeStruct((NPAD * D,), F32),
            jax.ShapeDtypeStruct((NPAD * D,), F32),
            jax.ShapeDtypeStruct((NPAD * D,), F32),
            jax.ShapeDtypeStruct((NPADC,), F32),
        ],
        mesh=mesh,
        scratch_types=[
            pltpu.VMEM((2 * BSCAN,), I32),
            pltpu.VMEM((BSCAN + 16,), I32),
            pltpu.VMEM((48,), I32),
            pltpu.VMEM((32, D), F32),
            pltpu.VMEM((32, D), F32),
            pltpu.VMEM((CSZ * D,), F32),
            pltpu.VMEM((CSZ * D,), F32),
            pltpu.VMEM((CSZ * D,), F32),
            pltpu.VMEM((CROW,), F32),
            pltpu.SemaphoreType.DMA,
            pltpu.SemaphoreType.DMA,
            pltpu.SemaphoreType.DMA,
        ],
        compiler_params=pltpu.CompilerParams(needs_layout_passes=False),
    )(_sc_body)
    return fn(xb, eaC, pk)



def _post_body(x_ref, S_ref, Q_ref, M_ref, c_ref, sn_ref, wa_ref,
               wp_ref, bp_ref, wm_ref, bm_ref, o_ref):
    xv = x_ref[...]
    Sv = S_ref[...]
    Qv = Q_ref[...]
    Mv = M_ref[...]
    c = c_ref[...]
    cs = jnp.maximum(c, 1.0)
    xa = jnp.dot(xv, wa_ref[...], preferred_element_type=F32)
    sums = c * xa + Sv
    maxs = jnp.where(c > 0.0, xa + Mv, 0.0)
    means = sums / cs
    Sn = Sv / cs
    var = jnp.maximum(Qv / cs - Sn * Sn, 0.0)
    l_idx = jnp.log(c + 1.0)
    a1 = l_idx * (1.0 / AVG_D_LOG)
    a2 = AVG_D_LOG / jnp.maximum(l_idx, 1e-6)
    A = jnp.concatenate([sums, maxs, means, var], axis=1)
    wp = wp_ref[...]
    xo = (jnp.dot(xv, wp[0:D], preferred_element_type=F32)
          + jnp.dot(A, wp[D:5 * D], preferred_element_type=F32)
          + jnp.dot(A * a1, wp[5 * D:9 * D], preferred_element_type=F32)
          + jnp.dot(A * a2, wp[9 * D:13 * D], preferred_element_type=F32)
          + bp_ref[...])
    xo = xo * sn_ref[...]
    h = jnp.dot(xo, wm_ref[...], preferred_element_type=F32) + bm_ref[...]
    h = jnp.where(h >= 0.0, h, 0.01 * h)
    o_ref[...] = xv + h


def _post(x, S, Q, M, cnt16, snorm, Wa, W_post, b_post, W_mix, b_mix):
    blk = 1000
    g = N // blk
    return _pallas_call(
        _post_body,
        grid=(g,),
        in_specs=[
            pl.BlockSpec((blk, D), lambda i: (i, 0)),
            pl.BlockSpec((blk, D), lambda i: (i, 0)),
            pl.BlockSpec((blk, D), lambda i: (i, 0)),
            pl.BlockSpec((blk, D), lambda i: (i, 0)),
            pl.BlockSpec((blk, 1), lambda i: (i, 0)),
            pl.BlockSpec((blk, 1), lambda i: (i, 0)),
            pl.BlockSpec((D, D), lambda i: (0, 0)),
            pl.BlockSpec((13 * D, D), lambda i: (0, 0)),
            pl.BlockSpec((1, D), lambda i: (0, 0)),
            pl.BlockSpec((D, D), lambda i: (0, 0)),
            pl.BlockSpec((1, D), lambda i: (0, 0)),
        ],
        out_specs=pl.BlockSpec((blk, D), lambda i: (i, 0)),
        out_shape=jax.ShapeDtypeStruct((N, D), F32),
    )(x, S, Q, M, cnt16, snorm, Wa, W_post, b_post, W_mix, b_mix)



def kernel(x, edge_index, snorm_n, edge_attr, W_pre, b_pre, W_post, b_post,
           W_mix, b_mix):
    Wa = W_pre[:D]
    Wb = W_pre[D:2 * D]
    Wc = W_pre[2 * D:]
    xb = _xb_matmul(x, Wb)
    eaC = _edge_pre(edge_attr, Wc, b_pre)
    src = edge_index[0].astype(I32)
    dst = edge_index[1].astype(I32)
    pk = (src << PKSH) | dst
    Sf, Qf, Mf, Cf = _sc_segreduce(xb, eaC, pk)
    S = Sf.reshape(NPAD, D)[:N]
    Q = Qf.reshape(NPAD, D)[:N]
    M = Mf.reshape(NPAD, D)[:N]
    cnt = Cf.reshape(CHUNKS, CROW)[:, :CSZ].reshape(NPAD)[:N]
    return _post(x, S, Q, M, cnt.reshape(N, 1), snorm_n, Wa, W_post,
                 b_post.reshape(1, D), W_mix, b_mix.reshape(1, D))

# --- scband reference (transcript-rebuilt; emitter-appended) ---
"""Pipeline reference for scband-pnalayer-30296699306204 (READ-ONLY COPY).

The authoritative reference and input builder live on the scoring server;
editing this copy changes nothing except your own understanding.
"""

import jax, jax.numpy as jnp
import numpy as np

N = 10000
E = 320000
D = 128
ED = 16
AVG_D_LOG = float(np.log(33.0))


def setup_inputs(seed: int = 0) -> dict:
    key = jax.random.key(seed)
    ks = jax.random.split(key, 10)
    x = jax.random.normal(ks[0], (N, D), dtype=jnp.float32)
    edge_index = jax.random.randint(ks[1], (2, E), 0, N)
    snorm_n = jax.random.uniform(ks[2], (N, 1), dtype=jnp.float32)
    edge_attr = jax.random.normal(ks[3], (E, ED), dtype=jnp.float32)
    W_pre = jax.random.normal(ks[4], (2 * D + ED, D), dtype=jnp.float32) * 0.02
    b_pre = jnp.zeros((D,), dtype=jnp.float32)
    W_post = jax.random.normal(ks[5], (13 * D, D), dtype=jnp.float32) * 0.02
    b_post = jnp.zeros((D,), dtype=jnp.float32)
    W_mix = jax.random.normal(ks[6], (D, D), dtype=jnp.float32) * 0.02
    b_mix = jnp.zeros((D,), dtype=jnp.float32)
    return {"x": x, "edge_index": edge_index, "snorm_n": snorm_n, "edge_attr": edge_attr,
            "W_pre": W_pre, "b_pre": b_pre, "W_post": W_post, "b_post": b_post,
            "W_mix": W_mix, "b_mix": b_mix}


def _forward(x, snorm_n, edge_attr, W_pre, b_pre, W_post, b_post, W_mix, b_mix, edge_index):
    src = edge_index[0]
    dst = edge_index[1]
    # PyG MessagePassing (flow=source_to_target): x_i = x[dst], x_j = x[src]
    x_i = jnp.take(x, dst, axis=0)
    x_j = jnp.take(x, src, axis=0)
    # message: pretrans MLP (single linear, pretrans_layers=1, last_activation='none')
    h = jnp.concatenate([x_i, x_j, edge_attr], axis=-1)
    h = h @ W_pre + b_pre
    # aggregate: PNA aggregators
    sums = jax.ops.segment_sum(h, dst, num_segments=N)
    maxs = jax.ops.segment_max(h, dst, num_segments=N)
    maxs = jnp.where(jnp.isfinite(maxs), maxs, 0.0)
    cnt = jnp.bincount(dst, length=N).astype(jnp.float32)
    cnt_safe = jnp.maximum(cnt, 1.0)
    means = sums / cnt_safe[:, None]
    sq_means = jax.ops.segment_sum(h * h, dst, num_segments=N) / cnt_safe[:, None]
    var = jax.nn.relu(sq_means - means * means)
    aggrs = [sums, maxs, means, var]
    # degree scalers: amplification and attenuation
    l_idx = jnp.log(cnt.reshape(-1, 1) + 1.0)
    l_safe = jnp.maximum(l_idx, 1e-6)
    amp = [a * (l_idx / AVG_D_LOG) for a in aggrs]
    att = [a * (AVG_D_LOG / l_safe) for a in aggrs]
    comb = jnp.concatenate(aggrs + amp + att, axis=1)  # [N, 12*D]
    # posttrans: cat([x, out]) -> linear (posttrans_layers=1)
    xo = jnp.concatenate([x, comb], axis=1) @ W_post + b_post
    # graph_norm=True, batch_norm=False
    xo = xo * snorm_n
    # mixing network: FCLayer with LeakyReLU
    h_out = xo @ W_mix + b_mix
    h_out = jax.nn.leaky_relu(h_out, negative_slope=0.01)
    # residual (in_dim == out_dim)
    return x + h_out


def reference(x, edge_index, snorm_n, edge_attr, W_pre, b_pre, W_post, b_post, W_mix, b_mix):
    return _forward(x, snorm_n, edge_attr, W_pre, b_pre, W_post, b_post, W_mix, b_mix, edge_index)

if __name__ == "__main__":
    import jax
    _d = setup_inputs()
    print(jax.jit(kernel)(*tuple(_d.values())))

</pallas_src>

<mosaic_0001>
#map = affine_map<(d0, d1) -> (0, 0)>
#map1 = affine_map<(d0, d1) -> (0)>
module attributes {stable_mosaic.version = 14 : i64} {
  func.func @_sc_body(%arg0: i32, %arg1: i32, %arg2: memref<10000x128xf32, #tpu.memory_space<hbm>>, %arg3: memref<320000x128xf32, #tpu.memory_space<hbm>>, %arg4: memref<320000xi32, #tpu.memory_space<hbm>>, %arg5: memref<1282048xf32, #tpu.memory_space<hbm>>, %arg6: memref<1282048xf32, #tpu.memory_space<hbm>>, %arg7: memref<1282048xf32, #tpu.memory_space<hbm>>, %arg8: memref<10240xf32, #tpu.memory_space<hbm>>, %arg9: memref<1024xi32, #tpu.memory_space<vmem>>, %arg10: memref<528xi32, #tpu.memory_space<vmem>>, %arg11: memref<48xi32, #tpu.memory_space<vmem>>, %arg12: memref<32x128xf32, #tpu.memory_space<vmem>>, %arg13: memref<32x128xf32, #tpu.memory_space<vmem>>, %arg14: memref<40064xf32, #tpu.memory_space<vmem>>, %arg15: memref<40064xf32, #tpu.memory_space<vmem>>, %arg16: memref<40064xf32, #tpu.memory_space<vmem>>, %arg17: memref<320xf32, #tpu.memory_space<vmem>>, %arg18: memref<!tpu.dma_semaphore, #tpu.memory_space<semaphore_mem>>, %arg19: memref<!tpu.dma_semaphore, #tpu.memory_space<semaphore_mem>>, %arg20: memref<!tpu.dma_semaphore, #tpu.memory_space<semaphore_mem>>) attributes {dimension_semantics = [#tpu.dimension_semantics<core_parallel>, #tpu.dimension_semantics<subcore_parallel>], iteration_bounds = array<i64: 2, 16>, scalar_prefetch = 0 : i64, scratch_operands = 12 : i64, tpu.core_type = #tpu.core_type<sc_vector_subcore>, window_params = [{transform_indices = #map}, {transform_indices = #map}, {transform_indices = #map1}, {transform_indices = #map1}, {transform_indices = #map1}, {transform_indices = #map1}, {transform_indices = #map1}]} {
    %mul3A = arith.constant 2 : i32
    %mul3A_0 = arith.muli %arg1, %mul3A : i32
    %add3A = arith.addi %mul3A_0, %arg0 : i32
    %mul3A_1 = arith.constant 313 : i32
    %mul3A_2 = arith.muli %add3A, %mul3A_1 : i32
    %iota3A = tpu.iota {dimensions = array<i32: 0>} : vector<16xi32>
    %broadcast_in_dim3A = arith.constant 0.000000e+00 : f32
    %broadcast_in_dim3A_3 = vector.broadcast %broadcast_in_dim3A : f32 to vector<16xf32>
    %broadcast_in_dim3A_4 = arith.constant -3.000000e+38 : f32
    %broadcast_in_dim3A_5 = vector.broadcast %broadcast_in_dim3A_4 : f32 to vector<16xf32>
    %broadcast_in_dim3A_6 = arith.constant 0 : i32
    %broadcast_in_dim3A_7 = vector.broadcast %broadcast_in_dim3A_6 : i32 to vector<16xi32>
    %scan3A = arith.constant 0 : i32
    %scan3A_8 = arith.constant 0 : i32
    %scan3A_9 = arith.constant 33 : i32
    %scan3A_10 = arith.addi %scan3A_8, %scan3A_9 : i32
    %scan3A_11 = arith.constant 1 : i32
    %scan3A_12 = scf.for %scan3A_52 = %scan3A_8 to %scan3A_10 step %scan3A_11 iter_args(%scan3A_53 = %scan3A) -> (i32)  : i32 {
      %mul3A_54 = arith.constant 16 : i32
      %mul3A_55 = arith.muli %scan3A_52, %mul3A_54 : i32
      %swap3A = arith.index_cast %mul3A_55 : i32 to index
      %swap3A_56 = tpu.vector_load %arg10[%swap3A] {strides = array<i32>} : memref<528xi32, #tpu.memory_space<vmem>>, vector<16xi32>,
      tpu.vector_store %arg10[%swap3A], %broadcast_in_dim3A_7 {strides = array<i32>} : memref<528xi32, #tpu.memory_space<vmem>>, vector<16xi32>,
      %scan3A_57 = arith.constant 0 : i32
      scf.yield %scan3A_57 : i32
    }
    %scan3A_13 = arith.constant 33 : i32
    %scan3A_14 = arith.constant 0 : i32
    %scan3A_15 = arith.constant 0 : i32
    %scan3A_16 = arith.constant 2504 : i32
    %scan3A_17 = arith.addi %scan3A_15, %scan3A_16 : i32
    %scan3A_18 = arith.constant 1 : i32
    %scan3A_19 = scf.for %scan3A_52 = %scan3A_15 to %scan3A_17 step %scan3A_18 iter_args(%scan3A_53 = %scan3A_14) -> (i32)  : i32 {
      %mul3A_54 = arith.constant 16 : i32
      %mul3A_55 = arith.muli %scan3A_52, %mul3A_54 : i32
      %swap3A = arith.index_cast %mul3A_55 : i32 to index
      %swap3A_56 = tpu.vector_load %arg14[%swap3A] {strides = array<i32>} : memref<40064xf32, #tpu.memory_space<vmem>>, vector<16xf32>,
      tpu.vector_store %arg14[%swap3A], %broadcast_in_dim3A_3 {strides = array<i32>} : memref<40064xf32, #tpu.memory_space<vmem>>, vector<16xf32>,
      %swap3A_57 = arith.index_cast %mul3A_55 : i32 to index
      %swap3A_58 = tpu.vector_load %arg15[%swap3A_57] {strides = array<i32>} : memref<40064xf32, #tpu.memory_space<vmem>>, vector<16xf32>,
      tpu.vector_store %arg15[%swap3A_57], %broadcast_in_dim3A_3 {strides = array<i32>} : memref<40064xf32, #tpu.memory_space<vmem>>, vector<16xf32>,
      %swap3A_59 = arith.index_cast %mul3A_55 : i32 to index
      %swap3A_60 = tpu.vector_load %arg16[%swap3A_59] {strides = array<i32>} : memref<40064xf32, #tpu.memory_space<vmem>>, vector<16xf32>,
      tpu.vector_store %arg16[%swap3A_59], %broadcast_in_dim3A_5 {strides = array<i32>} : memref<40064xf32, #tpu.memory_space<vmem>>, vector<16xf32>,
      %scan3A_61 = arith.constant 0 : i32
      scf.yield %scan3A_61 : i32
    }
    %scan3A_20 = arith.constant 2504 : i32
    %scan3A_21 = arith.constant 0 : i32
    %scan3A_22 = arith.constant 0 : i32
    %scan3A_23 = arith.constant 20 : i32
    %scan3A_24 = arith.addi %scan3A_22, %scan3A_23 : i32
    %scan3A_25 = arith.constant 1 : i32
    %scan3A_26 = scf.for %scan3A_52 = %scan3A_22 to %scan3A_24 step %scan3A_25 iter_args(%scan3A_53 = %scan3A_21) -> (i32)  : i32 {
      %mul3A_54 = arith.constant 16 : i32
      %mul3A_55 = arith.muli %scan3A_52, %mul3A_54 : i32
      %swap3A = arith.index_cast %mul3A_55 : i32 to index
      %swap3A_56 = tpu.vector_load %arg17[%swap3A] {strides = array<i32>} : memref<320xf32, #tpu.memory_space<vmem>>, vector<16xf32>,
      tpu.vector_store %arg17[%swap3A], %broadcast_in_dim3A_3 {strides = array<i32>} : memref<320xf32, #tpu.memory_space<vmem>>, vector<16xf32>,
      %scan3A_57 = arith.constant 0 : i32
      scf.yield %scan3A_57 : i32
    }
    %scan3A_27 = arith.constant 20 : i32
    %dma_start3A = arith.constant 0 : i32
    %dma_start3A_28 = tpu.memref_slice %arg9[%dma_start3A] : memref<1024xi32, #tpu.memory_space<vmem>> -> memref<512xi32, #tpu.memory_space<vmem>>
    %dma_start3A_29 = arith.constant 0 : i32
    %dma_start3A_30 = tpu.memref_slice %arg4[%dma_start3A_29] : memref<320000xi32, #tpu.memory_space<hbm>> -> memref<512xi32, #tpu.memory_space<hbm>>
    %dma_start3A_31 = arith.constant 0 : i32
    %dma_start3A_32 = tpu.memref_slice %arg9[%dma_start3A_31] : memref<1024xi32, #tpu.memory_space<vmem>> -> memref<512xi32, #tpu.memory_space<vmem>>
    %dma_start3A_33 = arith.constant 0 : i32
    %dma_start3A_34 = tpu.memref_slice %arg4[%dma_start3A_33] : memref<320000xi32, #tpu.memory_space<hbm>> -> memref<512xi32, #tpu.memory_space<hbm>>
    tpu.enqueue_dma source(%dma_start3A_34 : memref<512xi32, #tpu.memory_space<hbm>>) target(%dma_start3A_32 : memref<512xi32, #tpu.memory_space<vmem>>) target_semaphore(%arg18 : memref<!tpu.dma_semaphore, #tpu.memory_space<semaphore_mem>>)
    %scan3A_35 = arith.constant 0 : i32
    %scan3A_36 = arith.constant 0 : i32
    %scan3A_37 = arith.constant 625 : i32
    %scan3A_38 = arith.addi %scan3A_36, %scan3A_37 : i32
    %scan3A_39 = arith.constant 1 : i32
    %scan3A_40 = scf.for %scan3A_52 = %scan3A_36 to %scan3A_38 step %scan3A_39 iter_args(%scan3A_53 = %scan3A_35) -> (i32)  : i32 {
      %mul3A_54 = arith.constant 512 : i32
      %mul3A_55 = arith.muli %scan3A_52, %mul3A_54 : i32
      %and3A = arith.constant 1 : i32
      %and3A_56 = arith.andi %scan3A_52, %and3A : i32
      %mul3A_57 = arith.constant 512 : i32
      %mul3A_58 = arith.muli %and3A_56, %mul3A_57 : i32
      %dma_wait3A = tpu.memref_slice %arg9[%mul3A_58] : memref<1024xi32, #tpu.memory_space<vmem>> -> memref<512xi32, #tpu.memory_space<vmem>>
      %dma_wait3A_59 = tpu.memref_slice %arg4[%mul3A_55] : memref<320000xi32, #tpu.memory_space<hbm>> -> memref<512xi32, #tpu.memory_space<hbm>>
      %dma_wait3A_60 = tpu.memref_slice %arg9[%mul3A_58] : memref<1024xi32, #tpu.memory_space<vmem>> -> memref<512xi32, #tpu.memory_space<vmem>>
      %dma_wait3A_61 = tpu.memref_slice %arg4[%mul3A_55] : memref<320000xi32, #tpu.memory_space<hbm>> -> memref<512xi32, #tpu.memory_space<hbm>>
      tpu.wait_dma2 semaphore(%arg18 : memref<!tpu.dma_semaphore, #tpu.memory_space<semaphore_mem>>) src(%dma_wait3A_61 : memref<512xi32, #tpu.memory_space<hbm>>) dst(%dma_wait3A_60 : memref<512xi32, #tpu.memory_space<vmem>>)
      %add3A_62 = arith.constant 1 : i32
      %add3A_63 = arith.addi %scan3A_52, %add3A_62 : i32
      %lt3A = arith.constant 625 : i32
      %lt3A_64 = arith.cmpi slt, %add3A_63, %lt3A : i32
      %convert_element_type3A_65 = arith.extui %lt3A_64 : i1 to i32
      %cond3A_66 = arith.constant 0 : i32
      %cond3A_67 = arith.cmpi ne, %convert_element_type3A_65, %cond3A_66 : i32
      scf.if %cond3A_67 {
        %add3A_106 = arith.constant 1 : i32
        %add3A_107 = arith.addi %scan3A_52, %add3A_106 : i32
        %and3A_108 = arith.constant 1 : i32
        %and3A_109 = arith.andi %add3A_107, %and3A_108 : i32
        %mul3A_110 = arith.constant 512 : i32
        %mul3A_111 = arith.muli %and3A_109, %mul3A_110 : i32
        %add3A_112 = arith.constant 1 : i32
        %add3A_113 = arith.addi %scan3A_52, %add3A_112 : i32
        %mul3A_114 = arith.constant 512 : i32
        %mul3A_115 = arith.muli %add3A_113, %mul3A_114 : i32
        %dma_start3A_116 = tpu.memref_slice %arg9[%mul3A_111] : memref<1024xi32, #tpu.memory_space<vmem>> -> memref<512xi32, #tpu.memory_space<vmem>>
        %dma_start3A_117 = tpu.memref_slice %arg4[%mul3A_115] : memref<320000xi32, #tpu.memory_space<hbm>> -> memref<512xi32, #tpu.memory_space<hbm>>
        %dma_start3A_118 = tpu.memref_slice %arg9[%mul3A_111] : memref<1024xi32, #tpu.memory_space<vmem>> -> memref<512xi32, #tpu.memory_space<vmem>>
        %dma_start3A_119 = tpu.memref_slice %arg4[%mul3A_115] : memref<320000xi32, #tpu.memory_space<hbm>> -> memref<512xi32, #tpu.memory_space<hbm>>
        tpu.enqueue_dma source(%dma_start3A_119 : memref<512xi32, #tpu.memory_space<hbm>>) target(%dma_start3A_118 : memref<512xi32, #tpu.memory_space<vmem>>) target_semaphore(%arg18 : memref<!tpu.dma_semaphore, #tpu.memory_space<semaphore_mem>>)
      } else {
      }
      %scan3A_68 = arith.constant 0 : i32
      %scan3A_69 = arith.constant 0 : i32
      %scan3A_70 = arith.constant 16 : i32
      %scan3A_71 = arith.addi %scan3A_69, %scan3A_70 : i32
      %scan3A_72 = arith.constant 1 : i32
      %scan3A_73 = scf.for %scan3A_106 = %scan3A_69 to %scan3A_71 step %scan3A_72 iter_args(%scan3A_107 = %scan3A_68) -> (i32)  : i32 {
        %mul3A_108 = arith.constant 32 : i32
        %mul3A_109 = arith.muli %scan3A_106, %mul3A_108 : i32
        %add3A_110 = arith.addi %mul3A_58, %mul3A_109 : i32
        %get3A = arith.index_cast %add3A_110 : i32 to index
        %get3A_111 = tpu.vector_load %arg9[%get3A] {strides = array<i32>} : memref<1024xi32, #tpu.memory_space<vmem>>, vector<16xi32>,
        %mul3A_112 = arith.constant 32 : i32
        %mul3A_113 = arith.muli %scan3A_106, %mul3A_112 : i32
        %add3A_114 = arith.addi %mul3A_58, %mul3A_113 : i32
        %add3A_115 = arith.constant 16 : i32
        %add3A_116 = arith.addi %add3A_114, %add3A_115 : i32
        %get3A_117 = arith.index_cast %add3A_116 : i32 to index
        %get3A_118 = tpu.vector_load %arg9[%get3A_117] {strides = array<i32>} : memref<1024xi32, #tpu.memory_space<vmem>>, vector<16xi32>,
        %and3A_119 = arith.constant 16383 : i32
        %and3A_120 = vector.broadcast %and3A_119 : i32 to vector<16xi32>
        %and3A_121 = arith.andi %get3A_111, %and3A_120 : vector<16xi32>
        %and3A_122 = arith.constant 16383 : i32
        %and3A_123 = vector.broadcast %and3A_122 : i32 to vector<16xi32>
        %and3A_124 = arith.andi %get3A_118, %and3A_123 : vector<16xi32>
        %ge3A = vector.broadcast %mul3A_2 : i32 to vector<16xi32>
        %ge3A_125 = arith.cmpi sge, %and3A_121, %ge3A : vector<16xi32>
        %add3A_126 = arith.constant 313 : i32
        %add3A_127 = arith.addi %mul3A_2, %add3A_126 : i32
        %lt3A_128 = vector.broadcast %add3A_127 : i32 to vector<16xi32>
        %lt3A_129 = arith.cmpi slt, %and3A_121, %lt3A_128 : vector<16xi32>
        %and3A_130 = arith.andi %ge3A_125, %lt3A_129 : vector<16xi1>
        %ge3A_131 = vector.broadcast %mul3A_2 : i32 to vector<16xi32>
        %ge3A_132 = arith.cmpi sge, %and3A_124, %ge3A_131 : vector<16xi32>
        %add3A_133 = arith.constant 313 : i32
        %add3A_134 = arith.addi %mul3A_2, %add3A_133 : i32
        %lt3A_135 = vector.broadcast %add3A_134 : i32 to vector<16xi32>
        %lt3A_136 = arith.cmpi slt, %and3A_124, %lt3A_135 : vector<16xi32>
        %and3A_137 = arith.andi %ge3A_132, %lt3A_136 : vector<16xi1>
        %all_reduce_population_count3A = tpu.all_reduce %and3A_130 {dim = 0 : i64, kind = #tpu.reduction_kind<sum>} : vector<16xi1> -> vector<16xi32>
        %slice3A = vector.extract_strided_slice %all_reduce_population_count3A {offsets = [0], sizes = [1], strides = [1]} : vector<16xi32> to vector<1xi32>
        %squeeze3A = vector.extract %slice3A[0] : i32 from vector<1xi32>
        %all_reduce_population_count3A_138 = tpu.all_reduce %and3A_137 {dim = 0 : i64, kind = #tpu.reduction_kind<sum>} : vector<16xi1> -> vector<16xi32>
        %slice3A_139 = vector.extract_strided_slice %all_reduce_population_count3A_138 {offsets = [0], sizes = [1], strides = [1]} : vector<16xi32> to vector<1xi32>
        %squeeze3A_140 = vector.extract %slice3A_139[0] : i32 from vector<1xi32>
        %gt3A_141 = arith.constant 0 : i32
        %gt3A_142 = arith.cmpi sgt, %squeeze3A, %gt3A_141 : i32
        %convert_element_type3A_143 = arith.extui %gt3A_142 : i1 to i32
        %cond3A_144 = arith.constant 0 : i32
        %cond3A_145 = arith.cmpi ne, %convert_element_type3A_143, %cond3A_144 : i32
        scf.if %cond3A_145 {
          %jit3A = arith.constant 1 : i32
          %jit3A_153 = arith.constant 0 : i32
          %broadcast_in_dim3A_154 = vector.broadcast %jit3A : i32 to vector<16xi32>
          %broadcast_in_dim3A_155 = vector.broadcast %jit3A_153 : i32 to vector<16xi32>
          %select_n3A = arith.select %and3A_130, %broadcast_in_dim3A_154, %broadcast_in_dim3A_155 : vector<16xi1>, vector<16xi32>
          %broadcast_in_dim3A_156 = arith.constant true
          %broadcast_in_dim3A_157 = vector.broadcast %broadcast_in_dim3A_156 : i1 to vector<16xi1>
          %masked_cumsum3A = tpu.scan <sum>, %select_n3A masked %broadcast_in_dim3A_157 : vector<16xi32>, vector<16xi1> -> vector<16xi32>
          %add3A_158 = vector.broadcast %scan3A_107 : i32 to vector<16xi32>
          %add3A_159 = arith.addi %add3A_158, %masked_cumsum3A : vector<16xi32>
          %sub3A = arith.subi %add3A_159, %select_n3A : vector<16xi32>
          %mul3A_160 = arith.constant 32 : i32
          %mul3A_161 = arith.muli %scan3A_106, %mul3A_160 : i32
          %add3A_162 = arith.addi %mul3A_55, %mul3A_161 : i32
          %add3A_163 = vector.broadcast %add3A_162 : i32 to vector<16xi32>
          %add3A_164 = arith.addi %add3A_163, %iota3A : vector<16xi32>
          tpu.vector_store_idx %arg10[%sub3A], %add3A_164 masked %and3A_130 : memref<528xi32, #tpu.memory_space<vmem>>[vector<16xi32>], vector<16xi32>, vector<16xi1>
        } else {
        }
        %gt3A_146 = arith.constant 0 : i32
        %gt3A_147 = arith.cmpi sgt, %squeeze3A_140, %gt3A_146 : i32
        %convert_element_type3A_148 = arith.extui %gt3A_147 : i1 to i32
        %cond3A_149 = arith.constant 0 : i32
        %cond3A_150 = arith.cmpi ne, %convert_element_type3A_148, %cond3A_149 : i32
        scf.if %cond3A_150 {
          %jit3A = arith.constant 1 : i32
          %jit3A_153 = arith.constant 0 : i32
          %broadcast_in_dim3A_154 = vector.broadcast %jit3A : i32 to vector<16xi32>
          %broadcast_in_dim3A_155 = vector.broadcast %jit3A_153 : i32 to vector<16xi32>
          %select_n3A = arith.select %and3A_137, %broadcast_in_dim3A_154, %broadcast_in_dim3A_155 : vector<16xi1>, vector<16xi32>
          %broadcast_in_dim3A_156 = arith.constant true
          %broadcast_in_dim3A_157 = vector.broadcast %broadcast_in_dim3A_156 : i1 to vector<16xi1>
          %masked_cumsum3A = tpu.scan <sum>, %select_n3A masked %broadcast_in_dim3A_157 : vector<16xi32>, vector<16xi1> -> vector<16xi32>
          %add3A_158 = arith.addi %scan3A_107, %squeeze3A : i32
          %add3A_159 = vector.broadcast %add3A_158 : i32 to vector<16xi32>
          %add3A_160 = arith.addi %add3A_159, %masked_cumsum3A : vector<16xi32>
          %sub3A = arith.subi %add3A_160, %select_n3A : vector<16xi32>
          %mul3A_161 = arith.constant 32 : i32
          %mul3A_162 = arith.muli %scan3A_106, %mul3A_161 : i32
          %add3A_163 = arith.addi %mul3A_55, %mul3A_162 : i32
          %add3A_164 = arith.constant 16 : i32
          %add3A_165 = arith.addi %add3A_163, %add3A_164 : i32
          %add3A_166 = vector.broadcast %add3A_165 : i32 to vector<16xi32>
          %add3A_167 = arith.addi %add3A_166, %iota3A : vector<16xi32>
          tpu.vector_store_idx %arg10[%sub3A], %add3A_167 masked %and3A_137 : memref<528xi32, #tpu.memory_space<vmem>>[vector<16xi32>], vector<16xi32>, vector<16xi1>
        } else {
        }
        %add3A_151 = arith.addi %scan3A_107, %squeeze3A : i32
        %add3A_152 = arith.addi %add3A_151, %squeeze3A_140 : i32
        scf.yield %add3A_152 : i32
      }
      %scan3A_74 = arith.constant 16 : i32
      %gt3A_75 = arith.constant 0 : i32
      %gt3A_76 = arith.cmpi sgt, %scan3A_53, %gt3A_75 : i32
      %convert_element_type3A_77 = arith.extui %gt3A_76 : i1 to i32
      %cond3A_78 = arith.constant 0 : i32
      %cond3A_79 = arith.cmpi ne, %convert_element_type3A_77, %cond3A_78 : i32
      scf.if %cond3A_79 {
        %dma_wait3A_106 = arith.constant 0 : i32
        %dma_wait3A_107 = arith.constant 0 : i32
        %dma_wait3A_108 = tpu.memref_slice %arg12[%dma_wait3A_106, %dma_wait3A_107] : memref<32x128xf32, #tpu.memory_space<vmem>> -> memref<16x128xf32, #tpu.memory_space<vmem>>
        %dma_wait3A_109 = arith.constant 0 : i32
        %dma_wait3A_110 = tpu.memref_slice %arg10[%dma_wait3A_109] : memref<528xi32, #tpu.memory_space<vmem>> -> memref<16xi32, #tpu.memory_space<vmem>>
        %dma_wait3A_111 = arith.constant 0 : i32
        %dma_wait3A_112 = arith.constant 0 : i32
        %dma_wait3A_113 = tpu.memref_slice %arg3[%dma_wait3A_111, %dma_wait3A_112] : memref<320000x128xf32, #tpu.memory_space<hbm>> -> memref<320000x128xf32, #tpu.memory_space<hbm>>
        tpu.wait_indirect_dma semaphore(%arg19 : memref<!tpu.dma_semaphore, #tpu.memory_space<semaphore_mem>>) src(%dma_wait3A_113 : memref<320000x128xf32, #tpu.memory_space<hbm>>) dst(%dma_wait3A_108 : memref<16x128xf32, #tpu.memory_space<vmem>>)
        %dma_wait3A_114 = arith.constant 0 : i32
        %dma_wait3A_115 = arith.constant 0 : i32
        %dma_wait3A_116 = tpu.memref_slice %arg13[%dma_wait3A_114, %dma_wait3A_115] : memref<32x128xf32, #tpu.memory_space<vmem>> -> memref<16x128xf32, #tpu.memory_space<vmem>>
        %dma_wait3A_117 = arith.constant 0 : i32
        %dma_wait3A_118 = tpu.memref_slice %arg10[%dma_wait3A_117] : memref<528xi32, #tpu.memory_space<vmem>> -> memref<16xi32, #tpu.memory_space<vmem>>
        %dma_wait3A_119 = arith.constant 0 : i32
        %dma_wait3A_120 = arith.constant 0 : i32
        %dma_wait3A_121 = tpu.memref_slice %arg3[%dma_wait3A_119, %dma_wait3A_120] : memref<320000x128xf32, #tpu.memory_space<hbm>> -> memref<320000x128xf32, #tpu.memory_space<hbm>>
        tpu.wait_indirect_dma semaphore(%arg20 : memref<!tpu.dma_semaphore, #tpu.memory_space<semaphore_mem>>) src(%dma_wait3A_121 : memref<320000x128xf32, #tpu.memory_space<hbm>>) dst(%dma_wait3A_116 : memref<16x128xf32, #tpu.memory_space<vmem>>)
        %min3A_122 = arith.constant 16 : i32
        %min3A_123 = arith.minsi %scan3A_53, %min3A_122 : i32
        %while3A_124 = arith.constant 0 : i32
        %while3A_125 = arith.constant 0 : i32
        %while3A_126 = arith.subi %min3A_123, %while3A_124 : i32
        %while3A_127 = arith.addi %while3A_124, %while3A_126 : i32
        %while3A_128 = arith.constant 1 : i32
        %while3A_129 = arith.divsi %while3A_126, %while3A_128 : i32
        %while3A_130 = arith.muli %while3A_129, %while3A_128 : i32
        %while3A_131 = arith.addi %while3A_124, %while3A_130 : i32
        %while3A_132 = arith.constant 1 : i32
        %while3A_133 = scf.for %while3A_141 = %while3A_124 to %while3A_131 step %while3A_132 iter_args(%while3A_142 = %while3A_125) -> (i32)  : i32 {
          %get3A = arith.index_cast %while3A_141 : i32 to index
          %get3A_143 = tpu.vector_load %arg11[%get3A] {strides = array<i32>} : memref<48xi32, #tpu.memory_space<vmem>>, vector<16xi32>,
          %slice3A = vector.extract_strided_slice %get3A_143 {offsets = [0], sizes = [1], strides = [1]} : vector<16xi32> to vector<1xi32>
          %squeeze3A = vector.extract %slice3A[0] : i32 from vector<1xi32>
          %add3A_144 = arith.constant 0 : i32
          %add3A_145 = arith.addi %squeeze3A, %add3A_144 : i32
          %get3A_146 = arith.index_cast %while3A_141 : i32 to index
          %get3A_147 = arith.constant 0 : index
          %get3A_148 = tpu.vector_load %arg12[%get3A_146, %get3A_147] {strides = array<i32>} : memref<32x128xf32, #tpu.memory_space<vmem>>, vector<16xf32>,
          %get3A_149 = arith.index_cast %while3A_141 : i32 to index
          %get3A_150 = arith.constant 0 : index
          %get3A_151 = tpu.vector_load %arg13[%get3A_149, %get3A_150] {strides = array<i32>} : memref<32x128xf32, #tpu.memory_space<vmem>>, vector<16xf32>,
          %add3A_152 = arith.addf %get3A_148, %get3A_151 : vector<16xf32>
          %swap3A = arith.index_cast %add3A_145 : i32 to index
          %swap3A_153 = tpu.vector_load %arg14[%swap3A] {strides = array<i32>} : memref<40064xf32, #tpu.memory_space<vmem>>, vector<16xf32>,
          tpu.vector_store %arg14[%swap3A], %add3A_152 {add = true, strides = array<i32>} : memref<40064xf32, #tpu.memory_space<vmem>>, vector<16xf32>,
          %mul3A_154 = arith.mulf %add3A_152, %add3A_152 : vector<16xf32>
          %swap3A_155 = arith.index_cast %add3A_145 : i32 to index
          %swap3A_156 = tpu.vector_load %arg15[%swap3A_155] {strides = array<i32>} : memref<40064xf32, #tpu.memory_space<vmem>>, vector<16xf32>,
          tpu.vector_store %arg15[%swap3A_155], %mul3A_154 {add = true, strides = array<i32>} : memref<40064xf32, #tpu.memory_space<vmem>>, vector<16xf32>,
          %get3A_157 = arith.index_cast %add3A_145 : i32 to index
          %get3A_158 = tpu.vector_load %arg16[%get3A_157] {strides = array<i32>} : memref<40064xf32, #tpu.memory_space<vmem>>, vector<16xf32>,
          %max3A_159 = arith.maximumf %get3A_158, %add3A_152 : vector<16xf32>
          %swap3A_160 = arith.index_cast %add3A_145 : i32 to index
          %swap3A_161 = tpu.vector_load %arg16[%swap3A_160] {strides = array<i32>} : memref<40064xf32, #tpu.memory_space<vmem>>, vector<16xf32>,
          tpu.vector_store %arg16[%swap3A_160], %max3A_159 {strides = array<i32>} : memref<40064xf32, #tpu.memory_space<vmem>>, vector<16xf32>,
          %add3A_162 = arith.constant 16 : i32
          %add3A_163 = arith.addi %squeeze3A, %add3A_162 : i32
          %get3A_164 = arith.index_cast %while3A_141 : i32 to index
          %get3A_165 = arith.constant 16 : index
          %get3A_166 = tpu.vector_load %arg12[%get3A_164, %get3A_165] {strides = array<i32>} : memref<32x128xf32, #tpu.memory_space<vmem>>, vector<16xf32>,
          %get3A_167 = arith.index_cast %while3A_141 : i32 to index
          %get3A_168 = arith.constant 16 : index
          %get3A_169 = tpu.vector_load %arg13[%get3A_167, %get3A_168] {strides = array<i32>} : memref<32x128xf32, #tpu.memory_space<vmem>>, vector<16xf32>,
          %add3A_170 = arith.addf %get3A_166, %get3A_169 : vector<16xf32>
          %swap3A_171 = arith.index_cast %add3A_163 : i32 to index
          %swap3A_172 = tpu.vector_load %arg14[%swap3A_171] {strides = array<i32>} : memref<40064xf32, #tpu.memory_space<vmem>>, vector<16xf32>,
          tpu.vector_store %arg14[%swap3A_171], %add3A_170 {add = true, strides = array<i32>} : memref<40064xf32, #tpu.memory_space<vmem>>, vector<16xf32>,
          %mul3A_173 = arith.mulf %add3A_170, %add3A_170 : vector<16xf32>
          %swap3A_174 = arith.index_cast %add3A_163 : i32 to index
          %swap3A_175 = tpu.vector_load %arg15[%swap3A_174] {strides = array<i32>} : memref<40064xf32, #tpu.memory_space<vmem>>, vector<16xf32>,
          tpu.vector_store %arg15[%swap3A_174], %mul3A_173 {add = true, strides = array<i32>} : memref<40064xf32, #tpu.memory_space<vmem>>, vector<16xf32>,
          %get3A_176 = arith.index_cast %add3A_163 : i32 to index
          %get3A_177 = tpu.vector_load %arg16[%get3A_176] {strides = array<i32>} : memref<40064xf32, #tpu.memory_space<vmem>>, vector<16xf32>,
          %max3A_178 = arith.maximumf %get3A_177, %add3A_170 : vector<16xf32>
          %swap3A_179 = arith.index_cast %add3A_163 : i32 to index
          %swap3A_180 = tpu.vector_load %arg16[%swap3A_179] {strides = array<i32>} : memref<40064xf32, #tpu.memory_space<vmem>>, vector<16xf32>,
          tpu.vector_store %arg16[%swap3A_179], %max3A_178 {strides = array<i32>} : memref<40064xf32, #tpu.memory_space<vmem>>, vector<16xf32>,
          %add3A_181 = arith.constant 32 : i32
          %add3A_182 = arith.addi %squeeze3A, %add3A_181 : i32
          %get3A_183 = arith.index_cast %while3A_141 : i32 to index
          %get3A_184 = arith.constant 32 : index
          %get3A_185 = tpu.vector_load %arg12[%get3A_183, %get3A_184] {strides = array<i32>} : memref<32x128xf32, #tpu.memory_space<vmem>>, vector<16xf32>,
          %get3A_186 = arith.index_cast %while3A_141 : i32 to index
          %get3A_187 = arith.constant 32 : index
          %get3A_188 = tpu.vector_load %arg13[%get3A_186, %get3A_187] {strides = array<i32>} : memref<32x128xf32, #tpu.memory_space<vmem>>, vector<16xf32>,
          %add3A_189 = arith.addf %get3A_185, %get3A_188 : vector<16xf32>
          %swap3A_190 = arith.index_cast %add3A_182 : i32 to index
          %swap3A_191 = tpu.vector_load %arg14[%swap3A_190] {strides = array<i32>} : memref<40064xf32, #tpu.memory_space<vmem>>, vector<16xf32>,
          tpu.vector_store %arg14[%swap3A_190], %add3A_189 {add = true, strides = array<i32>} : memref<40064xf32, #tpu.memory_space<vmem>>, vector<16xf32>,
          %mul3A_192 = arith.mulf %add3A_189, %add3A_189 : vector<16xf32>
          %swap3A_193 = arith.index_cast %add3A_182 : i32 to index
          %swap3A_194 = tpu.vector_load %arg15[%swap3A_193] {strides = array<i32>} : memref<40064xf32, #tpu.memory_space<vmem>>, vector<16xf32>,
          tpu.vector_store %arg15[%swap3A_193], %mul3A_192 {add = true, strides = array<i32>} : memref<40064xf32, #tpu.memory_space<vmem>>, vector<16xf32>,
          %get3A_195 = arith.index_cast %add3A_182 : i32 to index
          %get3A_196 = tpu.vector_load %arg16[%get3A_195] {strides = array<i32>} : memref<40064xf32, #tpu.memory_space<vmem>>, vector<16xf32>,
          %max3A_197 = arith.maximumf %get3A_196, %add3A_189 : vector<16xf32>
          %swap3A_198 = arith.index_cast %add3A_182 : i32 to index
          %swap3A_199 = tpu.vector_load %arg16[%swap3A_198] {strides = array<i32>} : memref<40064xf32, #tpu.memory_space<vmem>>, vector<16xf32>,
          tpu.vector_store %arg16[%swap3A_198], %max3A_197 {strides = array<i32>} : memref<40064xf32, #tpu.memory_space<vmem>>, vector<16xf32>,
          %add3A_200 = arith.constant 48 : i32
          %add3A_201 = arith.addi %squeeze3A, %add3A_200 : i32
          %get3A_202 = arith.index_cast %while3A_141 : i32 to index
          %get3A_203 = arith.constant 48 : index
          %get3A_204 = tpu.vector_load %arg12[%get3A_202, %get3A_203] {strides = array<i32>} : memref<32x128xf32, #tpu.memory_space<vmem>>, vector<16xf32>,
          %get3A_205 = arith.index_cast %while3A_141 : i32 to index
          %get3A_206 = arith.constant 48 : index
          %get3A_207 = tpu.vector_load %arg13[%get3A_205, %get3A_206] {strides = array<i32>} : memref<32x128xf32, #tpu.memory_space<vmem>>, vector<16xf32>,
          %add3A_208 = arith.addf %get3A_204, %get3A_207 : vector<16xf32>
          %swap3A_209 = arith.index_cast %add3A_201 : i32 to index
          %swap3A_210 = tpu.vector_load %arg14[%swap3A_209] {strides = array<i32>} : memref<40064xf32, #tpu.memory_space<vmem>>, vector<16xf32>,
          tpu.vector_store %arg14[%swap3A_209], %add3A_208 {add = true, strides = array<i32>} : memref<40064xf32, #tpu.memory_space<vmem>>, vector<16xf32>,
          %mul3A_211 = arith.mulf %add3A_208, %add3A_208 : vector<16xf32>
          %swap3A_212 = arith.index_cast %add3A_201 : i32 to index
          %swap3A_213 = tpu.vector_load %arg15[%swap3A_212] {strides = array<i32>} : memref<40064xf32, #tpu.memory_space<vmem>>, vector<16xf32>,
          tpu.vector_store %arg15[%swap3A_212], %mul3A_211 {add = true, strides = array<i32>} : memref<40064xf32, #tpu.memory_space<vmem>>, vector<16xf32>,
          %get3A_214 = arith.index_cast %add3A_201 : i32 to index
          %get3A_215 = tpu.vector_load %arg16[%get3A_214] {strides = array<i32>} : memref<40064xf32, #tpu.memory_space<vmem>>, vector<16xf32>,
          %max3A_216 = arith.maximumf %get3A_215, %add3A_208 : vector<16xf32>
          %swap3A_217 = arith.index_cast %add3A_201 : i32 to index
          %swap3A_218 = tpu.vector_load %arg16[%swap3A_217] {strides = array<i32>} : memref<40064xf32, #tpu.memory_space<vmem>>, vector<16xf32>,
          tpu.vector_store %arg16[%swap3A_217], %max3A_216 {strides = array<i32>} : memref<40064xf32, #tpu.memory_space<vmem>>, vector<16xf32>,
          %add3A_219 = arith.constant 64 : i32
          %add3A_220 = arith.addi %squeeze3A, %add3A_219 : i32
          %get3A_221 = arith.index_cast %while3A_141 : i32 to index
          %get3A_222 = arith.constant 64 : index
          %get3A_223 = tpu.vector_load %arg12[%get3A_221, %get3A_222] {strides = array<i32>} : memref<32x128xf32, #tpu.memory_space<vmem>>, vector<16xf32>,
          %get3A_224 = arith.index_cast %while3A_141 : i32 to index
          %get3A_225 = arith.constant 64 : index
          %get3A_226 = tpu.vector_load %arg13[%get3A_224, %get3A_225] {strides = array<i32>} : memref<32x128xf32, #tpu.memory_space<vmem>>, vector<16xf32>,
          %add3A_227 = arith.addf %get3A_223, %get3A_226 : vector<16xf32>
          %swap3A_228 = arith.index_cast %add3A_220 : i32 to index
          %swap3A_229 = tpu.vector_load %arg14[%swap3A_228] {strides = array<i32>} : memref<40064xf32, #tpu.memory_space<vmem>>, vector<16xf32>,
          tpu.vector_store %arg14[%swap3A_228], %add3A_227 {add = true, strides = array<i32>} : memref<40064xf32, #tpu.memory_space<vmem>>, vector<16xf32>,
          %mul3A_230 = arith.mulf %add3A_227, %add3A_227 : vector<16xf32>
          %swap3A_231 = arith.index_cast %add3A_220 : i32 to index
          %swap3A_232 = tpu.vector_load %arg15[%swap3A_231] {strides = array<i32>} : memref<40064xf32, #tpu.memory_space<vmem>>, vector<16xf32>,
          tpu.vector_store %arg15[%swap3A_231], %mul3A_230 {add = true, strides = array<i32>} : memref<40064xf32, #tpu.memory_space<vmem>>, vector<16xf32>,
          %get3A_233 = arith.index_cast %add3A_220 : i32 to index
          %get3A_234 = tpu.vector_load %arg16[%get3A_233] {strides = array<i32>} : memref<40064xf32, #tpu.memory_space<vmem>>, vector<16xf32>,
          %max3A_235 = arith.maximumf %get3A_234, %add3A_227 : vector<16xf32>
          %swap3A_236 = arith.index_cast %add3A_220 : i32 to index
          %swap3A_237 = tpu.vector_load %arg16[%swap3A_236] {strides = array<i32>} : memref<40064xf32, #tpu.memory_space<vmem>>, vector<16xf32>,
          tpu.vector_store %arg16[%swap3A_236], %max3A_235 {strides = array<i32>} : memref<40064xf32, #tpu.memory_space<vmem>>, vector<16xf32>,
          %add3A_238 = arith.constant 80 : i32
          %add3A_239 = arith.addi %squeeze3A, %add3A_238 : i32
          %get3A_240 = arith.index_cast %while3A_141 : i32 to index
          %get3A_241 = arith.constant 80 : index
          %get3A_242 = tpu.vector_load %arg12[%get3A_240, %get3A_241] {strides = array<i32>} : memref<32x128xf32, #tpu.memory_space<vmem>>, vector<16xf32>,
          %get3A_243 = arith.index_cast %while3A_141 : i32 to index
          %get3A_244 = arith.constant 80 : index
          %get3A_245 = tpu.vector_load %arg13[%get3A_243, %get3A_244] {strides = array<i32>} : memref<32x128xf32, #tpu.memory_space<vmem>>, vector<16xf32>,
          %add3A_246 = arith.addf %get3A_242, %get3A_245 : vector<16xf32>
          %swap3A_247 = arith.index_cast %add3A_239 : i32 to index
          %swap3A_248 = tpu.vector_load %arg14[%swap3A_247] {strides = array<i32>} : memref<40064xf32, #tpu.memory_space<vmem>>, vector<16xf32>,
          tpu.vector_store %arg14[%swap3A_247], %add3A_246 {add = true, strides = array<i32>} : memref<40064xf32, #tpu.memory_space<vmem>>, vector<16xf32>,
          %mul3A_249 = arith.mulf %add3A_246, %add3A_246 : vector<16xf32>
          %swap3A_250 = arith.index_cast %add3A_239 : i32 to index
          %swap3A_251 = tpu.vector_load %arg15[%swap3A_250] {strides = array<i32>} : memref<40064xf32, #tpu.memory_space<vmem>>, vector<16xf32>,
          tpu.vector_store %arg15[%swap3A_250], %mul3A_249 {add = true, strides = array<i32>} : memref<40064xf32, #tpu.memory_space<vmem>>, vector<16xf32>,
          %get3A_252 = arith.index_cast %add3A_239 : i32 to index
          %get3A_253 = tpu.vector_load %arg16[%get3A_252] {strides = array<i32>} : memref<40064xf32, #tpu.memory_space<vmem>>, vector<16xf32>,
          %max3A_254 = arith.maximumf %get3A_253, %add3A_246 : vector<16xf32>
          %swap3A_255 = arith.index_cast %add3A_239 : i32 to index
          %swap3A_256 = tpu.vector_load %arg16[%swap3A_255] {strides = array<i32>} : memref<40064xf32, #tpu.memory_space<vmem>>, vector<16xf32>,
          tpu.vector_store %arg16[%swap3A_255], %max3A_254 {strides = array<i32>} : memref<40064xf32, #tpu.memory_space<vmem>>, vector<16xf32>,
          %add3A_257 = arith.constant 96 : i32
          %add3A_258 = arith.addi %squeeze3A, %add3A_257 : i32
          %get3A_259 = arith.index_cast %while3A_141 : i32 to index
          %get3A_260 = arith.constant 96 : index
          %get3A_261 = tpu.vector_load %arg12[%get3A_259, %get3A_260] {strides = array<i32>} : memref<32x128xf32, #tpu.memory_space<vmem>>, vector<16xf32>,
          %get3A_262 = arith.index_cast %while3A_141 : i32 to index
          %get3A_263 = arith.constant 96 : index
          %get3A_264 = tpu.vector_load %arg13[%get3A_262, %get3A_263] {strides = array<i32>} : memref<32x128xf32, #tpu.memory_space<vmem>>, vector<16xf32>,
          %add3A_265 = arith.addf %get3A_261, %get3A_264 : vector<16xf32>
          %swap3A_266 = arith.index_cast %add3A_258 : i32 to index
          %swap3A_267 = tpu.vector_load %arg14[%swap3A_266] {strides = array<i32>} : memref<40064xf32, #tpu.memory_space<vmem>>, vector<16xf32>,
          tpu.vector_store %arg14[%swap3A_266], %add3A_265 {add = true, strides = array<i32>} : memref<40064xf32, #tpu.memory_space<vmem>>, vector<16xf32>,
          %mul3A_268 = arith.mulf %add3A_265, %add3A_265 : vector<16xf32>
          %swap3A_269 = arith.index_cast %add3A_258 : i32 to index
          %swap3A_270 = tpu.vector_load %arg15[%swap3A_269] {strides = array<i32>} : memref<40064xf32, #tpu.memory_space<vmem>>, vector<16xf32>,
          tpu.vector_store %arg15[%swap3A_269], %mul3A_268 {add = true, strides = array<i32>} : memref<40064xf32, #tpu.memory_space<vmem>>, vector<16xf32>,
          %get3A_271 = arith.index_cast %add3A_258 : i32 to index
          %get3A_272 = tpu.vector_load %arg16[%get3A_271] {strides = array<i32>} : memref<40064xf32, #tpu.memory_space<vmem>>, vector<16xf32>,
          %max3A_273 = arith.maximumf %get3A_272, %add3A_265 : vector<16xf32>
          %swap3A_274 = arith.index_cast %add3A_258 : i32 to index
          %swap3A_275 = tpu.vector_load %arg16[%swap3A_274] {strides = array<i32>} : memref<40064xf32, #tpu.memory_space<vmem>>, vector<16xf32>,
          tpu.vector_store %arg16[%swap3A_274], %max3A_273 {strides = array<i32>} : memref<40064xf32, #tpu.memory_space<vmem>>, vector<16xf32>,
          %add3A_276 = arith.constant 112 : i32
          %add3A_277 = arith.addi %squeeze3A, %add3A_276 : i32
          %get3A_278 = arith.index_cast %while3A_141 : i32 to index
          %get3A_279 = arith.constant 112 : index
          %get3A_280 = tpu.vector_load %arg12[%get3A_278, %get3A_279] {strides = array<i32>} : memref<32x128xf32, #tpu.memory_space<vmem>>, vector<16xf32>,
          %get3A_281 = arith.index_cast %while3A_141 : i32 to index
          %get3A_282 = arith.constant 112 : index
          %get3A_283 = tpu.vector_load %arg13[%get3A_281, %get3A_282] {strides = array<i32>} : memref<32x128xf32, #tpu.memory_space<vmem>>, vector<16xf32>,
          %add3A_284 = arith.addf %get3A_280, %get3A_283 : vector<16xf32>
          %swap3A_285 = arith.index_cast %add3A_277 : i32 to index
          %swap3A_286 = tpu.vector_load %arg14[%swap3A_285] {strides = array<i32>} : memref<40064xf32, #tpu.memory_space<vmem>>, vector<16xf32>,
          tpu.vector_store %arg14[%swap3A_285], %add3A_284 {add = true, strides = array<i32>} : memref<40064xf32, #tpu.memory_space<vmem>>, vector<16xf32>,
          %mul3A_287 = arith.mulf %add3A_284, %add3A_284 : vector<16xf32>
          %swap3A_288 = arith.index_cast %add3A_277 : i32 to index
          %swap3A_289 = tpu.vector_load %arg15[%swap3A_288] {strides = array<i32>} : memref<40064xf32, #tpu.memory_space<vmem>>, vector<16xf32>,
          tpu.vector_store %arg15[%swap3A_288], %mul3A_287 {add = true, strides = array<i32>} : memref<40064xf32, #tpu.memory_space<vmem>>, vector<16xf32>,
          %get3A_290 = arith.index_cast %add3A_277 : i32 to index
          %get3A_291 = tpu.vector_load %arg16[%get3A_290] {strides = array<i32>} : memref<40064xf32, #tpu.memory_space<vmem>>, vector<16xf32>,
          %max3A_292 = arith.maximumf %get3A_291, %add3A_284 : vector<16xf32>
          %swap3A_293 = arith.index_cast %add3A_277 : i32 to index
          %swap3A_294 = tpu.vector_load %arg16[%swap3A_293] {strides = array<i32>} : memref<40064xf32, #tpu.memory_space<vmem>>, vector<16xf32>,
          tpu.vector_store %arg16[%swap3A_293], %max3A_292 {strides = array<i32>} : memref<40064xf32, #tpu.memory_space<vmem>>, vector<16xf32>,
          %shift_right_logical3A_295 = arith.constant 7 : i32
          %shift_right_logical3A_296 = arith.shrui %squeeze3A, %shift_right_logical3A_295 : i32
          %and3A_297 = arith.constant 15 : i32
          %and3A_298 = arith.andi %shift_right_logical3A_296, %and3A_297 : i32
          %sub3A = arith.subi %shift_right_logical3A_296, %and3A_298 : i32
          %eq3A = vector.broadcast %and3A_298 : i32 to vector<16xi32>
          %eq3A_299 = arith.cmpi eq, %iota3A, %eq3A : vector<16xi32>
          %jit3A = arith.constant 1.000000e+00 : f32
          %jit3A_300 = arith.constant 0.000000e+00 : f32
          %broadcast_in_dim3A_301 = vector.broadcast %jit3A : f32 to vector<16xf32>
          %broadcast_in_dim3A_302 = vector.broadcast %jit3A_300 : f32 to vector<16xf32>
          %select_n3A = arith.select %eq3A_299, %broadcast_in_dim3A_301, %broadcast_in_dim3A_302 : vector<16xi1>, vector<16xf32>
          %swap3A_303 = arith.index_cast %sub3A : i32 to index
          %swap3A_304 = tpu.vector_load %arg17[%swap3A_303] {strides = array<i32>} : memref<320xf32, #tpu.memory_space<vmem>>, vector<16xf32>,
          tpu.vector_store %arg17[%swap3A_303], %select_n3A {add = true, strides = array<i32>} : memref<320xf32, #tpu.memory_space<vmem>>, vector<16xf32>,
          %while3A_305 = arith.constant 0 : i32
          scf.yield %while3A_305 : i32
        }
        %while3A_134 = arith.constant 1 : i32
        %while3A_135 = scf.for %while3A_141 = %while3A_131 to %while3A_127 step %while3A_134 iter_args(%while3A_142 = %while3A_133) -> (i32)  : i32 {
          %get3A = arith.index_cast %while3A_141 : i32 to index
          %get3A_143 = tpu.vector_load %arg11[%get3A] {strides = array<i32>} : memref<48xi32, #tpu.memory_space<vmem>>, vector<16xi32>,
          %slice3A = vector.extract_strided_slice %get3A_143 {offsets = [0], sizes = [1], strides = [1]} : vector<16xi32> to vector<1xi32>
          %squeeze3A = vector.extract %slice3A[0] : i32 from vector<1xi32>
          %add3A_144 = arith.constant 0 : i32
          %add3A_145 = arith.addi %squeeze3A, %add3A_144 : i32
          %get3A_146 = arith.index_cast %while3A_141 : i32 to index
          %get3A_147 = arith.constant 0 : index
          %get3A_148 = tpu.vector_load %arg12[%get3A_146, %get3A_147] {strides = array<i32>} : memref<32x128xf32, #tpu.memory_space<vmem>>, vector<16xf32>,
          %get3A_149 = arith.index_cast %while3A_141 : i32 to index
          %get3A_150 = arith.constant 0 : index
          %get3A_151 = tpu.vector_load %arg13[%get3A_149, %get3A_150] {strides = array<i32>} : memref<32x128xf32, #tpu.memory_space<vmem>>, vector<16xf32>,
          %add3A_152 = arith.addf %get3A_148, %get3A_151 : vector<16xf32>
          %swap3A = arith.index_cast %add3A_145 : i32 to index
          %swap3A_153 = tpu.vector_load %arg14[%swap3A] {strides = array<i32>} : memref<40064xf32, #tpu.memory_space<vmem>>, vector<16xf32>,
          tpu.vector_store %arg14[%swap3A], %add3A_152 {add = true, strides = array<i32>} : memref<40064xf32, #tpu.memory_space<vmem>>, vector<16xf32>,
          %mul3A_154 = arith.mulf %add3A_152, %add3A_152 : vector<16xf32>
          %swap3A_155 = arith.index_cast %add3A_145 : i32 to index
          %swap3A_156 = tpu.vector_load %arg15[%swap3A_155] {strides = array<i32>} : memref<40064xf32, #tpu.memory_space<vmem>>, vector<16xf32>,
          tpu.vector_store %arg15[%swap3A_155], %mul3A_154 {add = true, strides = array<i32>} : memref<40064xf32, #tpu.memory_space<vmem>>, vector<16xf32>,
          %get3A_157 = arith.index_cast %add3A_145 : i32 to index
          %get3A_158 = tpu.vector_load %arg16[%get3A_157] {strides = array<i32>} : memref<40064xf32, #tpu.memory_space<vmem>>, vector<16xf32>,
          %max3A_159 = arith.maximumf %get3A_158, %add3A_152 : vector<16xf32>
          %swap3A_160 = arith.index_cast %add3A_145 : i32 to index
          %swap3A_161 = tpu.vector_load %arg16[%swap3A_160] {strides = array<i32>} : memref<40064xf32, #tpu.memory_space<vmem>>, vector<16xf32>,
          tpu.vector_store %arg16[%swap3A_160], %max3A_159 {strides = array<i32>} : memref<40064xf32, #tpu.memory_space<vmem>>, vector<16xf32>,
          %add3A_162 = arith.constant 16 : i32
          %add3A_163 = arith.addi %squeeze3A, %add3A_162 : i32
          %get3A_164 = arith.index_cast %while3A_141 : i32 to index
          %get3A_165 = arith.constant 16 : index
          %get3A_166 = tpu.vector_load %arg12[%get3A_164, %get3A_165] {strides = array<i32>} : memref<32x128xf32, #tpu.memory_space<vmem>>, vector<16xf32>,
          %get3A_167 = arith.index_cast %while3A_141 : i32 to index
          %get3A_168 = arith.constant 16 : index
          %get3A_169 = tpu.vector_load %arg13[%get3A_167, %get3A_168] {strides = array<i32>} : memref<32x128xf32, #tpu.memory_space<vmem>>, vector<16xf32>,
          %add3A_170 = arith.addf %get3A_166, %get3A_169 : vector<16xf32>
          %swap3A_171 = arith.index_cast %add3A_163 : i32 to index
          %swap3A_172 = tpu.vector_load %arg14[%swap3A_171] {strides = array<i32>} : memref<40064xf32, #tpu.memory_space<vmem>>, vector<16xf32>,
          tpu.vector_store %arg14[%swap3A_171], %add3A_170 {add = true, strides = array<i32>} : memref<40064xf32, #tpu.memory_space<vmem>>, vector<16xf32>,
          %mul3A_173 = arith.mulf %add3A_170, %add3A_170 : vector<16xf32>
          %swap3A_174 = arith.index_cast %add3A_163 : i32 to index
          %swap3A_175 = tpu.vector_load %arg15[%swap3A_174] {strides = array<i32>} : memref<40064xf32, #tpu.memory_space<vmem>>, vector<16xf32>,
          tpu.vector_store %arg15[%swap3A_174], %mul3A_173 {add = true, strides = array<i32>} : memref<40064xf32, #tpu.memory_space<vmem>>, vector<16xf32>,
          %get3A_176 = arith.index_cast %add3A_163 : i32 to index
          %get3A_177 = tpu.vector_load %arg16[%get3A_176] {strides = array<i32>} : memref<40064xf32, #tpu.memory_space<vmem>>, vector<16xf32>,
          %max3A_178 = arith.maximumf %get3A_177, %add3A_170 : vector<16xf32>
          %swap3A_179 = arith.index_cast %add3A_163 : i32 to index
          %swap3A_180 = tpu.vector_load %arg16[%swap3A_179] {strides = array<i32>} : memref<40064xf32, #tpu.memory_space<vmem>>, vector<16xf32>,
          tpu.vector_store %arg16[%swap3A_179], %max3A_178 {strides = array<i32>} : memref<40064xf32, #tpu.memory_space<vmem>>, vector<16xf32>,
          %add3A_181 = arith.constant 32 : i32
          %add3A_182 = arith.addi %squeeze3A, %add3A_181 : i32
          %get3A_183 = arith.index_cast %while3A_141 : i32 to index
          %get3A_184 = arith.constant 32 : index
          %get3A_185 = tpu.vector_load %arg12[%get3A_183, %get3A_184] {strides = array<i32>} : memref<32x128xf32, #tpu.memory_space<vmem>>, vector<16xf32>,
          %get3A_186 = arith.index_cast %while3A_141 : i32 to index
          %get3A_187 = arith.constant 32 : index
          %get3A_188 = tpu.vector_load %arg13[%get3A_186, %get3A_187] {strides = array<i32>} : memref<32x128xf32, #tpu.memory_space<vmem>>, vector<16xf32>,
          %add3A_189 = arith.addf %get3A_185, %get3A_188 : vector<16xf32>
          %swap3A_190 = arith.index_cast %add3A_182 : i32 to index
          %swap3A_191 = tpu.vector_load %arg14[%swap3A_190] {strides = array<i32>} : memref<40064xf32, #tpu.memory_space<vmem>>, vector<16xf32>,
          tpu.vector_store %arg14[%swap3A_190], %add3A_189 {add = true, strides = array<i32>} : memref<40064xf32, #tpu.memory_space<vmem>>, vector<16xf32>,
          %mul3A_192 = arith.mulf %add3A_189, %add3A_189 : vector<16xf32>
          %swap3A_193 = arith.index_cast %add3A_182 : i32 to index
          %swap3A_194 = tpu.vector_load %arg15[%swap3A_193] {strides = array<i32>} : memref<40064xf32, #tpu.memory_space<vmem>>, vector<16xf32>,
          tpu.vector_store %arg15[%swap3A_193], %mul3A_192 {add = true, strides = array<i32>} : memref<40064xf32, #tpu.memory_space<vmem>>, vector<16xf32>,
          %get3A_195 = arith.index_cast %add3A_182 : i32 to index
          %get3A_196 = tpu.vector_load %arg16[%get3A_195] {strides = array<i32>} : memref<40064xf32, #tpu.memory_space<vmem>>, vector<16xf32>,
          %max3A_197 = arith.maximumf %get3A_196, %add3A_189 : vector<16xf32>
          %swap3A_198 = arith.index_cast %add3A_182 : i32 to index
          %swap3A_199 = tpu.vector_load %arg16[%swap3A_198] {strides = array<i32>} : memref<40064xf32, #tpu.memory_space<vmem>>, vector<16xf32>,
          tpu.vector_store %arg16[%swap3A_198], %max3A_197 {strides = array<i32>} : memref<40064xf32, #tpu.memory_space<vmem>>, vector<16xf32>,
          %add3A_200 = arith.constant 48 : i32
          %add3A_201 = arith.addi %squeeze3A, %add3A_200 : i32
          %get3A_202 = arith.index_cast %while3A_141 : i32 to index
          %get3A_203 = arith.constant 48 : index
          %get3A_204 = tpu.vector_load %arg12[%get3A_202, %get3A_203] {strides = array<i32>} : memref<32x128xf32, #tpu.memory_space<vmem>>, vector<16xf32>,
          %get3A_205 = arith.index_cast %while3A_141 : i32 to index
          %get3A_206 = arith.constant 48 : index
          %get3A_207 = tpu.vector_load %arg13[%get3A_205, %get3A_206] {strides = array<i32>} : memref<32x128xf32, #tpu.memory_space<vmem>>, vector<16xf32>,
          %add3A_208 = arith.addf %get3A_204, %get3A_207 : vector<16xf32>
          %swap3A_209 = arith.index_cast %add3A_201 : i32 to index
          %swap3A_210 = tpu.vector_load %arg14[%swap3A_209] {strides = array<i32>} : memref<40064xf32, #tpu.memory_space<vmem>>, vector<16xf32>,
          tpu.vector_store %arg14[%swap3A_209], %add3A_208 {add = true, strides = array<i32>} : memref<40064xf32, #tpu.memory_space<vmem>>, vector<16xf32>,
          %mul3A_211 = arith.mulf %add3A_208, %add3A_208 : vector<16xf32>
          %swap3A_212 = arith.index_cast %add3A_201 : i32 to index
          %swap3A_213 = tpu.vector_load %arg15[%swap3A_212] {strides = array<i32>} : memref<40064xf32, #tpu.memory_space<vmem>>, vector<16xf32>,
          tpu.vector_store %arg15[%swap3A_212], %mul3A_211 {add = true, strides = array<i32>} : memref<40064xf32, #tpu.memory_space<vmem>>, vector<16xf32>,
          %get3A_214 = arith.index_cast %add3A_201 : i32 to index
          %get3A_215 = tpu.vector_load %arg16[%get3A_214] {strides = array<i32>} : memref<40064xf32, #tpu.memory_space<vmem>>, vector<16xf32>,
          %max3A_216 = arith.maximumf %get3A_215, %add3A_208 : vector<16xf32>
          %swap3A_217 = arith.index_cast %add3A_201 : i32 to index
          %swap3A_218 = tpu.vector_load %arg16[%swap3A_217] {strides = array<i32>} : memref<40064xf32, #tpu.memory_space<vmem>>, vector<16xf32>,
          tpu.vector_store %arg16[%swap3A_217], %max3A_216 {strides = array<i32>} : memref<40064xf32, #tpu.memory_space<vmem>>, vector<16xf32>,
          %add3A_219 = arith.constant 64 : i32
          %add3A_220 = arith.addi %squeeze3A, %add3A_219 : i32
          %get3A_221 = arith.index_cast %while3A_141 : i32 to index
          %get3A_222 = arith.constant 64 : index
          %get3A_223 = tpu.vector_load %arg12[%get3A_221, %get3A_222] {strides = array<i32>} : memref<32x128xf32, #tpu.memory_space<vmem>>, vector<16xf32>,
          %get3A_224 = arith.index_cast %while3A_141 : i32 to index
          %get3A_225 = arith.constant 64 : index
          %get3A_226 = tpu.vector_load %arg13[%get3A_224, %get3A_225] {strides = array<i32>} : memref<32x128xf32, #tpu.memory_space<vmem>>, vector<16xf32>,
          %add3A_227 = arith.addf %get3A_223, %get3A_226 : vector<16xf32>
          %swap3A_228 = arith.index_cast %add3A_220 : i32 to index
          %swap3A_229 = tpu.vector_load %arg14[%swap3A_228] {strides = array<i32>} : memref<40064xf32, #tpu.memory_space<vmem>>, vector<16xf32>,
          tpu.vector_store %arg14[%swap3A_228], %add3A_227 {add = true, strides = array<i32>} : memref<40064xf32, #tpu.memory_space<vmem>>, vector<16xf32>,
          %mul3A_230 = arith.mulf %add3A_227, %add3A_227 : vector<16xf32>
          %swap3A_231 = arith.index_cast %add3A_220 : i32 to index
          %swap3A_232 = tpu.vector_load %arg15[%swap3A_231] {strides = array<i32>} : memref<40064xf32, #tpu.memory_space<vmem>>, vector<16xf32>,
          tpu.vector_store %arg15[%swap3A_231], %mul3A_230 {add = true, strides = array<i32>} : memref<40064xf32, #tpu.memory_space<vmem>>, vector<16xf32>,
          %get3A_233 = arith.index_cast %add3A_220 : i32 to index
          %get3A_234 = tpu.vector_load %arg16[%get3A_233] {strides = array<i32>} : memref<40064xf32, #tpu.memory_space<vmem>>, vector<16xf32>,
          %max3A_235 = arith.maximumf %get3A_234, %add3A_227 : vector<16xf32>
          %swap3A_236 = arith.index_cast %add3A_220 : i32 to index
          %swap3A_237 = tpu.vector_load %arg16[%swap3A_236] {strides = array<i32>} : memref<40064xf32, #tpu.memory_space<vmem>>, vector<16xf32>,
          tpu.vector_store %arg16[%swap3A_236], %max3A_235 {strides = array<i32>} : memref<40064xf32, #tpu.memory_space<vmem>>, vector<16xf32>,
          %add3A_238 = arith.constant 80 : i32
          %add3A_239 = arith.addi %squeeze3A, %add3A_238 : i32
          %get3A_240 = arith.index_cast %while3A_141 : i32 to index
          %get3A_241 = arith.constant 80 : index
          %get3A_242 = tpu.vector_load %arg12[%get3A_240, %get3A_241] {strides = array<i32>} : memref<32x128xf32, #tpu.memory_space<vmem>>, vector<16xf32>,
          %get3A_243 = arith.index_cast %while3A_141 : i32 to index
          %get3A_244 = arith.constant 80 : index
          %get3A_245 = tpu.vector_load %arg13[%get3A_243, %get3A_244] {strides = array<i32>} : memref<32x128xf32, #tpu.memory_space<vmem>>, vector<16xf32>,
          %add3A_246 = arith.addf %get3A_242, %get3A_245 : vector<16xf32>
          %swap3A_247 = arith.index_cast %add3A_239 : i32 to index
          %swap3A_248 = tpu.vector_load %arg14[%swap3A_247] {strides = array<i32>} : memref<40064xf32, #tpu.memory_space<vmem>>, vector<16xf32>,
          tpu.vector_store %arg14[%swap3A_247], %add3A_246 {add = true, strides = array<i32>} : memref<40064xf32, #tpu.memory_space<vmem>>, vector<16xf32>,
          %mul3A_249 = arith.mulf %add3A_246, %add3A_246 : vector<16xf32>
          %swap3A_250 = arith.index_cast %add3A_239 : i32 to index
          %swap3A_251 = tpu.vector_load %arg15[%swap3A_250] {strides = array<i32>} : memref<40064xf32, #tpu.memory_space<vmem>>, vector<16xf32>,
          tpu.vector_store %arg15[%swap3A_250], %mul3A_249 {add = true, strides = array<i32>} : memref<40064xf32, #tpu.memory_space<vmem>>, vector<16xf32>,
          %get3A_252 = arith.index_cast %add3A_239 : i32 to index
          %get3A_253 = tpu.vector_load %arg16[%get3A_252] {strides = array<i32>} : memref<40064xf32, #tpu.memory_space<vmem>>, vector<16xf32>,
          %max3A_254 = arith.maximumf %get3A_253, %add3A_246 : vector<16xf32>
          %swap3A_255 = arith.index_cast %add3A_239 : i32 to index
          %swap3A_256 = tpu.vector_load %arg16[%swap3A_255] {strides = array<i32>} : memref<40064xf32, #tpu.memory_space<vmem>>, vector<16xf32>,
          tpu.vector_store %arg16[%swap3A_255], %max3A_254 {strides = array<i32>} : memref<40064xf32, #tpu.memory_space<vmem>>, vector<16xf32>,
          %add3A_257 = arith.constant 96 : i32
          %add3A_258 = arith.addi %squeeze3A, %add3A_257 : i32
          %get3A_259 = arith.index_cast %while3A_141 : i32 to index
          %get3A_260 = arith.constant 96 : index
          %get3A_261 = tpu.vector_load %arg12[%get3A_259, %get3A_260] {strides = array<i32>} : memref<32x128xf32, #tpu.memory_space<vmem>>, vector<16xf32>,
          %get3A_262 = arith.index_cast %while3A_141 : i32 to index
          %get3A_263 = arith.constant 96 : index
          %get3A_264 = tpu.vector_load %arg13[%get3A_262, %get3A_263] {strides = array<i32>} : memref<32x128xf32, #tpu.memory_space<vmem>>, vector<16xf32>,
          %add3A_265 = arith.addf %get3A_261, %get3A_264 : vector<16xf32>
          %swap3A_266 = arith.index_cast %add3A_258 : i32 to index
          %swap3A_267 = tpu.vector_load %arg14[%swap3A_266] {strides = array<i32>} : memref<40064xf32, #tpu.memory_space<vmem>>, vector<16xf32>,
          tpu.vector_store %arg14[%swap3A_266], %add3A_265 {add = true, strides = array<i32>} : memref<40064xf32, #tpu.memory_space<vmem>>, vector<16xf32>,
          %mul3A_268 = arith.mulf %add3A_265, %add3A_265 : vector<16xf32>
          %swap3A_269 = arith.index_cast %add3A_258 : i32 to index
          %swap3A_270 = tpu.vector_load %arg15[%swap3A_269] {strides = array<i32>} : memref<40064xf32, #tpu.memory_space<vmem>>, vector<16xf32>,
          tpu.vector_store %arg15[%swap3A_269], %mul3A_268 {add = true, strides = array<i32>} : memref<40064xf32, #tpu.memory_space<vmem>>, vector<16xf32>,
          %get3A_271 = arith.index_cast %add3A_258 : i32 to index
          %get3A_272 = tpu.vector_load %arg16[%get3A_271] {strides = array<i32>} : memref<40064xf32, #tpu.memory_space<vmem>>, vector<16xf32>,
          %max3A_273 = arith.maximumf %get3A_272, %add3A_265 : vector<16xf32>
          %swap3A_274 = arith.index_cast %add3A_258 : i32 to index
          %swap3A_275 = tpu.vector_load %arg16[%swap3A_274] {strides = array<i32>} : memref<40064xf32, #tpu.memory_space<vmem>>, vector<16xf32>,
          tpu.vector_store %arg16[%swap3A_274], %max3A_273 {strides = array<i32>} : memref<40064xf32, #tpu.memory_space<vmem>>, vector<16xf32>,
          %add3A_276 = arith.constant 112 : i32
          %add3A_277 = arith.addi %squeeze3A, %add3A_276 : i32
          %get3A_278 = arith.index_cast %while3A_141 : i32 to index
          %get3A_279 = arith.constant 112 : index
          %get3A_280 = tpu.vector_load %arg12[%get3A_278, %get3A_279] {strides = array<i32>} : memref<32x128xf32, #tpu.memory_space<vmem>>, vector<16xf32>,
          %get3A_281 = arith.index_cast %while3A_141 : i32 to index
          %get3A_282 = arith.constant 112 : index
          %get3A_283 = tpu.vector_load %arg13[%get3A_281, %get3A_282] {strides = array<i32>} : memref<32x128xf32, #tpu.memory_space<vmem>>, vector<16xf32>,
          %add3A_284 = arith.addf %get3A_280, %get3A_283 : vector<16xf32>
          %swap3A_285 = arith.index_cast %add3A_277 : i32 to index
          %swap3A_286 = tpu.vector_load %arg14[%swap3A_285] {strides = array<i32>} : memref<40064xf32, #tpu.memory_space<vmem>>, vector<16xf32>,
          tpu.vector_store %arg14[%swap3A_285], %add3A_284 {add = true, strides = array<i32>} : memref<40064xf32, #tpu.memory_space<vmem>>, vector<16xf32>,
          %mul3A_287 = arith.mulf %add3A_284, %add3A_284 : vector<16xf32>
          %swap3A_288 = arith.index_cast %add3A_277 : i32 to index
          %swap3A_289 = tpu.vector_load %arg15[%swap3A_288] {strides = array<i32>} : memref<40064xf32, #tpu.memory_space<vmem>>, vector<16xf32>,
          tpu.vector_store %arg15[%swap3A_288], %mul3A_287 {add = true, strides = array<i32>} : memref<40064xf32, #tpu.memory_space<vmem>>, vector<16xf32>,
          %get3A_290 = arith.index_cast %add3A_277 : i32 to index
          %get3A_291 = tpu.vector_load %arg16[%get3A_290] {strides = array<i32>} : memref<40064xf32, #tpu.memory_space<vmem>>, vector<16xf32>,
          %max3A_292 = arith.maximumf %get3A_291, %add3A_284 : vector<16xf32>
          %swap3A_293 = arith.index_cast %add3A_277 : i32 to index
          %swap3A_294 = tpu.vector_load %arg16[%swap3A_293] {strides = array<i32>} : memref<40064xf32, #tpu.memory_space<vmem>>, vector<16xf32>,
          tpu.vector_store %arg16[%swap3A_293], %max3A_292 {strides = array<i32>} : memref<40064xf32, #tpu.memory_space<vmem>>, vector<16xf32>,
          %shift_right_logical3A_295 = arith.constant 7 : i32
          %shift_right_logical3A_296 = arith.shrui %squeeze3A, %shift_right_logical3A_295 : i32
          %and3A_297 = arith.constant 15 : i32
          %and3A_298 = arith.andi %shift_right_logical3A_296, %and3A_297 : i32
          %sub3A = arith.subi %shift_right_logical3A_296, %and3A_298 : i32
          %eq3A = vector.broadcast %and3A_298 : i32 to vector<16xi32>
          %eq3A_299 = arith.cmpi eq, %iota3A, %eq3A : vector<16xi32>
          %jit3A = arith.constant 1.000000e+00 : f32
          %jit3A_300 = arith.constant 0.000000e+00 : f32
          %broadcast_in_dim3A_301 = vector.broadcast %jit3A : f32 to vector<16xf32>
          %broadcast_in_dim3A_302 = vector.broadcast %jit3A_300 : f32 to vector<16xf32>
          %select_n3A = arith.select %eq3A_299, %broadcast_in_dim3A_301, %broadcast_in_dim3A_302 : vector<16xi1>, vector<16xf32>
          %swap3A_303 = arith.index_cast %sub3A : i32 to index
          %swap3A_304 = tpu.vector_load %arg17[%swap3A_303] {strides = array<i32>} : memref<320xf32, #tpu.memory_space<vmem>>, vector<16xf32>,
          tpu.vector_store %arg17[%swap3A_303], %select_n3A {add = true, strides = array<i32>} : memref<320xf32, #tpu.memory_space<vmem>>, vector<16xf32>,
          %while3A_305 = arith.constant 0 : i32
          scf.yield %while3A_305 : i32
        }
        %gt3A_136 = arith.constant 16 : i32
        %gt3A_137 = arith.cmpi sgt, %scan3A_53, %gt3A_136 : i32
        %convert_element_type3A_138 = arith.extui %gt3A_137 : i1 to i32
        %cond3A_139 = arith.constant 0 : i32
        %cond3A_140 = arith.cmpi ne, %convert_element_type3A_138, %cond3A_139 : i32
        scf.if %cond3A_140 {
          %dma_wait3A_141 = arith.constant 16 : i32
          %dma_wait3A_142 = arith.constant 0 : i32
          %dma_wait3A_143 = tpu.memref_slice %arg12[%dma_wait3A_141, %dma_wait3A_142] : memref<32x128xf32, #tpu.memory_space<vmem>> -> memref<16x128xf32, #tpu.memory_space<vmem>>
          %dma_wait3A_144 = arith.constant 16 : i32
          %dma_wait3A_145 = tpu.memref_slice %arg10[%dma_wait3A_144] : memref<528xi32, #tpu.memory_space<vmem>> -> memref<16xi32, #tpu.memory_space<vmem>>
          %dma_wait3A_146 = arith.constant 0 : i32
          %dma_wait3A_147 = arith.constant 0 : i32
          %dma_wait3A_148 = tpu.memref_slice %arg3[%dma_wait3A_146, %dma_wait3A_147] : memref<320000x128xf32, #tpu.memory_space<hbm>> -> memref<320000x128xf32, #tpu.memory_space<hbm>>
          tpu.wait_indirect_dma semaphore(%arg19 : memref<!tpu.dma_semaphore, #tpu.memory_space<semaphore_mem>>) src(%dma_wait3A_148 : memref<320000x128xf32, #tpu.memory_space<hbm>>) dst(%dma_wait3A_143 : memref<16x128xf32, #tpu.memory_space<vmem>>)
          %dma_wait3A_149 = arith.constant 16 : i32
          %dma_wait3A_150 = arith.constant 0 : i32
          %dma_wait3A_151 = tpu.memref_slice %arg13[%dma_wait3A_149, %dma_wait3A_150] : memref<32x128xf32, #tpu.memory_space<vmem>> -> memref<16x128xf32, #tpu.memory_space<vmem>>
          %dma_wait3A_152 = arith.constant 16 : i32
          %dma_wait3A_153 = tpu.memref_slice %arg10[%dma_wait3A_152] : memref<528xi32, #tpu.memory_space<vmem>> -> memref<16xi32, #tpu.memory_space<vmem>>
          %dma_wait3A_154 = arith.constant 0 : i32
          %dma_wait3A_155 = arith.constant 0 : i32
          %dma_wait3A_156 = tpu.memref_slice %arg3[%dma_wait3A_154, %dma_wait3A_155] : memref<320000x128xf32, #tpu.memory_space<hbm>> -> memref<320000x128xf32, #tpu.memory_space<hbm>>
          tpu.wait_indirect_dma semaphore(%arg20 : memref<!tpu.dma_semaphore, #tpu.memory_space<semaphore_mem>>) src(%dma_wait3A_156 : memref<320000x128xf32, #tpu.memory_space<hbm>>) dst(%dma_wait3A_151 : memref<16x128xf32, #tpu.memory_space<vmem>>)
          %while3A_157 = arith.constant 16 : i32
          %while3A_158 = arith.constant 0 : i32
          %while3A_159 = arith.subi %scan3A_53, %while3A_157 : i32
          %while3A_160 = arith.addi %while3A_157, %while3A_159 : i32
          %while3A_161 = arith.constant 1 : i32
          %while3A_162 = arith.divsi %while3A_159, %while3A_161 : i32
          %while3A_163 = arith.muli %while3A_162, %while3A_161 : i32
          %while3A_164 = arith.addi %while3A_157, %while3A_163 : i32
          %while3A_165 = arith.constant 1 : i32
          %while3A_166 = scf.for %while3A_169 = %while3A_157 to %while3A_164 step %while3A_165 iter_args(%while3A_170 = %while3A_158) -> (i32)  : i32 {
            %get3A = arith.index_cast %while3A_169 : i32 to index
            %get3A_171 = tpu.vector_load %arg11[%get3A] {strides = array<i32>} : memref<48xi32, #tpu.memory_space<vmem>>, vector<16xi32>,
            %slice3A = vector.extract_strided_slice %get3A_171 {offsets = [0], sizes = [1], strides = [1]} : vector<16xi32> to vector<1xi32>
            %squeeze3A = vector.extract %slice3A[0] : i32 from vector<1xi32>
            %add3A_172 = arith.constant 0 : i32
            %add3A_173 = arith.addi %squeeze3A, %add3A_172 : i32
            %get3A_174 = arith.index_cast %while3A_169 : i32 to index
            %get3A_175 = arith.constant 0 : index
            %get3A_176 = tpu.vector_load %arg12[%get3A_174, %get3A_175] {strides = array<i32>} : memref<32x128xf32, #tpu.memory_space<vmem>>, vector<16xf32>,
            %get3A_177 = arith.index_cast %while3A_169 : i32 to index
            %get3A_178 = arith.constant 0 : index
            %get3A_179 = tpu.vector_load %arg13[%get3A_177, %get3A_178] {strides = array<i32>} : memref<32x128xf32, #tpu.memory_space<vmem>>, vector<16xf32>,
            %add3A_180 = arith.addf %get3A_176, %get3A_179 : vector<16xf32>
            %swap3A = arith.index_cast %add3A_173 : i32 to index
            %swap3A_181 = tpu.vector_load %arg14[%swap3A] {strides = array<i32>} : memref<40064xf32, #tpu.memory_space<vmem>>, vector<16xf32>,
            tpu.vector_store %arg14[%swap3A], %add3A_180 {add = true, strides = array<i32>} : memref<40064xf32, #tpu.memory_space<vmem>>, vector<16xf32>,
            %mul3A_182 = arith.mulf %add3A_180, %add3A_180 : vector<16xf32>
            %swap3A_183 = arith.index_cast %add3A_173 : i32 to index
            %swap3A_184 = tpu.vector_load %arg15[%swap3A_183] {strides = array<i32>} : memref<40064xf32, #tpu.memory_space<vmem>>, vector<16xf32>,
            tpu.vector_store %arg15[%swap3A_183], %mul3A_182 {add = true, strides = array<i32>} : memref<40064xf32, #tpu.memory_space<vmem>>, vector<16xf32>,
            %get3A_185 = arith.index_cast %add3A_173 : i32 to index
            %get3A_186 = tpu.vector_load %arg16[%get3A_185] {strides = array<i32>} : memref<40064xf32, #tpu.memory_space<vmem>>, vector<16xf32>,
            %max3A_187 = arith.maximumf %get3A_186, %add3A_180 : vector<16xf32>
            %swap3A_188 = arith.index_cast %add3A_173 : i32 to index
            %swap3A_189 = tpu.vector_load %arg16[%swap3A_188] {strides = array<i32>} : memref<40064xf32, #tpu.memory_space<vmem>>, vector<16xf32>,
            tpu.vector_store %arg16[%swap3A_188], %max3A_187 {strides = array<i32>} : memref<40064xf32, #tpu.memory_space<vmem>>, vector<16xf32>,
            %add3A_190 = arith.constant 16 : i32
            %add3A_191 = arith.addi %squeeze3A, %add3A_190 : i32
            %get3A_192 = arith.index_cast %while3A_169 : i32 to index
            %get3A_193 = arith.constant 16 : index
            %get3A_194 = tpu.vector_load %arg12[%get3A_192, %get3A_193] {strides = array<i32>} : memref<32x128xf32, #tpu.memory_space<vmem>>, vector<16xf32>,
            %get3A_195 = arith.index_cast %while3A_169 : i32 to index
            %get3A_196 = arith.constant 16 : index
            %get3A_197 = tpu.vector_load %arg13[%get3A_195, %get3A_196] {strides = array<i32>} : memref<32x128xf32, #tpu.memory_space<vmem>>, vector<16xf32>,
            %add3A_198 = arith.addf %get3A_194, %get3A_197 : vector<16xf32>
            %swap3A_199 = arith.index_cast %add3A_191 : i32 to index
            %swap3A_200 = tpu.vector_load %arg14[%swap3A_199] {strides = array<i32>} : memref<40064xf32, #tpu.memory_space<vmem>>, vector<16xf32>,
            tpu.vector_store %arg14[%swap3A_199], %add3A_198 {add = true, strides = array<i32>} : memref<40064xf32, #tpu.memory_space<vmem>>, vector<16xf32>,
            %mul3A_201 = arith.mulf %add3A_198, %add3A_198 : vector<16xf32>
            %swap3A_202 = arith.index_cast %add3A_191 : i32 to index
            %swap3A_203 = tpu.vector_load %arg15[%swap3A_202] {strides = array<i32>} : memref<40064xf32, #tpu.memory_space<vmem>>, vector<16xf32>,
            tpu.vector_store %arg15[%swap3A_202], %mul3A_201 {add = true, strides = array<i32>} : memref<40064xf32, #tpu.memory_space<vmem>>, vector<16xf32>,
            %get3A_204 = arith.index_cast %add3A_191 : i32 to index
            %get3A_205 = tpu.vector_load %arg16[%get3A_204] {strides = array<i32>} : memref<40064xf32, #tpu.memory_space<vmem>>, vector<16xf32>,
            %max3A_206 = arith.maximumf %get3A_205, %add3A_198 : vector<16xf32>
            %swap3A_207 = arith.index_cast %add3A_191 : i32 to index
            %swap3A_208 = tpu.vector_load %arg16[%swap3A_207] {strides = array<i32>} : memref<40064xf32, #tpu.memory_space<vmem>>, vector<16xf32>,
            tpu.vector_store %arg16[%swap3A_207], %max3A_206 {strides = array<i32>} : memref<40064xf32, #tpu.memory_space<vmem>>, vector<16xf32>,
            %add3A_209 = arith.constant 32 : i32
            %add3A_210 = arith.addi %squeeze3A, %add3A_209 : i32
            %get3A_211 = arith.index_cast %while3A_169 : i32 to index
            %get3A_212 = arith.constant 32 : index
            %get3A_213 = tpu.vector_load %arg12[%get3A_211, %get3A_212] {strides = array<i32>} : memref<32x128xf32, #tpu.memory_space<vmem>>, vector<16xf32>,
            %get3A_214 = arith.index_cast %while3A_169 : i32 to index
            %get3A_215 = arith.constant 32 : index
            %get3A_216 = tpu.vector_load %arg13[%get3A_214, %get3A_215] {strides = array<i32>} : memref<32x128xf32, #tpu.memory_space<vmem>>, vector<16xf32>,
            %add3A_217 = arith.addf %get3A_213, %get3A_216 : vector<16xf32>
            %swap3A_218 = arith.index_cast %add3A_210 : i32 to index
            %swap3A_219 = tpu.vector_load %arg14[%swap3A_218] {strides = array<i32>} : memref<40064xf32, #tpu.memory_space<vmem>>, vector<16xf32>,
            tpu.vector_store %arg14[%swap3A_218], %add3A_217 {add = true, strides = array<i32>} : memref<40064xf32, #tpu.memory_space<vmem>>, vector<16xf32>,
            %mul3A_220 = arith.mulf %add3A_217, %add3A_217 : vector<16xf32>
            %swap3A_221 = arith.index_cast %add3A_210 : i32 to index
            %swap3A_222 = tpu.vector_load %arg15[%swap3A_221] {strides = array<i32>} : memref<40064xf32, #tpu.memory_space<vmem>>, vector<16xf32>,
            tpu.vector_store %arg15[%swap3A_221], %mul3A_220 {add = true, strides = array<i32>} : memref<40064xf32, #tpu.memory_space<vmem>>, vector<16xf32>,
            %get3A_223 = arith.index_cast %add3A_210 : i32 to index
            %get3A_224 = tpu.vector_load %arg16[%get3A_223] {strides = array<i32>} : memref<40064xf32, #tpu.memory_space<vmem>>, vector<16xf32>,
            %max3A_225 = arith.maximumf %get3A_224, %add3A_217 : vector<16xf32>
            %swap3A_226 = arith.index_cast %add3A_210 : i32 to index
            %swap3A_227 = tpu.vector_load %arg16[%swap3A_226] {strides = array<i32>} : memref<40064xf32, #tpu.memory_space<vmem>>, vector<16xf32>,
            tpu.vector_store %arg16[%swap3A_226], %max3A_225 {strides = array<i32>} : memref<40064xf32, #tpu.memory_space<vmem>>, vector<16xf32>,
            %add3A_228 = arith.constant 48 : i32
            %add3A_229 = arith.addi %squeeze3A, %add3A_228 : i32
            %get3A_230 = arith.index_cast %while3A_169 : i32 to index
            %get3A_231 = arith.constant 48 : index
            %get3A_232 = tpu.vector_load %arg12[%get3A_230, %get3A_231] {strides = array<i32>} : memref<32x128xf32, #tpu.memory_space<vmem>>, vector<16xf32>,
            %get3A_233 = arith.index_cast %while3A_169 : i32 to index
            %get3A_234 = arith.constant 48 : index
            %get3A_235 = tpu.vector_load %arg13[%get3A_233, %get3A_234] {strides = array<i32>} : memref<32x128xf32, #tpu.memory_space<vmem>>, vector<16xf32>,
            %add3A_236 = arith.addf %get3A_232, %get3A_235 : vector<16xf32>
            %swap3A_237 = arith.index_cast %add3A_229 : i32 to index
            %swap3A_238 = tpu.vector_load %arg14[%swap3A_237] {strides = array<i32>} : memref<40064xf32, #tpu.memory_space<vmem>>, vector<16xf32>,
            tpu.vector_store %arg14[%swap3A_237], %add3A_236 {add = true, strides = array<i32>} : memref<40064xf32, #tpu.memory_space<vmem>>, vector<16xf32>,
            %mul3A_239 = arith.mulf %add3A_236, %add3A_236 : vector<16xf32>
            %swap3A_240 = arith.index_cast %add3A_229 : i32 to index
            %swap3A_241 = tpu.vector_load %arg15[%swap3A_240] {strides = array<i32>} : memref<40064xf32, #tpu.memory_space<vmem>>, vector<16xf32>,
            tpu.vector_store %arg15[%swap3A_240], %mul3A_239 {add = true, strides = array<i32>} : memref<40064xf32, #tpu.memory_space<vmem>>, vector<16xf32>,
            %get3A_242 = arith.index_cast %add3A_229 : i32 to index
            %get3A_243 = tpu.vector_load %arg16[%get3A_242] {strides = array<i32>} : memref<40064xf32, #tpu.memory_space<vmem>>, vector<16xf32>,
            %max3A_244 = arith.maximumf %get3A_243, %add3A_236 : vector<16xf32>
            %swap3A_245 = arith.index_cast %add3A_229 : i32 to index
            %swap3A_246 = tpu.vector_load %arg16[%swap3A_245] {strides = array<i32>} : memref<40064xf32, #tpu.memory_space<vmem>>, vector<16xf32>,
            tpu.vector_store %arg16[%swap3A_245], %max3A_244 {strides = array<i32>} : memref<40064xf32, #tpu.memory_space<vmem>>, vector<16xf32>,
            %add3A_247 = arith.constant 64 : i32
            %add3A_248 = arith.addi %squeeze3A, %add3A_247 : i32
            %get3A_249 = arith.index_cast %while3A_169 : i32 to index
            %get3A_250 = arith.constant 64 : index
            %get3A_251 = tpu.vector_load %arg12[%get3A_249, %get3A_250] {strides = array<i32>} : memref<32x128xf32, #tpu.memory_space<vmem>>, vector<16xf32>,
            %get3A_252 = arith.index_cast %while3A_169 : i32 to index
            %get3A_253 = arith.constant 64 : index
            %get3A_254 = tpu.vector_load %arg13[%get3A_252, %get3A_253] {strides = array<i32>} : memref<32x128xf32, #tpu.memory_space<vmem>>, vector<16xf32>,
            %add3A_255 = arith.addf %get3A_251, %get3A_254 : vector<16xf32>
            %swap3A_256 = arith.index_cast %add3A_248 : i32 to index
            %swap3A_257 = tpu.vector_load %arg14[%swap3A_256] {strides = array<i32>} : memref<40064xf32, #tpu.memory_space<vmem>>, vector<16xf32>,
            tpu.vector_store %arg14[%swap3A_256], %add3A_255 {add = true, strides = array<i32>} : memref<40064xf32, #tpu.memory_space<vmem>>, vector<16xf32>,
            %mul3A_258 = arith.mulf %add3A_255, %add3A_255 : vector<16xf32>
            %swap3A_259 = arith.index_cast %add3A_248 : i32 to index
            %swap3A_260 = tpu.vector_load %arg15[%swap3A_259] {strides = array<i32>} : memref<40064xf32, #tpu.memory_space<vmem>>, vector<16xf32>,
            tpu.vector_store %arg15[%swap3A_259], %mul3A_258 {add = true, strides = array<i32>} : memref<40064xf32, #tpu.memory_space<vmem>>, vector<16xf32>,
            %get3A_261 = arith.index_cast %add3A_248 : i32 to index
            %get3A_262 = tpu.vector_load %arg16[%get3A_261] {strides = array<i32>} : memref<40064xf32, #tpu.memory_space<vmem>>, vector<16xf32>,
            %max3A_263 = arith.maximumf %get3A_262, %add3A_255 : vector<16xf32>
            %swap3A_264 = arith.index_cast %add3A_248 : i32 to index
            %swap3A_265 = tpu.vector_load %arg16[%swap3A_264] {strides = array<i32>} : memref<40064xf32, #tpu.memory_space<vmem>>, vector<16xf32>,
            tpu.vector_store %arg16[%swap3A_264], %max3A_263 {strides = array<i32>} : memref<40064xf32, #tpu.memory_space<vmem>>, vector<16xf32>,
            %add3A_266 = arith.constant 80 : i32
            %add3A_267 = arith.addi %squeeze3A, %add3A_266 : i32
            %get3A_268 = arith.index_cast %while3A_169 : i32 to index
            %get3A_269 = arith.constant 80 : index
            %get3A_270 = tpu.vector_load %arg12[%get3A_268, %get3A_269] {strides = array<i32>} : memref<32x128xf32, #tpu.memory_space<vmem>>, vector<16xf32>,
            %get3A_271 = arith.index_cast %while3A_169 : i32 to index
            %get3A_272 = arith.constant 80 : index
            %get3A_273 = tpu.vector_load %arg13[%get3A_271, %get3A_272] {strides = array<i32>} : memref<32x128xf32, #tpu.memory_space<vmem>>, vector<16xf32>,
            %add3A_274 = arith.addf %get3A_270, %get3A_273 : vector<16xf32>
            %swap3A_275 = arith.index_cast %add3A_267 : i32 to index
            %swap3A_276 = tpu.vector_load %arg14[%swap3A_275] {strides = array<i32>} : memref<40064xf32, #tpu.memory_space<vmem>>, vector<16xf32>,
            tpu.vector_store %arg14[%swap3A_275], %add3A_274 {add = true, strides = array<i32>} : memref<40064xf32, #tpu.memory_space<vmem>>, vector<16xf32>,
            %mul3A_277 = arith.mulf %add3A_274, %add3A_274 : vector<16xf32>
            %swap3A_278 = arith.index_cast %add3A_267 : i32 to index
            %swap3A_279 = tpu.vector_load %arg15[%swap3A_278] {strides = array<i32>} : memref<40064xf32, #tpu.memory_space<vmem>>, vector<16xf32>,
            tpu.vector_store %arg15[%swap3A_278], %mul3A_277 {add = true, strides = array<i32>} : memref<40064xf32, #tpu.memory_space<vmem>>, vector<16xf32>,
            %get3A_280 = arith.index_cast %add3A_267 : i32 to index
            %get3A_281 = tpu.vector_load %arg16[%get3A_280] {strides = array<i32>} : memref<40064xf32, #tpu.memory_space<vmem>>, vector<16xf32>,
            %max3A_282 = arith.maximumf %get3A_281, %add3A_274 : vector<16xf32>
            %swap3A_283 = arith.index_cast %add3A_267 : i32 to index
            %swap3A_284 = tpu.vector_load %arg16[%swap3A_283] {strides = array<i32>} : memref<40064xf32, #tpu.memory_space<vmem>>, vector<16xf32>,
            tpu.vector_store %arg16[%swap3A_283], %max3A_282 {strides = array<i32>} : memref<40064xf32, #tpu.memory_space<vmem>>, vector<16xf32>,
            %add3A_285 = arith.constant 96 : i32
            %add3A_286 = arith.addi %squeeze3A, %add3A_285 : i32
            %get3A_287 = arith.index_cast %while3A_169 : i32 to index
            %get3A_288 = arith.constant 96 : index
            %get3A_289 = tpu.vector_load %arg12[%get3A_287, %get3A_288] {strides = array<i32>} : memref<32x128xf32, #tpu.memory_space<vmem>>, vector<16xf32>,
            %get3A_290 = arith.index_cast %while3A_169 : i32 to index
            %get3A_291 = arith.constant 96 : index
            %get3A_292 = tpu.vector_load %arg13[%get3A_290, %get3A_291] {strides = array<i32>} : memref<32x128xf32, #tpu.memory_space<vmem>>, vector<16xf32>,
            %add3A_293 = arith.addf %get3A_289, %get3A_292 : vector<16xf32>
            %swap3A_294 = arith.index_cast %add3A_286 : i32 to index
            %swap3A_295 = tpu.vector_load %arg14[%swap3A_294] {strides = array<i32>} : memref<40064xf32, #tpu.memory_space<vmem>>, vector<16xf32>,
            tpu.vector_store %arg14[%swap3A_294], %add3A_293 {add = true, strides = array<i32>} : memref<40064xf32, #tpu.memory_space<vmem>>, vector<16xf32>,
            %mul3A_296 = arith.mulf %add3A_293, %add3A_293 : vector<16xf32>
            %swap3A_297 = arith.index_cast %add3A_286 : i32 to index
            %swap3A_298 = tpu.vector_load %arg15[%swap3A_297] {strides = array<i32>} : memref<40064xf32, #tpu.memory_space<vmem>>, vector<16xf32>,
            tpu.vector_store %arg15[%swap3A_297], %mul3A_296 {add = true, strides = array<i32>} : memref<40064xf32, #tpu.memory_space<vmem>>, vector<16xf32>,
            %get3A_299 = arith.index_cast %add3A_286 : i32 to index
            %get3A_300 = tpu.vector_load %arg16[%get3A_299] {strides = array<i32>} : memref<40064xf32, #tpu.memory_space<vmem>>, vector<16xf32>,
            %max3A_301 = arith.maximumf %get3A_300, %add3A_293 : vector<16xf32>
            %swap3A_302 = arith.index_cast %add3A_286 : i32 to index
            %swap3A_303 = tpu.vector_load %arg16[%swap3A_302] {strides = array<i32>} : memref<40064xf32, #tpu.memory_space<vmem>>, vector<16xf32>,
            tpu.vector_store %arg16[%swap3A_302], %max3A_301 {strides = array<i32>} : memref<40064xf32, #tpu.memory_space<vmem>>, vector<16xf32>,
            %add3A_304 = arith.constant 112 : i32
            %add3A_305 = arith.addi %squeeze3A, %add3A_304 : i32
            %get3A_306 = arith.index_cast %while3A_169 : i32 to index
            %get3A_307 = arith.constant 112 : index
            %get3A_308 = tpu.vector_load %arg12[%get3A_306, %get3A_307] {strides = array<i32>} : memref<32x128xf32, #tpu.memory_space<vmem>>, vector<16xf32>,
            %get3A_309 = arith.index_cast %while3A_169 : i32 to index
            %get3A_310 = arith.constant 112 : index
            %get3A_311 = tpu.vector_load %arg13[%get3A_309, %get3A_310] {strides = array<i32>} : memref<32x128xf32, #tpu.memory_space<vmem>>, vector<16xf32>,
            %add3A_312 = arith.addf %get3A_308, %get3A_311 : vector<16xf32>
            %swap3A_313 = arith.index_cast %add3A_305 : i32 to index
            %swap3A_314 = tpu.vector_load %arg14[%swap3A_313] {strides = array<i32>} : memref<40064xf32, #tpu.memory_space<vmem>>, vector<16xf32>,
            tpu.vector_store %arg14[%swap3A_313], %add3A_312 {add = true, strides = array<i32>} : memref<40064xf32, #tpu.memory_space<vmem>>, vector<16xf32>,
            %mul3A_315 = arith.mulf %add3A_312, %add3A_312 : vector<16xf32>
            %swap3A_316 = arith.index_cast %add3A_305 : i32 to index
            %swap3A_317 = tpu.vector_load %arg15[%swap3A_316] {strides = array<i32>} : memref<40064xf32, #tpu.memory_space<vmem>>, vector<16xf32>,
            tpu.vector_store %arg15[%swap3A_316], %mul3A_315 {add = true, strides = array<i32>} : memref<40064xf32, #tpu.memory_space<vmem>>, vector<16xf32>,
            %get3A_318 = arith.index_cast %add3A_305 : i32 to index
            %get3A_319 = tpu.vector_load %arg16[%get3A_318] {strides = array<i32>} : memref<40064xf32, #tpu.memory_space<vmem>>, vector<16xf32>,
            %max3A_320 = arith.maximumf %get3A_319, %add3A_312 : vector<16xf32>
            %swap3A_321 = arith.index_cast %add3A_305 : i32 to index
            %swap3A_322 = tpu.vector_load %arg16[%swap3A_321] {strides = array<i32>} : memref<40064xf32, #tpu.memory_space<vmem>>, vector<16xf32>,
            tpu.vector_store %arg16[%swap3A_321], %max3A_320 {strides = array<i32>} : memref<40064xf32, #tpu.memory_space<vmem>>, vector<16xf32>,
            %shift_right_logical3A_323 = arith.constant 7 : i32
            %shift_right_logical3A_324 = arith.shrui %squeeze3A, %shift_right_logical3A_323 : i32
            %and3A_325 = arith.constant 15 : i32
            %and3A_326 = arith.andi %shift_right_logical3A_324, %and3A_325 : i32
            %sub3A = arith.subi %shift_right_logical3A_324, %and3A_326 : i32
            %eq3A = vector.broadcast %and3A_326 : i32 to vector<16xi32>
            %eq3A_327 = arith.cmpi eq, %iota3A, %eq3A : vector<16xi32>
            %jit3A = arith.constant 1.000000e+00 : f32
            %jit3A_328 = arith.constant 0.000000e+00 : f32
            %broadcast_in_dim3A_329 = vector.broadcast %jit3A : f32 to vector<16xf32>
            %broadcast_in_dim3A_330 = vector.broadcast %jit3A_328 : f32 to vector<16xf32>
            %select_n3A = arith.select %eq3A_327, %broadcast_in_dim3A_329, %broadcast_in_dim3A_330 : vector<16xi1>, vector<16xf32>
            %swap3A_331 = arith.index_cast %sub3A : i32 to index
            %swap3A_332 = tpu.vector_load %arg17[%swap3A_331] {strides = array<i32>} : memref<320xf32, #tpu.memory_space<vmem>>, vector<16xf32>,
            tpu.vector_store %arg17[%swap3A_331], %select_n3A {add = true, strides = array<i32>} : memref<320xf32, #tpu.memory_space<vmem>>, vector<16xf32>,
            %while3A_333 = arith.constant 0 : i32
            scf.yield %while3A_333 : i32
          }
          %while3A_167 = arith.constant 1 : i32
          %while3A_168 = scf.for %while3A_169 = %while3A_164 to %while3A_160 step %while3A_167 iter_args(%while3A_170 = %while3A_166) -> (i32)  : i32 {
            %get3A = arith.index_cast %while3A_169 : i32 to index
            %get3A_171 = tpu.vector_load %arg11[%get3A] {strides = array<i32>} : memref<48xi32, #tpu.memory_space<vmem>>, vector<16xi32>,
            %slice3A = vector.extract_strided_slice %get3A_171 {offsets = [0], sizes = [1], strides = [1]} : vector<16xi32> to vector<1xi32>
            %squeeze3A = vector.extract %slice3A[0] : i32 from vector<1xi32>
            %add3A_172 = arith.constant 0 : i32
            %add3A_173 = arith.addi %squeeze3A, %add3A_172 : i32
            %get3A_174 = arith.index_cast %while3A_169 : i32 to index
            %get3A_175 = arith.constant 0 : index
            %get3A_176 = tpu.vector_load %arg12[%get3A_174, %get3A_175] {strides = array<i32>} : memref<32x128xf32, #tpu.memory_space<vmem>>, vector<16xf32>,
            %get3A_177 = arith.index_cast %while3A_169 : i32 to index
            %get3A_178 = arith.constant 0 : index
            %get3A_179 = tpu.vector_load %arg13[%get3A_177, %get3A_178] {strides = array<i32>} : memref<32x128xf32, #tpu.memory_space<vmem>>, vector<16xf32>,
            %add3A_180 = arith.addf %get3A_176, %get3A_179 : vector<16xf32>
            %swap3A = arith.index_cast %add3A_173 : i32 to index
            %swap3A_181 = tpu.vector_load %arg14[%swap3A] {strides = array<i32>} : memref<40064xf32, #tpu.memory_space<vmem>>, vector<16xf32>,
            tpu.vector_store %arg14[%swap3A], %add3A_180 {add = true, strides = array<i32>} : memref<40064xf32, #tpu.memory_space<vmem>>, vector<16xf32>,
            %mul3A_182 = arith.mulf %add3A_180, %add3A_180 : vector<16xf32>
            %swap3A_183 = arith.index_cast %add3A_173 : i32 to index
            %swap3A_184 = tpu.vector_load %arg15[%swap3A_183] {strides = array<i32>} : memref<40064xf32, #tpu.memory_space<vmem>>, vector<16xf32>,
            tpu.vector_store %arg15[%swap3A_183], %mul3A_182 {add = true, strides = array<i32>} : memref<40064xf32, #tpu.memory_space<vmem>>, vector<16xf32>,
            %get3A_185 = arith.index_cast %add3A_173 : i32 to index
            %get3A_186 = tpu.vector_load %arg16[%get3A_185] {strides = array<i32>} : memref<40064xf32, #tpu.memory_space<vmem>>, vector<16xf32>,
            %max3A_187 = arith.maximumf %get3A_186, %add3A_180 : vector<16xf32>
            %swap3A_188 = arith.index_cast %add3A_173 : i32 to index
            %swap3A_189 = tpu.vector_load %arg16[%swap3A_188] {strides = array<i32>} : memref<40064xf32, #tpu.memory_space<vmem>>, vector<16xf32>,
            tpu.vector_store %arg16[%swap3A_188], %max3A_187 {strides = array<i32>} : memref<40064xf32, #tpu.memory_space<vmem>>, vector<16xf32>,
            %add3A_190 = arith.constant 16 : i32
            %add3A_191 = arith.addi %squeeze3A, %add3A_190 : i32
            %get3A_192 = arith.index_cast %while3A_169 : i32 to index
            %get3A_193 = arith.constant 16 : index
            %get3A_194 = tpu.vector_load %arg12[%get3A_192, %get3A_193] {strides = array<i32>} : memref<32x128xf32, #tpu.memory_space<vmem>>, vector<16xf32>,
            %get3A_195 = arith.index_cast %while3A_169 : i32 to index
            %get3A_196 = arith.constant 16 : index
            %get3A_197 = tpu.vector_load %arg13[%get3A_195, %get3A_196] {strides = array<i32>} : memref<32x128xf32, #tpu.memory_space<vmem>>, vector<16xf32>,
            %add3A_198 = arith.addf %get3A_194, %get3A_197 : vector<16xf32>
            %swap3A_199 = arith.index_cast %add3A_191 : i32 to index
            %swap3A_200 = tpu.vector_load %arg14[%swap3A_199] {strides = array<i32>} : memref<40064xf32, #tpu.memory_space<vmem>>, vector<16xf32>,
            tpu.vector_store %arg14[%swap3A_199], %add3A_198 {add = true, strides = array<i32>} : memref<40064xf32, #tpu.memory_space<vmem>>, vector<16xf32>,
            %mul3A_201 = arith.mulf %add3A_198, %add3A_198 : vector<16xf32>
            %swap3A_202 = arith.index_cast %add3A_191 : i32 to index
            %swap3A_203 = tpu.vector_load %arg15[%swap3A_202] {strides = array<i32>} : memref<40064xf32, #tpu.memory_space<vmem>>, vector<16xf32>,
            tpu.vector_store %arg15[%swap3A_202], %mul3A_201 {add = true, strides = array<i32>} : memref<40064xf32, #tpu.memory_space<vmem>>, vector<16xf32>,
            %get3A_204 = arith.index_cast %add3A_191 : i32 to index
            %get3A_205 = tpu.vector_load %arg16[%get3A_204] {strides = array<i32>} : memref<40064xf32, #tpu.memory_space<vmem>>, vector<16xf32>,
            %max3A_206 = arith.maximumf %get3A_205, %add3A_198 : vector<16xf32>
            %swap3A_207 = arith.index_cast %add3A_191 : i32 to index
            %swap3A_208 = tpu.vector_load %arg16[%swap3A_207] {strides = array<i32>} : memref<40064xf32, #tpu.memory_space<vmem>>, vector<16xf32>,
            tpu.vector_store %arg16[%swap3A_207], %max3A_206 {strides = array<i32>} : memref<40064xf32, #tpu.memory_space<vmem>>, vector<16xf32>,
            %add3A_209 = arith.constant 32 : i32
            %add3A_210 = arith.addi %squeeze3A, %add3A_209 : i32
            %get3A_211 = arith.index_cast %while3A_169 : i32 to index
            %get3A_212 = arith.constant 32 : index
            %get3A_213 = tpu.vector_load %arg12[%get3A_211, %get3A_212] {strides = array<i32>} : memref<32x128xf32, #tpu.memory_space<vmem>>, vector<16xf32>,
            %get3A_214 = arith.index_cast %while3A_169 : i32 to index
            %get3A_215 = arith.constant 32 : index
            %get3A_216 = tpu.vector_load %arg13[%get3A_214, %get3A_215] {strides = array<i32>} : memref<32x128xf32, #tpu.memory_space<vmem>>, vector<16xf32>,
            %add3A_217 = arith.addf %get3A_213, %get3A_216 : vector<16xf32>
            %swap3A_218 = arith.index_cast %add3A_210 : i32 to index
            %swap3A_219 = tpu.vector_load %arg14[%swap3A_218] {strides = array<i32>} : memref<40064xf32, #tpu.memory_space<vmem>>, vector<16xf32>,
            tpu.vector_store %arg14[%swap3A_218], %add3A_217 {add = true, strides = array<i32>} : memref<40064xf32, #tpu.memory_space<vmem>>, vector<16xf32>,
            %mul3A_220 = arith.mulf %add3A_217, %add3A_217 : vector<16xf32>
            %swap3A_221 = arith.index_cast %add3A_210 : i32 to index
            %swap3A_222 = tpu.vector_load %arg15[%swap3A_221] {strides = array<i32>} : memref<40064xf32, #tpu.memory_space<vmem>>, vector<16xf32>,
            tpu.vector_store %arg15[%swap3A_221], %mul3A_220 {add = true, strides = array<i32>} : memref<40064xf32, #tpu.memory_space<vmem>>, vector<16xf32>,
            %get3A_223 = arith.index_cast %add3A_210 : i32 to index
            %get3A_224 = tpu.vector_load %arg16[%get3A_223] {strides = array<i32>} : memref<40064xf32, #tpu.memory_space<vmem>>, vector<16xf32>,
            %max3A_225 = arith.maximumf %get3A_224, %add3A_217 : vector<16xf32>
            %swap3A_226 = arith.index_cast %add3A_210 : i32 to index
            %swap3A_227 = tpu.vector_load %arg16[%swap3A_226] {strides = array<i32>} : memref<40064xf32, #tpu.memory_space<vmem>>, vector<16xf32>,
            tpu.vector_store %arg16[%swap3A_226], %max3A_225 {strides = array<i32>} : memref<40064xf32, #tpu.memory_space<vmem>>, vector<16xf32>,
            %add3A_228 = arith.constant 48 : i32
            %add3A_229 = arith.addi %squeeze3A, %add3A_228 : i32
            %get3A_230 = arith.index_cast %while3A_169 : i32 to index
            %get3A_231 = arith.constant 48 : index
            %get3A_232 = tpu.vector_load %arg12[%get3A_230, %get3A_231] {strides = array<i32>} : memref<32x128xf32, #tpu.memory_space<vmem>>, vector<16xf32>,
            %get3A_233 = arith.index_cast %while3A_169 : i32 to index
            %get3A_234 = arith.constant 48 : index
            %get3A_235 = tpu.vector_load %arg13[%get3A_233, %get3A_234] {strides = array<i32>} : memref<32x128xf32, #tpu.memory_space<vmem>>, vector<16xf32>,
            %add3A_236 = arith.addf %get3A_232, %get3A_235 : vector<16xf32>
            %swap3A_237 = arith.index_cast %add3A_229 : i32 to index
            %swap3A_238 = tpu.vector_load %arg14[%swap3A_237] {strides = array<i32>} : memref<40064xf32, #tpu.memory_space<vmem>>, vector<16xf32>,
            tpu.vector_store %arg14[%swap3A_237], %add3A_236 {add = true, strides = array<i32>} : memref<40064xf32, #tpu.memory_space<vmem>>, vector<16xf32>,
            %mul3A_239 = arith.mulf %add3A_236, %add3A_236 : vector<16xf32>
            %swap3A_240 = arith.index_cast %add3A_229 : i32 to index
            %swap3A_241 = tpu.vector_load %arg15[%swap3A_240] {strides = array<i32>} : memref<40064xf32, #tpu.memory_space<vmem>>, vector<16xf32>,
            tpu.vector_store %arg15[%swap3A_240], %mul3A_239 {add = true, strides = array<i32>} : memref<40064xf32, #tpu.memory_space<vmem>>, vector<16xf32>,
            %get3A_242 = arith.index_cast %add3A_229 : i32 to index
            %get3A_243 = tpu.vector_load %arg16[%get3A_242] {strides = array<i32>} : memref<40064xf32, #tpu.memory_space<vmem>>, vector<16xf32>,
            %max3A_244 = arith.maximumf %get3A_243, %add3A_236 : vector<16xf32>
            %swap3A_245 = arith.index_cast %add3A_229 : i32 to index
            %swap3A_246 = tpu.vector_load %arg16[%swap3A_245] {strides = array<i32>} : memref<40064xf32, #tpu.memory_space<vmem>>, vector<16xf32>,
            tpu.vector_store %arg16[%swap3A_245], %max3A_244 {strides = array<i32>} : memref<40064xf32, #tpu.memory_space<vmem>>, vector<16xf32>,
            %add3A_247 = arith.constant 64 : i32
            %add3A_248 = arith.addi %squeeze3A, %add3A_247 : i32
            %get3A_249 = arith.index_cast %while3A_169 : i32 to index
            %get3A_250 = arith.constant 64 : index
            %get3A_251 = tpu.vector_load %arg12[%get3A_249, %get3A_250] {strides = array<i32>} : memref<32x128xf32, #tpu.memory_space<vmem>>, vector<16xf32>,
            %get3A_252 = arith.index_cast %while3A_169 : i32 to index
            %get3A_253 = arith.constant 64 : index
            %get3A_254 = tpu.vector_load %arg13[%get3A_252, %get3A_253] {strides = array<i32>} : memref<32x128xf32, #tpu.memory_space<vmem>>, vector<16xf32>,
            %add3A_255 = arith.addf %get3A_251, %get3A_254 : vector<16xf32>
            %swap3A_256 = arith.index_cast %add3A_248 : i32 to index
            %swap3A_257 = tpu.vector_load %arg14[%swap3A_256] {strides = array<i32>} : memref<40064xf32, #tpu.memory_space<vmem>>, vector<16xf32>,
            tpu.vector_store %arg14[%swap3A_256], %add3A_255 {add = true, strides = array<i32>} : memref<40064xf32, #tpu.memory_space<vmem>>, vector<16xf32>,
            %mul3A_258 = arith.mulf %add3A_255, %add3A_255 : vector<16xf32>
            %swap3A_259 = arith.index_cast %add3A_248 : i32 to index
            %swap3A_260 = tpu.vector_load %arg15[%swap3A_259] {strides = array<i32>} : memref<40064xf32, #tpu.memory_space<vmem>>, vector<16xf32>,
            tpu.vector_store %arg15[%swap3A_259], %mul3A_258 {add = true, strides = array<i32>} : memref<40064xf32, #tpu.memory_space<vmem>>, vector<16xf32>,
            %get3A_261 = arith.index_cast %add3A_248 : i32 to index
            %get3A_262 = tpu.vector_load %arg16[%get3A_261] {strides = array<i32>} : memref<40064xf32, #tpu.memory_space<vmem>>, vector<16xf32>,
            %max3A_263 = arith.maximumf %get3A_262, %add3A_255 : vector<16xf32>
            %swap3A_264 = arith.index_cast %add3A_248 : i32 to index
            %swap3A_265 = tpu.vector_load %arg16[%swap3A_264] {strides = array<i32>} : memref<40064xf32, #tpu.memory_space<vmem>>, vector<16xf32>,
            tpu.vector_store %arg16[%swap3A_264], %max3A_263 {strides = array<i32>} : memref<40064xf32, #tpu.memory_space<vmem>>, vector<16xf32>,
            %add3A_266 = arith.constant 80 : i32
            %add3A_267 = arith.addi %squeeze3A, %add3A_266 : i32
            %get3A_268 = arith.index_cast %while3A_169 : i32 to index
            %get3A_269 = arith.constant 80 : index
            %get3A_270 = tpu.vector_load %arg12[%get3A_268, %get3A_269] {strides = array<i32>} : memref<32x128xf32, #tpu.memory_space<vmem>>, vector<16xf32>,
            %get3A_271 = arith.index_cast %while3A_169 : i32 to index
            %get3A_272 = arith.constant 80 : index
            %get3A_273 = tpu.vector_load %arg13[%get3A_271, %get3A_272] {strides = array<i32>} : memref<32x128xf32, #tpu.memory_space<vmem>>, vector<16xf32>,
            %add3A_274 = arith.addf %get3A_270, %get3A_273 : vector<16xf32>
            %swap3A_275 = arith.index_cast %add3A_267 : i32 to index
            %swap3A_276 = tpu.vector_load %arg14[%swap3A_275] {strides = array<i32>} : memref<40064xf32, #tpu.memory_space<vmem>>, vector<16xf32>,
            tpu.vector_store %arg14[%swap3A_275], %add3A_274 {add = true, strides = array<i32>} : memref<40064xf32, #tpu.memory_space<vmem>>, vector<16xf32>,
            %mul3A_277 = arith.mulf %add3A_274, %add3A_274 : vector<16xf32>
            %swap3A_278 = arith.index_cast %add3A_267 : i32 to index
            %swap3A_279 = tpu.vector_load %arg15[%swap3A_278] {strides = array<i32>} : memref<40064xf32, #tpu.memory_space<vmem>>, vector<16xf32>,
            tpu.vector_store %arg15[%swap3A_278], %mul3A_277 {add = true, strides = array<i32>} : memref<40064xf32, #tpu.memory_space<vmem>>, vector<16xf32>,
            %get3A_280 = arith.index_cast %add3A_267 : i32 to index
            %get3A_281 = tpu.vector_load %arg16[%get3A_280] {strides = array<i32>} : memref<40064xf32, #tpu.memory_space<vmem>>, vector<16xf32>,
            %max3A_282 = arith.maximumf %get3A_281, %add3A_274 : vector<16xf32>
            %swap3A_283 = arith.index_cast %add3A_267 : i32 to index
            %swap3A_284 = tpu.vector_load %arg16[%swap3A_283] {strides = array<i32>} : memref<40064xf32, #tpu.memory_space<vmem>>, vector<16xf32>,
            tpu.vector_store %arg16[%swap3A_283], %max3A_282 {strides = array<i32>} : memref<40064xf32, #tpu.memory_space<vmem>>, vector<16xf32>,
            %add3A_285 = arith.constant 96 : i32
            %add3A_286 = arith.addi %squeeze3A, %add3A_285 : i32
            %get3A_287 = arith.index_cast %while3A_169 : i32 to index
            %get3A_288 = arith.constant 96 : index
            %get3A_289 = tpu.vector_load %arg12[%get3A_287, %get3A_288] {strides = array<i32>} : memref<32x128xf32, #tpu.memory_space<vmem>>, vector<16xf32>,
            %get3A_290 = arith.index_cast %while3A_169 : i32 to index
            %get3A_291 = arith.constant 96 : index
            %get3A_292 = tpu.vector_load %arg13[%get3A_290, %get3A_291] {strides = array<i32>} : memref<32x128xf32, #tpu.memory_space<vmem>>, vector<16xf32>,
            %add3A_293 = arith.addf %get3A_289, %get3A_292 : vector<16xf32>
            %swap3A_294 = arith.index_cast %add3A_286 : i32 to index
            %swap3A_295 = tpu.vector_load %arg14[%swap3A_294] {strides = array<i32>} : memref<40064xf32, #tpu.memory_space<vmem>>, vector<16xf32>,
            tpu.vector_store %arg14[%swap3A_294], %add3A_293 {add = true, strides = array<i32>} : memref<40064xf32, #tpu.memory_space<vmem>>, vector<16xf32>,
            %mul3A_296 = arith.mulf %add3A_293, %add3A_293 : vector<16xf32>
            %swap3A_297 = arith.index_cast %add3A_286 : i32 to index
            %swap3A_298 = tpu.vector_load %arg15[%swap3A_297] {strides = array<i32>} : memref<40064xf32, #tpu.memory_space<vmem>>, vector<16xf32>,
            tpu.vector_store %arg15[%swap3A_297], %mul3A_296 {add = true, strides = array<i32>} : memref<40064xf32, #tpu.memory_space<vmem>>, vector<16xf32>,
            %get3A_299 = arith.index_cast %add3A_286 : i32 to index
            %get3A_300 = tpu.vector_load %arg16[%get3A_299] {strides = array<i32>} : memref<40064xf32, #tpu.memory_space<vmem>>, vector<16xf32>,
            %max3A_301 = arith.maximumf %get3A_300, %add3A_293 : vector<16xf32>
            %swap3A_302 = arith.index_cast %add3A_286 : i32 to index
            %swap3A_303 = tpu.vector_load %arg16[%swap3A_302] {strides = array<i32>} : memref<40064xf32, #tpu.memory_space<vmem>>, vector<16xf32>,
            tpu.vector_store %arg16[%swap3A_302], %max3A_301 {strides = array<i32>} : memref<40064xf32, #tpu.memory_space<vmem>>, vector<16xf32>,
            %add3A_304 = arith.constant 112 : i32
            %add3A_305 = arith.addi %squeeze3A, %add3A_304 : i32
            %get3A_306 = arith.index_cast %while3A_169 : i32 to index
            %get3A_307 = arith.constant 112 : index
            %get3A_308 = tpu.vector_load %arg12[%get3A_306, %get3A_307] {strides = array<i32>} : memref<32x128xf32, #tpu.memory_space<vmem>>, vector<16xf32>,
            %get3A_309 = arith.index_cast %while3A_169 : i32 to index
            %get3A_310 = arith.constant 112 : index
            %get3A_311 = tpu.vector_load %arg13[%get3A_309, %get3A_310] {strides = array<i32>} : memref<32x128xf32, #tpu.memory_space<vmem>>, vector<16xf32>,
            %add3A_312 = arith.addf %get3A_308, %get3A_311 : vector<16xf32>
            %swap3A_313 = arith.index_cast %add3A_305 : i32 to index
            %swap3A_314 = tpu.vector_load %arg14[%swap3A_313] {strides = array<i32>} : memref<40064xf32, #tpu.memory_space<vmem>>, vector<16xf32>,
            tpu.vector_store %arg14[%swap3A_313], %add3A_312 {add = true, strides = array<i32>} : memref<40064xf32, #tpu.memory_space<vmem>>, vector<16xf32>,
            %mul3A_315 = arith.mulf %add3A_312, %add3A_312 : vector<16xf32>
            %swap3A_316 = arith.index_cast %add3A_305 : i32 to index
            %swap3A_317 = tpu.vector_load %arg15[%swap3A_316] {strides = array<i32>} : memref<40064xf32, #tpu.memory_space<vmem>>, vector<16xf32>,
            tpu.vector_store %arg15[%swap3A_316], %mul3A_315 {add = true, strides = array<i32>} : memref<40064xf32, #tpu.memory_space<vmem>>, vector<16xf32>,
            %get3A_318 = arith.index_cast %add3A_305 : i32 to index
            %get3A_319 = tpu.vector_load %arg16[%get3A_318] {strides = array<i32>} : memref<40064xf32, #tpu.memory_space<vmem>>, vector<16xf32>,
            %max3A_320 = arith.maximumf %get3A_319, %add3A_312 : vector<16xf32>
            %swap3A_321 = arith.index_cast %add3A_305 : i32 to index
            %swap3A_322 = tpu.vector_load %arg16[%swap3A_321] {strides = array<i32>} : memref<40064xf32, #tpu.memory_space<vmem>>, vector<16xf32>,
            tpu.vector_store %arg16[%swap3A_321], %max3A_320 {strides = array<i32>} : memref<40064xf32, #tpu.memory_space<vmem>>, vector<16xf32>,
            %shift_right_logical3A_323 = arith.constant 7 : i32
            %shift_right_logical3A_324 = arith.shrui %squeeze3A, %shift_right_logical3A_323 : i32
            %and3A_325 = arith.constant 15 : i32
            %and3A_326 = arith.andi %shift_right_logical3A_324, %and3A_325 : i32
            %sub3A = arith.subi %shift_right_logical3A_324, %and3A_326 : i32
            %eq3A = vector.broadcast %and3A_326 : i32 to vector<16xi32>
            %eq3A_327 = arith.cmpi eq, %iota3A, %eq3A : vector<16xi32>
            %jit3A = arith.constant 1.000000e+00 : f32
            %jit3A_328 = arith.constant 0.000000e+00 : f32
            %broadcast_in_dim3A_329 = vector.broadcast %jit3A : f32 to vector<16xf32>
            %broadcast_in_dim3A_330 = vector.broadcast %jit3A_328 : f32 to vector<16xf32>
            %select_n3A = arith.select %eq3A_327, %broadcast_in_dim3A_329, %broadcast_in_dim3A_330 : vector<16xi1>, vector<16xf32>
            %swap3A_331 = arith.index_cast %sub3A : i32 to index
            %swap3A_332 = tpu.vector_load %arg17[%swap3A_331] {strides = array<i32>} : memref<320xf32, #tpu.memory_space<vmem>>, vector<16xf32>,
            tpu.vector_store %arg17[%swap3A_331], %select_n3A {add = true, strides = array<i32>} : memref<320xf32, #tpu.memory_space<vmem>>, vector<16xf32>,
            %while3A_333 = arith.constant 0 : i32
            scf.yield %while3A_333 : i32
          }
        } else {
        }
      } else {
      }
      %add3A_80 = arith.constant 15 : i32
      %add3A_81 = arith.addi %scan3A_73, %add3A_80 : i32
      %shift_right_logical3A = arith.constant 4 : i32
      %shift_right_logical3A_82 = arith.shrui %add3A_81, %shift_right_logical3A : i32
      %max3A = arith.constant 2 : i32
      %max3A_83 = arith.maxsi %shift_right_logical3A_82, %max3A : i32
      %while3A = arith.constant 2 : i32
      %while3A_84 = arith.constant 0 : i32
      %while3A_85 = arith.subi %max3A_83, %while3A : i32
      %while3A_86 = arith.addi %while3A, %while3A_85 : i32
      %while3A_87 = arith.constant 1 : i32
      %while3A_88 = arith.divsi %while3A_85, %while3A_87 : i32
      %while3A_89 = arith.muli %while3A_88, %while3A_87 : i32
      %while3A_90 = arith.addi %while3A, %while3A_89 : i32
      %while3A_91 = arith.constant 1 : i32
      %while3A_92 = scf.for %while3A_106 = %while3A to %while3A_90 step %while3A_91 iter_args(%while3A_107 = %while3A_84) -> (i32)  : i32 {
        %mul3A_108 = arith.constant 16 : i32
        %mul3A_109 = arith.muli %while3A_106, %mul3A_108 : i32
        %get3A = arith.index_cast %mul3A_109 : i32 to index
        %get3A_110 = tpu.vector_load %arg10[%get3A] {strides = array<i32>} : memref<528xi32, #tpu.memory_space<vmem>>, vector<16xi32>,
        %sub3A = vector.broadcast %mul3A_55 : i32 to vector<16xi32>
        %sub3A_111 = arith.subi %get3A_110, %sub3A : vector<16xi32>
        %and3A_112 = arith.constant 511 : i32
        %and3A_113 = vector.broadcast %and3A_112 : i32 to vector<16xi32>
        %and3A_114 = arith.andi %sub3A_111, %and3A_113 : vector<16xi32>
        %add3A_115 = vector.broadcast %mul3A_58 : i32 to vector<16xi32>
        %add3A_116 = arith.addi %add3A_115, %and3A_114 : vector<16xi32>
        %gather3A = tpu.vector_load_idx %arg9[%add3A_116] : memref<1024xi32, #tpu.memory_space<vmem>>[vector<16xi32>], vector<16xi32>,
        %shift_right_logical3A_117 = arith.constant 14 : i32
        %shift_right_logical3A_118 = vector.broadcast %shift_right_logical3A_117 : i32 to vector<16xi32>
        %shift_right_logical3A_119 = arith.shrui %gather3A, %shift_right_logical3A_118 : vector<16xi32>
        %and3A_120 = arith.constant 16383 : i32
        %and3A_121 = vector.broadcast %and3A_120 : i32 to vector<16xi32>
        %and3A_122 = arith.andi %gather3A, %and3A_121 : vector<16xi32>
        %sub3A_123 = vector.broadcast %mul3A_2 : i32 to vector<16xi32>
        %sub3A_124 = arith.subi %and3A_122, %sub3A_123 : vector<16xi32>
        %mul3A_125 = arith.constant 128 : i32
        %mul3A_126 = vector.broadcast %mul3A_125 : i32 to vector<16xi32>
        %mul3A_127 = arith.muli %sub3A_124, %mul3A_126 : vector<16xi32>
        %swap3A = arith.constant 0 : index
        %swap3A_128 = tpu.vector_load %arg11[%swap3A] {strides = array<i32>} : memref<48xi32, #tpu.memory_space<vmem>>, vector<16xi32>,
        tpu.vector_store %arg11[%swap3A], %mul3A_127 {strides = array<i32>} : memref<48xi32, #tpu.memory_space<vmem>>, vector<16xi32>,
        %mul3A_129 = arith.constant 16 : i32
        %mul3A_130 = arith.muli %while3A_106, %mul3A_129 : i32
        %dma_start3A_131 = arith.constant 0 : i32
        %dma_start3A_132 = arith.constant 0 : i32
        %dma_start3A_133 = tpu.memref_slice %arg12[%dma_start3A_131, %dma_start3A_132] : memref<32x128xf32, #tpu.memory_space<vmem>> -> memref<16x128xf32, #tpu.memory_space<vmem>>
        %dma_start3A_134 = tpu.memref_slice %arg10[%mul3A_130] : memref<528xi32, #tpu.memory_space<vmem>> -> memref<16xi32, #tpu.memory_space<vmem>>
        %dma_start3A_135 = arith.constant 0 : i32
        %dma_start3A_136 = arith.constant 0 : i32
        %dma_start3A_137 = tpu.memref_slice %arg3[%dma_start3A_135, %dma_start3A_136] : memref<320000x128xf32, #tpu.memory_space<hbm>> -> memref<320000x128xf32, #tpu.memory_space<hbm>>
        tpu.enqueue_indirect_dma source(%dma_start3A_137 : memref<320000x128xf32, #tpu.memory_space<hbm>>) target(%dma_start3A_133 : memref<16x128xf32, #tpu.memory_space<vmem>>) offsets(%dma_start3A_134 : memref<16xi32, #tpu.memory_space<vmem>>) semaphore(%arg19 : memref<!tpu.dma_semaphore, #tpu.memory_space<semaphore_mem>>)
        %dma_start3A_138 = arith.constant 0 : i32
        %dma_start3A_139 = arith.constant 0 : i32
        %dma_start3A_140 = tpu.memref_slice %arg13[%dma_start3A_138, %dma_start3A_139] : memref<32x128xf32, #tpu.memory_space<vmem>> -> memref<16x128xf32, #tpu.memory_space<vmem>>
        %dma_start3A_141 = arith.constant 0 : i32
        %dma_start3A_142 = arith.constant 0 : i32
        %dma_start3A_143 = tpu.memref_slice %arg2[%dma_start3A_141, %dma_start3A_142] : memref<10000x128xf32, #tpu.memory_space<hbm>> -> memref<10000x128xf32, #tpu.memory_space<hbm>>
        tpu.enqueue_indirect_dma source(%dma_start3A_143 : memref<10000x128xf32, #tpu.memory_space<hbm>>) target(%dma_start3A_140 : memref<16x128xf32, #tpu.memory_space<vmem>>) offsets(%shift_right_logical3A_119 : vector<16xi32>) semaphore(%arg20 : memref<!tpu.dma_semaphore, #tpu.memory_space<semaphore_mem>>)
        %dma_wait3A_144 = arith.constant 0 : i32
        %dma_wait3A_145 = arith.constant 0 : i32
        %dma_wait3A_146 = tpu.memref_slice %arg12[%dma_wait3A_144, %dma_wait3A_145] : memref<32x128xf32, #tpu.memory_space<vmem>> -> memref<16x128xf32, #tpu.memory_space<vmem>>
        %dma_wait3A_147 = tpu.memref_slice %arg10[%mul3A_130] : memref<528xi32, #tpu.memory_space<vmem>> -> memref<16xi32, #tpu.memory_space<vmem>>
        %dma_wait3A_148 = arith.constant 0 : i32
        %dma_wait3A_149 = arith.constant 0 : i32
        %dma_wait3A_150 = tpu.memref_slice %arg3[%dma_wait3A_148, %dma_wait3A_149] : memref<320000x128xf32, #tpu.memory_space<hbm>> -> memref<320000x128xf32, #tpu.memory_space<hbm>>
        tpu.wait_indirect_dma semaphore(%arg19 : memref<!tpu.dma_semaphore, #tpu.memory_space<semaphore_mem>>) src(%dma_wait3A_150 : memref<320000x128xf32, #tpu.memory_space<hbm>>) dst(%dma_wait3A_146 : memref<16x128xf32, #tpu.memory_space<vmem>>)
        %dma_wait3A_151 = arith.constant 0 : i32
        %dma_wait3A_152 = arith.constant 0 : i32
        %dma_wait3A_153 = tpu.memref_slice %arg13[%dma_wait3A_151, %dma_wait3A_152] : memref<32x128xf32, #tpu.memory_space<vmem>> -> memref<16x128xf32, #tpu.memory_space<vmem>>
        %dma_wait3A_154 = arith.constant 0 : i32
        %dma_wait3A_155 = arith.constant 0 : i32
        %dma_wait3A_156 = tpu.memref_slice %arg2[%dma_wait3A_154, %dma_wait3A_155] : memref<10000x128xf32, #tpu.memory_space<hbm>> -> memref<10000x128xf32, #tpu.memory_space<hbm>>
        tpu.wait_indirect_dma semaphore(%arg20 : memref<!tpu.dma_semaphore, #tpu.memory_space<semaphore_mem>>) src(%dma_wait3A_156 : memref<10000x128xf32, #tpu.memory_space<hbm>>) dst(%dma_wait3A_153 : memref<16x128xf32, #tpu.memory_space<vmem>>)
        %mul3A_157 = arith.constant 16 : i32
        %mul3A_158 = arith.muli %while3A_106, %mul3A_157 : i32
        %sub3A_159 = arith.subi %scan3A_73, %mul3A_158 : i32
        %min3A_160 = arith.constant 16 : i32
        %min3A_161 = arith.minsi %sub3A_159, %min3A_160 : i32
        %while3A_162 = arith.constant 0 : i32
        %while3A_163 = arith.constant 0 : i32
        %while3A_164 = arith.subi %min3A_161, %while3A_162 : i32
        %while3A_165 = arith.addi %while3A_162, %while3A_164 : i32
        %while3A_166 = arith.constant 1 : i32
        %while3A_167 = arith.divsi %while3A_164, %while3A_166 : i32
        %while3A_168 = arith.muli %while3A_167, %while3A_166 : i32
        %while3A_169 = arith.addi %while3A_162, %while3A_168 : i32
        %while3A_170 = arith.constant 1 : i32
        %while3A_171 = scf.for %while3A_175 = %while3A_162 to %while3A_169 step %while3A_170 iter_args(%while3A_176 = %while3A_163) -> (i32)  : i32 {
          %get3A_177 = arith.index_cast %while3A_175 : i32 to index
          %get3A_178 = tpu.vector_load %arg11[%get3A_177] {strides = array<i32>} : memref<48xi32, #tpu.memory_space<vmem>>, vector<16xi32>,
          %slice3A = vector.extract_strided_slice %get3A_178 {offsets = [0], sizes = [1], strides = [1]} : vector<16xi32> to vector<1xi32>
          %squeeze3A = vector.extract %slice3A[0] : i32 from vector<1xi32>
          %add3A_179 = arith.constant 0 : i32
          %add3A_180 = arith.addi %squeeze3A, %add3A_179 : i32
          %get3A_181 = arith.index_cast %while3A_175 : i32 to index
          %get3A_182 = arith.constant 0 : index
          %get3A_183 = tpu.vector_load %arg12[%get3A_181, %get3A_182] {strides = array<i32>} : memref<32x128xf32, #tpu.memory_space<vmem>>, vector<16xf32>,
          %get3A_184 = arith.index_cast %while3A_175 : i32 to index
          %get3A_185 = arith.constant 0 : index
          %get3A_186 = tpu.vector_load %arg13[%get3A_184, %get3A_185] {strides = array<i32>} : memref<32x128xf32, #tpu.memory_space<vmem>>, vector<16xf32>,
          %add3A_187 = arith.addf %get3A_183, %get3A_186 : vector<16xf32>
          %swap3A_188 = arith.index_cast %add3A_180 : i32 to index
          %swap3A_189 = tpu.vector_load %arg14[%swap3A_188] {strides = array<i32>} : memref<40064xf32, #tpu.memory_space<vmem>>, vector<16xf32>,
          tpu.vector_store %arg14[%swap3A_188], %add3A_187 {add = true, strides = array<i32>} : memref<40064xf32, #tpu.memory_space<vmem>>, vector<16xf32>,
          %mul3A_190 = arith.mulf %add3A_187, %add3A_187 : vector<16xf32>
          %swap3A_191 = arith.index_cast %add3A_180 : i32 to index
          %swap3A_192 = tpu.vector_load %arg15[%swap3A_191] {strides = array<i32>} : memref<40064xf32, #tpu.memory_space<vmem>>, vector<16xf32>,
          tpu.vector_store %arg15[%swap3A_191], %mul3A_190 {add = true, strides = array<i32>} : memref<40064xf32, #tpu.memory_space<vmem>>, vector<16xf32>,
          %get3A_193 = arith.index_cast %add3A_180 : i32 to index
          %get3A_194 = tpu.vector_load %arg16[%get3A_193] {strides = array<i32>} : memref<40064xf32, #tpu.memory_space<vmem>>, vector<16xf32>,
          %max3A_195 = arith.maximumf %get3A_194, %add3A_187 : vector<16xf32>
          %swap3A_196 = arith.index_cast %add3A_180 : i32 to index
          %swap3A_197 = tpu.vector_load %arg16[%swap3A_196] {strides = array<i32>} : memref<40064xf32, #tpu.memory_space<vmem>>, vector<16xf32>,
          tpu.vector_store %arg16[%swap3A_196], %max3A_195 {strides = array<i32>} : memref<40064xf32, #tpu.memory_space<vmem>>, vector<16xf32>,
          %add3A_198 = arith.constant 16 : i32
          %add3A_199 = arith.addi %squeeze3A, %add3A_198 : i32
          %get3A_200 = arith.index_cast %while3A_175 : i32 to index
          %get3A_201 = arith.constant 16 : index
          %get3A_202 = tpu.vector_load %arg12[%get3A_200, %get3A_201] {strides = array<i32>} : memref<32x128xf32, #tpu.memory_space<vmem>>, vector<16xf32>,
          %get3A_203 = arith.index_cast %while3A_175 : i32 to index
          %get3A_204 = arith.constant 16 : index
          %get3A_205 = tpu.vector_load %arg13[%get3A_203, %get3A_204] {strides = array<i32>} : memref<32x128xf32, #tpu.memory_space<vmem>>, vector<16xf32>,
          %add3A_206 = arith.addf %get3A_202, %get3A_205 : vector<16xf32>
          %swap3A_207 = arith.index_cast %add3A_199 : i32 to index
          %swap3A_208 = tpu.vector_load %arg14[%swap3A_207] {strides = array<i32>} : memref<40064xf32, #tpu.memory_space<vmem>>, vector<16xf32>,
          tpu.vector_store %arg14[%swap3A_207], %add3A_206 {add = true, strides = array<i32>} : memref<40064xf32, #tpu.memory_space<vmem>>, vector<16xf32>,
          %mul3A_209 = arith.mulf %add3A_206, %add3A_206 : vector<16xf32>
          %swap3A_210 = arith.index_cast %add3A_199 : i32 to index
          %swap3A_211 = tpu.vector_load %arg15[%swap3A_210] {strides = array<i32>} : memref<40064xf32, #tpu.memory_space<vmem>>, vector<16xf32>,
          tpu.vector_store %arg15[%swap3A_210], %mul3A_209 {add = true, strides = array<i32>} : memref<40064xf32, #tpu.memory_space<vmem>>, vector<16xf32>,
          %get3A_212 = arith.index_cast %add3A_199 : i32 to index
          %get3A_213 = tpu.vector_load %arg16[%get3A_212] {strides = array<i32>} : memref<40064xf32, #tpu.memory_space<vmem>>, vector<16xf32>,
          %max3A_214 = arith.maximumf %get3A_213, %add3A_206 : vector<16xf32>
          %swap3A_215 = arith.index_cast %add3A_199 : i32 to index
          %swap3A_216 = tpu.vector_load %arg16[%swap3A_215] {strides = array<i32>} : memref<40064xf32, #tpu.memory_space<vmem>>, vector<16xf32>,
          tpu.vector_store %arg16[%swap3A_215], %max3A_214 {strides = array<i32>} : memref<40064xf32, #tpu.memory_space<vmem>>, vector<16xf32>,
          %add3A_217 = arith.constant 32 : i32
          %add3A_218 = arith.addi %squeeze3A, %add3A_217 : i32
          %get3A_219 = arith.index_cast %while3A_175 : i32 to index
          %get3A_220 = arith.constant 32 : index
          %get3A_221 = tpu.vector_load %arg12[%get3A_219, %get3A_220] {strides = array<i32>} : memref<32x128xf32, #tpu.memory_space<vmem>>, vector<16xf32>,
          %get3A_222 = arith.index_cast %while3A_175 : i32 to index
          %get3A_223 = arith.constant 32 : index
          %get3A_224 = tpu.vector_load %arg13[%get3A_222, %get3A_223] {strides = array<i32>} : memref<32x128xf32, #tpu.memory_space<vmem>>, vector<16xf32>,
          %add3A_225 = arith.addf %get3A_221, %get3A_224 : vector<16xf32>
          %swap3A_226 = arith.index_cast %add3A_218 : i32 to index
          %swap3A_227 = tpu.vector_load %arg14[%swap3A_226] {strides = array<i32>} : memref<40064xf32, #tpu.memory_space<vmem>>, vector<16xf32>,
          tpu.vector_store %arg14[%swap3A_226], %add3A_225 {add = true, strides = array<i32>} : memref<40064xf32, #tpu.memory_space<vmem>>, vector<16xf32>,
          %mul3A_228 = arith.mulf %add3A_225, %add3A_225 : vector<16xf32>
          %swap3A_229 = arith.index_cast %add3A_218 : i32 to index
          %swap3A_230 = tpu.vector_load %arg15[%swap3A_229] {strides = array<i32>} : memref<40064xf32, #tpu.memory_space<vmem>>, vector<16xf32>,
          tpu.vector_store %arg15[%swap3A_229], %mul3A_228 {add = true, strides = array<i32>} : memref<40064xf32, #tpu.memory_space<vmem>>, vector<16xf32>,
          %get3A_231 = arith.index_cast %add3A_218 : i32 to index
          %get3A_232 = tpu.vector_load %arg16[%get3A_231] {strides = array<i32>} : memref<40064xf32, #tpu.memory_space<vmem>>, vector<16xf32>,
          %max3A_233 = arith.maximumf %get3A_232, %add3A_225 : vector<16xf32>
          %swap3A_234 = arith.index_cast %add3A_218 : i32 to index
          %swap3A_235 = tpu.vector_load %arg16[%swap3A_234] {strides = array<i32>} : memref<40064xf32, #tpu.memory_space<vmem>>, vector<16xf32>,
          tpu.vector_store %arg16[%swap3A_234], %max3A_233 {strides = array<i32>} : memref<40064xf32, #tpu.memory_space<vmem>>, vector<16xf32>,
          %add3A_236 = arith.constant 48 : i32
          %add3A_237 = arith.addi %squeeze3A, %add3A_236 : i32
          %get3A_238 = arith.index_cast %while3A_175 : i32 to index
          %get3A_239 = arith.constant 48 : index
          %get3A_240 = tpu.vector_load %arg12[%get3A_238, %get3A_239] {strides = array<i32>} : memref<32x128xf32, #tpu.memory_space<vmem>>, vector<16xf32>,
          %get3A_241 = arith.index_cast %while3A_175 : i32 to index
          %get3A_242 = arith.constant 48 : index
          %get3A_243 = tpu.vector_load %arg13[%get3A_241, %get3A_242] {strides = array<i32>} : memref<32x128xf32, #tpu.memory_space<vmem>>, vector<16xf32>,
          %add3A_244 = arith.addf %get3A_240, %get3A_243 : vector<16xf32>
          %swap3A_245 = arith.index_cast %add3A_237 : i32 to index
          %swap3A_246 = tpu.vector_load %arg14[%swap3A_245] {strides = array<i32>} : memref<40064xf32, #tpu.memory_space<vmem>>, vector<16xf32>,
          tpu.vector_store %arg14[%swap3A_245], %add3A_244 {add = true, strides = array<i32>} : memref<40064xf32, #tpu.memory_space<vmem>>, vector<16xf32>,
          %mul3A_247 = arith.mulf %add3A_244, %add3A_244 : vector<16xf32>
          %swap3A_248 = arith.index_cast %add3A_237 : i32 to index
          %swap3A_249 = tpu.vector_load %arg15[%swap3A_248] {strides = array<i32>} : memref<40064xf32, #tpu.memory_space<vmem>>, vector<16xf32>,
          tpu.vector_store %arg15[%swap3A_248], %mul3A_247 {add = true, strides = array<i32>} : memref<40064xf32, #tpu.memory_space<vmem>>, vector<16xf32>,
          %get3A_250 = arith.index_cast %add3A_237 : i32 to index
          %get3A_251 = tpu.vector_load %arg16[%get3A_250] {strides = array<i32>} : memref<40064xf32, #tpu.memory_space<vmem>>, vector<16xf32>,
          %max3A_252 = arith.maximumf %get3A_251, %add3A_244 : vector<16xf32>
          %swap3A_253 = arith.index_cast %add3A_237 : i32 to index
          %swap3A_254 = tpu.vector_load %arg16[%swap3A_253] {strides = array<i32>} : memref<40064xf32, #tpu.memory_space<vmem>>, vector<16xf32>,
          tpu.vector_store %arg16[%swap3A_253], %max3A_252 {strides = array<i32>} : memref<40064xf32, #tpu.memory_space<vmem>>, vector<16xf32>,
          %add3A_255 = arith.constant 64 : i32
          %add3A_256 = arith.addi %squeeze3A, %add3A_255 : i32
          %get3A_257 = arith.index_cast %while3A_175 : i32 to index
          %get3A_258 = arith.constant 64 : index
          %get3A_259 = tpu.vector_load %arg12[%get3A_257, %get3A_258] {strides = array<i32>} : memref<32x128xf32, #tpu.memory_space<vmem>>, vector<16xf32>,
          %get3A_260 = arith.index_cast %while3A_175 : i32 to index
          %get3A_261 = arith.constant 64 : index
          %get3A_262 = tpu.vector_load %arg13[%get3A_260, %get3A_261] {strides = array<i32>} : memref<32x128xf32, #tpu.memory_space<vmem>>, vector<16xf32>,
          %add3A_263 = arith.addf %get3A_259, %get3A_262 : vector<16xf32>
          %swap3A_264 = arith.index_cast %add3A_256 : i32 to index
          %swap3A_265 = tpu.vector_load %arg14[%swap3A_264] {strides = array<i32>} : memref<40064xf32, #tpu.memory_space<vmem>>, vector<16xf32>,
          tpu.vector_store %arg14[%swap3A_264], %add3A_263 {add = true, strides = array<i32>} : memref<40064xf32, #tpu.memory_space<vmem>>, vector<16xf32>,
          %mul3A_266 = arith.mulf %add3A_263, %add3A_263 : vector<16xf32>
          %swap3A_267 = arith.index_cast %add3A_256 : i32 to index
          %swap3A_268 = tpu.vector_load %arg15[%swap3A_267] {strides = array<i32>} : memref<40064xf32, #tpu.memory_space<vmem>>, vector<16xf32>,
          tpu.vector_store %arg15[%swap3A_267], %mul3A_266 {add = true, strides = array<i32>} : memref<40064xf32, #tpu.memory_space<vmem>>, vector<16xf32>,
          %get3A_269 = arith.index_cast %add3A_256 : i32 to index
          %get3A_270 = tpu.vector_load %arg16[%get3A_269] {strides = array<i32>} : memref<40064xf32, #tpu.memory_space<vmem>>, vector<16xf32>,
          %max3A_271 = arith.maximumf %get3A_270, %add3A_263 : vector<16xf32>
          %swap3A_272 = arith.index_cast %add3A_256 : i32 to index
          %swap3A_273 = tpu.vector_load %arg16[%swap3A_272] {strides = array<i32>} : memref<40064xf32, #tpu.memory_space<vmem>>, vector<16xf32>,
          tpu.vector_store %arg16[%swap3A_272], %max3A_271 {strides = array<i32>} : memref<40064xf32, #tpu.memory_space<vmem>>, vector<16xf32>,
          %add3A_274 = arith.constant 80 : i32
          %add3A_275 = arith.addi %squeeze3A, %add3A_274 : i32
          %get3A_276 = arith.index_cast %while3A_175 : i32 to index
          %get3A_277 = arith.constant 80 : index
          %get3A_278 = tpu.vector_load %arg12[%get3A_276, %get3A_277] {strides = array<i32>} : memref<32x128xf32, #tpu.memory_space<vmem>>, vector<16xf32>,
          %get3A_279 = arith.index_cast %while3A_175 : i32 to index
          %get3A_280 = arith.constant 80 : index
          %get3A_281 = tpu.vector_load %arg13[%get3A_279, %get3A_280] {strides = array<i32>} : memref<32x128xf32, #tpu.memory_space<vmem>>, vector<16xf32>,
          %add3A_282 = arith.addf %get3A_278, %get3A_281 : vector<16xf32>
          %swap3A_283 = arith.index_cast %add3A_275 : i32 to index
          %swap3A_284 = tpu.vector_load %arg14[%swap3A_283] {strides = array<i32>} : memref<40064xf32, #tpu.memory_space<vmem>>, vector<16xf32>,
          tpu.vector_store %arg14[%swap3A_283], %add3A_282 {add = true, strides = array<i32>} : memref<40064xf32, #tpu.memory_space<vmem>>, vector<16xf32>,
          %mul3A_285 = arith.mulf %add3A_282, %add3A_282 : vector<16xf32>
          %swap3A_286 = arith.index_cast %add3A_275 : i32 to index
          %swap3A_287 = tpu.vector_load %arg15[%swap3A_286] {strides = array<i32>} : memref<40064xf32, #tpu.memory_space<vmem>>, vector<16xf32>,
          tpu.vector_store %arg15[%swap3A_286], %mul3A_285 {add = true, strides = array<i32>} : memref<40064xf32, #tpu.memory_space<vmem>>, vector<16xf32>,
          %get3A_288 = arith.index_cast %add3A_275 : i32 to index
          %get3A_289 = tpu.vector_load %arg16[%get3A_288] {strides = array<i32>} : memref<40064xf32, #tpu.memory_space<vmem>>, vector<16xf32>,
          %max3A_290 = arith.maximumf %get3A_289, %add3A_282 : vector<16xf32>
          %swap3A_291 = arith.index_cast %add3A_275 : i32 to index
          %swap3A_292 = tpu.vector_load %arg16[%swap3A_291] {strides = array<i32>} : memref<40064xf32, #tpu.memory_space<vmem>>, vector<16xf32>,
          tpu.vector_store %arg16[%swap3A_291], %max3A_290 {strides = array<i32>} : memref<40064xf32, #tpu.memory_space<vmem>>, vector<16xf32>,
          %add3A_293 = arith.constant 96 : i32
          %add3A_294 = arith.addi %squeeze3A, %add3A_293 : i32
          %get3A_295 = arith.index_cast %while3A_175 : i32 to index
          %get3A_296 = arith.constant 96 : index
          %get3A_297 = tpu.vector_load %arg12[%get3A_295, %get3A_296] {strides = array<i32>} : memref<32x128xf32, #tpu.memory_space<vmem>>, vector<16xf32>,
          %get3A_298 = arith.index_cast %while3A_175 : i32 to index
          %get3A_299 = arith.constant 96 : index
          %get3A_300 = tpu.vector_load %arg13[%get3A_298, %get3A_299] {strides = array<i32>} : memref<32x128xf32, #tpu.memory_space<vmem>>, vector<16xf32>,
          %add3A_301 = arith.addf %get3A_297, %get3A_300 : vector<16xf32>
          %swap3A_302 = arith.index_cast %add3A_294 : i32 to index
          %swap3A_303 = tpu.vector_load %arg14[%swap3A_302] {strides = array<i32>} : memref<40064xf32, #tpu.memory_space<vmem>>, vector<16xf32>,
          tpu.vector_store %arg14[%swap3A_302], %add3A_301 {add = true, strides = array<i32>} : memref<40064xf32, #tpu.memory_space<vmem>>, vector<16xf32>,
          %mul3A_304 = arith.mulf %add3A_301, %add3A_301 : vector<16xf32>
          %swap3A_305 = arith.index_cast %add3A_294 : i32 to index
          %swap3A_306 = tpu.vector_load %arg15[%swap3A_305] {strides = array<i32>} : memref<40064xf32, #tpu.memory_space<vmem>>, vector<16xf32>,
          tpu.vector_store %arg15[%swap3A_305], %mul3A_304 {add = true, strides = array<i32>} : memref<40064xf32, #tpu.memory_space<vmem>>, vector<16xf32>,
          %get3A_307 = arith.index_cast %add3A_294 : i32 to index
          %get3A_308 = tpu.vector_load %arg16[%get3A_307] {strides = array<i32>} : memref<40064xf32, #tpu.memory_space<vmem>>, vector<16xf32>,
          %max3A_309 = arith.maximumf %get3A_308, %add3A_301 : vector<16xf32>
          %swap3A_310 = arith.index_cast %add3A_294 : i32 to index
          %swap3A_311 = tpu.vector_load %arg16[%swap3A_310] {strides = array<i32>} : memref<40064xf32, #tpu.memory_space<vmem>>, vector<16xf32>,
          tpu.vector_store %arg16[%swap3A_310], %max3A_309 {strides = array<i32>} : memref<40064xf32, #tpu.memory_space<vmem>>, vector<16xf32>,
          %add3A_312 = arith.constant 112 : i32
          %add3A_313 = arith.addi %squeeze3A, %add3A_312 : i32
          %get3A_314 = arith.index_cast %while3A_175 : i32 to index
          %get3A_315 = arith.constant 112 : index
          %get3A_316 = tpu.vector_load %arg12[%get3A_314, %get3A_315] {strides = array<i32>} : memref<32x128xf32, #tpu.memory_space<vmem>>, vector<16xf32>,
          %get3A_317 = arith.index_cast %while3A_175 : i32 to index
          %get3A_318 = arith.constant 112 : index
          %get3A_319 = tpu.vector_load %arg13[%get3A_317, %get3A_318] {strides = array<i32>} : memref<32x128xf32, #tpu.memory_space<vmem>>, vector<16xf32>,
          %add3A_320 = arith.addf %get3A_316, %get3A_319 : vector<16xf32>
          %swap3A_321 = arith.index_cast %add3A_313 : i32 to index
          %swap3A_322 = tpu.vector_load %arg14[%swap3A_321] {strides = array<i32>} : memref<40064xf32, #tpu.memory_space<vmem>>, vector<16xf32>,
          tpu.vector_store %arg14[%swap3A_321], %add3A_320 {add = true, strides = array<i32>} : memref<40064xf32, #tpu.memory_space<vmem>>, vector<16xf32>,
          %mul3A_323 = arith.mulf %add3A_320, %add3A_320 : vector<16xf32>
          %swap3A_324 = arith.index_cast %add3A_313 : i32 to index
          %swap3A_325 = tpu.vector_load %arg15[%swap3A_324] {strides = array<i32>} : memref<40064xf32, #tpu.memory_space<vmem>>, vector<16xf32>,
          tpu.vector_store %arg15[%swap3A_324], %mul3A_323 {add = true, strides = array<i32>} : memref<40064xf32, #tpu.memory_space<vmem>>, vector<16xf32>,
          %get3A_326 = arith.index_cast %add3A_313 : i32 to index
          %get3A_327 = tpu.vector_load %arg16[%get3A_326] {strides = array<i32>} : memref<40064xf32, #tpu.memory_space<vmem>>, vector<16xf32>,
          %max3A_328 = arith.maximumf %get3A_327, %add3A_320 : vector<16xf32>
          %swap3A_329 = arith.index_cast %add3A_313 : i32 to index
          %swap3A_330 = tpu.vector_load %arg16[%swap3A_329] {strides = array<i32>} : memref<40064xf32, #tpu.memory_space<vmem>>, vector<16xf32>,
          tpu.vector_store %arg16[%swap3A_329], %max3A_328 {strides = array<i32>} : memref<40064xf32, #tpu.memory_space<vmem>>, vector<16xf32>,
          %shift_right_logical3A_331 = arith.constant 7 : i32
          %shift_right_logical3A_332 = arith.shrui %squeeze3A, %shift_right_logical3A_331 : i32
          %and3A_333 = arith.constant 15 : i32
          %and3A_334 = arith.andi %shift_right_logical3A_332, %and3A_333 : i32
          %sub3A_335 = arith.subi %shift_right_logical3A_332, %and3A_334 : i32
          %eq3A = vector.broadcast %and3A_334 : i32 to vector<16xi32>
          %eq3A_336 = arith.cmpi eq, %iota3A, %eq3A : vector<16xi32>
          %jit3A = arith.constant 1.000000e+00 : f32
          %jit3A_337 = arith.constant 0.000000e+00 : f32
          %broadcast_in_dim3A_338 = vector.broadcast %jit3A : f32 to vector<16xf32>
          %broadcast_in_dim3A_339 = vector.broadcast %jit3A_337 : f32 to vector<16xf32>
          %select_n3A = arith.select %eq3A_336, %broadcast_in_dim3A_338, %broadcast_in_dim3A_339 : vector<16xi1>, vector<16xf32>
          %swap3A_340 = arith.index_cast %sub3A_335 : i32 to index
          %swap3A_341 = tpu.vector_load %arg17[%swap3A_340] {strides = array<i32>} : memref<320xf32, #tpu.memory_space<vmem>>, vector<16xf32>,
          tpu.vector_store %arg17[%swap3A_340], %select_n3A {add = true, strides = array<i32>} : memref<320xf32, #tpu.memory_space<vmem>>, vector<16xf32>,
          %while3A_342 = arith.constant 0 : i32
          scf.yield %while3A_342 : i32
        }
        %while3A_172 = arith.constant 1 : i32
        %while3A_173 = scf.for %while3A_175 = %while3A_169 to %while3A_165 step %while3A_172 iter_args(%while3A_176 = %while3A_171) -> (i32)  : i32 {
          %get3A_177 = arith.index_cast %while3A_175 : i32 to index
          %get3A_178 = tpu.vector_load %arg11[%get3A_177] {strides = array<i32>} : memref<48xi32, #tpu.memory_space<vmem>>, vector<16xi32>,
          %slice3A = vector.extract_strided_slice %get3A_178 {offsets = [0], sizes = [1], strides = [1]} : vector<16xi32> to vector<1xi32>
          %squeeze3A = vector.extract %slice3A[0] : i32 from vector<1xi32>
          %add3A_179 = arith.constant 0 : i32
          %add3A_180 = arith.addi %squeeze3A, %add3A_179 : i32
          %get3A_181 = arith.index_cast %while3A_175 : i32 to index
          %get3A_182 = arith.constant 0 : index
          %get3A_183 = tpu.vector_load %arg12[%get3A_181, %get3A_182] {strides = array<i32>} : memref<32x128xf32, #tpu.memory_space<vmem>>, vector<16xf32>,
          %get3A_184 = arith.index_cast %while3A_175 : i32 to index
          %get3A_185 = arith.constant 0 : index
          %get3A_186 = tpu.vector_load %arg13[%get3A_184, %get3A_185] {strides = array<i32>} : memref<32x128xf32, #tpu.memory_space<vmem>>, vector<16xf32>,
          %add3A_187 = arith.addf %get3A_183, %get3A_186 : vector<16xf32>
          %swap3A_188 = arith.index_cast %add3A_180 : i32 to index
          %swap3A_189 = tpu.vector_load %arg14[%swap3A_188] {strides = array<i32>} : memref<40064xf32, #tpu.memory_space<vmem>>, vector<16xf32>,
          tpu.vector_store %arg14[%swap3A_188], %add3A_187 {add = true, strides = array<i32>} : memref<40064xf32, #tpu.memory_space<vmem>>, vector<16xf32>,
          %mul3A_190 = arith.mulf %add3A_187, %add3A_187 : vector<16xf32>
          %swap3A_191 = arith.index_cast %add3A_180 : i32 to index
          %swap3A_192 = tpu.vector_load %arg15[%swap3A_191] {strides = array<i32>} : memref<40064xf32, #tpu.memory_space<vmem>>, vector<16xf32>,
          tpu.vector_store %arg15[%swap3A_191], %mul3A_190 {add = true, strides = array<i32>} : memref<40064xf32, #tpu.memory_space<vmem>>, vector<16xf32>,
          %get3A_193 = arith.index_cast %add3A_180 : i32 to index
          %get3A_194 = tpu.vector_load %arg16[%get3A_193] {strides = array<i32>} : memref<40064xf32, #tpu.memory_space<vmem>>, vector<16xf32>,
          %max3A_195 = arith.maximumf %get3A_194, %add3A_187 : vector<16xf32>
          %swap3A_196 = arith.index_cast %add3A_180 : i32 to index
          %swap3A_197 = tpu.vector_load %arg16[%swap3A_196] {strides = array<i32>} : memref<40064xf32, #tpu.memory_space<vmem>>, vector<16xf32>,
          tpu.vector_store %arg16[%swap3A_196], %max3A_195 {strides = array<i32>} : memref<40064xf32, #tpu.memory_space<vmem>>, vector<16xf32>,
          %add3A_198 = arith.constant 16 : i32
          %add3A_199 = arith.addi %squeeze3A, %add3A_198 : i32
          %get3A_200 = arith.index_cast %while3A_175 : i32 to index
          %get3A_201 = arith.constant 16 : index
          %get3A_202 = tpu.vector_load %arg12[%get3A_200, %get3A_201] {strides = array<i32>} : memref<32x128xf32, #tpu.memory_space<vmem>>, vector<16xf32>,
          %get3A_203 = arith.index_cast %while3A_175 : i32 to index
          %get3A_204 = arith.constant 16 : index
          %get3A_205 = tpu.vector_load %arg13[%get3A_203, %get3A_204] {strides = array<i32>} : memref<32x128xf32, #tpu.memory_space<vmem>>, vector<16xf32>,
          %add3A_206 = arith.addf %get3A_202, %get3A_205 : vector<16xf32>
          %swap3A_207 = arith.index_cast %add3A_199 : i32 to index
          %swap3A_208 = tpu.vector_load %arg14[%swap3A_207] {strides = array<i32>} : memref<40064xf32, #tpu.memory_space<vmem>>, vector<16xf32>,
          tpu.vector_store %arg14[%swap3A_207], %add3A_206 {add = true, strides = array<i32>} : memref<40064xf32, #tpu.memory_space<vmem>>, vector<16xf32>,
          %mul3A_209 = arith.mulf %add3A_206, %add3A_206 : vector<16xf32>
          %swap3A_210 = arith.index_cast %add3A_199 : i32 to index
          %swap3A_211 = tpu.vector_load %arg15[%swap3A_210] {strides = array<i32>} : memref<40064xf32, #tpu.memory_space<vmem>>, vector<16xf32>,
          tpu.vector_store %arg15[%swap3A_210], %mul3A_209 {add = true, strides = array<i32>} : memref<40064xf32, #tpu.memory_space<vmem>>, vector<16xf32>,
          %get3A_212 = arith.index_cast %add3A_199 : i32 to index
          %get3A_213 = tpu.vector_load %arg16[%get3A_212] {strides = array<i32>} : memref<40064xf32, #tpu.memory_space<vmem>>, vector<16xf32>,
          %max3A_214 = arith.maximumf %get3A_213, %add3A_206 : vector<16xf32>
          %swap3A_215 = arith.index_cast %add3A_199 : i32 to index
          %swap3A_216 = tpu.vector_load %arg16[%swap3A_215] {strides = array<i32>} : memref<40064xf32, #tpu.memory_space<vmem>>, vector<16xf32>,
          tpu.vector_store %arg16[%swap3A_215], %max3A_214 {strides = array<i32>} : memref<40064xf32, #tpu.memory_space<vmem>>, vector<16xf32>,
          %add3A_217 = arith.constant 32 : i32
          %add3A_218 = arith.addi %squeeze3A, %add3A_217 : i32
          %get3A_219 = arith.index_cast %while3A_175 : i32 to index
          %get3A_220 = arith.constant 32 : index
          %get3A_221 = tpu.vector_load %arg12[%get3A_219, %get3A_220] {strides = array<i32>} : memref<32x128xf32, #tpu.memory_space<vmem>>, vector<16xf32>,
          %get3A_222 = arith.index_cast %while3A_175 : i32 to index
          %get3A_223 = arith.constant 32 : index
          %get3A_224 = tpu.vector_load %arg13[%get3A_222, %get3A_223] {strides = array<i32>} : memref<32x128xf32, #tpu.memory_space<vmem>>, vector<16xf32>,
          %add3A_225 = arith.addf %get3A_221, %get3A_224 : vector<16xf32>
          %swap3A_226 = arith.index_cast %add3A_218 : i32 to index
          %swap3A_227 = tpu.vector_load %arg14[%swap3A_226] {strides = array<i32>} : memref<40064xf32, #tpu.memory_space<vmem>>, vector<16xf32>,
          tpu.vector_store %arg14[%swap3A_226], %add3A_225 {add = true, strides = array<i32>} : memref<40064xf32, #tpu.memory_space<vmem>>, vector<16xf32>,
          %mul3A_228 = arith.mulf %add3A_225, %add3A_225 : vector<16xf32>
          %swap3A_229 = arith.index_cast %add3A_218 : i32 to index
          %swap3A_230 = tpu.vector_load %arg15[%swap3A_229] {strides = array<i32>} : memref<40064xf32, #tpu.memory_space<vmem>>, vector<16xf32>,
          tpu.vector_store %arg15[%swap3A_229], %mul3A_228 {add = true, strides = array<i32>} : memref<40064xf32, #tpu.memory_space<vmem>>, vector<16xf32>,
          %get3A_231 = arith.index_cast %add3A_218 : i32 to index
          %get3A_232 = tpu.vector_load %arg16[%get3A_231] {strides = array<i32>} : memref<40064xf32, #tpu.memory_space<vmem>>, vector<16xf32>,
          %max3A_233 = arith.maximumf %get3A_232, %add3A_225 : vector<16xf32>
          %swap3A_234 = arith.index_cast %add3A_218 : i32 to index
          %swap3A_235 = tpu.vector_load %arg16[%swap3A_234] {strides = array<i32>} : memref<40064xf32, #tpu.memory_space<vmem>>, vector<16xf32>,
          tpu.vector_store %arg16[%swap3A_234], %max3A_233 {strides = array<i32>} : memref<40064xf32, #tpu.memory_space<vmem>>, vector<16xf32>,
          %add3A_236 = arith.constant 48 : i32
          %add3A_237 = arith.addi %squeeze3A, %add3A_236 : i32
          %get3A_238 = arith.index_cast %while3A_175 : i32 to index
          %get3A_239 = arith.constant 48 : index
          %get3A_240 = tpu.vector_load %arg12[%get3A_238, %get3A_239] {strides = array<i32>} : memref<32x128xf32, #tpu.memory_space<vmem>>, vector<16xf32>,
          %get3A_241 = arith.index_cast %while3A_175 : i32 to index
          %get3A_242 = arith.constant 48 : index
          %get3A_243 = tpu.vector_load %arg13[%get3A_241, %get3A_242] {strides = array<i32>} : memref<32x128xf32, #tpu.memory_space<vmem>>, vector<16xf32>,
          %add3A_244 = arith.addf %get3A_240, %get3A_243 : vector<16xf32>
          %swap3A_245 = arith.index_cast %add3A_237 : i32 to index
          %swap3A_246 = tpu.vector_load %arg14[%swap3A_245] {strides = array<i32>} : memref<40064xf32, #tpu.memory_space<vmem>>, vector<16xf32>,
          tpu.vector_store %arg14[%swap3A_245], %add3A_244 {add = true, strides = array<i32>} : memref<40064xf32, #tpu.memory_space<vmem>>, vector<16xf32>,
          %mul3A_247 = arith.mulf %add3A_244, %add3A_244 : vector<16xf32>
          %swap3A_248 = arith.index_cast %add3A_237 : i32 to index
          %swap3A_249 = tpu.vector_load %arg15[%swap3A_248] {strides = array<i32>} : memref<40064xf32, #tpu.memory_space<vmem>>, vector<16xf32>,
          tpu.vector_store %arg15[%swap3A_248], %mul3A_247 {add = true, strides = array<i32>} : memref<40064xf32, #tpu.memory_space<vmem>>, vector<16xf32>,
          %get3A_250 = arith.index_cast %add3A_237 : i32 to index
          %get3A_251 = tpu.vector_load %arg16[%get3A_250] {strides = array<i32>} : memref<40064xf32, #tpu.memory_space<vmem>>, vector<16xf32>,
          %max3A_252 = arith.maximumf %get3A_251, %add3A_244 : vector<16xf32>
          %swap3A_253 = arith.index_cast %add3A_237 : i32 to index
          %swap3A_254 = tpu.vector_load %arg16[%swap3A_253] {strides = array<i32>} : memref<40064xf32, #tpu.memory_space<vmem>>, vector<16xf32>,
          tpu.vector_store %arg16[%swap3A_253], %max3A_252 {strides = array<i32>} : memref<40064xf32, #tpu.memory_space<vmem>>, vector<16xf32>,
          %add3A_255 = arith.constant 64 : i32
          %add3A_256 = arith.addi %squeeze3A, %add3A_255 : i32
          %get3A_257 = arith.index_cast %while3A_175 : i32 to index
          %get3A_258 = arith.constant 64 : index
          %get3A_259 = tpu.vector_load %arg12[%get3A_257, %get3A_258] {strides = array<i32>} : memref<32x128xf32, #tpu.memory_space<vmem>>, vector<16xf32>,
          %get3A_260 = arith.index_cast %while3A_175 : i32 to index
          %get3A_261 = arith.constant 64 : index
          %get3A_262 = tpu.vector_load %arg13[%get3A_260, %get3A_261] {strides = array<i32>} : memref<32x128xf32, #tpu.memory_space<vmem>>, vector<16xf32>,
          %add3A_263 = arith.addf %get3A_259, %get3A_262 : vector<16xf32>
          %swap3A_264 = arith.index_cast %add3A_256 : i32 to index
          %swap3A_265 = tpu.vector_load %arg14[%swap3A_264] {strides = array<i32>} : memref<40064xf32, #tpu.memory_space<vmem>>, vector<16xf32>,
          tpu.vector_store %arg14[%swap3A_264], %add3A_263 {add = true, strides = array<i32>} : memref<40064xf32, #tpu.memory_space<vmem>>, vector<16xf32>,
          %mul3A_266 = arith.mulf %add3A_263, %add3A_263 : vector<16xf32>
          %swap3A_267 = arith.index_cast %add3A_256 : i32 to index
          %swap3A_268 = tpu.vector_load %arg15[%swap3A_267] {strides = array<i32>} : memref<40064xf32, #tpu.memory_space<vmem>>, vector<16xf32>,
          tpu.vector_store %arg15[%swap3A_267], %mul3A_266 {add = true, strides = array<i32>} : memref<40064xf32, #tpu.memory_space<vmem>>, vector<16xf32>,
          %get3A_269 = arith.index_cast %add3A_256 : i32 to index
          %get3A_270 = tpu.vector_load %arg16[%get3A_269] {strides = array<i32>} : memref<40064xf32, #tpu.memory_space<vmem>>, vector<16xf32>,
          %max3A_271 = arith.maximumf %get3A_270, %add3A_263 : vector<16xf32>
          %swap3A_272 = arith.index_cast %add3A_256 : i32 to index
          %swap3A_273 = tpu.vector_load %arg16[%swap3A_272] {strides = array<i32>} : memref<40064xf32, #tpu.memory_space<vmem>>, vector<16xf32>,
          tpu.vector_store %arg16[%swap3A_272], %max3A_271 {strides = array<i32>} : memref<40064xf32, #tpu.memory_space<vmem>>, vector<16xf32>,
          %add3A_274 = arith.constant 80 : i32
          %add3A_275 = arith.addi %squeeze3A, %add3A_274 : i32
          %get3A_276 = arith.index_cast %while3A_175 : i32 to index
          %get3A_277 = arith.constant 80 : index
          %get3A_278 = tpu.vector_load %arg12[%get3A_276, %get3A_277] {strides = array<i32>} : memref<32x128xf32, #tpu.memory_space<vmem>>, vector<16xf32>,
          %get3A_279 = arith.index_cast %while3A_175 : i32 to index
          %get3A_280 = arith.constant 80 : index
          %get3A_281 = tpu.vector_load %arg13[%get3A_279, %get3A_280] {strides = array<i32>} : memref<32x128xf32, #tpu.memory_space<vmem>>, vector<16xf32>,
          %add3A_282 = arith.addf %get3A_278, %get3A_281 : vector<16xf32>
          %swap3A_283 = arith.index_cast %add3A_275 : i32 to index
          %swap3A_284 = tpu.vector_load %arg14[%swap3A_283] {strides = array<i32>} : memref<40064xf32, #tpu.memory_space<vmem>>, vector<16xf32>,
          tpu.vector_store %arg14[%swap3A_283], %add3A_282 {add = true, strides = array<i32>} : memref<40064xf32, #tpu.memory_space<vmem>>, vector<16xf32>,
          %mul3A_285 = arith.mulf %add3A_282, %add3A_282 : vector<16xf32>
          %swap3A_286 = arith.index_cast %add3A_275 : i32 to index
          %swap3A_287 = tpu.vector_load %arg15[%swap3A_286] {strides = array<i32>} : memref<40064xf32, #tpu.memory_space<vmem>>, vector<16xf32>,
          tpu.vector_store %arg15[%swap3A_286], %mul3A_285 {add = true, strides = array<i32>} : memref<40064xf32, #tpu.memory_space<vmem>>, vector<16xf32>,
          %get3A_288 = arith.index_cast %add3A_275 : i32 to index
          %get3A_289 = tpu.vector_load %arg16[%get3A_288] {strides = array<i32>} : memref<40064xf32, #tpu.memory_space<vmem>>, vector<16xf32>,
          %max3A_290 = arith.maximumf %get3A_289, %add3A_282 : vector<16xf32>
          %swap3A_291 = arith.index_cast %add3A_275 : i32 to index
          %swap3A_292 = tpu.vector_load %arg16[%swap3A_291] {strides = array<i32>} : memref<40064xf32, #tpu.memory_space<vmem>>, vector<16xf32>,
          tpu.vector_store %arg16[%swap3A_291], %max3A_290 {strides = array<i32>} : memref<40064xf32, #tpu.memory_space<vmem>>, vector<16xf32>,
          %add3A_293 = arith.constant 96 : i32
          %add3A_294 = arith.addi %squeeze3A, %add3A_293 : i32
          %get3A_295 = arith.index_cast %while3A_175 : i32 to index
          %get3A_296 = arith.constant 96 : index
          %get3A_297 = tpu.vector_load %arg12[%get3A_295, %get3A_296] {strides = array<i32>} : memref<32x128xf32, #tpu.memory_space<vmem>>, vector<16xf32>,
          %get3A_298 = arith.index_cast %while3A_175 : i32 to index
          %get3A_299 = arith.constant 96 : index
          %get3A_300 = tpu.vector_load %arg13[%get3A_298, %get3A_299] {strides = array<i32>} : memref<32x128xf32, #tpu.memory_space<vmem>>, vector<16xf32>,
          %add3A_301 = arith.addf %get3A_297, %get3A_300 : vector<16xf32>
          %swap3A_302 = arith.index_cast %add3A_294 : i32 to index
          %swap3A_303 = tpu.vector_load %arg14[%swap3A_302] {strides = array<i32>} : memref<40064xf32, #tpu.memory_space<vmem>>, vector<16xf32>,
          tpu.vector_store %arg14[%swap3A_302], %add3A_301 {add = true, strides = array<i32>} : memref<40064xf32, #tpu.memory_space<vmem>>, vector<16xf32>,
          %mul3A_304 = arith.mulf %add3A_301, %add3A_301 : vector<16xf32>
          %swap3A_305 = arith.index_cast %add3A_294 : i32 to index
          %swap3A_306 = tpu.vector_load %arg15[%swap3A_305] {strides = array<i32>} : memref<40064xf32, #tpu.memory_space<vmem>>, vector<16xf32>,
          tpu.vector_store %arg15[%swap3A_305], %mul3A_304 {add = true, strides = array<i32>} : memref<40064xf32, #tpu.memory_space<vmem>>, vector<16xf32>,
          %get3A_307 = arith.index_cast %add3A_294 : i32 to index
          %get3A_308 = tpu.vector_load %arg16[%get3A_307] {strides = array<i32>} : memref<40064xf32, #tpu.memory_space<vmem>>, vector<16xf32>,
          %max3A_309 = arith.maximumf %get3A_308, %add3A_301 : vector<16xf32>
          %swap3A_310 = arith.index_cast %add3A_294 : i32 to index
          %swap3A_311 = tpu.vector_load %arg16[%swap3A_310] {strides = array<i32>} : memref<40064xf32, #tpu.memory_space<vmem>>, vector<16xf32>,
          tpu.vector_store %arg16[%swap3A_310], %max3A_309 {strides = array<i32>} : memref<40064xf32, #tpu.memory_space<vmem>>, vector<16xf32>,
          %add3A_312 = arith.constant 112 : i32
          %add3A_313 = arith.addi %squeeze3A, %add3A_312 : i32
          %get3A_314 = arith.index_cast %while3A_175 : i32 to index
          %get3A_315 = arith.constant 112 : index
          %get3A_316 = tpu.vector_load %arg12[%get3A_314, %get3A_315] {strides = array<i32>} : memref<32x128xf32, #tpu.memory_space<vmem>>, vector<16xf32>,
          %get3A_317 = arith.index_cast %while3A_175 : i32 to index
          %get3A_318 = arith.constant 112 : index
          %get3A_319 = tpu.vector_load %arg13[%get3A_317, %get3A_318] {strides = array<i32>} : memref<32x128xf32, #tpu.memory_space<vmem>>, vector<16xf32>,
          %add3A_320 = arith.addf %get3A_316, %get3A_319 : vector<16xf32>
          %swap3A_321 = arith.index_cast %add3A_313 : i32 to index
          %swap3A_322 = tpu.vector_load %arg14[%swap3A_321] {strides = array<i32>} : memref<40064xf32, #tpu.memory_space<vmem>>, vector<16xf32>,
          tpu.vector_store %arg14[%swap3A_321], %add3A_320 {add = true, strides = array<i32>} : memref<40064xf32, #tpu.memory_space<vmem>>, vector<16xf32>,
          %mul3A_323 = arith.mulf %add3A_320, %add3A_320 : vector<16xf32>
          %swap3A_324 = arith.index_cast %add3A_313 : i32 to index
          %swap3A_325 = tpu.vector_load %arg15[%swap3A_324] {strides = array<i32>} : memref<40064xf32, #tpu.memory_space<vmem>>, vector<16xf32>,
          tpu.vector_store %arg15[%swap3A_324], %mul3A_323 {add = true, strides = array<i32>} : memref<40064xf32, #tpu.memory_space<vmem>>, vector<16xf32>,
          %get3A_326 = arith.index_cast %add3A_313 : i32 to index
          %get3A_327 = tpu.vector_load %arg16[%get3A_326] {strides = array<i32>} : memref<40064xf32, #tpu.memory_space<vmem>>, vector<16xf32>,
          %max3A_328 = arith.maximumf %get3A_327, %add3A_320 : vector<16xf32>
          %swap3A_329 = arith.index_cast %add3A_313 : i32 to index
          %swap3A_330 = tpu.vector_load %arg16[%swap3A_329] {strides = array<i32>} : memref<40064xf32, #tpu.memory_space<vmem>>, vector<16xf32>,
          tpu.vector_store %arg16[%swap3A_329], %max3A_328 {strides = array<i32>} : memref<40064xf32, #tpu.memory_space<vmem>>, vector<16xf32>,
          %shift_right_logical3A_331 = arith.constant 7 : i32
          %shift_right_logical3A_332 = arith.shrui %squeeze3A, %shift_right_logical3A_331 : i32
          %and3A_333 = arith.constant 15 : i32
          %and3A_334 = arith.andi %shift_right_logical3A_332, %and3A_333 : i32
          %sub3A_335 = arith.subi %shift_right_logical3A_332, %and3A_334 : i32
          %eq3A = vector.broadcast %and3A_334 : i32 to vector<16xi32>
          %eq3A_336 = arith.cmpi eq, %iota3A, %eq3A : vector<16xi32>
          %jit3A = arith.constant 1.000000e+00 : f32
          %jit3A_337 = arith.constant 0.000000e+00 : f32
          %broadcast_in_dim3A_338 = vector.broadcast %jit3A : f32 to vector<16xf32>
          %broadcast_in_dim3A_339 = vector.broadcast %jit3A_337 : f32 to vector<16xf32>
          %select_n3A = arith.select %eq3A_336, %broadcast_in_dim3A_338, %broadcast_in_dim3A_339 : vector<16xi1>, vector<16xf32>
          %swap3A_340 = arith.index_cast %sub3A_335 : i32 to index
          %swap3A_341 = tpu.vector_load %arg17[%swap3A_340] {strides = array<i32>} : memref<320xf32, #tpu.memory_space<vmem>>, vector<16xf32>,
          tpu.vector_store %arg17[%swap3A_340], %select_n3A {add = true, strides = array<i32>} : memref<320xf32, #tpu.memory_space<vmem>>, vector<16xf32>,
          %while3A_342 = arith.constant 0 : i32
          scf.yield %while3A_342 : i32
        }
        %while3A_174 = arith.constant 0 : i32
        scf.yield %while3A_174 : i32
      }
      %while3A_93 = arith.constant 1 : i32
      %while3A_94 = scf.for %while3A_106 = %while3A_90 to %while3A_86 step %while3A_93 iter_args(%while3A_107 = %while3A_92) -> (i32)  : i32 {
        %mul3A_108 = arith.constant 16 : i32
        %mul3A_109 = arith.muli %while3A_106, %mul3A_108 : i32
        %get3A = arith.index_cast %mul3A_109 : i32 to index
        %get3A_110 = tpu.vector_load %arg10[%get3A] {strides = array<i32>} : memref<528xi32, #tpu.memory_space<vmem>>, vector<16xi32>,
        %sub3A = vector.broadcast %mul3A_55 : i32 to vector<16xi32>
        %sub3A_111 = arith.subi %get3A_110, %sub3A : vector<16xi32>
        %and3A_112 = arith.constant 511 : i32
        %and3A_113 = vector.broadcast %and3A_112 : i32 to vector<16xi32>
        %and3A_114 = arith.andi %sub3A_111, %and3A_113 : vector<16xi32>
        %add3A_115 = vector.broadcast %mul3A_58 : i32 to vector<16xi32>
        %add3A_116 = arith.addi %add3A_115, %and3A_114 : vector<16xi32>
        %gather3A = tpu.vector_load_idx %arg9[%add3A_116] : memref<1024xi32, #tpu.memory_space<vmem>>[vector<16xi32>], vector<16xi32>,
        %shift_right_logical3A_117 = arith.constant 14 : i32
        %shift_right_logical3A_118 = vector.broadcast %shift_right_logical3A_117 : i32 to vector<16xi32>
        %shift_right_logical3A_119 = arith.shrui %gather3A, %shift_right_logical3A_118 : vector<16xi32>
        %and3A_120 = arith.constant 16383 : i32
        %and3A_121 = vector.broadcast %and3A_120 : i32 to vector<16xi32>
        %and3A_122 = arith.andi %gather3A, %and3A_121 : vector<16xi32>
        %sub3A_123 = vector.broadcast %mul3A_2 : i32 to vector<16xi32>
        %sub3A_124 = arith.subi %and3A_122, %sub3A_123 : vector<16xi32>
        %mul3A_125 = arith.constant 128 : i32
        %mul3A_126 = vector.broadcast %mul3A_125 : i32 to vector<16xi32>
        %mul3A_127 = arith.muli %sub3A_124, %mul3A_126 : vector<16xi32>
        %swap3A = arith.constant 0 : index
        %swap3A_128 = tpu.vector_load %arg11[%swap3A] {strides = array<i32>} : memref<48xi32, #tpu.memory_space<vmem>>, vector<16xi32>,
        tpu.vector_store %arg11[%swap3A], %mul3A_127 {strides = array<i32>} : memref<48xi32, #tpu.memory_space<vmem>>, vector<16xi32>,
        %mul3A_129 = arith.constant 16 : i32
        %mul3A_130 = arith.muli %while3A_106, %mul3A_129 : i32
        %dma_start3A_131 = arith.constant 0 : i32
        %dma_start3A_132 = arith.constant 0 : i32
        %dma_start3A_133 = tpu.memref_slice %arg12[%dma_start3A_131, %dma_start3A_132] : memref<32x128xf32, #tpu.memory_space<vmem>> -> memref<16x128xf32, #tpu.memory_space<vmem>>
        %dma_start3A_134 = tpu.memref_slice %arg10[%mul3A_130] : memref<528xi32, #tpu.memory_space<vmem>> -> memref<16xi32, #tpu.memory_space<vmem>>
        %dma_start3A_135 = arith.constant 0 : i32
        %dma_start3A_136 = arith.constant 0 : i32
        %dma_start3A_137 = tpu.memref_slice %arg3[%dma_start3A_135, %dma_start3A_136] : memref<320000x128xf32, #tpu.memory_space<hbm>> -> memref<320000x128xf32, #tpu.memory_space<hbm>>
        tpu.enqueue_indirect_dma source(%dma_start3A_137 : memref<320000x128xf32, #tpu.memory_space<hbm>>) target(%dma_start3A_133 : memref<16x128xf32, #tpu.memory_space<vmem>>) offsets(%dma_start3A_134 : memref<16xi32, #tpu.memory_space<vmem>>) semaphore(%arg19 : memref<!tpu.dma_semaphore, #tpu.memory_space<semaphore_mem>>)
        %dma_start3A_138 = arith.constant 0 : i32
        %dma_start3A_139 = arith.constant 0 : i32
        %dma_start3A_140 = tpu.memref_slice %arg13[%dma_start3A_138, %dma_start3A_139] : memref<32x128xf32, #tpu.memory_space<vmem>> -> memref<16x128xf32, #tpu.memory_space<vmem>>
        %dma_start3A_141 = arith.constant 0 : i32
        %dma_start3A_142 = arith.constant 0 : i32
        %dma_start3A_143 = tpu.memref_slice %arg2[%dma_start3A_141, %dma_start3A_142] : memref<10000x128xf32, #tpu.memory_space<hbm>> -> memref<10000x128xf32, #tpu.memory_space<hbm>>
        tpu.enqueue_indirect_dma source(%dma_start3A_143 : memref<10000x128xf32, #tpu.memory_space<hbm>>) target(%dma_start3A_140 : memref<16x128xf32, #tpu.memory_space<vmem>>) offsets(%shift_right_logical3A_119 : vector<16xi32>) semaphore(%arg20 : memref<!tpu.dma_semaphore, #tpu.memory_space<semaphore_mem>>)
        %dma_wait3A_144 = arith.constant 0 : i32
        %dma_wait3A_145 = arith.constant 0 : i32
        %dma_wait3A_146 = tpu.memref_slice %arg12[%dma_wait3A_144, %dma_wait3A_145] : memref<32x128xf32, #tpu.memory_space<vmem>> -> memref<16x128xf32, #tpu.memory_space<vmem>>
        %dma_wait3A_147 = tpu.memref_slice %arg10[%mul3A_130] : memref<528xi32, #tpu.memory_space<vmem>> -> memref<16xi32, #tpu.memory_space<vmem>>
        %dma_wait3A_148 = arith.constant 0 : i32
        %dma_wait3A_149 = arith.constant 0 : i32
        %dma_wait3A_150 = tpu.memref_slice %arg3[%dma_wait3A_148, %dma_wait3A_149] : memref<320000x128xf32, #tpu.memory_space<hbm>> -> memref<320000x128xf32, #tpu.memory_space<hbm>>
        tpu.wait_indirect_dma semaphore(%arg19 : memref<!tpu.dma_semaphore, #tpu.memory_space<semaphore_mem>>) src(%dma_wait3A_150 : memref<320000x128xf32, #tpu.memory_space<hbm>>) dst(%dma_wait3A_146 : memref<16x128xf32, #tpu.memory_space<vmem>>)
        %dma_wait3A_151 = arith.constant 0 : i32
        %dma_wait3A_152 = arith.constant 0 : i32
        %dma_wait3A_153 = tpu.memref_slice %arg13[%dma_wait3A_151, %dma_wait3A_152] : memref<32x128xf32, #tpu.memory_space<vmem>> -> memref<16x128xf32, #tpu.memory_space<vmem>>
        %dma_wait3A_154 = arith.constant 0 : i32
        %dma_wait3A_155 = arith.constant 0 : i32
        %dma_wait3A_156 = tpu.memref_slice %arg2[%dma_wait3A_154, %dma_wait3A_155] : memref<10000x128xf32, #tpu.memory_space<hbm>> -> memref<10000x128xf32, #tpu.memory_space<hbm>>
        tpu.wait_indirect_dma semaphore(%arg20 : memref<!tpu.dma_semaphore, #tpu.memory_space<semaphore_mem>>) src(%dma_wait3A_156 : memref<10000x128xf32, #tpu.memory_space<hbm>>) dst(%dma_wait3A_153 : memref<16x128xf32, #tpu.memory_space<vmem>>)
        %mul3A_157 = arith.constant 16 : i32
        %mul3A_158 = arith.muli %while3A_106, %mul3A_157 : i32
        %sub3A_159 = arith.subi %scan3A_73, %mul3A_158 : i32
        %min3A_160 = arith.constant 16 : i32
        %min3A_161 = arith.minsi %sub3A_159, %min3A_160 : i32
        %while3A_162 = arith.constant 0 : i32
        %while3A_163 = arith.constant 0 : i32
        %while3A_164 = arith.subi %min3A_161, %while3A_162 : i32
        %while3A_165 = arith.addi %while3A_162, %while3A_164 : i32
        %while3A_166 = arith.constant 1 : i32
        %while3A_167 = arith.divsi %while3A_164, %while3A_166 : i32
        %while3A_168 = arith.muli %while3A_167, %while3A_166 : i32
        %while3A_169 = arith.addi %while3A_162, %while3A_168 : i32
        %while3A_170 = arith.constant 1 : i32
        %while3A_171 = scf.for %while3A_175 = %while3A_162 to %while3A_169 step %while3A_170 iter_args(%while3A_176 = %while3A_163) -> (i32)  : i32 {
          %get3A_177 = arith.index_cast %while3A_175 : i32 to index
          %get3A_178 = tpu.vector_load %arg11[%get3A_177] {strides = array<i32>} : memref<48xi32, #tpu.memory_space<vmem>>, vector<16xi32>,
          %slice3A = vector.extract_strided_slice %get3A_178 {offsets = [0], sizes = [1], strides = [1]} : vector<16xi32> to vector<1xi32>
          %squeeze3A = vector.extract %slice3A[0] : i32 from vector<1xi32>
          %add3A_179 = arith.constant 0 : i32
          %add3A_180 = arith.addi %squeeze3A, %add3A_179 : i32
          %get3A_181 = arith.index_cast %while3A_175 : i32 to index
          %get3A_182 = arith.constant 0 : index
          %get3A_183 = tpu.vector_load %arg12[%get3A_181, %get3A_182] {strides = array<i32>} : memref<32x128xf32, #tpu.memory_space<vmem>>, vector<16xf32>,
          %get3A_184 = arith.index_cast %while3A_175 : i32 to index
          %get3A_185 = arith.constant 0 : index
          %get3A_186 = tpu.vector_load %arg13[%get3A_184, %get3A_185] {strides = array<i32>} : memref<32x128xf32, #tpu.memory_space<vmem>>, vector<16xf32>,
          %add3A_187 = arith.addf %get3A_183, %get3A_186 : vector<16xf32>
          %swap3A_188 = arith.index_cast %add3A_180 : i32 to index
          %swap3A_189 = tpu.vector_load %arg14[%swap3A_188] {strides = array<i32>} : memref<40064xf32, #tpu.memory_space<vmem>>, vector<16xf32>,
          tpu.vector_store %arg14[%swap3A_188], %add3A_187 {add = true, strides = array<i32>} : memref<40064xf32, #tpu.memory_space<vmem>>, vector<16xf32>,
          %mul3A_190 = arith.mulf %add3A_187, %add3A_187 : vector<16xf32>
          %swap3A_191 = arith.index_cast %add3A_180 : i32 to index
          %swap3A_192 = tpu.vector_load %arg15[%swap3A_191] {strides = array<i32>} : memref<40064xf32, #tpu.memory_space<vmem>>, vector<16xf32>,
          tpu.vector_store %arg15[%swap3A_191], %mul3A_190 {add = true, strides = array<i32>} : memref<40064xf32, #tpu.memory_space<vmem>>, vector<16xf32>,
          %get3A_193 = arith.index_cast %add3A_180 : i32 to index
          %get3A_194 = tpu.vector_load %arg16[%get3A_193] {strides = array<i32>} : memref<40064xf32, #tpu.memory_space<vmem>>, vector<16xf32>,
          %max3A_195 = arith.maximumf %get3A_194, %add3A_187 : vector<16xf32>
          %swap3A_196 = arith.index_cast %add3A_180 : i32 to index
          %swap3A_197 = tpu.vector_load %arg16[%swap3A_196] {strides = array<i32>} : memref<40064xf32, #tpu.memory_space<vmem>>, vector<16xf32>,
          tpu.vector_store %arg16[%swap3A_196], %max3A_195 {strides = array<i32>} : memref<40064xf32, #tpu.memory_space<vmem>>, vector<16xf32>,
          %add3A_198 = arith.constant 16 : i32
          %add3A_199 = arith.addi %squeeze3A, %add3A_198 : i32
          %get3A_200 = arith.index_cast %while3A_175 : i32 to index
          %get3A_201 = arith.constant 16 : index
          %get3A_202 = tpu.vector_load %arg12[%get3A_200, %get3A_201] {strides = array<i32>} : memref<32x128xf32, #tpu.memory_space<vmem>>, vector<16xf32>,
          %get3A_203 = arith.index_cast %while3A_175 : i32 to index
          %get3A_204 = arith.constant 16 : index
          %get3A_205 = tpu.vector_load %arg13[%get3A_203, %get3A_204] {strides = array<i32>} : memref<32x128xf32, #tpu.memory_space<vmem>>, vector<16xf32>,
          %add3A_206 = arith.addf %get3A_202, %get3A_205 : vector<16xf32>
          %swap3A_207 = arith.index_cast %add3A_199 : i32 to index
          %swap3A_208 = tpu.vector_load %arg14[%swap3A_207] {strides = array<i32>} : memref<40064xf32, #tpu.memory_space<vmem>>, vector<16xf32>,
          tpu.vector_store %arg14[%swap3A_207], %add3A_206 {add = true, strides = array<i32>} : memref<40064xf32, #tpu.memory_space<vmem>>, vector<16xf32>,
          %mul3A_209 = arith.mulf %add3A_206, %add3A_206 : vector<16xf32>
          %swap3A_210 = arith.index_cast %add3A_199 : i32 to index
          %swap3A_211 = tpu.vector_load %arg15[%swap3A_210] {strides = array<i32>} : memref<40064xf32, #tpu.memory_space<vmem>>, vector<16xf32>,
          tpu.vector_store %arg15[%swap3A_210], %mul3A_209 {add = true, strides = array<i32>} : memref<40064xf32, #tpu.memory_space<vmem>>, vector<16xf32>,
          %get3A_212 = arith.index_cast %add3A_199 : i32 to index
          %get3A_213 = tpu.vector_load %arg16[%get3A_212] {strides = array<i32>} : memref<40064xf32, #tpu.memory_space<vmem>>, vector<16xf32>,
          %max3A_214 = arith.maximumf %get3A_213, %add3A_206 : vector<16xf32>
          %swap3A_215 = arith.index_cast %add3A_199 : i32 to index
          %swap3A_216 = tpu.vector_load %arg16[%swap3A_215] {strides = array<i32>} : memref<40064xf32, #tpu.memory_space<vmem>>, vector<16xf32>,
          tpu.vector_store %arg16[%swap3A_215], %max3A_214 {strides = array<i32>} : memref<40064xf32, #tpu.memory_space<vmem>>, vector<16xf32>,
          %add3A_217 = arith.constant 32 : i32
          %add3A_218 = arith.addi %squeeze3A, %add3A_217 : i32
          %get3A_219 = arith.index_cast %while3A_175 : i32 to index
          %get3A_220 = arith.constant 32 : index
          %get3A_221 = tpu.vector_load %arg12[%get3A_219, %get3A_220] {strides = array<i32>} : memref<32x128xf32, #tpu.memory_space<vmem>>, vector<16xf32>,
          %get3A_222 = arith.index_cast %while3A_175 : i32 to index
          %get3A_223 = arith.constant 32 : index
          %get3A_224 = tpu.vector_load %arg13[%get3A_222, %get3A_223] {strides = array<i32>} : memref<32x128xf32, #tpu.memory_space<vmem>>, vector<16xf32>,
          %add3A_225 = arith.addf %get3A_221, %get3A_224 : vector<16xf32>
          %swap3A_226 = arith.index_cast %add3A_218 : i32 to index
          %swap3A_227 = tpu.vector_load %arg14[%swap3A_226] {strides = array<i32>} : memref<40064xf32, #tpu.memory_space<vmem>>, vector<16xf32>,
          tpu.vector_store %arg14[%swap3A_226], %add3A_225 {add = true, strides = array<i32>} : memref<40064xf32, #tpu.memory_space<vmem>>, vector<16xf32>,
          %mul3A_228 = arith.mulf %add3A_225, %add3A_225 : vector<16xf32>
          %swap3A_229 = arith.index_cast %add3A_218 : i32 to index
          %swap3A_230 = tpu.vector_load %arg15[%swap3A_229] {strides = array<i32>} : memref<40064xf32, #tpu.memory_space<vmem>>, vector<16xf32>,
          tpu.vector_store %arg15[%swap3A_229], %mul3A_228 {add = true, strides = array<i32>} : memref<40064xf32, #tpu.memory_space<vmem>>, vector<16xf32>,
          %get3A_231 = arith.index_cast %add3A_218 : i32 to index
          %get3A_232 = tpu.vector_load %arg16[%get3A_231] {strides = array<i32>} : memref<40064xf32, #tpu.memory_space<vmem>>, vector<16xf32>,
          %max3A_233 = arith.maximumf %get3A_232, %add3A_225 : vector<16xf32>
          %swap3A_234 = arith.index_cast %add3A_218 : i32 to index
          %swap3A_235 = tpu.vector_load %arg16[%swap3A_234] {strides = array<i32>} : memref<40064xf32, #tpu.memory_space<vmem>>, vector<16xf32>,
          tpu.vector_store %arg16[%swap3A_234], %max3A_233 {strides = array<i32>} : memref<40064xf32, #tpu.memory_space<vmem>>, vector<16xf32>,
          %add3A_236 = arith.constant 48 : i32
          %add3A_237 = arith.addi %squeeze3A, %add3A_236 : i32
          %get3A_238 = arith.index_cast %while3A_175 : i32 to index
          %get3A_239 = arith.constant 48 : index
          %get3A_240 = tpu.vector_load %arg12[%get3A_238, %get3A_239] {strides = array<i32>} : memref<32x128xf32, #tpu.memory_space<vmem>>, vector<16xf32>,
          %get3A_241 = arith.index_cast %while3A_175 : i32 to index
          %get3A_242 = arith.constant 48 : index
          %get3A_243 = tpu.vector_load %arg13[%get3A_241, %get3A_242] {strides = array<i32>} : memref<32x128xf32, #tpu.memory_space<vmem>>, vector<16xf32>,
          %add3A_244 = arith.addf %get3A_240, %get3A_243 : vector<16xf32>
          %swap3A_245 = arith.index_cast %add3A_237 : i32 to index
          %swap3A_246 = tpu.vector_load %arg14[%swap3A_245] {strides = array<i32>} : memref<40064xf32, #tpu.memory_space<vmem>>, vector<16xf32>,
          tpu.vector_store %arg14[%swap3A_245], %add3A_244 {add = true, strides = array<i32>} : memref<40064xf32, #tpu.memory_space<vmem>>, vector<16xf32>,
          %mul3A_247 = arith.mulf %add3A_244, %add3A_244 : vector<16xf32>
          %swap3A_248 = arith.index_cast %add3A_237 : i32 to index
          %swap3A_249 = tpu.vector_load %arg15[%swap3A_248] {strides = array<i32>} : memref<40064xf32, #tpu.memory_space<vmem>>, vector<16xf32>,
          tpu.vector_store %arg15[%swap3A_248], %mul3A_247 {add = true, strides = array<i32>} : memref<40064xf32, #tpu.memory_space<vmem>>, vector<16xf32>,
          %get3A_250 = arith.index_cast %add3A_237 : i32 to index
          %get3A_251 = tpu.vector_load %arg16[%get3A_250] {strides = array<i32>} : memref<40064xf32, #tpu.memory_space<vmem>>, vector<16xf32>,
          %max3A_252 = arith.maximumf %get3A_251, %add3A_244 : vector<16xf32>
          %swap3A_253 = arith.index_cast %add3A_237 : i32 to index
          %swap3A_254 = tpu.vector_load %arg16[%swap3A_253] {strides = array<i32>} : memref<40064xf32, #tpu.memory_space<vmem>>, vector<16xf32>,
          tpu.vector_store %arg16[%swap3A_253], %max3A_252 {strides = array<i32>} : memref<40064xf32, #tpu.memory_space<vmem>>, vector<16xf32>,
          %add3A_255 = arith.constant 64 : i32
          %add3A_256 = arith.addi %squeeze3A, %add3A_255 : i32
          %get3A_257 = arith.index_cast %while3A_175 : i32 to index
          %get3A_258 = arith.constant 64 : index
          %get3A_259 = tpu.vector_load %arg12[%get3A_257, %get3A_258] {strides = array<i32>} : memref<32x128xf32, #tpu.memory_space<vmem>>, vector<16xf32>,
          %get3A_260 = arith.index_cast %while3A_175 : i32 to index
          %get3A_261 = arith.constant 64 : index
          %get3A_262 = tpu.vector_load %arg13[%get3A_260, %get3A_261] {strides = array<i32>} : memref<32x128xf32, #tpu.memory_space<vmem>>, vector<16xf32>,
          %add3A_263 = arith.addf %get3A_259, %get3A_262 : vector<16xf32>
          %swap3A_264 = arith.index_cast %add3A_256 : i32 to index
          %swap3A_265 = tpu.vector_load %arg14[%swap3A_264] {strides = array<i32>} : memref<40064xf32, #tpu.memory_space<vmem>>, vector<16xf32>,
          tpu.vector_store %arg14[%swap3A_264], %add3A_263 {add = true, strides = array<i32>} : memref<40064xf32, #tpu.memory_space<vmem>>, vector<16xf32>,
          %mul3A_266 = arith.mulf %add3A_263, %add3A_263 : vector<16xf32>
          %swap3A_267 = arith.index_cast %add3A_256 : i32 to index
          %swap3A_268 = tpu.vector_load %arg15[%swap3A_267] {strides = array<i32>} : memref<40064xf32, #tpu.memory_space<vmem>>, vector<16xf32>,
          tpu.vector_store %arg15[%swap3A_267], %mul3A_266 {add = true, strides = array<i32>} : memref<40064xf32, #tpu.memory_space<vmem>>, vector<16xf32>,
          %get3A_269 = arith.index_cast %add3A_256 : i32 to index
          %get3A_270 = tpu.vector_load %arg16[%get3A_269] {strides = array<i32>} : memref<40064xf32, #tpu.memory_space<vmem>>, vector<16xf32>,
          %max3A_271 = arith.maximumf %get3A_270, %add3A_263 : vector<16xf32>
          %swap3A_272 = arith.index_cast %add3A_256 : i32 to index
          %swap3A_273 = tpu.vector_load %arg16[%swap3A_272] {strides = array<i32>} : memref<40064xf32, #tpu.memory_space<vmem>>, vector<16xf32>,
          tpu.vector_store %arg16[%swap3A_272], %max3A_271 {strides = array<i32>} : memref<40064xf32, #tpu.memory_space<vmem>>, vector<16xf32>,
          %add3A_274 = arith.constant 80 : i32
          %add3A_275 = arith.addi %squeeze3A, %add3A_274 : i32
          %get3A_276 = arith.index_cast %while3A_175 : i32 to index
          %get3A_277 = arith.constant 80 : index
          %get3A_278 = tpu.vector_load %arg12[%get3A_276, %get3A_277] {strides = array<i32>} : memref<32x128xf32, #tpu.memory_space<vmem>>, vector<16xf32>,
          %get3A_279 = arith.index_cast %while3A_175 : i32 to index
          %get3A_280 = arith.constant 80 : index
          %get3A_281 = tpu.vector_load %arg13[%get3A_279, %get3A_280] {strides = array<i32>} : memref<32x128xf32, #tpu.memory_space<vmem>>, vector<16xf32>,
          %add3A_282 = arith.addf %get3A_278, %get3A_281 : vector<16xf32>
          %swap3A_283 = arith.index_cast %add3A_275 : i32 to index
          %swap3A_284 = tpu.vector_load %arg14[%swap3A_283] {strides = array<i32>} : memref<40064xf32, #tpu.memory_space<vmem>>, vector<16xf32>,
          tpu.vector_store %arg14[%swap3A_283], %add3A_282 {add = true, strides = array<i32>} : memref<40064xf32, #tpu.memory_space<vmem>>, vector<16xf32>,
          %mul3A_285 = arith.mulf %add3A_282, %add3A_282 : vector<16xf32>
          %swap3A_286 = arith.index_cast %add3A_275 : i32 to index
          %swap3A_287 = tpu.vector_load %arg15[%swap3A_286] {strides = array<i32>} : memref<40064xf32, #tpu.memory_space<vmem>>, vector<16xf32>,
          tpu.vector_store %arg15[%swap3A_286], %mul3A_285 {add = true, strides = array<i32>} : memref<40064xf32, #tpu.memory_space<vmem>>, vector<16xf32>,
          %get3A_288 = arith.index_cast %add3A_275 : i32 to index
          %get3A_289 = tpu.vector_load %arg16[%get3A_288] {strides = array<i32>} : memref<40064xf32, #tpu.memory_space<vmem>>, vector<16xf32>,
          %max3A_290 = arith.maximumf %get3A_289, %add3A_282 : vector<16xf32>
          %swap3A_291 = arith.index_cast %add3A_275 : i32 to index
          %swap3A_292 = tpu.vector_load %arg16[%swap3A_291] {strides = array<i32>} : memref<40064xf32, #tpu.memory_space<vmem>>, vector<16xf32>,
          tpu.vector_store %arg16[%swap3A_291], %max3A_290 {strides = array<i32>} : memref<40064xf32, #tpu.memory_space<vmem>>, vector<16xf32>,
          %add3A_293 = arith.constant 96 : i32
          %add3A_294 = arith.addi %squeeze3A, %add3A_293 : i32
          %get3A_295 = arith.index_cast %while3A_175 : i32 to index
          %get3A_296 = arith.constant 96 : index
          %get3A_297 = tpu.vector_load %arg12[%get3A_295, %get3A_296] {strides = array<i32>} : memref<32x128xf32, #tpu.memory_space<vmem>>, vector<16xf32>,
          %get3A_298 = arith.index_cast %while3A_175 : i32 to index
          %get3A_299 = arith.constant 96 : index
          %get3A_300 = tpu.vector_load %arg13[%get3A_298, %get3A_299] {strides = array<i32>} : memref<32x128xf32, #tpu.memory_space<vmem>>, vector<16xf32>,
          %add3A_301 = arith.addf %get3A_297, %get3A_300 : vector<16xf32>
          %swap3A_302 = arith.index_cast %add3A_294 : i32 to index
          %swap3A_303 = tpu.vector_load %arg14[%swap3A_302] {strides = array<i32>} : memref<40064xf32, #tpu.memory_space<vmem>>, vector<16xf32>,
          tpu.vector_store %arg14[%swap3A_302], %add3A_301 {add = true, strides = array<i32>} : memref<40064xf32, #tpu.memory_space<vmem>>, vector<16xf32>,
          %mul3A_304 = arith.mulf %add3A_301, %add3A_301 : vector<16xf32>
          %swap3A_305 = arith.index_cast %add3A_294 : i32 to index
          %swap3A_306 = tpu.vector_load %arg15[%swap3A_305] {strides = array<i32>} : memref<40064xf32, #tpu.memory_space<vmem>>, vector<16xf32>,
          tpu.vector_store %arg15[%swap3A_305], %mul3A_304 {add = true, strides = array<i32>} : memref<40064xf32, #tpu.memory_space<vmem>>, vector<16xf32>,
          %get3A_307 = arith.index_cast %add3A_294 : i32 to index
          %get3A_308 = tpu.vector_load %arg16[%get3A_307] {strides = array<i32>} : memref<40064xf32, #tpu.memory_space<vmem>>, vector<16xf32>,
          %max3A_309 = arith.maximumf %get3A_308, %add3A_301 : vector<16xf32>
          %swap3A_310 = arith.index_cast %add3A_294 : i32 to index
          %swap3A_311 = tpu.vector_load %arg16[%swap3A_310] {strides = array<i32>} : memref<40064xf32, #tpu.memory_space<vmem>>, vector<16xf32>,
          tpu.vector_store %arg16[%swap3A_310], %max3A_309 {strides = array<i32>} : memref<40064xf32, #tpu.memory_space<vmem>>, vector<16xf32>,
          %add3A_312 = arith.constant 112 : i32
          %add3A_313 = arith.addi %squeeze3A, %add3A_312 : i32
          %get3A_314 = arith.index_cast %while3A_175 : i32 to index
          %get3A_315 = arith.constant 112 : index
          %get3A_316 = tpu.vector_load %arg12[%get3A_314, %get3A_315] {strides = array<i32>} : memref<32x128xf32, #tpu.memory_space<vmem>>, vector<16xf32>,
          %get3A_317 = arith.index_cast %while3A_175 : i32 to index
          %get3A_318 = arith.constant 112 : index
          %get3A_319 = tpu.vector_load %arg13[%get3A_317, %get3A_318] {strides = array<i32>} : memref<32x128xf32, #tpu.memory_space<vmem>>, vector<16xf32>,
          %add3A_320 = arith.addf %get3A_316, %get3A_319 : vector<16xf32>
          %swap3A_321 = arith.index_cast %add3A_313 : i32 to index
          %swap3A_322 = tpu.vector_load %arg14[%swap3A_321] {strides = array<i32>} : memref<40064xf32, #tpu.memory_space<vmem>>, vector<16xf32>,
          tpu.vector_store %arg14[%swap3A_321], %add3A_320 {add = true, strides = array<i32>} : memref<40064xf32, #tpu.memory_space<vmem>>, vector<16xf32>,
          %mul3A_323 = arith.mulf %add3A_320, %add3A_320 : vector<16xf32>
          %swap3A_324 = arith.index_cast %add3A_313 : i32 to index
          %swap3A_325 = tpu.vector_load %arg15[%swap3A_324] {strides = array<i32>} : memref<40064xf32, #tpu.memory_space<vmem>>, vector<16xf32>,
          tpu.vector_store %arg15[%swap3A_324], %mul3A_323 {add = true, strides = array<i32>} : memref<40064xf32, #tpu.memory_space<vmem>>, vector<16xf32>,
          %get3A_326 = arith.index_cast %add3A_313 : i32 to index
          %get3A_327 = tpu.vector_load %arg16[%get3A_326] {strides = array<i32>} : memref<40064xf32, #tpu.memory_space<vmem>>, vector<16xf32>,
          %max3A_328 = arith.maximumf %get3A_327, %add3A_320 : vector<16xf32>
          %swap3A_329 = arith.index_cast %add3A_313 : i32 to index
          %swap3A_330 = tpu.vector_load %arg16[%swap3A_329] {strides = array<i32>} : memref<40064xf32, #tpu.memory_space<vmem>>, vector<16xf32>,
          tpu.vector_store %arg16[%swap3A_329], %max3A_328 {strides = array<i32>} : memref<40064xf32, #tpu.memory_space<vmem>>, vector<16xf32>,
          %shift_right_logical3A_331 = arith.constant 7 : i32
          %shift_right_logical3A_332 = arith.shrui %squeeze3A, %shift_right_logical3A_331 : i32
          %and3A_333 = arith.constant 15 : i32
          %and3A_334 = arith.andi %shift_right_logical3A_332, %and3A_333 : i32
          %sub3A_335 = arith.subi %shift_right_logical3A_332, %and3A_334 : i32
          %eq3A = vector.broadcast %and3A_334 : i32 to vector<16xi32>
          %eq3A_336 = arith.cmpi eq, %iota3A, %eq3A : vector<16xi32>
          %jit3A = arith.constant 1.000000e+00 : f32
          %jit3A_337 = arith.constant 0.000000e+00 : f32
          %broadcast_in_dim3A_338 = vector.broadcast %jit3A : f32 to vector<16xf32>
          %broadcast_in_dim3A_339 = vector.broadcast %jit3A_337 : f32 to vector<16xf32>
          %select_n3A = arith.select %eq3A_336, %broadcast_in_dim3A_338, %broadcast_in_dim3A_339 : vector<16xi1>, vector<16xf32>
          %swap3A_340 = arith.index_cast %sub3A_335 : i32 to index
          %swap3A_341 = tpu.vector_load %arg17[%swap3A_340] {strides = array<i32>} : memref<320xf32, #tpu.memory_space<vmem>>, vector<16xf32>,
          tpu.vector_store %arg17[%swap3A_340], %select_n3A {add = true, strides = array<i32>} : memref<320xf32, #tpu.memory_space<vmem>>, vector<16xf32>,
          %while3A_342 = arith.constant 0 : i32
          scf.yield %while3A_342 : i32
        }
        %while3A_172 = arith.constant 1 : i32
        %while3A_173 = scf.for %while3A_175 = %while3A_169 to %while3A_165 step %while3A_172 iter_args(%while3A_176 = %while3A_171) -> (i32)  : i32 {
          %get3A_177 = arith.index_cast %while3A_175 : i32 to index
          %get3A_178 = tpu.vector_load %arg11[%get3A_177] {strides = array<i32>} : memref<48xi32, #tpu.memory_space<vmem>>, vector<16xi32>,
          %slice3A = vector.extract_strided_slice %get3A_178 {offsets = [0], sizes = [1], strides = [1]} : vector<16xi32> to vector<1xi32>
          %squeeze3A = vector.extract %slice3A[0] : i32 from vector<1xi32>
          %add3A_179 = arith.constant 0 : i32
          %add3A_180 = arith.addi %squeeze3A, %add3A_179 : i32
          %get3A_181 = arith.index_cast %while3A_175 : i32 to index
          %get3A_182 = arith.constant 0 : index
          %get3A_183 = tpu.vector_load %arg12[%get3A_181, %get3A_182] {strides = array<i32>} : memref<32x128xf32, #tpu.memory_space<vmem>>, vector<16xf32>,
          %get3A_184 = arith.index_cast %while3A_175 : i32 to index
          %get3A_185 = arith.constant 0 : index
          %get3A_186 = tpu.vector_load %arg13[%get3A_184, %get3A_185] {strides = array<i32>} : memref<32x128xf32, #tpu.memory_space<vmem>>, vector<16xf32>,
          %add3A_187 = arith.addf %get3A_183, %get3A_186 : vector<16xf32>
          %swap3A_188 = arith.index_cast %add3A_180 : i32 to index
          %swap3A_189 = tpu.vector_load %arg14[%swap3A_188] {strides = array<i32>} : memref<40064xf32, #tpu.memory_space<vmem>>, vector<16xf32>,
          tpu.vector_store %arg14[%swap3A_188], %add3A_187 {add = true, strides = array<i32>} : memref<40064xf32, #tpu.memory_space<vmem>>, vector<16xf32>,
          %mul3A_190 = arith.mulf %add3A_187, %add3A_187 : vector<16xf32>
          %swap3A_191 = arith.index_cast %add3A_180 : i32 to index
          %swap3A_192 = tpu.vector_load %arg15[%swap3A_191] {strides = array<i32>} : memref<40064xf32, #tpu.memory_space<vmem>>, vector<16xf32>,
          tpu.vector_store %arg15[%swap3A_191], %mul3A_190 {add = true, strides = array<i32>} : memref<40064xf32, #tpu.memory_space<vmem>>, vector<16xf32>,
          %get3A_193 = arith.index_cast %add3A_180 : i32 to index
          %get3A_194 = tpu.vector_load %arg16[%get3A_193] {strides = array<i32>} : memref<40064xf32, #tpu.memory_space<vmem>>, vector<16xf32>,
          %max3A_195 = arith.maximumf %get3A_194, %add3A_187 : vector<16xf32>
          %swap3A_196 = arith.index_cast %add3A_180 : i32 to index
          %swap3A_197 = tpu.vector_load %arg16[%swap3A_196] {strides = array<i32>} : memref<40064xf32, #tpu.memory_space<vmem>>, vector<16xf32>,
          tpu.vector_store %arg16[%swap3A_196], %max3A_195 {strides = array<i32>} : memref<40064xf32, #tpu.memory_space<vmem>>, vector<16xf32>,
          %add3A_198 = arith.constant 16 : i32
          %add3A_199 = arith.addi %squeeze3A, %add3A_198 : i32
          %get3A_200 = arith.index_cast %while3A_175 : i32 to index
          %get3A_201 = arith.constant 16 : index
          %get3A_202 = tpu.vector_load %arg12[%get3A_200, %get3A_201] {strides = array<i32>} : memref<32x128xf32, #tpu.memory_space<vmem>>, vector<16xf32>,
          %get3A_203 = arith.index_cast %while3A_175 : i32 to index
          %get3A_204 = arith.constant 16 : index
          %get3A_205 = tpu.vector_load %arg13[%get3A_203, %get3A_204] {strides = array<i32>} : memref<32x128xf32, #tpu.memory_space<vmem>>, vector<16xf32>,
          %add3A_206 = arith.addf %get3A_202, %get3A_205 : vector<16xf32>
          %swap3A_207 = arith.index_cast %add3A_199 : i32 to index
          %swap3A_208 = tpu.vector_load %arg14[%swap3A_207] {strides = array<i32>} : memref<40064xf32, #tpu.memory_space<vmem>>, vector<16xf32>,
          tpu.vector_store %arg14[%swap3A_207], %add3A_206 {add = true, strides = array<i32>} : memref<40064xf32, #tpu.memory_space<vmem>>, vector<16xf32>,
          %mul3A_209 = arith.mulf %add3A_206, %add3A_206 : vector<16xf32>
          %swap3A_210 = arith.index_cast %add3A_199 : i32 to index
          %swap3A_211 = tpu.vector_load %arg15[%swap3A_210] {strides = array<i32>} : memref<40064xf32, #tpu.memory_space<vmem>>, vector<16xf32>,
          tpu.vector_store %arg15[%swap3A_210], %mul3A_209 {add = true, strides = array<i32>} : memref<40064xf32, #tpu.memory_space<vmem>>, vector<16xf32>,
          %get3A_212 = arith.index_cast %add3A_199 : i32 to index
          %get3A_213 = tpu.vector_load %arg16[%get3A_212] {strides = array<i32>} : memref<40064xf32, #tpu.memory_space<vmem>>, vector<16xf32>,
          %max3A_214 = arith.maximumf %get3A_213, %add3A_206 : vector<16xf32>
          %swap3A_215 = arith.index_cast %add3A_199 : i32 to index
          %swap3A_216 = tpu.vector_load %arg16[%swap3A_215] {strides = array<i32>} : memref<40064xf32, #tpu.memory_space<vmem>>, vector<16xf32>,
          tpu.vector_store %arg16[%swap3A_215], %max3A_214 {strides = array<i32>} : memref<40064xf32, #tpu.memory_space<vmem>>, vector<16xf32>,
          %add3A_217 = arith.constant 32 : i32
          %add3A_218 = arith.addi %squeeze3A, %add3A_217 : i32
          %get3A_219 = arith.index_cast %while3A_175 : i32 to index
          %get3A_220 = arith.constant 32 : index
          %get3A_221 = tpu.vector_load %arg12[%get3A_219, %get3A_220] {strides = array<i32>} : memref<32x128xf32, #tpu.memory_space<vmem>>, vector<16xf32>,
          %get3A_222 = arith.index_cast %while3A_175 : i32 to index
          %get3A_223 = arith.constant 32 : index
          %get3A_224 = tpu.vector_load %arg13[%get3A_222, %get3A_223] {strides = array<i32>} : memref<32x128xf32, #tpu.memory_space<vmem>>, vector<16xf32>,
          %add3A_225 = arith.addf %get3A_221, %get3A_224 : vector<16xf32>
          %swap3A_226 = arith.index_cast %add3A_218 : i32 to index
          %swap3A_227 = tpu.vector_load %arg14[%swap3A_226] {strides = array<i32>} : memref<40064xf32, #tpu.memory_space<vmem>>, vector<16xf32>,
          tpu.vector_store %arg14[%swap3A_226], %add3A_225 {add = true, strides = array<i32>} : memref<40064xf32, #tpu.memory_space<vmem>>, vector<16xf32>,
          %mul3A_228 = arith.mulf %add3A_225, %add3A_225 : vector<16xf32>
          %swap3A_229 = arith.index_cast %add3A_218 : i32 to index
          %swap3A_230 = tpu.vector_load %arg15[%swap3A_229] {strides = array<i32>} : memref<40064xf32, #tpu.memory_space<vmem>>, vector<16xf32>,
          tpu.vector_store %arg15[%swap3A_229], %mul3A_228 {add = true, strides = array<i32>} : memref<40064xf32, #tpu.memory_space<vmem>>, vector<16xf32>,
          %get3A_231 = arith.index_cast %add3A_218 : i32 to index
          %get3A_232 = tpu.vector_load %arg16[%get3A_231] {strides = array<i32>} : memref<40064xf32, #tpu.memory_space<vmem>>, vector<16xf32>,
          %max3A_233 = arith.maximumf %get3A_232, %add3A_225 : vector<16xf32>
          %swap3A_234 = arith.index_cast %add3A_218 : i32 to index
          %swap3A_235 = tpu.vector_load %arg16[%swap3A_234] {strides = array<i32>} : memref<40064xf32, #tpu.memory_space<vmem>>, vector<16xf32>,
          tpu.vector_store %arg16[%swap3A_234], %max3A_233 {strides = array<i32>} : memref<40064xf32, #tpu.memory_space<vmem>>, vector<16xf32>,
          %add3A_236 = arith.constant 48 : i32
          %add3A_237 = arith.addi %squeeze3A, %add3A_236 : i32
          %get3A_238 = arith.index_cast %while3A_175 : i32 to index
          %get3A_239 = arith.constant 48 : index
          %get3A_240 = tpu.vector_load %arg12[%get3A_238, %get3A_239] {strides = array<i32>} : memref<32x128xf32, #tpu.memory_space<vmem>>, vector<16xf32>,
          %get3A_241 = arith.index_cast %while3A_175 : i32 to index
          %get3A_242 = arith.constant 48 : index
          %get3A_243 = tpu.vector_load %arg13[%get3A_241, %get3A_242] {strides = array<i32>} : memref<32x128xf32, #tpu.memory_space<vmem>>, vector<16xf32>,
          %add3A_244 = arith.addf %get3A_240, %get3A_243 : vector<16xf32>
          %swap3A_245 = arith.index_cast %add3A_237 : i32 to index
          %swap3A_246 = tpu.vector_load %arg14[%swap3A_245] {strides = array<i32>} : memref<40064xf32, #tpu.memory_space<vmem>>, vector<16xf32>,
          tpu.vector_store %arg14[%swap3A_245], %add3A_244 {add = true, strides = array<i32>} : memref<40064xf32, #tpu.memory_space<vmem>>, vector<16xf32>,
          %mul3A_247 = arith.mulf %add3A_244, %add3A_244 : vector<16xf32>
          %swap3A_248 = arith.index_cast %add3A_237 : i32 to index
          %swap3A_249 = tpu.vector_load %arg15[%swap3A_248] {strides = array<i32>} : memref<40064xf32, #tpu.memory_space<vmem>>, vector<16xf32>,
          tpu.vector_store %arg15[%swap3A_248], %mul3A_247 {add = true, strides = array<i32>} : memref<40064xf32, #tpu.memory_space<vmem>>, vector<16xf32>,
          %get3A_250 = arith.index_cast %add3A_237 : i32 to index
          %get3A_251 = tpu.vector_load %arg16[%get3A_250] {strides = array<i32>} : memref<40064xf32, #tpu.memory_space<vmem>>, vector<16xf32>,
          %max3A_252 = arith.maximumf %get3A_251, %add3A_244 : vector<16xf32>
          %swap3A_253 = arith.index_cast %add3A_237 : i32 to index
          %swap3A_254 = tpu.vector_load %arg16[%swap3A_253] {strides = array<i32>} : memref<40064xf32, #tpu.memory_space<vmem>>, vector<16xf32>,
          tpu.vector_store %arg16[%swap3A_253], %max3A_252 {strides = array<i32>} : memref<40064xf32, #tpu.memory_space<vmem>>, vector<16xf32>,
          %add3A_255 = arith.constant 64 : i32
          %add3A_256 = arith.addi %squeeze3A, %add3A_255 : i32
          %get3A_257 = arith.index_cast %while3A_175 : i32 to index
          %get3A_258 = arith.constant 64 : index
          %get3A_259 = tpu.vector_load %arg12[%get3A_257, %get3A_258] {strides = array<i32>} : memref<32x128xf32, #tpu.memory_space<vmem>>, vector<16xf32>,
          %get3A_260 = arith.index_cast %while3A_175 : i32 to index
          %get3A_261 = arith.constant 64 : index
          %get3A_262 = tpu.vector_load %arg13[%get3A_260, %get3A_261] {strides = array<i32>} : memref<32x128xf32, #tpu.memory_space<vmem>>, vector<16xf32>,
          %add3A_263 = arith.addf %get3A_259, %get3A_262 : vector<16xf32>
          %swap3A_264 = arith.index_cast %add3A_256 : i32 to index
          %swap3A_265 = tpu.vector_load %arg14[%swap3A_264] {strides = array<i32>} : memref<40064xf32, #tpu.memory_space<vmem>>, vector<16xf32>,
          tpu.vector_store %arg14[%swap3A_264], %add3A_263 {add = true, strides = array<i32>} : memref<40064xf32, #tpu.memory_space<vmem>>, vector<16xf32>,
          %mul3A_266 = arith.mulf %add3A_263, %add3A_263 : vector<16xf32>
          %swap3A_267 = arith.index_cast %add3A_256 : i32 to index
          %swap3A_268 = tpu.vector_load %arg15[%swap3A_267] {strides = array<i32>} : memref<40064xf32, #tpu.memory_space<vmem>>, vector<16xf32>,
          tpu.vector_store %arg15[%swap3A_267], %mul3A_266 {add = true, strides = array<i32>} : memref<40064xf32, #tpu.memory_space<vmem>>, vector<16xf32>,
          %get3A_269 = arith.index_cast %add3A_256 : i32 to index
          %get3A_270 = tpu.vector_load %arg16[%get3A_269] {strides = array<i32>} : memref<40064xf32, #tpu.memory_space<vmem>>, vector<16xf32>,
          %max3A_271 = arith.maximumf %get3A_270, %add3A_263 : vector<16xf32>
          %swap3A_272 = arith.index_cast %add3A_256 : i32 to index
          %swap3A_273 = tpu.vector_load %arg16[%swap3A_272] {strides = array<i32>} : memref<40064xf32, #tpu.memory_space<vmem>>, vector<16xf32>,
          tpu.vector_store %arg16[%swap3A_272], %max3A_271 {strides = array<i32>} : memref<40064xf32, #tpu.memory_space<vmem>>, vector<16xf32>,
          %add3A_274 = arith.constant 80 : i32
          %add3A_275 = arith.addi %squeeze3A, %add3A_274 : i32
          %get3A_276 = arith.index_cast %while3A_175 : i32 to index
          %get3A_277 = arith.constant 80 : index
          %get3A_278 = tpu.vector_load %arg12[%get3A_276, %get3A_277] {strides = array<i32>} : memref<32x128xf32, #tpu.memory_space<vmem>>, vector<16xf32>,
          %get3A_279 = arith.index_cast %while3A_175 : i32 to index
          %get3A_280 = arith.constant 80 : index
          %get3A_281 = tpu.vector_load %arg13[%get3A_279, %get3A_280] {strides = array<i32>} : memref<32x128xf32, #tpu.memory_space<vmem>>, vector<16xf32>,
          %add3A_282 = arith.addf %get3A_278, %get3A_281 : vector<16xf32>
          %swap3A_283 = arith.index_cast %add3A_275 : i32 to index
          %swap3A_284 = tpu.vector_load %arg14[%swap3A_283] {strides = array<i32>} : memref<40064xf32, #tpu.memory_space<vmem>>, vector<16xf32>,
          tpu.vector_store %arg14[%swap3A_283], %add3A_282 {add = true, strides = array<i32>} : memref<40064xf32, #tpu.memory_space<vmem>>, vector<16xf32>,
          %mul3A_285 = arith.mulf %add3A_282, %add3A_282 : vector<16xf32>
          %swap3A_286 = arith.index_cast %add3A_275 : i32 to index
          %swap3A_287 = tpu.vector_load %arg15[%swap3A_286] {strides = array<i32>} : memref<40064xf32, #tpu.memory_space<vmem>>, vector<16xf32>,
          tpu.vector_store %arg15[%swap3A_286], %mul3A_285 {add = true, strides = array<i32>} : memref<40064xf32, #tpu.memory_space<vmem>>, vector<16xf32>,
          %get3A_288 = arith.index_cast %add3A_275 : i32 to index
          %get3A_289 = tpu.vector_load %arg16[%get3A_288] {strides = array<i32>} : memref<40064xf32, #tpu.memory_space<vmem>>, vector<16xf32>,
          %max3A_290 = arith.maximumf %get3A_289, %add3A_282 : vector<16xf32>
          %swap3A_291 = arith.index_cast %add3A_275 : i32 to index
          %swap3A_292 = tpu.vector_load %arg16[%swap3A_291] {strides = array<i32>} : memref<40064xf32, #tpu.memory_space<vmem>>, vector<16xf32>,
          tpu.vector_store %arg16[%swap3A_291], %max3A_290 {strides = array<i32>} : memref<40064xf32, #tpu.memory_space<vmem>>, vector<16xf32>,
          %add3A_293 = arith.constant 96 : i32
          %add3A_294 = arith.addi %squeeze3A, %add3A_293 : i32
          %get3A_295 = arith.index_cast %while3A_175 : i32 to index
          %get3A_296 = arith.constant 96 : index
          %get3A_297 = tpu.vector_load %arg12[%get3A_295, %get3A_296] {strides = array<i32>} : memref<32x128xf32, #tpu.memory_space<vmem>>, vector<16xf32>,
          %get3A_298 = arith.index_cast %while3A_175 : i32 to index
          %get3A_299 = arith.constant 96 : index
          %get3A_300 = tpu.vector_load %arg13[%get3A_298, %get3A_299] {strides = array<i32>} : memref<32x128xf32, #tpu.memory_space<vmem>>, vector<16xf32>,
          %add3A_301 = arith.addf %get3A_297, %get3A_300 : vector<16xf32>
          %swap3A_302 = arith.index_cast %add3A_294 : i32 to index
          %swap3A_303 = tpu.vector_load %arg14[%swap3A_302] {strides = array<i32>} : memref<40064xf32, #tpu.memory_space<vmem>>, vector<16xf32>,
          tpu.vector_store %arg14[%swap3A_302], %add3A_301 {add = true, strides = array<i32>} : memref<40064xf32, #tpu.memory_space<vmem>>, vector<16xf32>,
          %mul3A_304 = arith.mulf %add3A_301, %add3A_301 : vector<16xf32>
          %swap3A_305 = arith.index_cast %add3A_294 : i32 to index
          %swap3A_306 = tpu.vector_load %arg15[%swap3A_305] {strides = array<i32>} : memref<40064xf32, #tpu.memory_space<vmem>>, vector<16xf32>,
          tpu.vector_store %arg15[%swap3A_305], %mul3A_304 {add = true, strides = array<i32>} : memref<40064xf32, #tpu.memory_space<vmem>>, vector<16xf32>,
          %get3A_307 = arith.index_cast %add3A_294 : i32 to index
          %get3A_308 = tpu.vector_load %arg16[%get3A_307] {strides = array<i32>} : memref<40064xf32, #tpu.memory_space<vmem>>, vector<16xf32>,
          %max3A_309 = arith.maximumf %get3A_308, %add3A_301 : vector<16xf32>
          %swap3A_310 = arith.index_cast %add3A_294 : i32 to index
          %swap3A_311 = tpu.vector_load %arg16[%swap3A_310] {strides = array<i32>} : memref<40064xf32, #tpu.memory_space<vmem>>, vector<16xf32>,
          tpu.vector_store %arg16[%swap3A_310], %max3A_309 {strides = array<i32>} : memref<40064xf32, #tpu.memory_space<vmem>>, vector<16xf32>,
          %add3A_312 = arith.constant 112 : i32
          %add3A_313 = arith.addi %squeeze3A, %add3A_312 : i32
          %get3A_314 = arith.index_cast %while3A_175 : i32 to index
          %get3A_315 = arith.constant 112 : index
          %get3A_316 = tpu.vector_load %arg12[%get3A_314, %get3A_315] {strides = array<i32>} : memref<32x128xf32, #tpu.memory_space<vmem>>, vector<16xf32>,
          %get3A_317 = arith.index_cast %while3A_175 : i32 to index
          %get3A_318 = arith.constant 112 : index
          %get3A_319 = tpu.vector_load %arg13[%get3A_317, %get3A_318] {strides = array<i32>} : memref<32x128xf32, #tpu.memory_space<vmem>>, vector<16xf32>,
          %add3A_320 = arith.addf %get3A_316, %get3A_319 : vector<16xf32>
          %swap3A_321 = arith.index_cast %add3A_313 : i32 to index
          %swap3A_322 = tpu.vector_load %arg14[%swap3A_321] {strides = array<i32>} : memref<40064xf32, #tpu.memory_space<vmem>>, vector<16xf32>,
          tpu.vector_store %arg14[%swap3A_321], %add3A_320 {add = true, strides = array<i32>} : memref<40064xf32, #tpu.memory_space<vmem>>, vector<16xf32>,
          %mul3A_323 = arith.mulf %add3A_320, %add3A_320 : vector<16xf32>
          %swap3A_324 = arith.index_cast %add3A_313 : i32 to index
          %swap3A_325 = tpu.vector_load %arg15[%swap3A_324] {strides = array<i32>} : memref<40064xf32, #tpu.memory_space<vmem>>, vector<16xf32>,
          tpu.vector_store %arg15[%swap3A_324], %mul3A_323 {add = true, strides = array<i32>} : memref<40064xf32, #tpu.memory_space<vmem>>, vector<16xf32>,
          %get3A_326 = arith.index_cast %add3A_313 : i32 to index
          %get3A_327 = tpu.vector_load %arg16[%get3A_326] {strides = array<i32>} : memref<40064xf32, #tpu.memory_space<vmem>>, vector<16xf32>,
          %max3A_328 = arith.maximumf %get3A_327, %add3A_320 : vector<16xf32>
          %swap3A_329 = arith.index_cast %add3A_313 : i32 to index
          %swap3A_330 = tpu.vector_load %arg16[%swap3A_329] {strides = array<i32>} : memref<40064xf32, #tpu.memory_space<vmem>>, vector<16xf32>,
          tpu.vector_store %arg16[%swap3A_329], %max3A_328 {strides = array<i32>} : memref<40064xf32, #tpu.memory_space<vmem>>, vector<16xf32>,
          %shift_right_logical3A_331 = arith.constant 7 : i32
          %shift_right_logical3A_332 = arith.shrui %squeeze3A, %shift_right_logical3A_331 : i32
          %and3A_333 = arith.constant 15 : i32
          %and3A_334 = arith.andi %shift_right_logical3A_332, %and3A_333 : i32
          %sub3A_335 = arith.subi %shift_right_logical3A_332, %and3A_334 : i32
          %eq3A = vector.broadcast %and3A_334 : i32 to vector<16xi32>
          %eq3A_336 = arith.cmpi eq, %iota3A, %eq3A : vector<16xi32>
          %jit3A = arith.constant 1.000000e+00 : f32
          %jit3A_337 = arith.constant 0.000000e+00 : f32
          %broadcast_in_dim3A_338 = vector.broadcast %jit3A : f32 to vector<16xf32>
          %broadcast_in_dim3A_339 = vector.broadcast %jit3A_337 : f32 to vector<16xf32>
          %select_n3A = arith.select %eq3A_336, %broadcast_in_dim3A_338, %broadcast_in_dim3A_339 : vector<16xi1>, vector<16xf32>
          %swap3A_340 = arith.index_cast %sub3A_335 : i32 to index
          %swap3A_341 = tpu.vector_load %arg17[%swap3A_340] {strides = array<i32>} : memref<320xf32, #tpu.memory_space<vmem>>, vector<16xf32>,
          tpu.vector_store %arg17[%swap3A_340], %select_n3A {add = true, strides = array<i32>} : memref<320xf32, #tpu.memory_space<vmem>>, vector<16xf32>,
          %while3A_342 = arith.constant 0 : i32
          scf.yield %while3A_342 : i32
        }
        %while3A_174 = arith.constant 0 : i32
        scf.yield %while3A_174 : i32
      }
      %gt3A_95 = arith.constant 0 : i32
      %gt3A_96 = arith.cmpi sgt, %scan3A_73, %gt3A_95 : i32
      %convert_element_type3A_97 = arith.extui %gt3A_96 : i1 to i32
      %cond3A_98 = arith.constant 0 : i32
      %cond3A_99 = arith.cmpi ne, %convert_element_type3A_97, %cond3A_98 : i32
      scf.if %cond3A_99 {
        %get3A = arith.constant 0 : index
        %get3A_106 = tpu.vector_load %arg10[%get3A] {strides = array<i32>} : memref<528xi32, #tpu.memory_space<vmem>>, vector<16xi32>,
        %sub3A = vector.broadcast %mul3A_55 : i32 to vector<16xi32>
        %sub3A_107 = arith.subi %get3A_106, %sub3A : vector<16xi32>
        %and3A_108 = arith.constant 511 : i32
        %and3A_109 = vector.broadcast %and3A_108 : i32 to vector<16xi32>
        %and3A_110 = arith.andi %sub3A_107, %and3A_109 : vector<16xi32>
        %add3A_111 = vector.broadcast %mul3A_58 : i32 to vector<16xi32>
        %add3A_112 = arith.addi %add3A_111, %and3A_110 : vector<16xi32>
        %gather3A = tpu.vector_load_idx %arg9[%add3A_112] : memref<1024xi32, #tpu.memory_space<vmem>>[vector<16xi32>], vector<16xi32>,
        %shift_right_logical3A_113 = arith.constant 14 : i32
        %shift_right_logical3A_114 = vector.broadcast %shift_right_logical3A_113 : i32 to vector<16xi32>
        %shift_right_logical3A_115 = arith.shrui %gather3A, %shift_right_logical3A_114 : vector<16xi32>
        %and3A_116 = arith.constant 16383 : i32
        %and3A_117 = vector.broadcast %and3A_116 : i32 to vector<16xi32>
        %and3A_118 = arith.andi %gather3A, %and3A_117 : vector<16xi32>
        %sub3A_119 = vector.broadcast %mul3A_2 : i32 to vector<16xi32>
        %sub3A_120 = arith.subi %and3A_118, %sub3A_119 : vector<16xi32>
        %mul3A_121 = arith.constant 128 : i32
        %mul3A_122 = vector.broadcast %mul3A_121 : i32 to vector<16xi32>
        %mul3A_123 = arith.muli %sub3A_120, %mul3A_122 : vector<16xi32>
        %swap3A = arith.constant 0 : index
        %swap3A_124 = tpu.vector_load %arg11[%swap3A] {strides = array<i32>} : memref<48xi32, #tpu.memory_space<vmem>>, vector<16xi32>,
        tpu.vector_store %arg11[%swap3A], %mul3A_123 {strides = array<i32>} : memref<48xi32, #tpu.memory_space<vmem>>, vector<16xi32>,
        %dma_start3A_125 = arith.constant 0 : i32
        %dma_start3A_126 = arith.constant 0 : i32
        %dma_start3A_127 = tpu.memref_slice %arg12[%dma_start3A_125, %dma_start3A_126] : memref<32x128xf32, #tpu.memory_space<vmem>> -> memref<16x128xf32, #tpu.memory_space<vmem>>
        %dma_start3A_128 = arith.constant 0 : i32
        %dma_start3A_129 = tpu.memref_slice %arg10[%dma_start3A_128] : memref<528xi32, #tpu.memory_space<vmem>> -> memref<16xi32, #tpu.memory_space<vmem>>
        %dma_start3A_130 = arith.constant 0 : i32
        %dma_start3A_131 = arith.constant 0 : i32
        %dma_start3A_132 = tpu.memref_slice %arg3[%dma_start3A_130, %dma_start3A_131] : memref<320000x128xf32, #tpu.memory_space<hbm>> -> memref<320000x128xf32, #tpu.memory_space<hbm>>
        tpu.enqueue_indirect_dma source(%dma_start3A_132 : memref<320000x128xf32, #tpu.memory_space<hbm>>) target(%dma_start3A_127 : memref<16x128xf32, #tpu.memory_space<vmem>>) offsets(%dma_start3A_129 : memref<16xi32, #tpu.memory_space<vmem>>) semaphore(%arg19 : memref<!tpu.dma_semaphore, #tpu.memory_space<semaphore_mem>>)
        %dma_start3A_133 = arith.constant 0 : i32
        %dma_start3A_134 = arith.constant 0 : i32
        %dma_start3A_135 = tpu.memref_slice %arg13[%dma_start3A_133, %dma_start3A_134] : memref<32x128xf32, #tpu.memory_space<vmem>> -> memref<16x128xf32, #tpu.memory_space<vmem>>
        %dma_start3A_136 = arith.constant 0 : i32
        %dma_start3A_137 = arith.constant 0 : i32
        %dma_start3A_138 = tpu.memref_slice %arg2[%dma_start3A_136, %dma_start3A_137] : memref<10000x128xf32, #tpu.memory_space<hbm>> -> memref<10000x128xf32, #tpu.memory_space<hbm>>
        tpu.enqueue_indirect_dma source(%dma_start3A_138 : memref<10000x128xf32, #tpu.memory_space<hbm>>) target(%dma_start3A_135 : memref<16x128xf32, #tpu.memory_space<vmem>>) offsets(%shift_right_logical3A_115 : vector<16xi32>) semaphore(%arg20 : memref<!tpu.dma_semaphore, #tpu.memory_space<semaphore_mem>>)
      } else {
      }
      %gt3A_100 = arith.constant 16 : i32
      %gt3A_101 = arith.cmpi sgt, %scan3A_73, %gt3A_100 : i32
      %convert_element_type3A_102 = arith.extui %gt3A_101 : i1 to i32
      %cond3A_103 = arith.constant 0 : i32
      %cond3A_104 = arith.cmpi ne, %convert_element_type3A_102, %cond3A_103 : i32
      scf.if %cond3A_104 {
        %get3A = arith.constant 16 : index
        %get3A_106 = tpu.vector_load %arg10[%get3A] {strides = array<i32>} : memref<528xi32, #tpu.memory_space<vmem>>, vector<16xi32>,
        %sub3A = vector.broadcast %mul3A_55 : i32 to vector<16xi32>
        %sub3A_107 = arith.subi %get3A_106, %sub3A : vector<16xi32>
        %and3A_108 = arith.constant 511 : i32
        %and3A_109 = vector.broadcast %and3A_108 : i32 to vector<16xi32>
        %and3A_110 = arith.andi %sub3A_107, %and3A_109 : vector<16xi32>
        %add3A_111 = vector.broadcast %mul3A_58 : i32 to vector<16xi32>
        %add3A_112 = arith.addi %add3A_111, %and3A_110 : vector<16xi32>
        %gather3A = tpu.vector_load_idx %arg9[%add3A_112] : memref<1024xi32, #tpu.memory_space<vmem>>[vector<16xi32>], vector<16xi32>,
        %shift_right_logical3A_113 = arith.constant 14 : i32
        %shift_right_logical3A_114 = vector.broadcast %shift_right_logical3A_113 : i32 to vector<16xi32>
        %shift_right_logical3A_115 = arith.shrui %gather3A, %shift_right_logical3A_114 : vector<16xi32>
        %and3A_116 = arith.constant 16383 : i32
        %and3A_117 = vector.broadcast %and3A_116 : i32 to vector<16xi32>
        %and3A_118 = arith.andi %gather3A, %and3A_117 : vector<16xi32>
        %sub3A_119 = vector.broadcast %mul3A_2 : i32 to vector<16xi32>
        %sub3A_120 = arith.subi %and3A_118, %sub3A_119 : vector<16xi32>
        %mul3A_121 = arith.constant 128 : i32
        %mul3A_122 = vector.broadcast %mul3A_121 : i32 to vector<16xi32>
        %mul3A_123 = arith.muli %sub3A_120, %mul3A_122 : vector<16xi32>
        %swap3A = arith.constant 16 : index
        %swap3A_124 = tpu.vector_load %arg11[%swap3A] {strides = array<i32>} : memref<48xi32, #tpu.memory_space<vmem>>, vector<16xi32>,
        tpu.vector_store %arg11[%swap3A], %mul3A_123 {strides = array<i32>} : memref<48xi32, #tpu.memory_space<vmem>>, vector<16xi32>,
        %dma_start3A_125 = arith.constant 16 : i32
        %dma_start3A_126 = arith.constant 0 : i32
        %dma_start3A_127 = tpu.memref_slice %arg12[%dma_start3A_125, %dma_start3A_126] : memref<32x128xf32, #tpu.memory_space<vmem>> -> memref<16x128xf32, #tpu.memory_space<vmem>>
        %dma_start3A_128 = arith.constant 16 : i32
        %dma_start3A_129 = tpu.memref_slice %arg10[%dma_start3A_128] : memref<528xi32, #tpu.memory_space<vmem>> -> memref<16xi32, #tpu.memory_space<vmem>>
        %dma_start3A_130 = arith.constant 0 : i32
        %dma_start3A_131 = arith.constant 0 : i32
        %dma_start3A_132 = tpu.memref_slice %arg3[%dma_start3A_130, %dma_start3A_131] : memref<320000x128xf32, #tpu.memory_space<hbm>> -> memref<320000x128xf32, #tpu.memory_space<hbm>>
        tpu.enqueue_indirect_dma source(%dma_start3A_132 : memref<320000x128xf32, #tpu.memory_space<hbm>>) target(%dma_start3A_127 : memref<16x128xf32, #tpu.memory_space<vmem>>) offsets(%dma_start3A_129 : memref<16xi32, #tpu.memory_space<vmem>>) semaphore(%arg19 : memref<!tpu.dma_semaphore, #tpu.memory_space<semaphore_mem>>)
        %dma_start3A_133 = arith.constant 16 : i32
        %dma_start3A_134 = arith.constant 0 : i32
        %dma_start3A_135 = tpu.memref_slice %arg13[%dma_start3A_133, %dma_start3A_134] : memref<32x128xf32, #tpu.memory_space<vmem>> -> memref<16x128xf32, #tpu.memory_space<vmem>>
        %dma_start3A_136 = arith.constant 0 : i32
        %dma_start3A_137 = arith.constant 0 : i32
        %dma_start3A_138 = tpu.memref_slice %arg2[%dma_start3A_136, %dma_start3A_137] : memref<10000x128xf32, #tpu.memory_space<hbm>> -> memref<10000x128xf32, #tpu.memory_space<hbm>>
        tpu.enqueue_indirect_dma source(%dma_start3A_138 : memref<10000x128xf32, #tpu.memory_space<hbm>>) target(%dma_start3A_135 : memref<16x128xf32, #tpu.memory_space<vmem>>) offsets(%shift_right_logical3A_115 : vector<16xi32>) semaphore(%arg20 : memref<!tpu.dma_semaphore, #tpu.memory_space<semaphore_mem>>)
      } else {
      }
      %min3A = arith.constant 32 : i32
      %min3A_105 = arith.minsi %scan3A_73, %min3A : i32
      scf.yield %min3A_105 : i32
    }
    %scan3A_41 = arith.constant 625 : i32
    %gt3A = arith.constant 0 : i32
    %gt3A_42 = arith.cmpi sgt, %scan3A_40, %gt3A : i32
    %convert_element_type3A = arith.extui %gt3A_42 : i1 to i32
    %cond3A = arith.constant 0 : i32
    %cond3A_43 = arith.cmpi ne, %convert_element_type3A, %cond3A : i32
    scf.if %cond3A_43 {
      %dma_wait3A = arith.constant 0 : i32
      %dma_wait3A_52 = arith.constant 0 : i32
      %dma_wait3A_53 = tpu.memref_slice %arg12[%dma_wait3A, %dma_wait3A_52] : memref<32x128xf32, #tpu.memory_space<vmem>> -> memref<16x128xf32, #tpu.memory_space<vmem>>
      %dma_wait3A_54 = arith.constant 0 : i32
      %dma_wait3A_55 = tpu.memref_slice %arg10[%dma_wait3A_54] : memref<528xi32, #tpu.memory_space<vmem>> -> memref<16xi32, #tpu.memory_space<vmem>>
      %dma_wait3A_56 = arith.constant 0 : i32
      %dma_wait3A_57 = arith.constant 0 : i32
      %dma_wait3A_58 = tpu.memref_slice %arg3[%dma_wait3A_56, %dma_wait3A_57] : memref<320000x128xf32, #tpu.memory_space<hbm>> -> memref<320000x128xf32, #tpu.memory_space<hbm>>
      tpu.wait_indirect_dma semaphore(%arg19 : memref<!tpu.dma_semaphore, #tpu.memory_space<semaphore_mem>>) src(%dma_wait3A_58 : memref<320000x128xf32, #tpu.memory_space<hbm>>) dst(%dma_wait3A_53 : memref<16x128xf32, #tpu.memory_space<vmem>>)
      %dma_wait3A_59 = arith.constant 0 : i32
      %dma_wait3A_60 = arith.constant 0 : i32
      %dma_wait3A_61 = tpu.memref_slice %arg13[%dma_wait3A_59, %dma_wait3A_60] : memref<32x128xf32, #tpu.memory_space<vmem>> -> memref<16x128xf32, #tpu.memory_space<vmem>>
      %dma_wait3A_62 = arith.constant 0 : i32
      %dma_wait3A_63 = tpu.memref_slice %arg10[%dma_wait3A_62] : memref<528xi32, #tpu.memory_space<vmem>> -> memref<16xi32, #tpu.memory_space<vmem>>
      %dma_wait3A_64 = arith.constant 0 : i32
      %dma_wait3A_65 = arith.constant 0 : i32
      %dma_wait3A_66 = tpu.memref_slice %arg3[%dma_wait3A_64, %dma_wait3A_65] : memref<320000x128xf32, #tpu.memory_space<hbm>> -> memref<320000x128xf32, #tpu.memory_space<hbm>>
      tpu.wait_indirect_dma semaphore(%arg20 : memref<!tpu.dma_semaphore, #tpu.memory_space<semaphore_mem>>) src(%dma_wait3A_66 : memref<320000x128xf32, #tpu.memory_space<hbm>>) dst(%dma_wait3A_61 : memref<16x128xf32, #tpu.memory_space<vmem>>)
      %min3A = arith.constant 16 : i32
      %min3A_67 = arith.minsi %scan3A_40, %min3A : i32
      %while3A = arith.constant 0 : i32
      %while3A_68 = arith.constant 0 : i32
      %while3A_69 = arith.subi %min3A_67, %while3A : i32
      %while3A_70 = arith.addi %while3A, %while3A_69 : i32
      %while3A_71 = arith.constant 1 : i32
      %while3A_72 = arith.divsi %while3A_69, %while3A_71 : i32
      %while3A_73 = arith.muli %while3A_72, %while3A_71 : i32
      %while3A_74 = arith.addi %while3A, %while3A_73 : i32
      %while3A_75 = arith.constant 1 : i32
      %while3A_76 = scf.for %while3A_84 = %while3A to %while3A_74 step %while3A_75 iter_args(%while3A_85 = %while3A_68) -> (i32)  : i32 {
        %get3A = arith.index_cast %while3A_84 : i32 to index
        %get3A_86 = tpu.vector_load %arg11[%get3A] {strides = array<i32>} : memref<48xi32, #tpu.memory_space<vmem>>, vector<16xi32>,
        %slice3A = vector.extract_strided_slice %get3A_86 {offsets = [0], sizes = [1], strides = [1]} : vector<16xi32> to vector<1xi32>
        %squeeze3A = vector.extract %slice3A[0] : i32 from vector<1xi32>
        %add3A_87 = arith.constant 0 : i32
        %add3A_88 = arith.addi %squeeze3A, %add3A_87 : i32
        %get3A_89 = arith.index_cast %while3A_84 : i32 to index
        %get3A_90 = arith.constant 0 : index
        %get3A_91 = tpu.vector_load %arg12[%get3A_89, %get3A_90] {strides = array<i32>} : memref<32x128xf32, #tpu.memory_space<vmem>>, vector<16xf32>,
        %get3A_92 = arith.index_cast %while3A_84 : i32 to index
        %get3A_93 = arith.constant 0 : index
        %get3A_94 = tpu.vector_load %arg13[%get3A_92, %get3A_93] {strides = array<i32>} : memref<32x128xf32, #tpu.memory_space<vmem>>, vector<16xf32>,
        %add3A_95 = arith.addf %get3A_91, %get3A_94 : vector<16xf32>
        %swap3A = arith.index_cast %add3A_88 : i32 to index
        %swap3A_96 = tpu.vector_load %arg14[%swap3A] {strides = array<i32>} : memref<40064xf32, #tpu.memory_space<vmem>>, vector<16xf32>,
        tpu.vector_store %arg14[%swap3A], %add3A_95 {add = true, strides = array<i32>} : memref<40064xf32, #tpu.memory_space<vmem>>, vector<16xf32>,
        %mul3A_97 = arith.mulf %add3A_95, %add3A_95 : vector<16xf32>
        %swap3A_98 = arith.index_cast %add3A_88 : i32 to index
        %swap3A_99 = tpu.vector_load %arg15[%swap3A_98] {strides = array<i32>} : memref<40064xf32, #tpu.memory_space<vmem>>, vector<16xf32>,
        tpu.vector_store %arg15[%swap3A_98], %mul3A_97 {add = true, strides = array<i32>} : memref<40064xf32, #tpu.memory_space<vmem>>, vector<16xf32>,
        %get3A_100 = arith.index_cast %add3A_88 : i32 to index
        %get3A_101 = tpu.vector_load %arg16[%get3A_100] {strides = array<i32>} : memref<40064xf32, #tpu.memory_space<vmem>>, vector<16xf32>,
        %max3A = arith.maximumf %get3A_101, %add3A_95 : vector<16xf32>
        %swap3A_102 = arith.index_cast %add3A_88 : i32 to index
        %swap3A_103 = tpu.vector_load %arg16[%swap3A_102] {strides = array<i32>} : memref<40064xf32, #tpu.memory_space<vmem>>, vector<16xf32>,
        tpu.vector_store %arg16[%swap3A_102], %max3A {strides = array<i32>} : memref<40064xf32, #tpu.memory_space<vmem>>, vector<16xf32>,
        %add3A_104 = arith.constant 16 : i32
        %add3A_105 = arith.addi %squeeze3A, %add3A_104 : i32
        %get3A_106 = arith.index_cast %while3A_84 : i32 to index
        %get3A_107 = arith.constant 16 : index
        %get3A_108 = tpu.vector_load %arg12[%get3A_106, %get3A_107] {strides = array<i32>} : memref<32x128xf32, #tpu.memory_space<vmem>>, vector<16xf32>,
        %get3A_109 = arith.index_cast %while3A_84 : i32 to index
        %get3A_110 = arith.constant 16 : index
        %get3A_111 = tpu.vector_load %arg13[%get3A_109, %get3A_110] {strides = array<i32>} : memref<32x128xf32, #tpu.memory_space<vmem>>, vector<16xf32>,
        %add3A_112 = arith.addf %get3A_108, %get3A_111 : vector<16xf32>
        %swap3A_113 = arith.index_cast %add3A_105 : i32 to index
        %swap3A_114 = tpu.vector_load %arg14[%swap3A_113] {strides = array<i32>} : memref<40064xf32, #tpu.memory_space<vmem>>, vector<16xf32>,
        tpu.vector_store %arg14[%swap3A_113], %add3A_112 {add = true, strides = array<i32>} : memref<40064xf32, #tpu.memory_space<vmem>>, vector<16xf32>,
        %mul3A_115 = arith.mulf %add3A_112, %add3A_112 : vector<16xf32>
        %swap3A_116 = arith.index_cast %add3A_105 : i32 to index
        %swap3A_117 = tpu.vector_load %arg15[%swap3A_116] {strides = array<i32>} : memref<40064xf32, #tpu.memory_space<vmem>>, vector<16xf32>,
        tpu.vector_store %arg15[%swap3A_116], %mul3A_115 {add = true, strides = array<i32>} : memref<40064xf32, #tpu.memory_space<vmem>>, vector<16xf32>,
        %get3A_118 = arith.index_cast %add3A_105 : i32 to index
        %get3A_119 = tpu.vector_load %arg16[%get3A_118] {strides = array<i32>} : memref<40064xf32, #tpu.memory_space<vmem>>, vector<16xf32>,
        %max3A_120 = arith.maximumf %get3A_119, %add3A_112 : vector<16xf32>
        %swap3A_121 = arith.index_cast %add3A_105 : i32 to index
        %swap3A_122 = tpu.vector_load %arg16[%swap3A_121] {strides = array<i32>} : memref<40064xf32, #tpu.memory_space<vmem>>, vector<16xf32>,
        tpu.vector_store %arg16[%swap3A_121], %max3A_120 {strides = array<i32>} : memref<40064xf32, #tpu.memory_space<vmem>>, vector<16xf32>,
        %add3A_123 = arith.constant 32 : i32
        %add3A_124 = arith.addi %squeeze3A, %add3A_123 : i32
        %get3A_125 = arith.index_cast %while3A_84 : i32 to index
        %get3A_126 = arith.constant 32 : index
        %get3A_127 = tpu.vector_load %arg12[%get3A_125, %get3A_126] {strides = array<i32>} : memref<32x128xf32, #tpu.memory_space<vmem>>, vector<16xf32>,
        %get3A_128 = arith.index_cast %while3A_84 : i32 to index
        %get3A_129 = arith.constant 32 : index
        %get3A_130 = tpu.vector_load %arg13[%get3A_128, %get3A_129] {strides = array<i32>} : memref<32x128xf32, #tpu.memory_space<vmem>>, vector<16xf32>,
        %add3A_131 = arith.addf %get3A_127, %get3A_130 : vector<16xf32>
        %swap3A_132 = arith.index_cast %add3A_124 : i32 to index
        %swap3A_133 = tpu.vector_load %arg14[%swap3A_132] {strides = array<i32>} : memref<40064xf32, #tpu.memory_space<vmem>>, vector<16xf32>,
        tpu.vector_store %arg14[%swap3A_132], %add3A_131 {add = true, strides = array<i32>} : memref<40064xf32, #tpu.memory_space<vmem>>, vector<16xf32>,
        %mul3A_134 = arith.mulf %add3A_131, %add3A_131 : vector<16xf32>
        %swap3A_135 = arith.index_cast %add3A_124 : i32 to index
        %swap3A_136 = tpu.vector_load %arg15[%swap3A_135] {strides = array<i32>} : memref<40064xf32, #tpu.memory_space<vmem>>, vector<16xf32>,
        tpu.vector_store %arg15[%swap3A_135], %mul3A_134 {add = true, strides = array<i32>} : memref<40064xf32, #tpu.memory_space<vmem>>, vector<16xf32>,
        %get3A_137 = arith.index_cast %add3A_124 : i32 to index
        %get3A_138 = tpu.vector_load %arg16[%get3A_137] {strides = array<i32>} : memref<40064xf32, #tpu.memory_space<vmem>>, vector<16xf32>,
        %max3A_139 = arith.maximumf %get3A_138, %add3A_131 : vector<16xf32>
        %swap3A_140 = arith.index_cast %add3A_124 : i32 to index
        %swap3A_141 = tpu.vector_load %arg16[%swap3A_140] {strides = array<i32>} : memref<40064xf32, #tpu.memory_space<vmem>>, vector<16xf32>,
        tpu.vector_store %arg16[%swap3A_140], %max3A_139 {strides = array<i32>} : memref<40064xf32, #tpu.memory_space<vmem>>, vector<16xf32>,
        %add3A_142 = arith.constant 48 : i32
        %add3A_143 = arith.addi %squeeze3A, %add3A_142 : i32
        %get3A_144 = arith.index_cast %while3A_84 : i32 to index
        %get3A_145 = arith.constant 48 : index
        %get3A_146 = tpu.vector_load %arg12[%get3A_144, %get3A_145] {strides = array<i32>} : memref<32x128xf32, #tpu.memory_space<vmem>>, vector<16xf32>,
        %get3A_147 = arith.index_cast %while3A_84 : i32 to index
        %get3A_148 = arith.constant 48 : index
        %get3A_149 = tpu.vector_load %arg13[%get3A_147, %get3A_148] {strides = array<i32>} : memref<32x128xf32, #tpu.memory_space<vmem>>, vector<16xf32>,
        %add3A_150 = arith.addf %get3A_146, %get3A_149 : vector<16xf32>
        %swap3A_151 = arith.index_cast %add3A_143 : i32 to index
        %swap3A_152 = tpu.vector_load %arg14[%swap3A_151] {strides = array<i32>} : memref<40064xf32, #tpu.memory_space<vmem>>, vector<16xf32>,
        tpu.vector_store %arg14[%swap3A_151], %add3A_150 {add = true, strides = array<i32>} : memref<40064xf32, #tpu.memory_space<vmem>>, vector<16xf32>,
        %mul3A_153 = arith.mulf %add3A_150, %add3A_150 : vector<16xf32>
        %swap3A_154 = arith.index_cast %add3A_143 : i32 to index
        %swap3A_155 = tpu.vector_load %arg15[%swap3A_154] {strides = array<i32>} : memref<40064xf32, #tpu.memory_space<vmem>>, vector<16xf32>,
        tpu.vector_store %arg15[%swap3A_154], %mul3A_153 {add = true, strides = array<i32>} : memref<40064xf32, #tpu.memory_space<vmem>>, vector<16xf32>,
        %get3A_156 = arith.index_cast %add3A_143 : i32 to index
        %get3A_157 = tpu.vector_load %arg16[%get3A_156] {strides = array<i32>} : memref<40064xf32, #tpu.memory_space<vmem>>, vector<16xf32>,
        %max3A_158 = arith.maximumf %get3A_157, %add3A_150 : vector<16xf32>
        %swap3A_159 = arith.index_cast %add3A_143 : i32 to index
        %swap3A_160 = tpu.vector_load %arg16[%swap3A_159] {strides = array<i32>} : memref<40064xf32, #tpu.memory_space<vmem>>, vector<16xf32>,
        tpu.vector_store %arg16[%swap3A_159], %max3A_158 {strides = array<i32>} : memref<40064xf32, #tpu.memory_space<vmem>>, vector<16xf32>,
        %add3A_161 = arith.constant 64 : i32
        %add3A_162 = arith.addi %squeeze3A, %add3A_161 : i32
        %get3A_163 = arith.index_cast %while3A_84 : i32 to index
        %get3A_164 = arith.constant 64 : index
        %get3A_165 = tpu.vector_load %arg12[%get3A_163, %get3A_164] {strides = array<i32>} : memref<32x128xf32, #tpu.memory_space<vmem>>, vector<16xf32>,
        %get3A_166 = arith.index_cast %while3A_84 : i32 to index
        %get3A_167 = arith.constant 64 : index
        %get3A_168 = tpu.vector_load %arg13[%get3A_166, %get3A_167] {strides = array<i32>} : memref<32x128xf32, #tpu.memory_space<vmem>>, vector<16xf32>,
        %add3A_169 = arith.addf %get3A_165, %get3A_168 : vector<16xf32>
        %swap3A_170 = arith.index_cast %add3A_162 : i32 to index
        %swap3A_171 = tpu.vector_load %arg14[%swap3A_170] {strides = array<i32>} : memref<40064xf32, #tpu.memory_space<vmem>>, vector<16xf32>,
        tpu.vector_store %arg14[%swap3A_170], %add3A_169 {add = true, strides = array<i32>} : memref<40064xf32, #tpu.memory_space<vmem>>, vector<16xf32>,
        %mul3A_172 = arith.mulf %add3A_169, %add3A_169 : vector<16xf32>
        %swap3A_173 = arith.index_cast %add3A_162 : i32 to index
        %swap3A_174 = tpu.vector_load %arg15[%swap3A_173] {strides = array<i32>} : memref<40064xf32, #tpu.memory_space<vmem>>, vector<16xf32>,
        tpu.vector_store %arg15[%swap3A_173], %mul3A_172 {add = true, strides = array<i32>} : memref<40064xf32, #tpu.memory_space<vmem>>, vector<16xf32>,
        %get3A_175 = arith.index_cast %add3A_162 : i32 to index
        %get3A_176 = tpu.vector_load %arg16[%get3A_175] {strides = array<i32>} : memref<40064xf32, #tpu.memory_space<vmem>>, vector<16xf32>,
        %max3A_177 = arith.maximumf %get3A_176, %add3A_169 : vector<16xf32>
        %swap3A_178 = arith.index_cast %add3A_162 : i32 to index
        %swap3A_179 = tpu.vector_load %arg16[%swap3A_178] {strides = array<i32>} : memref<40064xf32, #tpu.memory_space<vmem>>, vector<16xf32>,
        tpu.vector_store %arg16[%swap3A_178], %max3A_177 {strides = array<i32>} : memref<40064xf32, #tpu.memory_space<vmem>>, vector<16xf32>,
        %add3A_180 = arith.constant 80 : i32
        %add3A_181 = arith.addi %squeeze3A, %add3A_180 : i32
        %get3A_182 = arith.index_cast %while3A_84 : i32 to index
        %get3A_183 = arith.constant 80 : index
        %get3A_184 = tpu.vector_load %arg12[%get3A_182, %get3A_183] {strides = array<i32>} : memref<32x128xf32, #tpu.memory_space<vmem>>, vector<16xf32>,
        %get3A_185 = arith.index_cast %while3A_84 : i32 to index
        %get3A_186 = arith.constant 80 : index
        %get3A_187 = tpu.vector_load %arg13[%get3A_185, %get3A_186] {strides = array<i32>} : memref<32x128xf32, #tpu.memory_space<vmem>>, vector<16xf32>,
        %add3A_188 = arith.addf %get3A_184, %get3A_187 : vector<16xf32>
        %swap3A_189 = arith.index_cast %add3A_181 : i32 to index
        %swap3A_190 = tpu.vector_load %arg14[%swap3A_189] {strides = array<i32>} : memref<40064xf32, #tpu.memory_space<vmem>>, vector<16xf32>,
        tpu.vector_store %arg14[%swap3A_189], %add3A_188 {add = true, strides = array<i32>} : memref<40064xf32, #tpu.memory_space<vmem>>, vector<16xf32>,
        %mul3A_191 = arith.mulf %add3A_188, %add3A_188 : vector<16xf32>
        %swap3A_192 = arith.index_cast %add3A_181 : i32 to index
        %swap3A_193 = tpu.vector_load %arg15[%swap3A_192] {strides = array<i32>} : memref<40064xf32, #tpu.memory_space<vmem>>, vector<16xf32>,
        tpu.vector_store %arg15[%swap3A_192], %mul3A_191 {add = true, strides = array<i32>} : memref<40064xf32, #tpu.memory_space<vmem>>, vector<16xf32>,
        %get3A_194 = arith.index_cast %add3A_181 : i32 to index
        %get3A_195 = tpu.vector_load %arg16[%get3A_194] {strides = array<i32>} : memref<40064xf32, #tpu.memory_space<vmem>>, vector<16xf32>,
        %max3A_196 = arith.maximumf %get3A_195, %add3A_188 : vector<16xf32>
        %swap3A_197 = arith.index_cast %add3A_181 : i32 to index
        %swap3A_198 = tpu.vector_load %arg16[%swap3A_197] {strides = array<i32>} : memref<40064xf32, #tpu.memory_space<vmem>>, vector<16xf32>,
        tpu.vector_store %arg16[%swap3A_197], %max3A_196 {strides = array<i32>} : memref<40064xf32, #tpu.memory_space<vmem>>, vector<16xf32>,
        %add3A_199 = arith.constant 96 : i32
        %add3A_200 = arith.addi %squeeze3A, %add3A_199 : i32
        %get3A_201 = arith.index_cast %while3A_84 : i32 to index
        %get3A_202 = arith.constant 96 : index
        %get3A_203 = tpu.vector_load %arg12[%get3A_201, %get3A_202] {strides = array<i32>} : memref<32x128xf32, #tpu.memory_space<vmem>>, vector<16xf32>,
        %get3A_204 = arith.index_cast %while3A_84 : i32 to index
        %get3A_205 = arith.constant 96 : index
        %get3A_206 = tpu.vector_load %arg13[%get3A_204, %get3A_205] {strides = array<i32>} : memref<32x128xf32, #tpu.memory_space<vmem>>, vector<16xf32>,
        %add3A_207 = arith.addf %get3A_203, %get3A_206 : vector<16xf32>
        %swap3A_208 = arith.index_cast %add3A_200 : i32 to index
        %swap3A_209 = tpu.vector_load %arg14[%swap3A_208] {strides = array<i32>} : memref<40064xf32, #tpu.memory_space<vmem>>, vector<16xf32>,
        tpu.vector_store %arg14[%swap3A_208], %add3A_207 {add = true, strides = array<i32>} : memref<40064xf32, #tpu.memory_space<vmem>>, vector<16xf32>,
        %mul3A_210 = arith.mulf %add3A_207, %add3A_207 : vector<16xf32>
        %swap3A_211 = arith.index_cast %add3A_200 : i32 to index
        %swap3A_212 = tpu.vector_load %arg15[%swap3A_211] {strides = array<i32>} : memref<40064xf32, #tpu.memory_space<vmem>>, vector<16xf32>,
        tpu.vector_store %arg15[%swap3A_211], %mul3A_210 {add = true, strides = array<i32>} : memref<40064xf32, #tpu.memory_space<vmem>>, vector<16xf32>,
        %get3A_213 = arith.index_cast %add3A_200 : i32 to index
        %get3A_214 = tpu.vector_load %arg16[%get3A_213] {strides = array<i32>} : memref<40064xf32, #tpu.memory_space<vmem>>, vector<16xf32>,
        %max3A_215 = arith.maximumf %get3A_214, %add3A_207 : vector<16xf32>
        %swap3A_216 = arith.index_cast %add3A_200 : i32 to index
        %swap3A_217 = tpu.vector_load %arg16[%swap3A_216] {strides = array<i32>} : memref<40064xf32, #tpu.memory_space<vmem>>, vector<16xf32>,
        tpu.vector_store %arg16[%swap3A_216], %max3A_215 {strides = array<i32>} : memref<40064xf32, #tpu.memory_space<vmem>>, vector<16xf32>,
        %add3A_218 = arith.constant 112 : i32
        %add3A_219 = arith.addi %squeeze3A, %add3A_218 : i32
        %get3A_220 = arith.index_cast %while3A_84 : i32 to index
        %get3A_221 = arith.constant 112 : index
        %get3A_222 = tpu.vector_load %arg12[%get3A_220, %get3A_221] {strides = array<i32>} : memref<32x128xf32, #tpu.memory_space<vmem>>, vector<16xf32>,
        %get3A_223 = arith.index_cast %while3A_84 : i32 to index
        %get3A_224 = arith.constant 112 : index
        %get3A_225 = tpu.vector_load %arg13[%get3A_223, %get3A_224] {strides = array<i32>} : memref<32x128xf32, #tpu.memory_space<vmem>>, vector<16xf32>,
        %add3A_226 = arith.addf %get3A_222, %get3A_225 : vector<16xf32>
        %swap3A_227 = arith.index_cast %add3A_219 : i32 to index
        %swap3A_228 = tpu.vector_load %arg14[%swap3A_227] {strides = array<i32>} : memref<40064xf32, #tpu.memory_space<vmem>>, vector<16xf32>,
        tpu.vector_store %arg14[%swap3A_227], %add3A_226 {add = true, strides = array<i32>} : memref<40064xf32, #tpu.memory_space<vmem>>, vector<16xf32>,
        %mul3A_229 = arith.mulf %add3A_226, %add3A_226 : vector<16xf32>
        %swap3A_230 = arith.index_cast %add3A_219 : i32 to index
        %swap3A_231 = tpu.vector_load %arg15[%swap3A_230] {strides = array<i32>} : memref<40064xf32, #tpu.memory_space<vmem>>, vector<16xf32>,
        tpu.vector_store %arg15[%swap3A_230], %mul3A_229 {add = true, strides = array<i32>} : memref<40064xf32, #tpu.memory_space<vmem>>, vector<16xf32>,
        %get3A_232 = arith.index_cast %add3A_219 : i32 to index
        %get3A_233 = tpu.vector_load %arg16[%get3A_232] {strides = array<i32>} : memref<40064xf32, #tpu.memory_space<vmem>>, vector<16xf32>,
        %max3A_234 = arith.maximumf %get3A_233, %add3A_226 : vector<16xf32>
        %swap3A_235 = arith.index_cast %add3A_219 : i32 to index
        %swap3A_236 = tpu.vector_load %arg16[%swap3A_235] {strides = array<i32>} : memref<40064xf32, #tpu.memory_space<vmem>>, vector<16xf32>,
        tpu.vector_store %arg16[%swap3A_235], %max3A_234 {strides = array<i32>} : memref<40064xf32, #tpu.memory_space<vmem>>, vector<16xf32>,
        %shift_right_logical3A = arith.constant 7 : i32
        %shift_right_logical3A_237 = arith.shrui %squeeze3A, %shift_right_logical3A : i32
        %and3A = arith.constant 15 : i32
        %and3A_238 = arith.andi %shift_right_logical3A_237, %and3A : i32
        %sub3A = arith.subi %shift_right_logical3A_237, %and3A_238 : i32
        %eq3A = vector.broadcast %and3A_238 : i32 to vector<16xi32>
        %eq3A_239 = arith.cmpi eq, %iota3A, %eq3A : vector<16xi32>
        %jit3A = arith.constant 1.000000e+00 : f32
        %jit3A_240 = arith.constant 0.000000e+00 : f32
        %broadcast_in_dim3A_241 = vector.broadcast %jit3A : f32 to vector<16xf32>
        %broadcast_in_dim3A_242 = vector.broadcast %jit3A_240 : f32 to vector<16xf32>
        %select_n3A = arith.select %eq3A_239, %broadcast_in_dim3A_241, %broadcast_in_dim3A_242 : vector<16xi1>, vector<16xf32>
        %swap3A_243 = arith.index_cast %sub3A : i32 to index
        %swap3A_244 = tpu.vector_load %arg17[%swap3A_243] {strides = array<i32>} : memref<320xf32, #tpu.memory_space<vmem>>, vector<16xf32>,
        tpu.vector_store %arg17[%swap3A_243], %select_n3A {add = true, strides = array<i32>} : memref<320xf32, #tpu.memory_space<vmem>>, vector<16xf32>,
        %while3A_245 = arith.constant 0 : i32
        scf.yield %while3A_245 : i32
      }
      %while3A_77 = arith.constant 1 : i32
      %while3A_78 = scf.for %while3A_84 = %while3A_74 to %while3A_70 step %while3A_77 iter_args(%while3A_85 = %while3A_76) -> (i32)  : i32 {
        %get3A = arith.index_cast %while3A_84 : i32 to index
        %get3A_86 = tpu.vector_load %arg11[%get3A] {strides = array<i32>} : memref<48xi32, #tpu.memory_space<vmem>>, vector<16xi32>,
        %slice3A = vector.extract_strided_slice %get3A_86 {offsets = [0], sizes = [1], strides = [1]} : vector<16xi32> to vector<1xi32>
        %squeeze3A = vector.extract %slice3A[0] : i32 from vector<1xi32>
        %add3A_87 = arith.constant 0 : i32
        %add3A_88 = arith.addi %squeeze3A, %add3A_87 : i32
        %get3A_89 = arith.index_cast %while3A_84 : i32 to index
        %get3A_90 = arith.constant 0 : index
        %get3A_91 = tpu.vector_load %arg12[%get3A_89, %get3A_90] {strides = array<i32>} : memref<32x128xf32, #tpu.memory_space<vmem>>, vector<16xf32>,
        %get3A_92 = arith.index_cast %while3A_84 : i32 to index
        %get3A_93 = arith.constant 0 : index
        %get3A_94 = tpu.vector_load %arg13[%get3A_92, %get3A_93] {strides = array<i32>} : memref<32x128xf32, #tpu.memory_space<vmem>>, vector<16xf32>,
        %add3A_95 = arith.addf %get3A_91, %get3A_94 : vector<16xf32>
        %swap3A = arith.index_cast %add3A_88 : i32 to index
        %swap3A_96 = tpu.vector_load %arg14[%swap3A] {strides = array<i32>} : memref<40064xf32, #tpu.memory_space<vmem>>, vector<16xf32>,
        tpu.vector_store %arg14[%swap3A], %add3A_95 {add = true, strides = array<i32>} : memref<40064xf32, #tpu.memory_space<vmem>>, vector<16xf32>,
        %mul3A_97 = arith.mulf %add3A_95, %add3A_95 : vector<16xf32>
        %swap3A_98 = arith.index_cast %add3A_88 : i32 to index
        %swap3A_99 = tpu.vector_load %arg15[%swap3A_98] {strides = array<i32>} : memref<40064xf32, #tpu.memory_space<vmem>>, vector<16xf32>,
        tpu.vector_store %arg15[%swap3A_98], %mul3A_97 {add = true, strides = array<i32>} : memref<40064xf32, #tpu.memory_space<vmem>>, vector<16xf32>,
        %get3A_100 = arith.index_cast %add3A_88 : i32 to index
        %get3A_101 = tpu.vector_load %arg16[%get3A_100] {strides = array<i32>} : memref<40064xf32, #tpu.memory_space<vmem>>, vector<16xf32>,
        %max3A = arith.maximumf %get3A_101, %add3A_95 : vector<16xf32>
        %swap3A_102 = arith.index_cast %add3A_88 : i32 to index
        %swap3A_103 = tpu.vector_load %arg16[%swap3A_102] {strides = array<i32>} : memref<40064xf32, #tpu.memory_space<vmem>>, vector<16xf32>,
        tpu.vector_store %arg16[%swap3A_102], %max3A {strides = array<i32>} : memref<40064xf32, #tpu.memory_space<vmem>>, vector<16xf32>,
        %add3A_104 = arith.constant 16 : i32
        %add3A_105 = arith.addi %squeeze3A, %add3A_104 : i32
        %get3A_106 = arith.index_cast %while3A_84 : i32 to index
        %get3A_107 = arith.constant 16 : index
        %get3A_108 = tpu.vector_load %arg12[%get3A_106, %get3A_107] {strides = array<i32>} : memref<32x128xf32, #tpu.memory_space<vmem>>, vector<16xf32>,
        %get3A_109 = arith.index_cast %while3A_84 : i32 to index
        %get3A_110 = arith.constant 16 : index
        %get3A_111 = tpu.vector_load %arg13[%get3A_109, %get3A_110] {strides = array<i32>} : memref<32x128xf32, #tpu.memory_space<vmem>>, vector<16xf32>,
        %add3A_112 = arith.addf %get3A_108, %get3A_111 : vector<16xf32>
        %swap3A_113 = arith.index_cast %add3A_105 : i32 to index
        %swap3A_114 = tpu.vector_load %arg14[%swap3A_113] {strides = array<i32>} : memref<40064xf32, #tpu.memory_space<vmem>>, vector<16xf32>,
        tpu.vector_store %arg14[%swap3A_113], %add3A_112 {add = true, strides = array<i32>} : memref<40064xf32, #tpu.memory_space<vmem>>, vector<16xf32>,
        %mul3A_115 = arith.mulf %add3A_112, %add3A_112 : vector<16xf32>
        %swap3A_116 = arith.index_cast %add3A_105 : i32 to index
        %swap3A_117 = tpu.vector_load %arg15[%swap3A_116] {strides = array<i32>} : memref<40064xf32, #tpu.memory_space<vmem>>, vector<16xf32>,
        tpu.vector_store %arg15[%swap3A_116], %mul3A_115 {add = true, strides = array<i32>} : memref<40064xf32, #tpu.memory_space<vmem>>, vector<16xf32>,
        %get3A_118 = arith.index_cast %add3A_105 : i32 to index
        %get3A_119 = tpu.vector_load %arg16[%get3A_118] {strides = array<i32>} : memref<40064xf32, #tpu.memory_space<vmem>>, vector<16xf32>,
        %max3A_120 = arith.maximumf %get3A_119, %add3A_112 : vector<16xf32>
        %swap3A_121 = arith.index_cast %add3A_105 : i32 to index
        %swap3A_122 = tpu.vector_load %arg16[%swap3A_121] {strides = array<i32>} : memref<40064xf32, #tpu.memory_space<vmem>>, vector<16xf32>,
        tpu.vector_store %arg16[%swap3A_121], %max3A_120 {strides = array<i32>} : memref<40064xf32, #tpu.memory_space<vmem>>, vector<16xf32>,
        %add3A_123 = arith.constant 32 : i32
        %add3A_124 = arith.addi %squeeze3A, %add3A_123 : i32
        %get3A_125 = arith.index_cast %while3A_84 : i32 to index
        %get3A_126 = arith.constant 32 : index
        %get3A_127 = tpu.vector_load %arg12[%get3A_125, %get3A_126] {strides = array<i32>} : memref<32x128xf32, #tpu.memory_space<vmem>>, vector<16xf32>,
        %get3A_128 = arith.index_cast %while3A_84 : i32 to index
        %get3A_129 = arith.constant 32 : index
        %get3A_130 = tpu.vector_load %arg13[%get3A_128, %get3A_129] {strides = array<i32>} : memref<32x128xf32, #tpu.memory_space<vmem>>, vector<16xf32>,
        %add3A_131 = arith.addf %get3A_127, %get3A_130 : vector<16xf32>
        %swap3A_132 = arith.index_cast %add3A_124 : i32 to index
        %swap3A_133 = tpu.vector_load %arg14[%swap3A_132] {strides = array<i32>} : memref<40064xf32, #tpu.memory_space<vmem>>, vector<16xf32>,
        tpu.vector_store %arg14[%swap3A_132], %add3A_131 {add = true, strides = array<i32>} : memref<40064xf32, #tpu.memory_space<vmem>>, vector<16xf32>,
        %mul3A_134 = arith.mulf %add3A_131, %add3A_131 : vector<16xf32>
        %swap3A_135 = arith.index_cast %add3A_124 : i32 to index
        %swap3A_136 = tpu.vector_load %arg15[%swap3A_135] {strides = array<i32>} : memref<40064xf32, #tpu.memory_space<vmem>>, vector<16xf32>,
        tpu.vector_store %arg15[%swap3A_135], %mul3A_134 {add = true, strides = array<i32>} : memref<40064xf32, #tpu.memory_space<vmem>>, vector<16xf32>,
        %get3A_137 = arith.index_cast %add3A_124 : i32 to index
        %get3A_138 = tpu.vector_load %arg16[%get3A_137] {strides = array<i32>} : memref<40064xf32, #tpu.memory_space<vmem>>, vector<16xf32>,
        %max3A_139 = arith.maximumf %get3A_138, %add3A_131 : vector<16xf32>
        %swap3A_140 = arith.index_cast %add3A_124 : i32 to index
        %swap3A_141 = tpu.vector_load %arg16[%swap3A_140] {strides = array<i32>} : memref<40064xf32, #tpu.memory_space<vmem>>, vector<16xf32>,
        tpu.vector_store %arg16[%swap3A_140], %max3A_139 {strides = array<i32>} : memref<40064xf32, #tpu.memory_space<vmem>>, vector<16xf32>,
        %add3A_142 = arith.constant 48 : i32
        %add3A_143 = arith.addi %squeeze3A, %add3A_142 : i32
        %get3A_144 = arith.index_cast %while3A_84 : i32 to index
        %get3A_145 = arith.constant 48 : index
        %get3A_146 = tpu.vector_load %arg12[%get3A_144, %get3A_145] {strides = array<i32>} : memref<32x128xf32, #tpu.memory_space<vmem>>, vector<16xf32>,
        %get3A_147 = arith.index_cast %while3A_84 : i32 to index
        %get3A_148 = arith.constant 48 : index
        %get3A_149 = tpu.vector_load %arg13[%get3A_147, %get3A_148] {strides = array<i32>} : memref<32x128xf32, #tpu.memory_space<vmem>>, vector<16xf32>,
        %add3A_150 = arith.addf %get3A_146, %get3A_149 : vector<16xf32>
        %swap3A_151 = arith.index_cast %add3A_143 : i32 to index
        %swap3A_152 = tpu.vector_load %arg14[%swap3A_151] {strides = array<i32>} : memref<40064xf32, #tpu.memory_space<vmem>>, vector<16xf32>,
        tpu.vector_store %arg14[%swap3A_151], %add3A_150 {add = true, strides = array<i32>} : memref<40064xf32, #tpu.memory_space<vmem>>, vector<16xf32>,
        %mul3A_153 = arith.mulf %add3A_150, %add3A_150 : vector<16xf32>
        %swap3A_154 = arith.index_cast %add3A_143 : i32 to index
        %swap3A_155 = tpu.vector_load %arg15[%swap3A_154] {strides = array<i32>} : memref<40064xf32, #tpu.memory_space<vmem>>, vector<16xf32>,
        tpu.vector_store %arg15[%swap3A_154], %mul3A_153 {add = true, strides = array<i32>} : memref<40064xf32, #tpu.memory_space<vmem>>, vector<16xf32>,
        %get3A_156 = arith.index_cast %add3A_143 : i32 to index
        %get3A_157 = tpu.vector_load %arg16[%get3A_156] {strides = array<i32>} : memref<40064xf32, #tpu.memory_space<vmem>>, vector<16xf32>,
        %max3A_158 = arith.maximumf %get3A_157, %add3A_150 : vector<16xf32>
        %swap3A_159 = arith.index_cast %add3A_143 : i32 to index
        %swap3A_160 = tpu.vector_load %arg16[%swap3A_159] {strides = array<i32>} : memref<40064xf32, #tpu.memory_space<vmem>>, vector<16xf32>,
        tpu.vector_store %arg16[%swap3A_159], %max3A_158 {strides = array<i32>} : memref<40064xf32, #tpu.memory_space<vmem>>, vector<16xf32>,
        %add3A_161 = arith.constant 64 : i32
        %add3A_162 = arith.addi %squeeze3A, %add3A_161 : i32
        %get3A_163 = arith.index_cast %while3A_84 : i32 to index
        %get3A_164 = arith.constant 64 : index
        %get3A_165 = tpu.vector_load %arg12[%get3A_163, %get3A_164] {strides = array<i32>} : memref<32x128xf32, #tpu.memory_space<vmem>>, vector<16xf32>,
        %get3A_166 = arith.index_cast %while3A_84 : i32 to index
        %get3A_167 = arith.constant 64 : index
        %get3A_168 = tpu.vector_load %arg13[%get3A_166, %get3A_167] {strides = array<i32>} : memref<32x128xf32, #tpu.memory_space<vmem>>, vector<16xf32>,
        %add3A_169 = arith.addf %get3A_165, %get3A_168 : vector<16xf32>
        %swap3A_170 = arith.index_cast %add3A_162 : i32 to index
        %swap3A_171 = tpu.vector_load %arg14[%swap3A_170] {strides = array<i32>} : memref<40064xf32, #tpu.memory_space<vmem>>, vector<16xf32>,
        tpu.vector_store %arg14[%swap3A_170], %add3A_169 {add = true, strides = array<i32>} : memref<40064xf32, #tpu.memory_space<vmem>>, vector<16xf32>,
        %mul3A_172 = arith.mulf %add3A_169, %add3A_169 : vector<16xf32>
        %swap3A_173 = arith.index_cast %add3A_162 : i32 to index
        %swap3A_174 = tpu.vector_load %arg15[%swap3A_173] {strides = array<i32>} : memref<40064xf32, #tpu.memory_space<vmem>>, vector<16xf32>,
        tpu.vector_store %arg15[%swap3A_173], %mul3A_172 {add = true, strides = array<i32>} : memref<40064xf32, #tpu.memory_space<vmem>>, vector<16xf32>,
        %get3A_175 = arith.index_cast %add3A_162 : i32 to index
        %get3A_176 = tpu.vector_load %arg16[%get3A_175] {strides = array<i32>} : memref<40064xf32, #tpu.memory_space<vmem>>, vector<16xf32>,
        %max3A_177 = arith.maximumf %get3A_176, %add3A_169 : vector<16xf32>
        %swap3A_178 = arith.index_cast %add3A_162 : i32 to index
        %swap3A_179 = tpu.vector_load %arg16[%swap3A_178] {strides = array<i32>} : memref<40064xf32, #tpu.memory_space<vmem>>, vector<16xf32>,
        tpu.vector_store %arg16[%swap3A_178], %max3A_177 {strides = array<i32>} : memref<40064xf32, #tpu.memory_space<vmem>>, vector<16xf32>,
        %add3A_180 = arith.constant 80 : i32
        %add3A_181 = arith.addi %squeeze3A, %add3A_180 : i32
        %get3A_182 = arith.index_cast %while3A_84 : i32 to index
        %get3A_183 = arith.constant 80 : index
        %get3A_184 = tpu.vector_load %arg12[%get3A_182, %get3A_183] {strides = array<i32>} : memref<32x128xf32, #tpu.memory_space<vmem>>, vector<16xf32>,
        %get3A_185 = arith.index_cast %while3A_84 : i32 to index
        %get3A_186 = arith.constant 80 : index
        %get3A_187 = tpu.vector_load %arg13[%get3A_185, %get3A_186] {strides = array<i32>} : memref<32x128xf32, #tpu.memory_space<vmem>>, vector<16xf32>,
        %add3A_188 = arith.addf %get3A_184, %get3A_187 : vector<16xf32>
        %swap3A_189 = arith.index_cast %add3A_181 : i32 to index
        %swap3A_190 = tpu.vector_load %arg14[%swap3A_189] {strides = array<i32>} : memref<40064xf32, #tpu.memory_space<vmem>>, vector<16xf32>,
        tpu.vector_store %arg14[%swap3A_189], %add3A_188 {add = true, strides = array<i32>} : memref<40064xf32, #tpu.memory_space<vmem>>, vector<16xf32>,
        %mul3A_191 = arith.mulf %add3A_188, %add3A_188 : vector<16xf32>
        %swap3A_192 = arith.index_cast %add3A_181 : i32 to index
        %swap3A_193 = tpu.vector_load %arg15[%swap3A_192] {strides = array<i32>} : memref<40064xf32, #tpu.memory_space<vmem>>, vector<16xf32>,
        tpu.vector_store %arg15[%swap3A_192], %mul3A_191 {add = true, strides = array<i32>} : memref<40064xf32, #tpu.memory_space<vmem>>, vector<16xf32>,
        %get3A_194 = arith.index_cast %add3A_181 : i32 to index
        %get3A_195 = tpu.vector_load %arg16[%get3A_194] {strides = array<i32>} : memref<40064xf32, #tpu.memory_space<vmem>>, vector<16xf32>,
        %max3A_196 = arith.maximumf %get3A_195, %add3A_188 : vector<16xf32>
        %swap3A_197 = arith.index_cast %add3A_181 : i32 to index
        %swap3A_198 = tpu.vector_load %arg16[%swap3A_197] {strides = array<i32>} : memref<40064xf32, #tpu.memory_space<vmem>>, vector<16xf32>,
        tpu.vector_store %arg16[%swap3A_197], %max3A_196 {strides = array<i32>} : memref<40064xf32, #tpu.memory_space<vmem>>, vector<16xf32>,
        %add3A_199 = arith.constant 96 : i32
        %add3A_200 = arith.addi %squeeze3A, %add3A_199 : i32
        %get3A_201 = arith.index_cast %while3A_84 : i32 to index
        %get3A_202 = arith.constant 96 : index
        %get3A_203 = tpu.vector_load %arg12[%get3A_201, %get3A_202] {strides = array<i32>} : memref<32x128xf32, #tpu.memory_space<vmem>>, vector<16xf32>,
        %get3A_204 = arith.index_cast %while3A_84 : i32 to index
        %get3A_205 = arith.constant 96 : index
        %get3A_206 = tpu.vector_load %arg13[%get3A_204, %get3A_205] {strides = array<i32>} : memref<32x128xf32, #tpu.memory_space<vmem>>, vector<16xf32>,
        %add3A_207 = arith.addf %get3A_203, %get3A_206 : vector<16xf32>
        %swap3A_208 = arith.index_cast %add3A_200 : i32 to index
        %swap3A_209 = tpu.vector_load %arg14[%swap3A_208] {strides = array<i32>} : memref<40064xf32, #tpu.memory_space<vmem>>, vector<16xf32>,
        tpu.vector_store %arg14[%swap3A_208], %add3A_207 {add = true, strides = array<i32>} : memref<40064xf32, #tpu.memory_space<vmem>>, vector<16xf32>,
        %mul3A_210 = arith.mulf %add3A_207, %add3A_207 : vector<16xf32>
        %swap3A_211 = arith.index_cast %add3A_200 : i32 to index
        %swap3A_212 = tpu.vector_load %arg15[%swap3A_211] {strides = array<i32>} : memref<40064xf32, #tpu.memory_space<vmem>>, vector<16xf32>,
        tpu.vector_store %arg15[%swap3A_211], %mul3A_210 {add = true, strides = array<i32>} : memref<40064xf32, #tpu.memory_space<vmem>>, vector<16xf32>,
        %get3A_213 = arith.index_cast %add3A_200 : i32 to index
        %get3A_214 = tpu.vector_load %arg16[%get3A_213] {strides = array<i32>} : memref<40064xf32, #tpu.memory_space<vmem>>, vector<16xf32>,
        %max3A_215 = arith.maximumf %get3A_214, %add3A_207 : vector<16xf32>
        %swap3A_216 = arith.index_cast %add3A_200 : i32 to index
        %swap3A_217 = tpu.vector_load %arg16[%swap3A_216] {strides = array<i32>} : memref<40064xf32, #tpu.memory_space<vmem>>, vector<16xf32>,
        tpu.vector_store %arg16[%swap3A_216], %max3A_215 {strides = array<i32>} : memref<40064xf32, #tpu.memory_space<vmem>>, vector<16xf32>,
        %add3A_218 = arith.constant 112 : i32
        %add3A_219 = arith.addi %squeeze3A, %add3A_218 : i32
        %get3A_220 = arith.index_cast %while3A_84 : i32 to index
        %get3A_221 = arith.constant 112 : index
        %get3A_222 = tpu.vector_load %arg12[%get3A_220, %get3A_221] {strides = array<i32>} : memref<32x128xf32, #tpu.memory_space<vmem>>, vector<16xf32>,
        %get3A_223 = arith.index_cast %while3A_84 : i32 to index
        %get3A_224 = arith.constant 112 : index
        %get3A_225 = tpu.vector_load %arg13[%get3A_223, %get3A_224] {strides = array<i32>} : memref<32x128xf32, #tpu.memory_space<vmem>>, vector<16xf32>,
        %add3A_226 = arith.addf %get3A_222, %get3A_225 : vector<16xf32>
        %swap3A_227 = arith.index_cast %add3A_219 : i32 to index
        %swap3A_228 = tpu.vector_load %arg14[%swap3A_227] {strides = array<i32>} : memref<40064xf32, #tpu.memory_space<vmem>>, vector<16xf32>,
        tpu.vector_store %arg14[%swap3A_227], %add3A_226 {add = true, strides = array<i32>} : memref<40064xf32, #tpu.memory_space<vmem>>, vector<16xf32>,
        %mul3A_229 = arith.mulf %add3A_226, %add3A_226 : vector<16xf32>
        %swap3A_230 = arith.index_cast %add3A_219 : i32 to index
        %swap3A_231 = tpu.vector_load %arg15[%swap3A_230] {strides = array<i32>} : memref<40064xf32, #tpu.memory_space<vmem>>, vector<16xf32>,
        tpu.vector_store %arg15[%swap3A_230], %mul3A_229 {add = true, strides = array<i32>} : memref<40064xf32, #tpu.memory_space<vmem>>, vector<16xf32>,
        %get3A_232 = arith.index_cast %add3A_219 : i32 to index
        %get3A_233 = tpu.vector_load %arg16[%get3A_232] {strides = array<i32>} : memref<40064xf32, #tpu.memory_space<vmem>>, vector<16xf32>,
        %max3A_234 = arith.maximumf %get3A_233, %add3A_226 : vector<16xf32>
        %swap3A_235 = arith.index_cast %add3A_219 : i32 to index
        %swap3A_236 = tpu.vector_load %arg16[%swap3A_235] {strides = array<i32>} : memref<40064xf32, #tpu.memory_space<vmem>>, vector<16xf32>,
        tpu.vector_store %arg16[%swap3A_235], %max3A_234 {strides = array<i32>} : memref<40064xf32, #tpu.memory_space<vmem>>, vector<16xf32>,
        %shift_right_logical3A = arith.constant 7 : i32
        %shift_right_logical3A_237 = arith.shrui %squeeze3A, %shift_right_logical3A : i32
        %and3A = arith.constant 15 : i32
        %and3A_238 = arith.andi %shift_right_logical3A_237, %and3A : i32
        %sub3A = arith.subi %shift_right_logical3A_237, %and3A_238 : i32
        %eq3A = vector.broadcast %and3A_238 : i32 to vector<16xi32>
        %eq3A_239 = arith.cmpi eq, %iota3A, %eq3A : vector<16xi32>
        %jit3A = arith.constant 1.000000e+00 : f32
        %jit3A_240 = arith.constant 0.000000e+00 : f32
        %broadcast_in_dim3A_241 = vector.broadcast %jit3A : f32 to vector<16xf32>
        %broadcast_in_dim3A_242 = vector.broadcast %jit3A_240 : f32 to vector<16xf32>
        %select_n3A = arith.select %eq3A_239, %broadcast_in_dim3A_241, %broadcast_in_dim3A_242 : vector<16xi1>, vector<16xf32>
        %swap3A_243 = arith.index_cast %sub3A : i32 to index
        %swap3A_244 = tpu.vector_load %arg17[%swap3A_243] {strides = array<i32>} : memref<320xf32, #tpu.memory_space<vmem>>, vector<16xf32>,
        tpu.vector_store %arg17[%swap3A_243], %select_n3A {add = true, strides = array<i32>} : memref<320xf32, #tpu.memory_space<vmem>>, vector<16xf32>,
        %while3A_245 = arith.constant 0 : i32
        scf.yield %while3A_245 : i32
      }
      %gt3A_79 = arith.constant 16 : i32
      %gt3A_80 = arith.cmpi sgt, %scan3A_40, %gt3A_79 : i32
      %convert_element_type3A_81 = arith.extui %gt3A_80 : i1 to i32
      %cond3A_82 = arith.constant 0 : i32
      %cond3A_83 = arith.cmpi ne, %convert_element_type3A_81, %cond3A_82 : i32
      scf.if %cond3A_83 {
        %dma_wait3A_84 = arith.constant 16 : i32
        %dma_wait3A_85 = arith.constant 0 : i32
        %dma_wait3A_86 = tpu.memref_slice %arg12[%dma_wait3A_84, %dma_wait3A_85] : memref<32x128xf32, #tpu.memory_space<vmem>> -> memref<16x128xf32, #tpu.memory_space<vmem>>
        %dma_wait3A_87 = arith.constant 16 : i32
        %dma_wait3A_88 = tpu.memref_slice %arg10[%dma_wait3A_87] : memref<528xi32, #tpu.memory_space<vmem>> -> memref<16xi32, #tpu.memory_space<vmem>>
        %dma_wait3A_89 = arith.constant 0 : i32
        %dma_wait3A_90 = arith.constant 0 : i32
        %dma_wait3A_91 = tpu.memref_slice %arg3[%dma_wait3A_89, %dma_wait3A_90] : memref<320000x128xf32, #tpu.memory_space<hbm>> -> memref<320000x128xf32, #tpu.memory_space<hbm>>
        tpu.wait_indirect_dma semaphore(%arg19 : memref<!tpu.dma_semaphore, #tpu.memory_space<semaphore_mem>>) src(%dma_wait3A_91 : memref<320000x128xf32, #tpu.memory_space<hbm>>) dst(%dma_wait3A_86 : memref<16x128xf32, #tpu.memory_space<vmem>>)
        %dma_wait3A_92 = arith.constant 16 : i32
        %dma_wait3A_93 = arith.constant 0 : i32
        %dma_wait3A_94 = tpu.memref_slice %arg13[%dma_wait3A_92, %dma_wait3A_93] : memref<32x128xf32, #tpu.memory_space<vmem>> -> memref<16x128xf32, #tpu.memory_space<vmem>>
        %dma_wait3A_95 = arith.constant 16 : i32
        %dma_wait3A_96 = tpu.memref_slice %arg10[%dma_wait3A_95] : memref<528xi32, #tpu.memory_space<vmem>> -> memref<16xi32, #tpu.memory_space<vmem>>
        %dma_wait3A_97 = arith.constant 0 : i32
        %dma_wait3A_98 = arith.constant 0 : i32
        %dma_wait3A_99 = tpu.memref_slice %arg3[%dma_wait3A_97, %dma_wait3A_98] : memref<320000x128xf32, #tpu.memory_space<hbm>> -> memref<320000x128xf32, #tpu.memory_space<hbm>>
        tpu.wait_indirect_dma semaphore(%arg20 : memref<!tpu.dma_semaphore, #tpu.memory_space<semaphore_mem>>) src(%dma_wait3A_99 : memref<320000x128xf32, #tpu.memory_space<hbm>>) dst(%dma_wait3A_94 : memref<16x128xf32, #tpu.memory_space<vmem>>)
        %while3A_100 = arith.constant 16 : i32
        %while3A_101 = arith.constant 0 : i32
        %while3A_102 = arith.subi %scan3A_40, %while3A_100 : i32
        %while3A_103 = arith.addi %while3A_100, %while3A_102 : i32
        %while3A_104 = arith.constant 1 : i32
        %while3A_105 = arith.divsi %while3A_102, %while3A_104 : i32
        %while3A_106 = arith.muli %while3A_105, %while3A_104 : i32
        %while3A_107 = arith.addi %while3A_100, %while3A_106 : i32
        %while3A_108 = arith.constant 1 : i32
        %while3A_109 = scf.for %while3A_112 = %while3A_100 to %while3A_107 step %while3A_108 iter_args(%while3A_113 = %while3A_101) -> (i32)  : i32 {
          %get3A = arith.index_cast %while3A_112 : i32 to index
          %get3A_114 = tpu.vector_load %arg11[%get3A] {strides = array<i32>} : memref<48xi32, #tpu.memory_space<vmem>>, vector<16xi32>,
          %slice3A = vector.extract_strided_slice %get3A_114 {offsets = [0], sizes = [1], strides = [1]} : vector<16xi32> to vector<1xi32>
          %squeeze3A = vector.extract %slice3A[0] : i32 from vector<1xi32>
          %add3A_115 = arith.constant 0 : i32
          %add3A_116 = arith.addi %squeeze3A, %add3A_115 : i32
          %get3A_117 = arith.index_cast %while3A_112 : i32 to index
          %get3A_118 = arith.constant 0 : index
          %get3A_119 = tpu.vector_load %arg12[%get3A_117, %get3A_118] {strides = array<i32>} : memref<32x128xf32, #tpu.memory_space<vmem>>, vector<16xf32>,
          %get3A_120 = arith.index_cast %while3A_112 : i32 to index
          %get3A_121 = arith.constant 0 : index
          %get3A_122 = tpu.vector_load %arg13[%get3A_120, %get3A_121] {strides = array<i32>} : memref<32x128xf32, #tpu.memory_space<vmem>>, vector<16xf32>,
          %add3A_123 = arith.addf %get3A_119, %get3A_122 : vector<16xf32>
          %swap3A = arith.index_cast %add3A_116 : i32 to index
          %swap3A_124 = tpu.vector_load %arg14[%swap3A] {strides = array<i32>} : memref<40064xf32, #tpu.memory_space<vmem>>, vector<16xf32>,
          tpu.vector_store %arg14[%swap3A], %add3A_123 {add = true, strides = array<i32>} : memref<40064xf32, #tpu.memory_space<vmem>>, vector<16xf32>,
          %mul3A_125 = arith.mulf %add3A_123, %add3A_123 : vector<16xf32>
          %swap3A_126 = arith.index_cast %add3A_116 : i32 to index
          %swap3A_127 = tpu.vector_load %arg15[%swap3A_126] {strides = array<i32>} : memref<40064xf32, #tpu.memory_space<vmem>>, vector<16xf32>,
          tpu.vector_store %arg15[%swap3A_126], %mul3A_125 {add = true, strides = array<i32>} : memref<40064xf32, #tpu.memory_space<vmem>>, vector<16xf32>,
          %get3A_128 = arith.index_cast %add3A_116 : i32 to index
          %get3A_129 = tpu.vector_load %arg16[%get3A_128] {strides = array<i32>} : memref<40064xf32, #tpu.memory_space<vmem>>, vector<16xf32>,
          %max3A = arith.maximumf %get3A_129, %add3A_123 : vector<16xf32>
          %swap3A_130 = arith.index_cast %add3A_116 : i32 to index
          %swap3A_131 = tpu.vector_load %arg16[%swap3A_130] {strides = array<i32>} : memref<40064xf32, #tpu.memory_space<vmem>>, vector<16xf32>,
          tpu.vector_store %arg16[%swap3A_130], %max3A {strides = array<i32>} : memref<40064xf32, #tpu.memory_space<vmem>>, vector<16xf32>,
          %add3A_132 = arith.constant 16 : i32
          %add3A_133 = arith.addi %squeeze3A, %add3A_132 : i32
          %get3A_134 = arith.index_cast %while3A_112 : i32 to index
          %get3A_135 = arith.constant 16 : index
          %get3A_136 = tpu.vector_load %arg12[%get3A_134, %get3A_135] {strides = array<i32>} : memref<32x128xf32, #tpu.memory_space<vmem>>, vector<16xf32>,
          %get3A_137 = arith.index_cast %while3A_112 : i32 to index
          %get3A_138 = arith.constant 16 : index
          %get3A_139 = tpu.vector_load %arg13[%get3A_137, %get3A_138] {strides = array<i32>} : memref<32x128xf32, #tpu.memory_space<vmem>>, vector<16xf32>,
          %add3A_140 = arith.addf %get3A_136, %get3A_139 : vector<16xf32>
          %swap3A_141 = arith.index_cast %add3A_133 : i32 to index
          %swap3A_142 = tpu.vector_load %arg14[%swap3A_141] {strides = array<i32>} : memref<40064xf32, #tpu.memory_space<vmem>>, vector<16xf32>,
          tpu.vector_store %arg14[%swap3A_141], %add3A_140 {add = true, strides = array<i32>} : memref<40064xf32, #tpu.memory_space<vmem>>, vector<16xf32>,
          %mul3A_143 = arith.mulf %add3A_140, %add3A_140 : vector<16xf32>
          %swap3A_144 = arith.index_cast %add3A_133 : i32 to index
          %swap3A_145 = tpu.vector_load %arg15[%swap3A_144] {strides = array<i32>} : memref<40064xf32, #tpu.memory_space<vmem>>, vector<16xf32>,
          tpu.vector_store %arg15[%swap3A_144], %mul3A_143 {add = true, strides = array<i32>} : memref<40064xf32, #tpu.memory_space<vmem>>, vector<16xf32>,
          %get3A_146 = arith.index_cast %add3A_133 : i32 to index
          %get3A_147 = tpu.vector_load %arg16[%get3A_146] {strides = array<i32>} : memref<40064xf32, #tpu.memory_space<vmem>>, vector<16xf32>,
          %max3A_148 = arith.maximumf %get3A_147, %add3A_140 : vector<16xf32>
          %swap3A_149 = arith.index_cast %add3A_133 : i32 to index
          %swap3A_150 = tpu.vector_load %arg16[%swap3A_149] {strides = array<i32>} : memref<40064xf32, #tpu.memory_space<vmem>>, vector<16xf32>,
          tpu.vector_store %arg16[%swap3A_149], %max3A_148 {strides = array<i32>} : memref<40064xf32, #tpu.memory_space<vmem>>, vector<16xf32>,
          %add3A_151 = arith.constant 32 : i32
          %add3A_152 = arith.addi %squeeze3A, %add3A_151 : i32
          %get3A_153 = arith.index_cast %while3A_112 : i32 to index
          %get3A_154 = arith.constant 32 : index
          %get3A_155 = tpu.vector_load %arg12[%get3A_153, %get3A_154] {strides = array<i32>} : memref<32x128xf32, #tpu.memory_space<vmem>>, vector<16xf32>,
          %get3A_156 = arith.index_cast %while3A_112 : i32 to index
          %get3A_157 = arith.constant 32 : index
          %get3A_158 = tpu.vector_load %arg13[%get3A_156, %get3A_157] {strides = array<i32>} : memref<32x128xf32, #tpu.memory_space<vmem>>, vector<16xf32>,
          %add3A_159 = arith.addf %get3A_155, %get3A_158 : vector<16xf32>
          %swap3A_160 = arith.index_cast %add3A_152 : i32 to index
          %swap3A_161 = tpu.vector_load %arg14[%swap3A_160] {strides = array<i32>} : memref<40064xf32, #tpu.memory_space<vmem>>, vector<16xf32>,
          tpu.vector_store %arg14[%swap3A_160], %add3A_159 {add = true, strides = array<i32>} : memref<40064xf32, #tpu.memory_space<vmem>>, vector<16xf32>,
          %mul3A_162 = arith.mulf %add3A_159, %add3A_159 : vector<16xf32>
          %swap3A_163 = arith.index_cast %add3A_152 : i32 to index
          %swap3A_164 = tpu.vector_load %arg15[%swap3A_163] {strides = array<i32>} : memref<40064xf32, #tpu.memory_space<vmem>>, vector<16xf32>,
          tpu.vector_store %arg15[%swap3A_163], %mul3A_162 {add = true, strides = array<i32>} : memref<40064xf32, #tpu.memory_space<vmem>>, vector<16xf32>,
          %get3A_165 = arith.index_cast %add3A_152 : i32 to index
          %get3A_166 = tpu.vector_load %arg16[%get3A_165] {strides = array<i32>} : memref<40064xf32, #tpu.memory_space<vmem>>, vector<16xf32>,
          %max3A_167 = arith.maximumf %get3A_166, %add3A_159 : vector<16xf32>
          %swap3A_168 = arith.index_cast %add3A_152 : i32 to index
          %swap3A_169 = tpu.vector_load %arg16[%swap3A_168] {strides = array<i32>} : memref<40064xf32, #tpu.memory_space<vmem>>, vector<16xf32>,
          tpu.vector_store %arg16[%swap3A_168], %max3A_167 {strides = array<i32>} : memref<40064xf32, #tpu.memory_space<vmem>>, vector<16xf32>,
          %add3A_170 = arith.constant 48 : i32
          %add3A_171 = arith.addi %squeeze3A, %add3A_170 : i32
          %get3A_172 = arith.index_cast %while3A_112 : i32 to index
          %get3A_173 = arith.constant 48 : index
          %get3A_174 = tpu.vector_load %arg12[%get3A_172, %get3A_173] {strides = array<i32>} : memref<32x128xf32, #tpu.memory_space<vmem>>, vector<16xf32>,
          %get3A_175 = arith.index_cast %while3A_112 : i32 to index
          %get3A_176 = arith.constant 48 : index
          %get3A_177 = tpu.vector_load %arg13[%get3A_175, %get3A_176] {strides = array<i32>} : memref<32x128xf32, #tpu.memory_space<vmem>>, vector<16xf32>,
          %add3A_178 = arith.addf %get3A_174, %get3A_177 : vector<16xf32>
          %swap3A_179 = arith.index_cast %add3A_171 : i32 to index
          %swap3A_180 = tpu.vector_load %arg14[%swap3A_179] {strides = array<i32>} : memref<40064xf32, #tpu.memory_space<vmem>>, vector<16xf32>,
          tpu.vector_store %arg14[%swap3A_179], %add3A_178 {add = true, strides = array<i32>} : memref<40064xf32, #tpu.memory_space<vmem>>, vector<16xf32>,
          %mul3A_181 = arith.mulf %add3A_178, %add3A_178 : vector<16xf32>
          %swap3A_182 = arith.index_cast %add3A_171 : i32 to index
          %swap3A_183 = tpu.vector_load %arg15[%swap3A_182] {strides = array<i32>} : memref<40064xf32, #tpu.memory_space<vmem>>, vector<16xf32>,
          tpu.vector_store %arg15[%swap3A_182], %mul3A_181 {add = true, strides = array<i32>} : memref<40064xf32, #tpu.memory_space<vmem>>, vector<16xf32>,
          %get3A_184 = arith.index_cast %add3A_171 : i32 to index
          %get3A_185 = tpu.vector_load %arg16[%get3A_184] {strides = array<i32>} : memref<40064xf32, #tpu.memory_space<vmem>>, vector<16xf32>,
          %max3A_186 = arith.maximumf %get3A_185, %add3A_178 : vector<16xf32>
          %swap3A_187 = arith.index_cast %add3A_171 : i32 to index
          %swap3A_188 = tpu.vector_load %arg16[%swap3A_187] {strides = array<i32>} : memref<40064xf32, #tpu.memory_space<vmem>>, vector<16xf32>,
          tpu.vector_store %arg16[%swap3A_187], %max3A_186 {strides = array<i32>} : memref<40064xf32, #tpu.memory_space<vmem>>, vector<16xf32>,
          %add3A_189 = arith.constant 64 : i32
          %add3A_190 = arith.addi %squeeze3A, %add3A_189 : i32
          %get3A_191 = arith.index_cast %while3A_112 : i32 to index
          %get3A_192 = arith.constant 64 : index
          %get3A_193 = tpu.vector_load %arg12[%get3A_191, %get3A_192] {strides = array<i32>} : memref<32x128xf32, #tpu.memory_space<vmem>>, vector<16xf32>,
          %get3A_194 = arith.index_cast %while3A_112 : i32 to index
          %get3A_195 = arith.constant 64 : index
          %get3A_196 = tpu.vector_load %arg13[%get3A_194, %get3A_195] {strides = array<i32>} : memref<32x128xf32, #tpu.memory_space<vmem>>, vector<16xf32>,
          %add3A_197 = arith.addf %get3A_193, %get3A_196 : vector<16xf32>
          %swap3A_198 = arith.index_cast %add3A_190 : i32 to index
          %swap3A_199 = tpu.vector_load %arg14[%swap3A_198] {strides = array<i32>} : memref<40064xf32, #tpu.memory_space<vmem>>, vector<16xf32>,
          tpu.vector_store %arg14[%swap3A_198], %add3A_197 {add = true, strides = array<i32>} : memref<40064xf32, #tpu.memory_space<vmem>>, vector<16xf32>,
          %mul3A_200 = arith.mulf %add3A_197, %add3A_197 : vector<16xf32>
          %swap3A_201 = arith.index_cast %add3A_190 : i32 to index
          %swap3A_202 = tpu.vector_load %arg15[%swap3A_201] {strides = array<i32>} : memref<40064xf32, #tpu.memory_space<vmem>>, vector<16xf32>,
          tpu.vector_store %arg15[%swap3A_201], %mul3A_200 {add = true, strides = array<i32>} : memref<40064xf32, #tpu.memory_space<vmem>>, vector<16xf32>,
          %get3A_203 = arith.index_cast %add3A_190 : i32 to index
          %get3A_204 = tpu.vector_load %arg16[%get3A_203] {strides = array<i32>} : memref<40064xf32, #tpu.memory_space<vmem>>, vector<16xf32>,
          %max3A_205 = arith.maximumf %get3A_204, %add3A_197 : vector<16xf32>
          %swap3A_206 = arith.index_cast %add3A_190 : i32 to index
          %swap3A_207 = tpu.vector_load %arg16[%swap3A_206] {strides = array<i32>} : memref<40064xf32, #tpu.memory_space<vmem>>, vector<16xf32>,
          tpu.vector_store %arg16[%swap3A_206], %max3A_205 {strides = array<i32>} : memref<40064xf32, #tpu.memory_space<vmem>>, vector<16xf32>,
          %add3A_208 = arith.constant 80 : i32
          %add3A_209 = arith.addi %squeeze3A, %add3A_208 : i32
          %get3A_210 = arith.index_cast %while3A_112 : i32 to index
          %get3A_211 = arith.constant 80 : index
          %get3A_212 = tpu.vector_load %arg12[%get3A_210, %get3A_211] {strides = array<i32>} : memref<32x128xf32, #tpu.memory_space<vmem>>, vector<16xf32>,
          %get3A_213 = arith.index_cast %while3A_112 : i32 to index
          %get3A_214 = arith.constant 80 : index
          %get3A_215 = tpu.vector_load %arg13[%get3A_213, %get3A_214] {strides = array<i32>} : memref<32x128xf32, #tpu.memory_space<vmem>>, vector<16xf32>,
          %add3A_216 = arith.addf %get3A_212, %get3A_215 : vector<16xf32>
          %swap3A_217 = arith.index_cast %add3A_209 : i32 to index
          %swap3A_218 = tpu.vector_load %arg14[%swap3A_217] {strides = array<i32>} : memref<40064xf32, #tpu.memory_space<vmem>>, vector<16xf32>,
          tpu.vector_store %arg14[%swap3A_217], %add3A_216 {add = true, strides = array<i32>} : memref<40064xf32, #tpu.memory_space<vmem>>, vector<16xf32>,
          %mul3A_219 = arith.mulf %add3A_216, %add3A_216 : vector<16xf32>
          %swap3A_220 = arith.index_cast %add3A_209 : i32 to index
          %swap3A_221 = tpu.vector_load %arg15[%swap3A_220] {strides = array<i32>} : memref<40064xf32, #tpu.memory_space<vmem>>, vector<16xf32>,
          tpu.vector_store %arg15[%swap3A_220], %mul3A_219 {add = true, strides = array<i32>} : memref<40064xf32, #tpu.memory_space<vmem>>, vector<16xf32>,
          %get3A_222 = arith.index_cast %add3A_209 : i32 to index
          %get3A_223 = tpu.vector_load %arg16[%get3A_222] {strides = array<i32>} : memref<40064xf32, #tpu.memory_space<vmem>>, vector<16xf32>,
          %max3A_224 = arith.maximumf %get3A_223, %add3A_216 : vector<16xf32>
          %swap3A_225 = arith.index_cast %add3A_209 : i32 to index
          %swap3A_226 = tpu.vector_load %arg16[%swap3A_225] {strides = array<i32>} : memref<40064xf32, #tpu.memory_space<vmem>>, vector<16xf32>,
          tpu.vector_store %arg16[%swap3A_225], %max3A_224 {strides = array<i32>} : memref<40064xf32, #tpu.memory_space<vmem>>, vector<16xf32>,
          %add3A_227 = arith.constant 96 : i32
          %add3A_228 = arith.addi %squeeze3A, %add3A_227 : i32
          %get3A_229 = arith.index_cast %while3A_112 : i32 to index
          %get3A_230 = arith.constant 96 : index
          %get3A_231 = tpu.vector_load %arg12[%get3A_229, %get3A_230] {strides = array<i32>} : memref<32x128xf32, #tpu.memory_space<vmem>>, vector<16xf32>,
          %get3A_232 = arith.index_cast %while3A_112 : i32 to index
          %get3A_233 = arith.constant 96 : index
          %get3A_234 = tpu.vector_load %arg13[%get3A_232, %get3A_233] {strides = array<i32>} : memref<32x128xf32, #tpu.memory_space<vmem>>, vector<16xf32>,
          %add3A_235 = arith.addf %get3A_231, %get3A_234 : vector<16xf32>
          %swap3A_236 = arith.index_cast %add3A_228 : i32 to index
          %swap3A_237 = tpu.vector_load %arg14[%swap3A_236] {strides = array<i32>} : memref<40064xf32, #tpu.memory_space<vmem>>, vector<16xf32>,
          tpu.vector_store %arg14[%swap3A_236], %add3A_235 {add = true, strides = array<i32>} : memref<40064xf32, #tpu.memory_space<vmem>>, vector<16xf32>,
          %mul3A_238 = arith.mulf %add3A_235, %add3A_235 : vector<16xf32>
          %swap3A_239 = arith.index_cast %add3A_228 : i32 to index
          %swap3A_240 = tpu.vector_load %arg15[%swap3A_239] {strides = array<i32>} : memref<40064xf32, #tpu.memory_space<vmem>>, vector<16xf32>,
          tpu.vector_store %arg15[%swap3A_239], %mul3A_238 {add = true, strides = array<i32>} : memref<40064xf32, #tpu.memory_space<vmem>>, vector<16xf32>,
          %get3A_241 = arith.index_cast %add3A_228 : i32 to index
          %get3A_242 = tpu.vector_load %arg16[%get3A_241] {strides = array<i32>} : memref<40064xf32, #tpu.memory_space<vmem>>, vector<16xf32>,
          %max3A_243 = arith.maximumf %get3A_242, %add3A_235 : vector<16xf32>
          %swap3A_244 = arith.index_cast %add3A_228 : i32 to index
          %swap3A_245 = tpu.vector_load %arg16[%swap3A_244] {strides = array<i32>} : memref<40064xf32, #tpu.memory_space<vmem>>, vector<16xf32>,
          tpu.vector_store %arg16[%swap3A_244], %max3A_243 {strides = array<i32>} : memref<40064xf32, #tpu.memory_space<vmem>>, vector<16xf32>,
          %add3A_246 = arith.constant 112 : i32
          %add3A_247 = arith.addi %squeeze3A, %add3A_246 : i32
          %get3A_248 = arith.index_cast %while3A_112 : i32 to index
          %get3A_249 = arith.constant 112 : index
          %get3A_250 = tpu.vector_load %arg12[%get3A_248, %get3A_249] {strides = array<i32>} : memref<32x128xf32, #tpu.memory_space<vmem>>, vector<16xf32>,
          %get3A_251 = arith.index_cast %while3A_112 : i32 to index
          %get3A_252 = arith.constant 112 : index
          %get3A_253 = tpu.vector_load %arg13[%get3A_251, %get3A_252] {strides = array<i32>} : memref<32x128xf32, #tpu.memory_space<vmem>>, vector<16xf32>,
          %add3A_254 = arith.addf %get3A_250, %get3A_253 : vector<16xf32>
          %swap3A_255 = arith.index_cast %add3A_247 : i32 to index
          %swap3A_256 = tpu.vector_load %arg14[%swap3A_255] {strides = array<i32>} : memref<40064xf32, #tpu.memory_space<vmem>>, vector<16xf32>,
          tpu.vector_store %arg14[%swap3A_255], %add3A_254 {add = true, strides = array<i32>} : memref<40064xf32, #tpu.memory_space<vmem>>, vector<16xf32>,
          %mul3A_257 = arith.mulf %add3A_254, %add3A_254 : vector<16xf32>
          %swap3A_258 = arith.index_cast %add3A_247 : i32 to index
          %swap3A_259 = tpu.vector_load %arg15[%swap3A_258] {strides = array<i32>} : memref<40064xf32, #tpu.memory_space<vmem>>, vector<16xf32>,
          tpu.vector_store %arg15[%swap3A_258], %mul3A_257 {add = true, strides = array<i32>} : memref<40064xf32, #tpu.memory_space<vmem>>, vector<16xf32>,
          %get3A_260 = arith.index_cast %add3A_247 : i32 to index
          %get3A_261 = tpu.vector_load %arg16[%get3A_260] {strides = array<i32>} : memref<40064xf32, #tpu.memory_space<vmem>>, vector<16xf32>,
          %max3A_262 = arith.maximumf %get3A_261, %add3A_254 : vector<16xf32>
          %swap3A_263 = arith.index_cast %add3A_247 : i32 to index
          %swap3A_264 = tpu.vector_load %arg16[%swap3A_263] {strides = array<i32>} : memref<40064xf32, #tpu.memory_space<vmem>>, vector<16xf32>,
          tpu.vector_store %arg16[%swap3A_263], %max3A_262 {strides = array<i32>} : memref<40064xf32, #tpu.memory_space<vmem>>, vector<16xf32>,
          %shift_right_logical3A = arith.constant 7 : i32
          %shift_right_logical3A_265 = arith.shrui %squeeze3A, %shift_right_logical3A : i32
          %and3A = arith.constant 15 : i32
          %and3A_266 = arith.andi %shift_right_logical3A_265, %and3A : i32
          %sub3A = arith.subi %shift_right_logical3A_265, %and3A_266 : i32
          %eq3A = vector.broadcast %and3A_266 : i32 to vector<16xi32>
          %eq3A_267 = arith.cmpi eq, %iota3A, %eq3A : vector<16xi32>
          %jit3A = arith.constant 1.000000e+00 : f32
          %jit3A_268 = arith.constant 0.000000e+00 : f32
          %broadcast_in_dim3A_269 = vector.broadcast %jit3A : f32 to vector<16xf32>
          %broadcast_in_dim3A_270 = vector.broadcast %jit3A_268 : f32 to vector<16xf32>
          %select_n3A = arith.select %eq3A_267, %broadcast_in_dim3A_269, %broadcast_in_dim3A_270 : vector<16xi1>, vector<16xf32>
          %swap3A_271 = arith.index_cast %sub3A : i32 to index
          %swap3A_272 = tpu.vector_load %arg17[%swap3A_271] {strides = array<i32>} : memref<320xf32, #tpu.memory_space<vmem>>, vector<16xf32>,
          tpu.vector_store %arg17[%swap3A_271], %select_n3A {add = true, strides = array<i32>} : memref<320xf32, #tpu.memory_space<vmem>>, vector<16xf32>,
          %while3A_273 = arith.constant 0 : i32
          scf.yield %while3A_273 : i32
        }
        %while3A_110 = arith.constant 1 : i32
        %while3A_111 = scf.for %while3A_112 = %while3A_107 to %while3A_103 step %while3A_110 iter_args(%while3A_113 = %while3A_109) -> (i32)  : i32 {
          %get3A = arith.index_cast %while3A_112 : i32 to index
          %get3A_114 = tpu.vector_load %arg11[%get3A] {strides = array<i32>} : memref<48xi32, #tpu.memory_space<vmem>>, vector<16xi32>,
          %slice3A = vector.extract_strided_slice %get3A_114 {offsets = [0], sizes = [1], strides = [1]} : vector<16xi32> to vector<1xi32>
          %squeeze3A = vector.extract %slice3A[0] : i32 from vector<1xi32>
          %add3A_115 = arith.constant 0 : i32
          %add3A_116 = arith.addi %squeeze3A, %add3A_115 : i32
          %get3A_117 = arith.index_cast %while3A_112 : i32 to index
          %get3A_118 = arith.constant 0 : index
          %get3A_119 = tpu.vector_load %arg12[%get3A_117, %get3A_118] {strides = array<i32>} : memref<32x128xf32, #tpu.memory_space<vmem>>, vector<16xf32>,
          %get3A_120 = arith.index_cast %while3A_112 : i32 to index
          %get3A_121 = arith.constant 0 : index
          %get3A_122 = tpu.vector_load %arg13[%get3A_120, %get3A_121] {strides = array<i32>} : memref<32x128xf32, #tpu.memory_space<vmem>>, vector<16xf32>,
          %add3A_123 = arith.addf %get3A_119, %get3A_122 : vector<16xf32>
          %swap3A = arith.index_cast %add3A_116 : i32 to index
          %swap3A_124 = tpu.vector_load %arg14[%swap3A] {strides = array<i32>} : memref<40064xf32, #tpu.memory_space<vmem>>, vector<16xf32>,
          tpu.vector_store %arg14[%swap3A], %add3A_123 {add = true, strides = array<i32>} : memref<40064xf32, #tpu.memory_space<vmem>>, vector<16xf32>,
          %mul3A_125 = arith.mulf %add3A_123, %add3A_123 : vector<16xf32>
          %swap3A_126 = arith.index_cast %add3A_116 : i32 to index
          %swap3A_127 = tpu.vector_load %arg15[%swap3A_126] {strides = array<i32>} : memref<40064xf32, #tpu.memory_space<vmem>>, vector<16xf32>,
          tpu.vector_store %arg15[%swap3A_126], %mul3A_125 {add = true, strides = array<i32>} : memref<40064xf32, #tpu.memory_space<vmem>>, vector<16xf32>,
          %get3A_128 = arith.index_cast %add3A_116 : i32 to index
          %get3A_129 = tpu.vector_load %arg16[%get3A_128] {strides = array<i32>} : memref<40064xf32, #tpu.memory_space<vmem>>, vector<16xf32>,
          %max3A = arith.maximumf %get3A_129, %add3A_123 : vector<16xf32>
          %swap3A_130 = arith.index_cast %add3A_116 : i32 to index
          %swap3A_131 = tpu.vector_load %arg16[%swap3A_130] {strides = array<i32>} : memref<40064xf32, #tpu.memory_space<vmem>>, vector<16xf32>,
          tpu.vector_store %arg16[%swap3A_130], %max3A {strides = array<i32>} : memref<40064xf32, #tpu.memory_space<vmem>>, vector<16xf32>,
          %add3A_132 = arith.constant 16 : i32
          %add3A_133 = arith.addi %squeeze3A, %add3A_132 : i32
          %get3A_134 = arith.index_cast %while3A_112 : i32 to index
          %get3A_135 = arith.constant 16 : index
          %get3A_136 = tpu.vector_load %arg12[%get3A_134, %get3A_135] {strides = array<i32>} : memref<32x128xf32, #tpu.memory_space<vmem>>, vector<16xf32>,
          %get3A_137 = arith.index_cast %while3A_112 : i32 to index
          %get3A_138 = arith.constant 16 : index
          %get3A_139 = tpu.vector_load %arg13[%get3A_137, %get3A_138] {strides = array<i32>} : memref<32x128xf32, #tpu.memory_space<vmem>>, vector<16xf32>,
          %add3A_140 = arith.addf %get3A_136, %get3A_139 : vector<16xf32>
          %swap3A_141 = arith.index_cast %add3A_133 : i32 to index
          %swap3A_142 = tpu.vector_load %arg14[%swap3A_141] {strides = array<i32>} : memref<40064xf32, #tpu.memory_space<vmem>>, vector<16xf32>,
          tpu.vector_store %arg14[%swap3A_141], %add3A_140 {add = true, strides = array<i32>} : memref<40064xf32, #tpu.memory_space<vmem>>, vector<16xf32>,
          %mul3A_143 = arith.mulf %add3A_140, %add3A_140 : vector<16xf32>
          %swap3A_144 = arith.index_cast %add3A_133 : i32 to index
          %swap3A_145 = tpu.vector_load %arg15[%swap3A_144] {strides = array<i32>} : memref<40064xf32, #tpu.memory_space<vmem>>, vector<16xf32>,
          tpu.vector_store %arg15[%swap3A_144], %mul3A_143 {add = true, strides = array<i32>} : memref<40064xf32, #tpu.memory_space<vmem>>, vector<16xf32>,
          %get3A_146 = arith.index_cast %add3A_133 : i32 to index
          %get3A_147 = tpu.vector_load %arg16[%get3A_146] {strides = array<i32>} : memref<40064xf32, #tpu.memory_space<vmem>>, vector<16xf32>,
          %max3A_148 = arith.maximumf %get3A_147, %add3A_140 : vector<16xf32>
          %swap3A_149 = arith.index_cast %add3A_133 : i32 to index
          %swap3A_150 = tpu.vector_load %arg16[%swap3A_149] {strides = array<i32>} : memref<40064xf32, #tpu.memory_space<vmem>>, vector<16xf32>,
          tpu.vector_store %arg16[%swap3A_149], %max3A_148 {strides = array<i32>} : memref<40064xf32, #tpu.memory_space<vmem>>, vector<16xf32>,
          %add3A_151 = arith.constant 32 : i32
          %add3A_152 = arith.addi %squeeze3A, %add3A_151 : i32
          %get3A_153 = arith.index_cast %while3A_112 : i32 to index
          %get3A_154 = arith.constant 32 : index
          %get3A_155 = tpu.vector_load %arg12[%get3A_153, %get3A_154] {strides = array<i32>} : memref<32x128xf32, #tpu.memory_space<vmem>>, vector<16xf32>,
          %get3A_156 = arith.index_cast %while3A_112 : i32 to index
          %get3A_157 = arith.constant 32 : index
          %get3A_158 = tpu.vector_load %arg13[%get3A_156, %get3A_157] {strides = array<i32>} : memref<32x128xf32, #tpu.memory_space<vmem>>, vector<16xf32>,
          %add3A_159 = arith.addf %get3A_155, %get3A_158 : vector<16xf32>
          %swap3A_160 = arith.index_cast %add3A_152 : i32 to index
          %swap3A_161 = tpu.vector_load %arg14[%swap3A_160] {strides = array<i32>} : memref<40064xf32, #tpu.memory_space<vmem>>, vector<16xf32>,
          tpu.vector_store %arg14[%swap3A_160], %add3A_159 {add = true, strides = array<i32>} : memref<40064xf32, #tpu.memory_space<vmem>>, vector<16xf32>,
          %mul3A_162 = arith.mulf %add3A_159, %add3A_159 : vector<16xf32>
          %swap3A_163 = arith.index_cast %add3A_152 : i32 to index
          %swap3A_164 = tpu.vector_load %arg15[%swap3A_163] {strides = array<i32>} : memref<40064xf32, #tpu.memory_space<vmem>>, vector<16xf32>,
          tpu.vector_store %arg15[%swap3A_163], %mul3A_162 {add = true, strides = array<i32>} : memref<40064xf32, #tpu.memory_space<vmem>>, vector<16xf32>,
          %get3A_165 = arith.index_cast %add3A_152 : i32 to index
          %get3A_166 = tpu.vector_load %arg16[%get3A_165] {strides = array<i32>} : memref<40064xf32, #tpu.memory_space<vmem>>, vector<16xf32>,
          %max3A_167 = arith.maximumf %get3A_166, %add3A_159 : vector<16xf32>
          %swap3A_168 = arith.index_cast %add3A_152 : i32 to index
          %swap3A_169 = tpu.vector_load %arg16[%swap3A_168] {strides = array<i32>} : memref<40064xf32, #tpu.memory_space<vmem>>, vector<16xf32>,
          tpu.vector_store %arg16[%swap3A_168], %max3A_167 {strides = array<i32>} : memref<40064xf32, #tpu.memory_space<vmem>>, vector<16xf32>,
          %add3A_170 = arith.constant 48 : i32
          %add3A_171 = arith.addi %squeeze3A, %add3A_170 : i32
          %get3A_172 = arith.index_cast %while3A_112 : i32 to index
          %get3A_173 = arith.constant 48 : index
          %get3A_174 = tpu.vector_load %arg12[%get3A_172, %get3A_173] {strides = array<i32>} : memref<32x128xf32, #tpu.memory_space<vmem>>, vector<16xf32>,
          %get3A_175 = arith.index_cast %while3A_112 : i32 to index
          %get3A_176 = arith.constant 48 : index
          %get3A_177 = tpu.vector_load %arg13[%get3A_175, %get3A_176] {strides = array<i32>} : memref<32x128xf32, #tpu.memory_space<vmem>>, vector<16xf32>,
          %add3A_178 = arith.addf %get3A_174, %get3A_177 : vector<16xf32>
          %swap3A_179 = arith.index_cast %add3A_171 : i32 to index
          %swap3A_180 = tpu.vector_load %arg14[%swap3A_179] {strides = array<i32>} : memref<40064xf32, #tpu.memory_space<vmem>>, vector<16xf32>,
          tpu.vector_store %arg14[%swap3A_179], %add3A_178 {add = true, strides = array<i32>} : memref<40064xf32, #tpu.memory_space<vmem>>, vector<16xf32>,
          %mul3A_181 = arith.mulf %add3A_178, %add3A_178 : vector<16xf32>
          %swap3A_182 = arith.index_cast %add3A_171 : i32 to index
          %swap3A_183 = tpu.vector_load %arg15[%swap3A_182] {strides = array<i32>} : memref<40064xf32, #tpu.memory_space<vmem>>, vector<16xf32>,
          tpu.vector_store %arg15[%swap3A_182], %mul3A_181 {add = true, strides = array<i32>} : memref<40064xf32, #tpu.memory_space<vmem>>, vector<16xf32>,
          %get3A_184 = arith.index_cast %add3A_171 : i32 to index
          %get3A_185 = tpu.vector_load %arg16[%get3A_184] {strides = array<i32>} : memref<40064xf32, #tpu.memory_space<vmem>>, vector<16xf32>,
          %max3A_186 = arith.maximumf %get3A_185, %add3A_178 : vector<16xf32>
          %swap3A_187 = arith.index_cast %add3A_171 : i32 to index
          %swap3A_188 = tpu.vector_load %arg16[%swap3A_187] {strides = array<i32>} : memref<40064xf32, #tpu.memory_space<vmem>>, vector<16xf32>,
          tpu.vector_store %arg16[%swap3A_187], %max3A_186 {strides = array<i32>} : memref<40064xf32, #tpu.memory_space<vmem>>, vector<16xf32>,
          %add3A_189 = arith.constant 64 : i32
          %add3A_190 = arith.addi %squeeze3A, %add3A_189 : i32
          %get3A_191 = arith.index_cast %while3A_112 : i32 to index
          %get3A_192 = arith.constant 64 : index
          %get3A_193 = tpu.vector_load %arg12[%get3A_191, %get3A_192] {strides = array<i32>} : memref<32x128xf32, #tpu.memory_space<vmem>>, vector<16xf32>,
          %get3A_194 = arith.index_cast %while3A_112 : i32 to index
          %get3A_195 = arith.constant 64 : index
          %get3A_196 = tpu.vector_load %arg13[%get3A_194, %get3A_195] {strides = array<i32>} : memref<32x128xf32, #tpu.memory_space<vmem>>, vector<16xf32>,
          %add3A_197 = arith.addf %get3A_193, %get3A_196 : vector<16xf32>
          %swap3A_198 = arith.index_cast %add3A_190 : i32 to index
          %swap3A_199 = tpu.vector_load %arg14[%swap3A_198] {strides = array<i32>} : memref<40064xf32, #tpu.memory_space<vmem>>, vector<16xf32>,
          tpu.vector_store %arg14[%swap3A_198], %add3A_197 {add = true, strides = array<i32>} : memref<40064xf32, #tpu.memory_space<vmem>>, vector<16xf32>,
          %mul3A_200 = arith.mulf %add3A_197, %add3A_197 : vector<16xf32>
          %swap3A_201 = arith.index_cast %add3A_190 : i32 to index
          %swap3A_202 = tpu.vector_load %arg15[%swap3A_201] {strides = array<i32>} : memref<40064xf32, #tpu.memory_space<vmem>>, vector<16xf32>,
          tpu.vector_store %arg15[%swap3A_201], %mul3A_200 {add = true, strides = array<i32>} : memref<40064xf32, #tpu.memory_space<vmem>>, vector<16xf32>,
          %get3A_203 = arith.index_cast %add3A_190 : i32 to index
          %get3A_204 = tpu.vector_load %arg16[%get3A_203] {strides = array<i32>} : memref<40064xf32, #tpu.memory_space<vmem>>, vector<16xf32>,
          %max3A_205 = arith.maximumf %get3A_204, %add3A_197 : vector<16xf32>
          %swap3A_206 = arith.index_cast %add3A_190 : i32 to index
          %swap3A_207 = tpu.vector_load %arg16[%swap3A_206] {strides = array<i32>} : memref<40064xf32, #tpu.memory_space<vmem>>, vector<16xf32>,
          tpu.vector_store %arg16[%swap3A_206], %max3A_205 {strides = array<i32>} : memref<40064xf32, #tpu.memory_space<vmem>>, vector<16xf32>,
          %add3A_208 = arith.constant 80 : i32
          %add3A_209 = arith.addi %squeeze3A, %add3A_208 : i32
          %get3A_210 = arith.index_cast %while3A_112 : i32 to index
          %get3A_211 = arith.constant 80 : index
          %get3A_212 = tpu.vector_load %arg12[%get3A_210, %get3A_211] {strides = array<i32>} : memref<32x128xf32, #tpu.memory_space<vmem>>, vector<16xf32>,
          %get3A_213 = arith.index_cast %while3A_112 : i32 to index
          %get3A_214 = arith.constant 80 : index
          %get3A_215 = tpu.vector_load %arg13[%get3A_213, %get3A_214] {strides = array<i32>} : memref<32x128xf32, #tpu.memory_space<vmem>>, vector<16xf32>,
          %add3A_216 = arith.addf %get3A_212, %get3A_215 : vector<16xf32>
          %swap3A_217 = arith.index_cast %add3A_209 : i32 to index
          %swap3A_218 = tpu.vector_load %arg14[%swap3A_217] {strides = array<i32>} : memref<40064xf32, #tpu.memory_space<vmem>>, vector<16xf32>,
          tpu.vector_store %arg14[%swap3A_217], %add3A_216 {add = true, strides = array<i32>} : memref<40064xf32, #tpu.memory_space<vmem>>, vector<16xf32>,
          %mul3A_219 = arith.mulf %add3A_216, %add3A_216 : vector<16xf32>
          %swap3A_220 = arith.index_cast %add3A_209 : i32 to index
          %swap3A_221 = tpu.vector_load %arg15[%swap3A_220] {strides = array<i32>} : memref<40064xf32, #tpu.memory_space<vmem>>, vector<16xf32>,
          tpu.vector_store %arg15[%swap3A_220], %mul3A_219 {add = true, strides = array<i32>} : memref<40064xf32, #tpu.memory_space<vmem>>, vector<16xf32>,
          %get3A_222 = arith.index_cast %add3A_209 : i32 to index
          %get3A_223 = tpu.vector_load %arg16[%get3A_222] {strides = array<i32>} : memref<40064xf32, #tpu.memory_space<vmem>>, vector<16xf32>,
          %max3A_224 = arith.maximumf %get3A_223, %add3A_216 : vector<16xf32>
          %swap3A_225 = arith.index_cast %add3A_209 : i32 to index
          %swap3A_226 = tpu.vector_load %arg16[%swap3A_225] {strides = array<i32>} : memref<40064xf32, #tpu.memory_space<vmem>>, vector<16xf32>,
          tpu.vector_store %arg16[%swap3A_225], %max3A_224 {strides = array<i32>} : memref<40064xf32, #tpu.memory_space<vmem>>, vector<16xf32>,
          %add3A_227 = arith.constant 96 : i32
          %add3A_228 = arith.addi %squeeze3A, %add3A_227 : i32
          %get3A_229 = arith.index_cast %while3A_112 : i32 to index
          %get3A_230 = arith.constant 96 : index
          %get3A_231 = tpu.vector_load %arg12[%get3A_229, %get3A_230] {strides = array<i32>} : memref<32x128xf32, #tpu.memory_space<vmem>>, vector<16xf32>,
          %get3A_232 = arith.index_cast %while3A_112 : i32 to index
          %get3A_233 = arith.constant 96 : index
          %get3A_234 = tpu.vector_load %arg13[%get3A_232, %get3A_233] {strides = array<i32>} : memref<32x128xf32, #tpu.memory_space<vmem>>, vector<16xf32>,
          %add3A_235 = arith.addf %get3A_231, %get3A_234 : vector<16xf32>
          %swap3A_236 = arith.index_cast %add3A_228 : i32 to index
          %swap3A_237 = tpu.vector_load %arg14[%swap3A_236] {strides = array<i32>} : memref<40064xf32, #tpu.memory_space<vmem>>, vector<16xf32>,
          tpu.vector_store %arg14[%swap3A_236], %add3A_235 {add = true, strides = array<i32>} : memref<40064xf32, #tpu.memory_space<vmem>>, vector<16xf32>,
          %mul3A_238 = arith.mulf %add3A_235, %add3A_235 : vector<16xf32>
          %swap3A_239 = arith.index_cast %add3A_228 : i32 to index
          %swap3A_240 = tpu.vector_load %arg15[%swap3A_239] {strides = array<i32>} : memref<40064xf32, #tpu.memory_space<vmem>>, vector<16xf32>,
          tpu.vector_store %arg15[%swap3A_239], %mul3A_238 {add = true, strides = array<i32>} : memref<40064xf32, #tpu.memory_space<vmem>>, vector<16xf32>,
          %get3A_241 = arith.index_cast %add3A_228 : i32 to index
          %get3A_242 = tpu.vector_load %arg16[%get3A_241] {strides = array<i32>} : memref<40064xf32, #tpu.memory_space<vmem>>, vector<16xf32>,
          %max3A_243 = arith.maximumf %get3A_242, %add3A_235 : vector<16xf32>
          %swap3A_244 = arith.index_cast %add3A_228 : i32 to index
          %swap3A_245 = tpu.vector_load %arg16[%swap3A_244] {strides = array<i32>} : memref<40064xf32, #tpu.memory_space<vmem>>, vector<16xf32>,
          tpu.vector_store %arg16[%swap3A_244], %max3A_243 {strides = array<i32>} : memref<40064xf32, #tpu.memory_space<vmem>>, vector<16xf32>,
          %add3A_246 = arith.constant 112 : i32
          %add3A_247 = arith.addi %squeeze3A, %add3A_246 : i32
          %get3A_248 = arith.index_cast %while3A_112 : i32 to index
          %get3A_249 = arith.constant 112 : index
          %get3A_250 = tpu.vector_load %arg12[%get3A_248, %get3A_249] {strides = array<i32>} : memref<32x128xf32, #tpu.memory_space<vmem>>, vector<16xf32>,
          %get3A_251 = arith.index_cast %while3A_112 : i32 to index
          %get3A_252 = arith.constant 112 : index
          %get3A_253 = tpu.vector_load %arg13[%get3A_251, %get3A_252] {strides = array<i32>} : memref<32x128xf32, #tpu.memory_space<vmem>>, vector<16xf32>,
          %add3A_254 = arith.addf %get3A_250, %get3A_253 : vector<16xf32>
          %swap3A_255 = arith.index_cast %add3A_247 : i32 to index
          %swap3A_256 = tpu.vector_load %arg14[%swap3A_255] {strides = array<i32>} : memref<40064xf32, #tpu.memory_space<vmem>>, vector<16xf32>,
          tpu.vector_store %arg14[%swap3A_255], %add3A_254 {add = true, strides = array<i32>} : memref<40064xf32, #tpu.memory_space<vmem>>, vector<16xf32>,
          %mul3A_257 = arith.mulf %add3A_254, %add3A_254 : vector<16xf32>
          %swap3A_258 = arith.index_cast %add3A_247 : i32 to index
          %swap3A_259 = tpu.vector_load %arg15[%swap3A_258] {strides = array<i32>} : memref<40064xf32, #tpu.memory_space<vmem>>, vector<16xf32>,
          tpu.vector_store %arg15[%swap3A_258], %mul3A_257 {add = true, strides = array<i32>} : memref<40064xf32, #tpu.memory_space<vmem>>, vector<16xf32>,
          %get3A_260 = arith.index_cast %add3A_247 : i32 to index
          %get3A_261 = tpu.vector_load %arg16[%get3A_260] {strides = array<i32>} : memref<40064xf32, #tpu.memory_space<vmem>>, vector<16xf32>,
          %max3A_262 = arith.maximumf %get3A_261, %add3A_254 : vector<16xf32>
          %swap3A_263 = arith.index_cast %add3A_247 : i32 to index
          %swap3A_264 = tpu.vector_load %arg16[%swap3A_263] {strides = array<i32>} : memref<40064xf32, #tpu.memory_space<vmem>>, vector<16xf32>,
          tpu.vector_store %arg16[%swap3A_263], %max3A_262 {strides = array<i32>} : memref<40064xf32, #tpu.memory_space<vmem>>, vector<16xf32>,
          %shift_right_logical3A = arith.constant 7 : i32
          %shift_right_logical3A_265 = arith.shrui %squeeze3A, %shift_right_logical3A : i32
          %and3A = arith.constant 15 : i32
          %and3A_266 = arith.andi %shift_right_logical3A_265, %and3A : i32
          %sub3A = arith.subi %shift_right_logical3A_265, %and3A_266 : i32
          %eq3A = vector.broadcast %and3A_266 : i32 to vector<16xi32>
          %eq3A_267 = arith.cmpi eq, %iota3A, %eq3A : vector<16xi32>
          %jit3A = arith.constant 1.000000e+00 : f32
          %jit3A_268 = arith.constant 0.000000e+00 : f32
          %broadcast_in_dim3A_269 = vector.broadcast %jit3A : f32 to vector<16xf32>
          %broadcast_in_dim3A_270 = vector.broadcast %jit3A_268 : f32 to vector<16xf32>
          %select_n3A = arith.select %eq3A_267, %broadcast_in_dim3A_269, %broadcast_in_dim3A_270 : vector<16xi1>, vector<16xf32>
          %swap3A_271 = arith.index_cast %sub3A : i32 to index
          %swap3A_272 = tpu.vector_load %arg17[%swap3A_271] {strides = array<i32>} : memref<320xf32, #tpu.memory_space<vmem>>, vector<16xf32>,
          tpu.vector_store %arg17[%swap3A_271], %select_n3A {add = true, strides = array<i32>} : memref<320xf32, #tpu.memory_space<vmem>>, vector<16xf32>,
          %while3A_273 = arith.constant 0 : i32
          scf.yield %while3A_273 : i32
        }
      } else {
      }
    } else {
    }
    %mul3A_44 = arith.constant 128 : i32
    %mul3A_45 = arith.muli %mul3A_2, %mul3A_44 : i32
    "tpu.region"() ({
      %run_scoped3A = tpu.sem_alloc : memref<!tpu.dma_semaphore, #tpu.memory_space<semaphore_mem>>
      %dma_start3A_52 = tpu.memref_slice %arg5[%mul3A_45] : memref<1282048xf32, #tpu.memory_space<hbm>> -> memref<40064xf32, #tpu.memory_space<hbm>>
      %dma_start3A_53 = tpu.memref_slice %arg5[%mul3A_45] : memref<1282048xf32, #tpu.memory_space<hbm>> -> memref<40064xf32, #tpu.memory_space<hbm>>
      tpu.enqueue_dma source(%arg14 : memref<40064xf32, #tpu.memory_space<vmem>>) target(%dma_start3A_53 : memref<40064xf32, #tpu.memory_space<hbm>>) target_semaphore(%run_scoped3A : memref<!tpu.dma_semaphore, #tpu.memory_space<semaphore_mem>>)
      %dma_wait3A = tpu.memref_slice %arg5[%mul3A_45] : memref<1282048xf32, #tpu.memory_space<hbm>> -> memref<40064xf32, #tpu.memory_space<hbm>>
      %dma_wait3A_54 = tpu.memref_slice %arg5[%mul3A_45] : memref<1282048xf32, #tpu.memory_space<hbm>> -> memref<40064xf32, #tpu.memory_space<hbm>>
      tpu.wait_dma2 semaphore(%run_scoped3A : memref<!tpu.dma_semaphore, #tpu.memory_space<semaphore_mem>>) src(%arg14 : memref<40064xf32, #tpu.memory_space<vmem>>) dst(%dma_wait3A_54 : memref<40064xf32, #tpu.memory_space<hbm>>)
      tpu.yield
    }) : () -> ()
    %mul3A_46 = arith.constant 128 : i32
    %mul3A_47 = arith.muli %mul3A_2, %mul3A_46 : i32
    "tpu.region"() ({
      %run_scoped3A = tpu.sem_alloc : memref<!tpu.dma_semaphore, #tpu.memory_space<semaphore_mem>>
      %dma_start3A_52 = tpu.memref_slice %arg6[%mul3A_47] : memref<1282048xf32, #tpu.memory_space<hbm>> -> memref<40064xf32, #tpu.memory_space<hbm>>
      %dma_start3A_53 = tpu.memref_slice %arg6[%mul3A_47] : memref<1282048xf32, #tpu.memory_space<hbm>> -> memref<40064xf32, #tpu.memory_space<hbm>>
      tpu.enqueue_dma source(%arg15 : memref<40064xf32, #tpu.memory_space<vmem>>) target(%dma_start3A_53 : memref<40064xf32, #tpu.memory_space<hbm>>) target_semaphore(%run_scoped3A : memref<!tpu.dma_semaphore, #tpu.memory_space<semaphore_mem>>)
      %dma_wait3A = tpu.memref_slice %arg6[%mul3A_47] : memref<1282048xf32, #tpu.memory_space<hbm>> -> memref<40064xf32, #tpu.memory_space<hbm>>
      %dma_wait3A_54 = tpu.memref_slice %arg6[%mul3A_47] : memref<1282048xf32, #tpu.memory_space<hbm>> -> memref<40064xf32, #tpu.memory_space<hbm>>
      tpu.wait_dma2 semaphore(%run_scoped3A : memref<!tpu.dma_semaphore, #tpu.memory_space<semaphore_mem>>) src(%arg15 : memref<40064xf32, #tpu.memory_space<vmem>>) dst(%dma_wait3A_54 : memref<40064xf32, #tpu.memory_space<hbm>>)
      tpu.yield
    }) : () -> ()
    %mul3A_48 = arith.constant 128 : i32
    %mul3A_49 = arith.muli %mul3A_2, %mul3A_48 : i32
    "tpu.region"() ({
      %run_scoped3A = tpu.sem_alloc : memref<!tpu.dma_semaphore, #tpu.memory_space<semaphore_mem>>
      %dma_start3A_52 = tpu.memref_slice %arg7[%mul3A_49] : memref<1282048xf32, #tpu.memory_space<hbm>> -> memref<40064xf32, #tpu.memory_space<hbm>>
      %dma_start3A_53 = tpu.memref_slice %arg7[%mul3A_49] : memref<1282048xf32, #tpu.memory_space<hbm>> -> memref<40064xf32, #tpu.memory_space<hbm>>
      tpu.enqueue_dma source(%arg16 : memref<40064xf32, #tpu.memory_space<vmem>>) target(%dma_start3A_53 : memref<40064xf32, #tpu.memory_space<hbm>>) target_semaphore(%run_scoped3A : memref<!tpu.dma_semaphore, #tpu.memory_space<semaphore_mem>>)
      %dma_wait3A = tpu.memref_slice %arg7[%mul3A_49] : memref<1282048xf32, #tpu.memory_space<hbm>> -> memref<40064xf32, #tpu.memory_space<hbm>>
      %dma_wait3A_54 = tpu.memref_slice %arg7[%mul3A_49] : memref<1282048xf32, #tpu.memory_space<hbm>> -> memref<40064xf32, #tpu.memory_space<hbm>>
      tpu.wait_dma2 semaphore(%run_scoped3A : memref<!tpu.dma_semaphore, #tpu.memory_space<semaphore_mem>>) src(%arg16 : memref<40064xf32, #tpu.memory_space<vmem>>) dst(%dma_wait3A_54 : memref<40064xf32, #tpu.memory_space<hbm>>)
      tpu.yield
    }) : () -> ()
    %mul3A_50 = arith.constant 320 : i32
    %mul3A_51 = arith.muli %add3A, %mul3A_50 : i32
    "tpu.region"() ({
      %run_scoped3A = tpu.sem_alloc : memref<!tpu.dma_semaphore, #tpu.memory_space<semaphore_mem>>
      %dma_start3A_52 = tpu.memref_slice %arg8[%mul3A_51] : memref<10240xf32, #tpu.memory_space<hbm>> -> memref<320xf32, #tpu.memory_space<hbm>>
      %dma_start3A_53 = tpu.memref_slice %arg8[%mul3A_51] : memref<10240xf32, #tpu.memory_space<hbm>> -> memref<320xf32, #tpu.memory_space<hbm>>
      tpu.enqueue_dma source(%arg17 : memref<320xf32, #tpu.memory_space<vmem>>) target(%dma_start3A_53 : memref<320xf32, #tpu.memory_space<hbm>>) target_semaphore(%run_scoped3A : memref<!tpu.dma_semaphore, #tpu.memory_space<semaphore_mem>>)
      %dma_wait3A = tpu.memref_slice %arg8[%mul3A_51] : memref<10240xf32, #tpu.memory_space<hbm>> -> memref<320xf32, #tpu.memory_space<hbm>>
      %dma_wait3A_54 = tpu.memref_slice %arg8[%mul3A_51] : memref<10240xf32, #tpu.memory_space<hbm>> -> memref<320xf32, #tpu.memory_space<hbm>>
      tpu.wait_dma2 semaphore(%run_scoped3A : memref<!tpu.dma_semaphore, #tpu.memory_space<semaphore_mem>>) src(%arg17 : memref<320xf32, #tpu.memory_space<vmem>>) dst(%dma_wait3A_54 : memref<320xf32, #tpu.memory_space<hbm>>)
      tpu.yield
    }) : () -> ()
    return
  }
}

module attributes {stable_mosaic.version = 14 : i64} {
  func.func @_mm_body(%arg0: memref<10000x128xf32, #tpu.memory_space<vmem>>, %arg1: memref<128x128xf32, #tpu.memory_space<vmem>>, %arg2: memref<10000x128xf32, #tpu.memory_space<vmem>>) attributes {dimension_semantics = [], scalar_prefetch = 0 : i64, scratch_operands = 0 : i64, tpu.core_type = #tpu.core_type<tc>} {
    %get3A = arith.constant 0 : index
    %get3A_0 = arith.constant 0 : index
    %get3A_1 = vector.load %arg0[%get3A, %get3A_0] : memref<10000x128xf32, #tpu.memory_space<vmem>>, vector<10000x128xf32>
    %get3A_2 = arith.constant 0 : index
    %get3A_3 = arith.constant 0 : index
    %get3A_4 = vector.load %arg1[%get3A_2, %get3A_3] : memref<128x128xf32, #tpu.memory_space<vmem>>, vector<128x128xf32>
    %dot_general3A = arith.constant dense<0.000000e+00> : vector<10000x128xf32>
    %dot_general3A_5 = tpu.matmul %get3A_1, %get3A_4, %dot_general3A {dimension_numbers = #tpu.dot_dimension_numbers<[1], [0], [0], [1], [0, 0, 1, 1], [], []>, transpose_lhs_hint = false} : vector<10000x128xf32>, vector<128x128xf32>, vector<10000x128xf32> -> vector<10000x128xf32>
    %swap3A = arith.constant 0 : index
    %swap3A_6 = arith.constant 0 : index
    %swap3A_7 = vector.load %arg2[%swap3A, %swap3A_6] : memref<10000x128xf32, #tpu.memory_space<vmem>>, vector<10000x128xf32>
    tpu.vector_store %arg2[%swap3A, %swap3A_6], %dot_general3A_5 {strides = array<i32>} : memref<10000x128xf32, #tpu.memory_space<vmem>>, vector<10000x128xf32>,
    return
  }
}

module attributes {stable_mosaic.version = 14 : i64} {
  func.func @_edge_body(%arg0: i32, %arg1: memref<6400x16xf32, #tpu.memory_space<vmem>>, %arg2: memref<16x128xf32, #tpu.memory_space<vmem>>, %arg3: memref<1x128xf32, #tpu.memory_space<vmem>>, %arg4: memref<6400x128xf32, #tpu.memory_space<vmem>>) attributes {dimension_semantics = [#tpu.dimension_semantics<arbitrary>], iteration_bounds = array<i64: 50>, scalar_prefetch = 0 : i64, scratch_operands = 0 : i64, tpu.core_type = #tpu.core_type<tc>, window_params = [{transform_indices = @transform_0, window_bounds = array<i64: 6400, 16>}, {pipeline_mode = #tpu.pipeline_mode<synchronous>, transform_indices = @transform_1, window_bounds = array<i64: 16, 128>}, {pipeline_mode = #tpu.pipeline_mode<synchronous>, transform_indices = @transform_2, window_bounds = array<i64: 1, 128>}, {transform_indices = @transform_3, window_bounds = array<i64: 6400, 128>}]} {
    %get3A = arith.constant 0 : index
    %get3A_0 = arith.constant 0 : index
    %get3A_1 = vector.load %arg1[%get3A, %get3A_0] : memref<6400x16xf32, #tpu.memory_space<vmem>>, vector<6400x16xf32>
    %get3A_2 = arith.constant 0 : index
    %get3A_3 = arith.constant 0 : index
    %get3A_4 = vector.load %arg2[%get3A_2, %get3A_3] : memref<16x128xf32, #tpu.memory_space<vmem>>, vector<16x128xf32>
    %dot_general3A = arith.constant dense<0.000000e+00> : vector<6400x128xf32>
    %dot_general3A_5 = tpu.matmul %get3A_1, %get3A_4, %dot_general3A {dimension_numbers = #tpu.dot_dimension_numbers<[1], [0], [0], [1], [0, 0, 1, 1], [], []>, transpose_lhs_hint = false} : vector<6400x16xf32>, vector<16x128xf32>, vector<6400x128xf32> -> vector<6400x128xf32>
    %get3A_6 = arith.constant 0 : index
    %get3A_7 = arith.constant 0 : index
    %get3A_8 = vector.load %arg3[%get3A_6, %get3A_7] : memref<1x128xf32, #tpu.memory_space<vmem>>, vector<1x128xf32>
    %add3A = vector.broadcast %get3A_8 : vector<1x128xf32> to vector<6400x128xf32>
    %add3A_9 = arith.addf %dot_general3A_5, %add3A : vector<6400x128xf32>
    %swap3A = arith.constant 0 : index
    %swap3A_10 = arith.constant 0 : index
    %swap3A_11 = vector.load %arg4[%swap3A, %swap3A_10] : memref<6400x128xf32, #tpu.memory_space<vmem>>, vector<6400x128xf32>
    tpu.vector_store %arg4[%swap3A, %swap3A_10], %add3A_9 {strides = array<i32>} : memref<6400x128xf32, #tpu.memory_space<vmem>>, vector<6400x128xf32>,
    return
  }
  func.func @transform_0(%arg0: i32) -> (i32, i32) {
    %c0_i32 = arith.constant 0 : i32
    %c0_i32_0 = arith.constant 0 : i32
    return %arg0, %c0_i32 : i32, i32
  }
  func.func @transform_1(%arg0: i32) -> (i32, i32) {
    %c0_i32 = arith.constant 0 : i32
    %c0_i32_0 = arith.constant 0 : i32
    %c0_i32_1 = arith.constant 0 : i32
    return %c0_i32, %c0_i32_0 : i32, i32
  }
  func.func @transform_2(%arg0: i32) -> (i32, i32) {
    %c0_i32 = arith.constant 0 : i32
    %c0_i32_0 = arith.constant 0 : i32
    %c0_i32_1 = arith.constant 0 : i32
    return %c0_i32, %c0_i32_0 : i32, i32
  }
  func.func @transform_3(%arg0: i32) -> (i32, i32) {
    %c0_i32 = arith.constant 0 : i32
    %c0_i32_0 = arith.constant 0 : i32
    return %arg0, %c0_i32 : i32, i32
  }
}

module attributes {stable_mosaic.version = 14 : i64} {
  func.func @_post_body(%arg0: i32, %arg1: memref<1000x128xf32, #tpu.memory_space<vmem>>, %arg2: memref<1000x128xf32, #tpu.memory_space<vmem>>, %arg3: memref<1000x128xf32, #tpu.memory_space<vmem>>, %arg4: memref<1000x128xf32, #tpu.memory_space<vmem>>, %arg5: memref<1000x1xf32, #tpu.memory_space<vmem>>, %arg6: memref<1000x1xf32, #tpu.memory_space<vmem>>, %arg7: memref<128x128xf32, #tpu.memory_space<vmem>>, %arg8: memref<1664x128xf32, #tpu.memory_space<vmem>>, %arg9: memref<1x128xf32, #tpu.memory_space<vmem>>, %arg10: memref<128x128xf32, #tpu.memory_space<vmem>>, %arg11: memref<1x128xf32, #tpu.memory_space<vmem>>, %arg12: memref<1000x128xf32, #tpu.memory_space<vmem>>) attributes {dimension_semantics = [#tpu.dimension_semantics<arbitrary>], iteration_bounds = array<i64: 10>, scalar_prefetch = 0 : i64, scratch_operands = 0 : i64, tpu.core_type = #tpu.core_type<tc>, window_params = [{transform_indices = @transform_0, window_bounds = array<i64: 1000, 128>}, {transform_indices = @transform_1, window_bounds = array<i64: 1000, 128>}, {transform_indices = @transform_2, window_bounds = array<i64: 1000, 128>}, {transform_indices = @transform_3, window_bounds = array<i64: 1000, 128>}, {transform_indices = @transform_4, window_bounds = array<i64: 1000, 1>}, {transform_indices = @transform_5, window_bounds = array<i64: 1000, 1>}, {pipeline_mode = #tpu.pipeline_mode<synchronous>, transform_indices = @transform_6, window_bounds = array<i64: 128, 128>}, {pipeline_mode = #tpu.pipeline_mode<synchronous>, transform_indices = @transform_7, window_bounds = array<i64: 1664, 128>}, {pipeline_mode = #tpu.pipeline_mode<synchronous>, transform_indices = @transform_8, window_bounds = array<i64: 1, 128>}, {pipeline_mode = #tpu.pipeline_mode<synchronous>, transform_indices = @transform_9, window_bounds = array<i64: 128, 128>}, {pipeline_mode = #tpu.pipeline_mode<synchronous>, transform_indices = @transform_10, window_bounds = array<i64: 1, 128>}, {transform_indices = @transform_11, window_bounds = array<i64: 1000, 128>}]} {
    %get3A = arith.constant 0 : index
    %get3A_0 = arith.constant 0 : index
    %get3A_1 = vector.load %arg1[%get3A, %get3A_0] : memref<1000x128xf32, #tpu.memory_space<vmem>>, vector<1000x128xf32>
    %get3A_2 = arith.constant 0 : index
    %get3A_3 = arith.constant 0 : index
    %get3A_4 = vector.load %arg2[%get3A_2, %get3A_3] : memref<1000x128xf32, #tpu.memory_space<vmem>>, vector<1000x128xf32>
    %get3A_5 = arith.constant 0 : index
    %get3A_6 = arith.constant 0 : index
    %get3A_7 = vector.load %arg3[%get3A_5, %get3A_6] : memref<1000x128xf32, #tpu.memory_space<vmem>>, vector<1000x128xf32>
    %get3A_8 = arith.constant 0 : index
    %get3A_9 = arith.constant 0 : index
    %get3A_10 = vector.load %arg4[%get3A_8, %get3A_9] : memref<1000x128xf32, #tpu.memory_space<vmem>>, vector<1000x128xf32>
    %get3A_11 = arith.constant 0 : index
    %get3A_12 = arith.constant 0 : index
    %get3A_13 = vector.load %arg5[%get3A_11, %get3A_12] : memref<1000x1xf32, #tpu.memory_space<vmem>>, vector<1000x1xf32>
    %max3A = arith.constant 1.000000e+00 : f32
    %max3A_14 = vector.broadcast %max3A : f32 to vector<1000x1xf32>
    %max3A_15 = arith.maximumf %get3A_13, %max3A_14 : vector<1000x1xf32>
    %get3A_16 = arith.constant 0 : index
    %get3A_17 = arith.constant 0 : index
    %get3A_18 = vector.load %arg7[%get3A_16, %get3A_17] : memref<128x128xf32, #tpu.memory_space<vmem>>, vector<128x128xf32>
    %dot_general3A = arith.constant dense<0.000000e+00> : vector<1000x128xf32>
    %dot_general3A_19 = tpu.matmul %get3A_1, %get3A_18, %dot_general3A {dimension_numbers = #tpu.dot_dimension_numbers<[1], [0], [0], [1], [0, 0, 1, 1], [], []>, transpose_lhs_hint = false} : vector<1000x128xf32>, vector<128x128xf32>, vector<1000x128xf32> -> vector<1000x128xf32>
    %mul3A = vector.broadcast %get3A_13 : vector<1000x1xf32> to vector<1000x128xf32>
    %mul3A_20 = arith.mulf %mul3A, %dot_general3A_19 : vector<1000x128xf32>
    %add3A = arith.addf %mul3A_20, %get3A_4 : vector<1000x128xf32>
    %gt3A = arith.constant 0.000000e+00 : f32
    %gt3A_21 = vector.broadcast %gt3A : f32 to vector<1000x1xf32>
    %gt3A_22 = arith.cmpf ogt, %get3A_13, %gt3A_21 : vector<1000x1xf32>
    %add3A_23 = arith.addf %dot_general3A_19, %get3A_10 : vector<1000x128xf32>
    %jit3A = arith.constant 0.000000e+00 : f32
    %broadcast_in_dim3A = vector.shape_cast %gt3A_22 : vector<1000x1xi1> to vector<1000x1xi1>
    %broadcast_in_dim3A_24 = vector.broadcast %broadcast_in_dim3A : vector<1000x1xi1> to vector<1000x128xi1>
    %broadcast_in_dim3A_25 = vector.broadcast %jit3A : f32 to vector<1000x128xf32>
    %select_n3A = arith.select %broadcast_in_dim3A_24, %add3A_23, %broadcast_in_dim3A_25 : vector<1000x128xi1>, vector<1000x128xf32>
    %div3A = vector.broadcast %max3A_15 : vector<1000x1xf32> to vector<1000x128xf32>
    %div3A_26 = arith.divf %add3A, %div3A : vector<1000x128xf32>
    %div3A_27 = vector.broadcast %max3A_15 : vector<1000x1xf32> to vector<1000x128xf32>
    %div3A_28 = arith.divf %get3A_4, %div3A_27 : vector<1000x128xf32>
    %div3A_29 = vector.broadcast %max3A_15 : vector<1000x1xf32> to vector<1000x128xf32>
    %div3A_30 = arith.divf %get3A_7, %div3A_29 : vector<1000x128xf32>
    %mul3A_31 = arith.mulf %div3A_28, %div3A_28 : vector<1000x128xf32>
    %sub3A = arith.subf %div3A_30, %mul3A_31 : vector<1000x128xf32>
    %max3A_32 = arith.constant 0.000000e+00 : f32
    %max3A_33 = vector.broadcast %max3A_32 : f32 to vector<1000x128xf32>
    %max3A_34 = arith.maximumf %sub3A, %max3A_33 : vector<1000x128xf32>
    %add3A_35 = arith.constant 1.000000e+00 : f32
    %add3A_36 = vector.broadcast %add3A_35 : f32 to vector<1000x1xf32>
    %add3A_37 = arith.addf %get3A_13, %add3A_36 : vector<1000x1xf32>
    %log3A = math.log %add3A_37 : vector<1000x1xf32>
    %mul3A_38 = arith.constant 0.285999656 : f32
    %mul3A_39 = vector.broadcast %mul3A_38 : f32 to vector<1000x1xf32>
    %mul3A_40 = arith.mulf %log3A, %mul3A_39 : vector<1000x1xf32>
    %max3A_41 = arith.constant 9.99999997E-7 : f32
    %max3A_42 = vector.broadcast %max3A_41 : f32 to vector<1000x1xf32>
    %max3A_43 = arith.maximumf %log3A, %max3A_42 : vector<1000x1xf32>
    %div3A_44 = arith.constant 3.49650764 : f32
    %div3A_45 = vector.broadcast %div3A_44 : f32 to vector<1000x1xf32>
    %div3A_46 = arith.divf %div3A_45, %max3A_43 : vector<1000x1xf32>
    %concatenate3A = tpu.concatenate %add3A, %select_n3A, %div3A_26, %max3A_34 in 1 : vector<1000x128xf32>, vector<1000x128xf32>, vector<1000x128xf32>, vector<1000x128xf32> -> vector<1000x512xf32>
    %get3A_47 = arith.constant 0 : index
    %get3A_48 = arith.constant 0 : index
    %get3A_49 = vector.load %arg8[%get3A_47, %get3A_48] : memref<1664x128xf32, #tpu.memory_space<vmem>>, vector<1664x128xf32>
    %slice3A = vector.extract_strided_slice %get3A_49 {offsets = [0, 0], sizes = [128, 128], strides = [1, 1]} : vector<1664x128xf32> to vector<128x128xf32>
    %dot_general3A_50 = arith.constant dense<0.000000e+00> : vector<1000x128xf32>
    %dot_general3A_51 = tpu.matmul %get3A_1, %slice3A, %dot_general3A_50 {dimension_numbers = #tpu.dot_dimension_numbers<[1], [0], [0], [1], [0, 0, 1, 1], [], []>, transpose_lhs_hint = false} : vector<1000x128xf32>, vector<128x128xf32>, vector<1000x128xf32> -> vector<1000x128xf32>
    %slice3A_52 = vector.extract_strided_slice %get3A_49 {offsets = [128, 0], sizes = [512, 128], strides = [1, 1]} : vector<1664x128xf32> to vector<512x128xf32>
    %dot_general3A_53 = arith.constant dense<0.000000e+00> : vector<1000x128xf32>
    %dot_general3A_54 = tpu.matmul %concatenate3A, %slice3A_52, %dot_general3A_53 {dimension_numbers = #tpu.dot_dimension_numbers<[1], [0], [0], [1], [0, 0, 1, 1], [], []>, transpose_lhs_hint = false} : vector<1000x512xf32>, vector<512x128xf32>, vector<1000x128xf32> -> vector<1000x128xf32>
    %add3A_55 = arith.addf %dot_general3A_51, %dot_general3A_54 : vector<1000x128xf32>
    %mul3A_56 = vector.broadcast %mul3A_40 : vector<1000x1xf32> to vector<1000x512xf32>
    %mul3A_57 = arith.mulf %concatenate3A, %mul3A_56 : vector<1000x512xf32>
    %slice3A_58 = vector.extract_strided_slice %get3A_49 {offsets = [640, 0], sizes = [512, 128], strides = [1, 1]} : vector<1664x128xf32> to vector<512x128xf32>
    %dot_general3A_59 = arith.constant dense<0.000000e+00> : vector<1000x128xf32>
    %dot_general3A_60 = tpu.matmul %mul3A_57, %slice3A_58, %dot_general3A_59 {dimension_numbers = #tpu.dot_dimension_numbers<[1], [0], [0], [1], [0, 0, 1, 1], [], []>, transpose_lhs_hint = false} : vector<1000x512xf32>, vector<512x128xf32>, vector<1000x128xf32> -> vector<1000x128xf32>
    %add3A_61 = arith.addf %add3A_55, %dot_general3A_60 : vector<1000x128xf32>
    %mul3A_62 = vector.broadcast %div3A_46 : vector<1000x1xf32> to vector<1000x512xf32>
    %mul3A_63 = arith.mulf %concatenate3A, %mul3A_62 : vector<1000x512xf32>
    %slice3A_64 = vector.extract_strided_slice %get3A_49 {offsets = [1152, 0], sizes = [512, 128], strides = [1, 1]} : vector<1664x128xf32> to vector<512x128xf32>
    %dot_general3A_65 = arith.constant dense<0.000000e+00> : vector<1000x128xf32>
    %dot_general3A_66 = tpu.matmul %mul3A_63, %slice3A_64, %dot_general3A_65 {dimension_numbers = #tpu.dot_dimension_numbers<[1], [0], [0], [1], [0, 0, 1, 1], [], []>, transpose_lhs_hint = false} : vector<1000x512xf32>, vector<512x128xf32>, vector<1000x128xf32> -> vector<1000x128xf32>
    %add3A_67 = arith.addf %add3A_61, %dot_general3A_66 : vector<1000x128xf32>
    %get3A_68 = arith.constant 0 : index
    %get3A_69 = arith.constant 0 : index
    %get3A_70 = vector.load %arg9[%get3A_68, %get3A_69] : memref<1x128xf32, #tpu.memory_space<vmem>>, vector<1x128xf32>
    %add3A_71 = vector.broadcast %get3A_70 : vector<1x128xf32> to vector<1000x128xf32>
    %add3A_72 = arith.addf %add3A_67, %add3A_71 : vector<1000x128xf32>
    %get3A_73 = arith.constant 0 : index
    %get3A_74 = arith.constant 0 : index
    %get3A_75 = vector.load %arg6[%get3A_73, %get3A_74] : memref<1000x1xf32, #tpu.memory_space<vmem>>, vector<1000x1xf32>
    %mul3A_76 = vector.broadcast %get3A_75 : vector<1000x1xf32> to vector<1000x128xf32>
    %mul3A_77 = arith.mulf %add3A_72, %mul3A_76 : vector<1000x128xf32>
    %get3A_78 = arith.constant 0 : index
    %get3A_79 = arith.constant 0 : index
    %get3A_80 = vector.load %arg10[%get3A_78, %get3A_79] : memref<128x128xf32, #tpu.memory_space<vmem>>, vector<128x128xf32>
    %dot_general3A_81 = arith.constant dense<0.000000e+00> : vector<1000x128xf32>
    %dot_general3A_82 = tpu.matmul %mul3A_77, %get3A_80, %dot_general3A_81 {dimension_numbers = #tpu.dot_dimension_numbers<[1], [0], [0], [1], [0, 0, 1, 1], [], []>, transpose_lhs_hint = false} : vector<1000x128xf32>, vector<128x128xf32>, vector<1000x128xf32> -> vector<1000x128xf32>
    %get3A_83 = arith.constant 0 : index
    %get3A_84 = arith.constant 0 : index
    %get3A_85 = vector.load %arg11[%get3A_83, %get3A_84] : memref<1x128xf32, #tpu.memory_space<vmem>>, vector<1x128xf32>
    %add3A_86 = vector.broadcast %get3A_85 : vector<1x128xf32> to vector<1000x128xf32>
    %add3A_87 = arith.addf %dot_general3A_82, %add3A_86 : vector<1000x128xf32>
    %ge3A = arith.constant 0.000000e+00 : f32
    %ge3A_88 = vector.broadcast %ge3A : f32 to vector<1000x128xf32>
    %ge3A_89 = arith.cmpf oge, %add3A_87, %ge3A_88 : vector<1000x128xf32>
    %mul3A_90 = arith.constant 0.00999999977 : f32
    %mul3A_91 = vector.broadcast %mul3A_90 : f32 to vector<1000x128xf32>
    %mul3A_92 = arith.mulf %mul3A_91, %add3A_87 : vector<1000x128xf32>
    %select_n3A_93 = arith.select %ge3A_89, %add3A_87, %mul3A_92 : vector<1000x128xi1>, vector<1000x128xf32>
    %add3A_94 = arith.addf %get3A_1, %select_n3A_93 : vector<1000x128xf32>
    %swap3A = arith.constant 0 : index
    %swap3A_95 = arith.constant 0 : index
    %swap3A_96 = vector.load %arg12[%swap3A, %swap3A_95] : memref<1000x128xf32, #tpu.memory_space<vmem>>, vector<1000x128xf32>
    tpu.vector_store %arg12[%swap3A, %swap3A_95], %add3A_94 {strides = array<i32>} : memref<1000x128xf32, #tpu.memory_space<vmem>>, vector<1000x128xf32>,
    return
  }
  func.func @transform_0(%arg0: i32) -> (i32, i32) {
    %c0_i32 = arith.constant 0 : i32
    %c0_i32_0 = arith.constant 0 : i32
    return %arg0, %c0_i32 : i32, i32
  }
  func.func @transform_1(%arg0: i32) -> (i32, i32) {
    %c0_i32 = arith.constant 0 : i32
    %c0_i32_0 = arith.constant 0 : i32
    return %arg0, %c0_i32 : i32, i32
  }
  func.func @transform_2(%arg0: i32) -> (i32, i32) {
    %c0_i32 = arith.constant 0 : i32
    %c0_i32_0 = arith.constant 0 : i32
    return %arg0, %c0_i32 : i32, i32
  }
  func.func @transform_3(%arg0: i32) -> (i32, i32) {
    %c0_i32 = arith.constant 0 : i32
    %c0_i32_0 = arith.constant 0 : i32
    return %arg0, %c0_i32 : i32, i32
  }
  func.func @transform_4(%arg0: i32) -> (i32, i32) {
    %c0_i32 = arith.constant 0 : i32
    %c0_i32_0 = arith.constant 0 : i32
    return %arg0, %c0_i32 : i32, i32
  }
  func.func @transform_5(%arg0: i32) -> (i32, i32) {
    %c0_i32 = arith.constant 0 : i32
    %c0_i32_0 = arith.constant 0 : i32
    return %arg0, %c0_i32 : i32, i32
  }
  func.func @transform_6(%arg0: i32) -> (i32, i32) {
    %c0_i32 = arith.constant 0 : i32
    %c0_i32_0 = arith.constant 0 : i32
    %c0_i32_1 = arith.constant 0 : i32
    return %c0_i32, %c0_i32_0 : i32, i32
  }
  func.func @transform_7(%arg0: i32) -> (i32, i32) {
    %c0_i32 = arith.constant 0 : i32
    %c0_i32_0 = arith.constant 0 : i32
    %c0_i32_1 = arith.constant 0 : i32
    return %c0_i32, %c0_i32_0 : i32, i32
  }
  func.func @transform_8(%arg0: i32) -> (i32, i32) {
    %c0_i32 = arith.constant 0 : i32
    %c0_i32_0 = arith.constant 0 : i32
    %c0_i32_1 = arith.constant 0 : i32
    return %c0_i32, %c0_i32_0 : i32, i32
  }
  func.func @transform_9(%arg0: i32) -> (i32, i32) {
    %c0_i32 = arith.constant 0 : i32
    %c0_i32_0 = arith.constant 0 : i32
    %c0_i32_1 = arith.constant 0 : i32
    return %c0_i32, %c0_i32_0 : i32, i32
  }
  func.func @transform_10(%arg0: i32) -> (i32, i32) {
    %c0_i32 = arith.constant 0 : i32
    %c0_i32_0 = arith.constant 0 : i32
    %c0_i32_1 = arith.constant 0 : i32
    return %c0_i32, %c0_i32_0 : i32, i32
  }
  func.func @transform_11(%arg0: i32) -> (i32, i32) {
    %c0_i32 = arith.constant 0 : i32
    %c0_i32_0 = arith.constant 0 : i32
    return %arg0, %c0_i32 : i32, i32
  }
}

</mosaic_0001>

<sc_bundles>
// kernel: kernel.6.cloned.1.call-start
scs
__scs_entry_jumppad:
0x0: {  	(pc) =	sbr.rel $0x88, $3  }
0x1: {  	(tag) =	ssettag $0x0;
	lr =	simm.s32 $0x1  }
0x2: {  	[smem:$0x3F97] =	sst lr;
	_ =	strace $0xD0000000  }
0x3: {  	_ = 	snop  }
0x4: {  	_ = 	snop  }
0x5: {  	_ = 	snop  }
0x6: {  	_ = 	snop  }
0x7: {  	_ = 	snop  }
__scs_overlays_trampoline_lowered:
0x8: {  	[smem:$0x3FA6] =	sst s0  }
0x9: {  	[smem:$0x3FA7] =	sst s1  }
0xa: {  	[smem:$0x3FA8] =	sst s2  }
0xb: {  	[smem:$0x3FA9] =	sst s3  }
0xc: {  	[smem:$0x3FAA] =	sst s4  }
0xd: {  	[smem:$0x3FAB] =	sst s5  }
0xe: {  	[smem:$0x3FAC] =	sst s6  }
0xf: {  	[smem:$0x3FAD] =	sst s7  }
0x10: {  	[smem:$0x3FAE] =	sst s8  }
0x11: {  	[smem:$0x3FAF] =	sst s9;
	s0 =	simm.s32 @!p0 $0x0  }
0x12: {  	s1 =	sld [smem:$0x3F95];
	s0 =	simm.s32 @p0 $0x1  }
0x13: {  	[smem:$0x3FB0] =	sst s0;
	s0 =	simm.s32 @!p1 $0x0  }
0x14: {  	s2 =	sld [smem:$0x3F94];
	s0 =	simm.s32 @p1 $0x1  }
0x15: {  	[smem:$0x3FB1] =	sst s0;
	s0 =	simm.s32 @!p2 $0x0  }
0x16: {  	s3 =	sld [smem:$0x3FDB];
	s0 =	simm.s32 @p2 $0x1  }
0x17: {  	s4 =	simm.s32 $0x1BF5;
	[smem:$0x3FB3] =	sst s0  }
0x18: {  	s0 =	sld [smem:$0x3F96];
	_ =	swait.ge [sflag:s4], $0x0  }
0x19: {  	s7 =	sld [smem:$0x3F97]  }
0x1a: {  	s8 =	sadd.s32 $0xFFFFE003, lr  }
0x1b: {  	s9 =	sadd.s32 $0xFFFFFEF7, lr;
	s5 =	simm.s32 $0xFFFFFFFF;
	p2 =	slt.u32 s8, $0xFFFFF086  }
0x1c: {  	p1 =	slt.u32 s9, $0xF7A;
	s5 =	simm.s32 @!p2 $0x0  }
0x1d: {  	s5 =	simm.s32 @p1 $0x1;
	p0 =	seq.s32 s7, s2  }
0x1e: {  	s7 =	smul.u32 @!p0 $0xF7A, s2;
	p2 =	seq.s32 @!p0 s5, $0x0  }
0x1f: {  	s9 =	smul.u32 $0xF7A, s1;
	s8 =	simm.s32 @!p0 $0x1BF5;
	p2 =	por !p2, p0  }
0x20: {  	[sflag:s8] =	ssyncset.s32 @!p0 $0xFFFFF086;
	s6 =	sadd.s32 @!p0 s3, s7;
	s7 =	simm.s32 @!p0 $0x108  }
0x21: {  	s3 =	sadd.s32 s3, s9;
	s6 =	sadd.s32 @!p0 $0x88, s6;
	s7 =	simm.s32 @p2 $0x1082  }
0x22: {  	[simem:s7], [sflag:s8] =	dma.local @!p0 [hbm:s6], $0xF7A  }
0x23: {  	s9 =	sor.u32 $0xD0000000, s2;
	s6 =	simm.s32 $0x108;
	_ =	swait.ge @!p0 [sflag:s8], $0x0  }
0x24: {  	s3 =	sadd.s32 $0x88, s3;
	s6 =	simm.s32 @!p1 $0x1082;
	[sflag:s4] =	ssyncset.s32 $0xFFFFF086  }
0x25: {  	[simem:s6], [sflag:s4] =	dma.local [hbm:s3], $0xF7A  }
0x26: {  	[smem:$0x3F97] =	sst s1;
	(tag) =	ssettag s2;
	_ =	strace s9  }
0x27: {  	s1 =	sld [smem:$0x3FA7]  }
0x28: {  	s2 =	sld [smem:$0x3FA8]  }
0x29: {  	s4 =	sld [smem:$0x3FAA]  }
0x2a: {  	p0 =	seq.s32 s5, $0x0;
	s5 =	sld [smem:$0x3FAB]  }
0x2b: {  	s6 =	sld [smem:$0x3FAC]  }
0x2c: {  	s7 =	sld [smem:$0x3FAD]  }
0x2d: {  	s3 =	simm.s32 $0x108;
	s8 =	sld [smem:$0x3FAE]  }
0x2e: {  	s3 =	simm.s32 @!p0 $0x1082;
	s9 =	sld [smem:$0x3FAF]  }
0x2f: {  	lr =	sadd.s32 s0, s3;
	s0 =	sld [smem:$0x3FA6]  }
0x30: {  	s3 =	sld [smem:$0x3FA9]  }
0x31: {  	[smem:$0x3FB2] =	sst s10  }
0x32: {  	s10 =	sld [smem:$0x3FB0];
	_ =	sdelay $0x3  }
0x33: {  	p0 =	seq.s32 s10, $0x1;
	s10 =	sld [smem:$0x3FB2];
	_ =	sdelay $0x3  }
0x34: {  	[smem:$0x3FB2] =	sst s10  }
0x35: {  	s10 =	sld [smem:$0x3FB1];
	_ =	sdelay $0x3  }
0x36: {  	p1 =	seq.s32 s10, $0x1;
	s10 =	sld [smem:$0x3FB2];
	_ =	sdelay $0x3  }
0x37: {  	[smem:$0x3FB2] =	sst s10  }
0x38: {  	s10 =	sld [smem:$0x3FB3]  }
0x39: {  	_ = 	snop;
	(pc) =	sbr.ind lr, $3  }
0x3a: {  	_ = 	snop  }
0x3b: {  	_ = 	snop  }
0x3c: {  	p2 =	seq.s32 s10, $0x1;
	s10 =	sld [smem:$0x3FB2]  }
0x3d: {  	_ =	shalt  }
0x3e: {  	_ =	shalt  }
0x3f: {  	_ =	shalt  }
0x40: {  	_ =	shalt  }
0x41: {  	_ =	shalt  }
0x42: {  	_ =	shalt  }
0x43: {  	_ =	shalt  }
0x44: {  	_ =	shalt  }
0x45: {  	_ =	shalt  }
0x46: {  	_ =	shalt  }
0x47: {  	_ =	shalt  }
0x48: {  	_ =	shalt  }
0x49: {  	_ =	shalt  }
0x4a: {  	_ =	shalt  }
0x4b: {  	_ =	shalt  }
0x4c: {  	_ =	shalt  }
0x4d: {  	_ =	shalt  }
0x4e: {  	_ =	shalt  }
0x4f: {  	_ =	shalt  }
0x50: {  	_ =	shalt  }
0x51: {  	_ =	shalt  }
0x52: {  	_ =	shalt  }
0x53: {  	_ =	shalt  }
0x54: {  	_ =	shalt  }
0x55: {  	_ =	shalt  }
0x56: {  	_ =	shalt  }
0x57: {  	_ =	shalt  }
0x58: {  	_ =	shalt  }
0x59: {  	_ =	shalt  }
0x5a: {  	_ =	shalt  }
0x5b: {  	_ =	shalt  }
0x5c: {  	_ =	shalt  }
0x5d: {  	_ =	shalt  }
0x5e: {  	_ =	shalt  }
0x5f: {  	_ =	shalt  }
0x60: {  	_ =	shalt  }
0x61: {  	_ =	shalt  }
0x62: {  	_ =	shalt  }
0x63: {  	_ =	shalt  }
0x64: {  	_ =	shalt  }
0x65: {  	_ =	shalt  }
0x66: {  	_ =	shalt  }
0x67: {  	_ =	shalt  }
0x68: {  	_ =	shalt  }
0x69: {  	_ =	shalt  }
0x6a: {  	_ =	shalt  }
0x6b: {  	_ =	shalt  }
0x6c: {  	_ =	shalt  }
0x6d: {  	_ =	shalt  }
0x6e: {  	_ =	shalt  }
0x6f: {  	_ =	shalt  }
0x70: {  	_ =	shalt  }
0x71: {  	_ =	shalt  }
0x72: {  	_ =	shalt  }
0x73: {  	_ =	shalt  }
0x74: {  	_ =	shalt  }
0x75: {  	_ =	shalt  }
0x76: {  	_ =	shalt  }
0x77: {  	_ =	shalt  }
0x78: {  	_ =	shalt  }
0x79: {  	_ =	shalt  }
0x7a: {  	_ =	shalt  }
0x7b: {  	_ =	shalt  }
0x7c: {  	_ =	shalt  }
0x7d: {  	_ =	shalt  }
0x7e: {  	_ =	shalt  }
0x7f: {  	_ =	shalt  }
0x80: {  	_ =	shalt  }
0x81: {  	_ =	shalt  }
0x82: {  	_ =	shalt  }
0x83: {  	_ =	shalt  }
0x84: {  	_ =	shalt  }
0x85: {  	_ =	shalt  }
0x86: {  	_ =	shalt  }
0x87: {  	_ =	shalt  }
.Lfunc_end0:
.L_simem_size_0:
called_computation_lowered:
.L_overlay_start_0:
0x88: {  	s2 =	sld [smem:$0x3FD9]  }
0x89: {  	s3 =	sld [smem:$0x3FFE];
	_ =	sdelay $0x1  }
0x8a: {  	s1 =	srdreg.scid  }
0x8b: {  	s0 =	sand.u32 $0x1, s1  }
0x8c: {  	s17 =	sshll.u32 s0, $0xA;
	s2 =	sadd.s32 s3, s2  }
0x8d: {  	s2 =	sadd.s32 s2, s17  }
0x8e: {  	[smem:$0x3FBE] =	sst s2  }
0x8f: {  	_ = 	snop  }
0x90: {  	s2 =	sld [smem:$0x3FD0];
	(tm) =	ssettm $0x1  }
0x91: {  	s18 =	sld [smem:$0x3FFB];
	_ =	sdelay $0x3  }
0x92: {  	_ =	strace s18  }
0x93: {  	s3 =	sld [smem:$0x3FFC];
	_ =	sdelay $0x3  }
0x94: {  	_ =	strace s3  }
0x95: {  	s3 =	sld [smem:$0x3FFD];
	_ =	sdelay $0x3  }
0x96: {  	_ =	strace s3  }
0x97: {  	_ =	strace $0x8FFFFFFF  }
0x98: {  	s19 =	sld [smem:$0x3FDB];
	_ =	sdelay $0x1  }
0x99: {  	s4 =	simm.s32 $_scs_section_size  }
0x9a: {  	s5 =	simm.s32 $_size__tile_overlayer_lowered;
	s6 =	simm.s32 $_tile_overlayer_lowered  }
0x9b: {  	s22 =	simm.s32 $0x1BFF;
	s21 =	sshll.u32 s6, $0x1;
	s3 =	sadd.s32 s4, s19  }
0x9c: {  	s7 =	simm.s32 $0x0;
	s20 =	sshll.u32 s5, $0x1;
	s5 =	sadd.s32 s21, s3  }
0x9d: {  	[timem:s7], [sflag:s22] =	dma.local [hbm:s5], s20  }
0x9e: {  	_ =	swait.ge [sflag:s22], s20  }
0x9f: {  	s4 =	ssub.s32 $0x0, s20;
	[sflag:s22] =	ssyncset.done $0x0  }
0xa0: {  	[sflag:s22] =	ssyncadd.s32 s4;
	_ =	sdelay $0x1  }
0xa1: {  	s23 =	simm.s32 $0x1B8B  }
0xa2: {  	_ =	swait.ge [sflag:s23], $0x1  }
0xa3: {  	[sflag:s23] =	ssyncset.done $0x0  }
0xa4: {  	s25 =	simm.s32 $0x1B8E;
	s24 =	sld [smem:$0x3FFE];
	[sflag:s23] =	ssyncadd.s32 $0xFFFFFFFF  }
0xa5: {  	s26 =	simm.s32 $execute0_lowered;
	[smem:$0x3FD2] =	sst s25  }
0xa6: {  	s5 =	sshll.u32 s26, $0x1;
	_ =	strace $0x80000046;
	[dreg:$0x1] =	wrdreg $0xFFFFFFFF  }
0xa7: {  	s28 =	simm.s32 $_size_execute0_lowered;
	s3 =	sadd.s32 s3, s5;
	[dreg:$0x0] =	wrdreg $0x0  }
0xa8: {  	s5 =	sshll.u32 s28, $0x1;
	[dreg:$0x2] =	wrdreg s3  }
0xa9: {  	[dreg:$0x3] =	wrdreg s5  }
0xaa: {  	[dreg:$0x4] =	wrdreg $0xC0  }
0xab: {  	_ =	task [dreg:s7], $0x5FFFF  }
0xac: {  	[dreg:$0x1] =	wrdreg $0xFFFFFFFF  }
0xad: {  	[dreg:$0x0] =	wrdreg $0x60  }
0xae: {  	[dreg:$0x2] =	wrdreg s2  }
0xaf: {  	[dreg:$0x3] =	wrdreg s24  }
0xb0: {  	[dreg:$0x4] =	wrdreg $0x9  }
0xb1: {  	_ =	task.clear_ibuf [dreg:s7], $0x5FFFF;
	_ =	strace $0x90000046  }
0xb2: {  	s29 =	simm.s32 $0x9;
	_ =	strace $0x80000048  }
0xb3: {  	_ =	swait.ge [sflag:s29], $0x1  }
0xb4: {  	[sflag:s29] =	ssyncadd.s32 $0xFFFFFFFF  }
0xb5: {  	_ =	strace $0x90000048  }
0xb6: {  	_ =	sfence  }
0xb7: {  	s30 =	sld [smem:$0x0];
	_ =	sdelay $0x2  }
0xb8: {  	s31 =	sshll.u32 s1, $0xD;
	s1 =	sshrl.u32 s1, $0x2  }
0xb9: {  	s3 =	sand.u32 $0x4000, s31;
	s1 =	sadd.s32 s1, s30  }
0xba: {  	s0 =	sor.u32 s3, s0;
	s1 =	sshll.u32 s1, $0x11  }
0xbb: {  	s0 =	sor.u32 s1, s0  }
0xbc: {  	s0 =	sadd.s32 $0x8F2B, s0  }
0xbd: {  	[sflag:s0] =	ssyncadd.remote.s32 $0x1  }
0xbe: {  	_ =	sfence.sel $0xFFFF  }
0xbf: {  	[dreg:$0x0] =	wrdreg $0xFFFFFFFF;
	(pc) =	sbr.abs _section_cstart, $3  }
0xc0: {  	[dreg:$0x1] =	wrdreg $0xFFFFFFFF  }
0xc1: {  	_ =	task.clear_ibuf [dreg:s7], $0x2FFFF;
	_ =	strace $0x9FFFFFFF  }
0xc2: {  	(tm) =	ssettm $0x7FFFFFFF  }
0xc3: {  	_ =	shalt  }
tec
execute0_lowered:
.L_overlay_start_1:
0x0: {  	(tag) =	ssettag $0x1  }
0x1: {  	s2 =	rddreg [dreg:$0x0];
	s0 =	srdreg.scid  }
0x2: {  	s3 =	stileid.u32;
	s1 =	rddreg [dreg:$0x1]  }
0x3: {  	s11 =	simm.s32 $0x1;
	s12 =	simm.s32 $0x2;
	s13 =	simm.s32 $0x3  }
0x4: {  	s14 =	simm.s32 $0x10;
	s16 =	simm.s32 $0x1700;
	s17 =	simm.s32 $0x400  }
0x5: {  	s19 =	simm.s32 $0x4;
	s0 =	sand.u32 $0x1, s0;
	s4 =	sshll.u32 s3, $0x1  }
0x6: {  	s23 =	simm.s32 $0x0;
	s3 =	simm.s32 $0x0;
	s5 =	sor.u32 s0, s4  }
0x7: {  	s25 =	simm.s32 $0x0;
	[smem:$0x7FF] =	sst s3;
	s6 =	smul.u32 $0x1390, s5  }
0x8: {  	s4 =	sadd.s32 $0x4EEE00, s1;
	s0 =	ssub.s32 $0x2, s0;
	s7 =	smul.u32 $0x28, s5  }
0x9: {  	_ =	strace $0x80000047;
	s15 =	smul.u32 $0x139, s5;
	s5 =	sadd.s32 $0x4E5000, s1  }
.Ltmp0:
0xa: {  	s8 =	sshrl.u32 s0, $0x1;
	s6 =	sadd.s32 s6, s1;
	(pc) =	sbr.rel .LBB2_1-.Ltmp0, $4  }
0xb: {  	s0 =	ssub.s32 s0, s8;
	s1 =	sadd.s32 s7, s1;
	s30 =	sadd.s32 $0x3600, s6  }
0xc: {  	v2 =	vimm.s32 $0x0;
	s29 =	sadd.s32 $0x139, s15;
	s31 =	sadd.s32 $0x51A00, s6;
	[dreg:$0x3] =	wrdreg s30  }
0xd: {  	v3 =	vimm.f32 $0.0e+00;
	v4 =	vimm.f32 $-3.000000010e+38;
	v5 =	vlaneseq.u32;
	s10 =	smax.u32 s0, $0x1;
	s6 =	sadd.s32 $0x2A800, s6;
	[dreg:$0x4] =	wrdreg s31  }
0xe: {  	vm0 =	vmmov $0xffff;
	v0 =	vmov s15;
	s15 =	simm.s32 $0x700;
	s9 =	sadd.s32 $0x3000, s1;
	v1 =	vmov s29;
	[dreg:$0x5] =	wrdreg s6  }
.LBB2_29:
0xf: {  	v8 =	vadd.f32 v9, v8;
	_ =	sdelay $0x1  }
0x10: {  	[tilespmem:s20+$0x2770] =	vst.add.f32.msk $0xffff, v8;
	v9 =	vmul.f32 v8, v8;
	v6 =	vmax.f32 v6, v8  }
0x11: {  	[tilespmem:s20+$0x16070] =	vst v6  }
0x12: {  	[tilespmem:s20+$0xC3F0] =	vst.add.f32.msk $0xffff, v9  }
0x13: {  	[tilespmem:s7+$0x1FC80] =	vst.add.f32.msk $0xffff, v7  }
.LBB2_30:
0x14: {  	s0 =	rddreg [dreg:$0x3];
	s1 =	simm.s32 $0x2700  }
0x15: {  	[hbm4b:s0+s3] =	stream.linear.scatter [tilespmem:s1], [sflag:$0x4], $0x9C80, $0x38;
	[tilespmem:$0x1FE00] =	vst v63  }
0x16: {  	_ =	swait.ge [sflag:s19], $0x9C80  }
0x17: {  	[sflag:s19] =	ssyncset.done $0x0  }
0x18: {  	s28 =	simm.s32 $0xC380;
	s26 =	rddreg [dreg:$0x4];
	[sflag:s19] =	ssyncadd.s32 $0xFFFF6380  }
0x19: {  	[hbm4b:s26+s3] =	stream.linear.scatter [tilespmem:s28], [sflag:$0x4], $0x9C80, $0x38;
	[tilespmem:$0x1FE00] =	vst v63  }
0x1a: {  	_ =	swait.ge [sflag:s19], $0x9C80  }
0x1b: {  	[sflag:s19] =	ssyncset.done $0x0  }
0x1c: {  	s30 =	simm.s32 $0x16000;
	s29 =	rddreg [dreg:$0x5];
	[sflag:s19] =	ssyncadd.s32 $0xFFFF6380  }
0x1d: {  	[hbm4b:s29+s3] =	stream.linear.scatter [tilespmem:s30], [sflag:$0x4], $0x9C80, $0x38;
	[tilespmem:$0x1FE00] =	vst v63  }
0x1e: {  	s23 =	sadd.s32 $0x1, s23;
	_ =	swait.ge [sflag:s19], $0x9C80  }
0x1f: {  	p0 =	sne.s32 s23, s10;
	[sflag:s19] =	ssyncset.done $0x0  }
.Ltmp1:
0x20: {  	s31 =	simm.s32 $0x1FC80;
	[sflag:s19] =	ssyncadd.s32 $0xFFFF6380;
	(pc) =	sbr.rel @!p0 .LBB2_31-.Ltmp1, $4  }
0x21: {  	[hbm4b:s9+s3] =	stream.linear.scatter [tilespmem:s31], [sflag:$0x4], $0x140, $0x38;
	[tilespmem:$0x1FE00] =	vst v63  }
0x22: {  	_ =	swait.ge [sflag:s19], $0x140  }
0x23: {  	[sflag:s19] =	ssyncset.done $0x0  }
0x24: {  	[sflag:s19] =	ssyncadd.s32 $0xFFFFFEC0  }
.LBB2_1:
0x25: {  	[tilespmem:$0x400] =	vst v2  }
0x26: {  	[tilespmem:$0x410] =	vst v2  }
0x27: {  	[tilespmem:$0x420] =	vst v2  }
0x28: {  	[tilespmem:$0x430] =	vst v2  }
0x29: {  	[tilespmem:$0x440] =	vst v2  }
0x2a: {  	[tilespmem:$0x450] =	vst v2  }
0x2b: {  	[tilespmem:$0x460] =	vst v2  }
0x2c: {  	[tilespmem:$0x470] =	vst v2  }
0x2d: {  	[tilespmem:$0x480] =	vst v2  }
0x2e: {  	[tilespmem:$0x490] =	vst v2  }
0x2f: {  	[tilespmem:$0x4A0] =	vst v2  }
0x30: {  	[tilespmem:$0x4B0] =	vst v2  }
0x31: {  	[tilespmem:$0x4C0] =	vst v2  }
0x32: {  	[tilespmem:$0x4D0] =	vst v2  }
0x33: {  	[tilespmem:$0x4E0] =	vst v2  }
0x34: {  	[tilespmem:$0x4F0] =	vst v2  }
0x35: {  	[tilespmem:$0x500] =	vst v2  }
0x36: {  	[tilespmem:$0x510] =	vst v2  }
0x37: {  	[tilespmem:$0x520] =	vst v2  }
0x38: {  	[tilespmem:$0x530] =	vst v2  }
0x39: {  	[tilespmem:$0x540] =	vst v2  }
0x3a: {  	[tilespmem:$0x550] =	vst v2  }
0x3b: {  	[tilespmem:$0x560] =	vst v2  }
0x3c: {  	[tilespmem:$0x570] =	vst v2  }
0x3d: {  	[tilespmem:$0x580] =	vst v2  }
0x3e: {  	[tilespmem:$0x590] =	vst v2  }
0x3f: {  	[tilespmem:$0x5A0] =	vst v2  }
0x40: {  	[tilespmem:$0x5B0] =	vst v2  }
0x41: {  	[tilespmem:$0x5C0] =	vst v2  }
0x42: {  	[tilespmem:$0x5D0] =	vst v2  }
0x43: {  	[tilespmem:$0x5E0] =	vst v2  }
0x44: {  	[tilespmem:$0x5F0] =	vst v2  }
0x45: {  	[tilespmem:$0x600] =	vst v2;
	s0 =	simm.s32 $0x40;
	s1 =	simm.s32 $0x0  }
.LBB2_2:
0x46: {  	p0 =	sne.s32 s0, $0x271C0;
	[tilespmem:s1+$0x16000] =	vst v4;
	s6 =	smov.u32 s0;
	s0 =	sadd.s32 $0x40, s0  }
.Ltmp2:
0x47: {  	[tilespmem:s1+$0x2700] =	vst v3;
	(pc) =	sbr.rel @p0 .LBB2_2-.Ltmp2, $2  }
0x48: {  	[tilespmem:s1+$0xC380] =	vst v3;
	_ =	sdelay $0x2  }
0x49: {  	s1 =	sshra.s32 s6, $0x2  }
0x4a: {  	[tilespmem:s1+$0x16000] =	vst v4  }
0x4b: {  	[tilespmem:s1+$0x2700] =	vst v3  }
0x4c: {  	[tilespmem:s1+$0xC380] =	vst v3  }
0x4d: {  	[tilespmem:$0x1FC80] =	vst v3  }
0x4e: {  	[tilespmem:$0x1FC90] =	vst v3  }
0x4f: {  	[tilespmem:$0x1FCA0] =	vst v3  }
0x50: {  	[tilespmem:$0x1FCB0] =	vst v3  }
0x51: {  	[tilespmem:$0x1FCC0] =	vst v3  }
0x52: {  	[tilespmem:$0x1FCD0] =	vst v3  }
0x53: {  	[tilespmem:$0x1FCE0] =	vst v3  }
0x54: {  	[tilespmem:$0x1FCF0] =	vst v3  }
0x55: {  	[tilespmem:$0x1FD00] =	vst v3  }
0x56: {  	[tilespmem:$0x1FD10] =	vst v3  }
0x57: {  	[tilespmem:$0x1FD20] =	vst v3  }
0x58: {  	[tilespmem:$0x1FD30] =	vst v3  }
0x59: {  	[tilespmem:$0x1FD40] =	vst v3  }
0x5a: {  	[tilespmem:$0x1FD50] =	vst v3  }
0x5b: {  	[tilespmem:$0x1FD60] =	vst v3  }
0x5c: {  	[tilespmem:$0x1FD70] =	vst v3  }
.Ltmp3:
0x5d: {  	[tilespmem:$0x1FD80] =	vst v3;
	(pc) =	sbr.rel .LBB2_4-.Ltmp3, $4  }
0x5e: {  	[tilespmem:$0x1FD90] =	vst v3  }
0x5f: {  	[tilespmem:$0x1FDA0] =	vst v3  }
0x60: {  	s26 =	simm.s32 $0x0;
	s0 =	simm.s32 $0x0;
	s28 =	simm.s32 $0x0;
	[tilespmem:$0x1FDB0] =	vst v3  }
0x61: {  	[tilespmem:s25], [sflag:$0x1] =	stream.linear.gather [hbm4b:s5+s25], $0x200, $0x38;
	[tilespmem:$0x1FE00] =	vst v63  }
.LBB2_23:
0x62: {  	p0 =	seq.s32 s28, $0x271  }
.Ltmp4:
0x63: {  	_ = 	snop;
	(pc) =	sbr.rel @p0 .LBB2_30-.Ltmp4, $1  }
0x64: {  	_ =	sdelay $0x3  }
.LBB2_22:
0x65: {  	s26 =	sadd.s32 $0x200, s26;
	s0 =	smov.u32 s24  }
.LBB2_4:
0x66: {  	s1 =	smov.u32 s28;
	_ =	swait.ge [sflag:s11], $0x200  }
0x67: {  	s28 =	sadd.s32 $0x1, s28;
	[sflag:s11] =	ssyncset.done $0x0;
	p0 =	seq.s32 s1, $0x270  }
0x68: {  	[sflag:s11] =	ssyncadd.s32 $0xFFFFFE00;
	s6 =	sshll.u32 @!p0 s28, $0x9;
	s7 =	sshll.u32 @!p0 s28, $0x6  }
0x69: {  	s18 =	simm.s32 @!p0 $0x0;
	s6 =	sand.u32 @!p0 $0x200, s6;
	s7 =	sadd.s32 @!p0 s5, s7  }
0x6a: {  	[tilespmem:s6], [sflag:$0x1] =	stream.linear.gather @!p0 [hbm4b:s7+s18], $0x200, $0x38;
	[tilespmem:$0x1FE00] =	vst v63  }
0x6b: {  	s6 =	sadd.s32 $0x0, s26  }
0x6c: {  	s24 =	sand.u32 $0x60, s25;
	s30 =	sand.u32 $0x380, s6  }
0x6d: {  	s7 =	sor.u32 s24, s30  }
0x6e: {  	v6 =	vld [tilespmem:s7+$0x0]  }
0x6f: {  	v7 =	vld [tilespmem:s7+$0x10];
	_ =	sdelay $0x3  }
0x70: {  	v6 =	vand.u32 $0x3FFF, v6  }
0x71: {  	v7 =	vand.u32 $0x3FFF, v7;
	vm1 =	vge.u32 v6, v0;
	vm2 =	vlt.u32 v6, v1  }
0x72: {  	vm3 =	vlt.u32 v7, v1;
	vm2 =	vmand vm1, vm2;
	vm1 =	vge.u32 v7, v0  }
0x73: {  	vm1 =	vmand vm1, vm3;
	v6 =	vmpcnt.ones.xlane vm2  }
0x74: {  	v7 =	vmpcnt.ones.xlane vm1  }
0x75: {  	(v2sf) =	vpush v6, $0x0  }
0x76: {  	(v2sf) =	vpush v7, $0x0;
	_ =	sdelay $0xd  }
0x77: {  	s7 =	spop (v2sf)  }
0x78: {  	p1 =	slt.s32 s7, $0x1;
	s31 =	spop (v2sf)  }
0x79: {  	v6 =	vimm.s32 @!p1 $0x0;
	p0 =	sgt.s32 s31, $0x0  }
0x7a: {  	v7 =	vsel @!p1 vm2, $0x1, v6;
	v8 =	vimm.s32 @p0 $0x0  }
0x7b: {  	v9 =	vsel @p0 vm1, $0x1, v8;
	(xrf0) =	vadd.scan.msk.s32 @!p1 $0xffff, v7  }
0x7c: {  	(xrf0) =	vadd.scan.msk.s32 @p0 $0xffff, v9;
	_ =	sdelay $0x3  }
0x7d: {  	v6 =	vsel @!p1 vm2, $0xFFFFFFFF, v6  }
0x7e: {  	s1 =	sshll.u32 s1, $0x9;
	s20 =	sadd.s32 @!p0 $0x0, s7;
	s7 =	sadd.s32 @p0 $0x0, s7;
	v7 =	vsel @p0 vm1, $0xFFFFFFFF, v8;
	v6 =	vadd.s32 @!p1 s25, v6;
	v8, _, _ =	vpop @!p1 (xrf0)  }
0x7f: {  	s29 =	sand.u32 $0x200, s1;
	s20 =	smov.u32 @p0 s7;
	v9 =	vadd.s32 @p0 s7, v7;
	v10, _, _ =	vpop @p0 (xrf0);
	v7 =	vadd.s32 @!p1 v8, v6  }
0x80: {  	s18 =	simm.s32 $0x0;
	s7 =	simm.s32 $0x20;
	s24 =	sadd.s32 s31, s20;
	v6 =	vadd.s32 @p0 v10, v9  }
.LBB2_5:
0x81: {  	s30 =	smov.u32 s24  }
0x82: {  	s1 =	sand.u32 $0x60, s7;
	v8 =	vlaneseq.u32 @!p1;
	s20 =	sadd.s32 @p0 s18, s26;
	s18 =	smov.u32 s7  }
0x83: {  	s21 =	simm.s32 @!p1 $0x400;
	v9 =	vlaneseq.u32 @p0;
	v8 =	vor.u32 @!p1 s6, v8;
	s6 =	sadd.s32 s7, s26;
	s20 =	sadd.s32 @p0 $0x10, s20  }
0x84: {  	s7 =	sadd.s32 $0x20, s7;
	s22 =	sand.u32 $0x380, s6;
	[tilespmem:v7+s21+$0x0] =	vst.idx.msk @!p1 vm2, v8;
	v7 =	vor.u32 @p0 s20, v9;
	s20 =	simm.s32 @p0 $0x400  }
0x85: {  	p2 =	sne.s32 s7, $0x200;
	s1 =	sor.u32 s1, s22;
	[tilespmem:v6+s20+$0x0] =	vst.idx.msk @p0 vm1, v7  }
0x86: {  	v6 =	vld [tilespmem:s1+$0x0]  }
0x87: {  	v7 =	vld [tilespmem:s1+$0x10];
	_ =	sdelay $0x3  }
0x88: {  	v6 =	vand.u32 $0x3FFF, v6  }
0x89: {  	v7 =	vand.u32 $0x3FFF, v7;
	vm1 =	vge.u32 v6, v0;
	vm2 =	vlt.u32 v6, v1  }
0x8a: {  	vm2 =	vmand vm1, vm2;
	vm1 =	vge.u32 v7, v0;
	vm3 =	vlt.u32 v7, v1  }
0x8b: {  	vm1 =	vmand vm1, vm3;
	v6 =	vmpcnt.ones.xlane vm2  }
0x8c: {  	v7 =	vmpcnt.ones.xlane vm1  }
0x8d: {  	(v2sf) =	vpush v6, $0x0  }
0x8e: {  	(v2sf) =	vpush v7, $0x0;
	_ =	sdelay $0xd  }
0x8f: {  	s31 =	spop (v2sf)  }
0x90: {  	p1 =	slt.s32 s31, $0x1;
	s1 =	spop (v2sf)  }
0x91: {  	v6 =	vimm.s32 @!p1 $0x0;
	p0 =	sgt.s32 s1, $0x0  }
0x92: {  	v7 =	vsel @!p1 vm2, $0x1, v6;
	v8 =	vimm.s32 @p0 $0x0;
	s20 =	sadd.s32 @!p0 s24, s31  }
0x93: {  	v9 =	vsel @p0 vm1, $0x1, v8;
	(xrf0) =	vadd.scan.msk.s32 @!p1 $0xffff, v7  }
0x94: {  	(xrf0) =	vadd.scan.msk.s32 @p0 $0xffff, v9;
	_ =	sdelay $0x2  }
.Ltmp5:
0x95: {  	(pc) =	sbr.rel @p2 .LBB2_5-.Ltmp5, $4  }
0x96: {  	v6 =	vsel @!p1 vm2, $0xFFFFFFFF, v6  }
0x97: {  	s21 =	sadd.s32 @p0 s24, s31;
	v6 =	vadd.s32 @!p1 s24, v6;
	v9 =	vsel @p0 vm1, $0xFFFFFFFF, v8;
	v7, _, _ =	vpop @!p1 (xrf0)  }
0x98: {  	s20 =	smov.u32 @p0 s21;
	v7 =	vadd.s32 @!p1 v7, v6;
	v6 =	vadd.s32 @p0 s21, v9;
	v8, _, _ =	vpop @p0 (xrf0)  }
0x99: {  	s24 =	sadd.s32 s1, s20;
	v6 =	vadd.s32 @p0 v8, v6  }
0x9a: {  	_ =	sdelay $0x2  }
0x9b: {  	v8 =	vlaneseq.u32 @!p1  }
0x9c: {  	v8 =	vor.u32 @!p1 s6, v8;
	s6 =	simm.s32 @!p1 $0x400  }
0x9d: {  	[tilespmem:v7+s6+$0x0] =	vst.idx.msk @!p1 vm2, v8;
	p1 =	slt.s32 s0, $0x1  }
.Ltmp6:
0x9e: {  	_ = 	snop;
	(pc) =	sbr.rel @p1 .LBB2_13-.Ltmp6, $4  }
0x9f: {  	s7 =	sadd.s32 @p0 s18, s26  }
0xa0: {  	v9 =	vlaneseq.u32 @p0;
	s7 =	sadd.s32 @p0 $0x10, s7  }
0xa1: {  	v7 =	vor.u32 @p0 s7, v9;
	s6 =	simm.s32 @p0 $0x400  }
0xa2: {  	[tilespmem:v6+s6+$0x0] =	vst.idx.msk @p0 vm1, v7  }
0xa3: {  	_ =	swait.ge [sflag:s12], $0x800  }
0xa4: {  	[sflag:s12] =	ssyncset.done $0x0  }
0xa5: {  	[sflag:s12] =	ssyncadd.s32 $0xFFFFF800  }
0xa6: {  	_ =	swait.ge [sflag:s13], $0x800  }
0xa7: {  	[sflag:s13] =	ssyncset.done $0x0  }
0xa8: {  	s18 =	simm.s32 $0x680;
	[sflag:s13] =	ssyncadd.s32 $0xFFFFF800  }
0xa9: {  	v6 =	vld [tilespmem:s18+$0x0];
	_ =	sdelay $0x4  }
0xaa: {  	(v2sf) =	vpush v6, $0x0;
	_ =	sdelay $0x8  }
0xab: {  	s21 =	simm.s32 $0x740  }
0xac: {  	s20 =	simm.s32 $0x1740;
	v7 =	vld [tilespmem:s21+$0xFFFFFFC0]  }
0xad: {  	v6 =	vld [tilespmem:s20+$0xFFFFFFC0];
	_ =	sdelay $0x3  }
0xae: {  	s22 =	spop (v2sf)  }
0xaf: {  	v6 =	vadd.f32 v6, v7;
	v7 =	vld [tilespmem:s22+$0x16000];
	_ =	sdelay $0x1  }
0xb0: {  	v8 =	vmul.f32 v6, v6;
	_ =	sdelay $0x1  }
0xb1: {  	[tilespmem:s22+$0xC380] =	vst.add.f32.msk $0xffff, v8  }
0xb2: {  	[tilespmem:s22+$0x2700] =	vst.add.f32.msk $0xffff, v6;
	v6 =	vmax.f32 v7, v6  }
0xb3: {  	[tilespmem:s22+$0x16000] =	vst v6  }
0xb4: {  	v6 =	vld [tilespmem:s21+$0xFFFFFFD0]  }
0xb5: {  	v7 =	vld [tilespmem:s20+$0xFFFFFFD0];
	_ =	sdelay $0x1  }
0xb6: {  	v8 =	vld [tilespmem:s22+$0x16010];
	_ =	sdelay $0x2  }
0xb7: {  	v6 =	vadd.f32 v7, v6;
	_ =	sdelay $0x1  }
0xb8: {  	[tilespmem:s22+$0x2710] =	vst.add.f32.msk $0xffff, v6;
	v7 =	vmul.f32 v6, v6;
	v6 =	vmax.f32 v8, v6  }
0xb9: {  	[tilespmem:s22+$0x16010] =	vst v6  }
0xba: {  	[tilespmem:s22+$0xC390] =	vst.add.f32.msk $0xffff, v7  }
0xbb: {  	v6 =	vld [tilespmem:s21+$0xFFFFFFE0]  }
0xbc: {  	v7 =	vld [tilespmem:s20+$0xFFFFFFE0];
	_ =	sdelay $0x1  }
0xbd: {  	v8 =	vld [tilespmem:s22+$0x16020];
	_ =	sdelay $0x2  }
0xbe: {  	v6 =	vadd.f32 v7, v6;
	_ =	sdelay $0x1  }
0xbf: {  	[tilespmem:s22+$0x2720] =	vst.add.f32.msk $0xffff, v6;
	v7 =	vmax.f32 v8, v6;
	v6 =	vmul.f32 v6, v6  }
0xc0: {  	[tilespmem:s22+$0x16020] =	vst v7  }
0xc1: {  	[tilespmem:s22+$0xC3A0] =	vst.add.f32.msk $0xffff, v6  }
0xc2: {  	v6 =	vld [tilespmem:s21+$0xFFFFFFF0]  }
0xc3: {  	v8 =	vld [tilespmem:s20+$0xFFFFFFF0];
	_ =	sdelay $0x1  }
0xc4: {  	v7 =	vld [tilespmem:s22+$0x16030];
	_ =	sdelay $0x2  }
0xc5: {  	v6 =	vadd.f32 v8, v6;
	_ =	sdelay $0x1  }
0xc6: {  	[tilespmem:s22+$0x2730] =	vst.add.f32.msk $0xffff, v6;
	v7 =	vmax.f32 v7, v6;
	v6 =	vmul.f32 v6, v6  }
0xc7: {  	[tilespmem:s22+$0x16030] =	vst v7  }
0xc8: {  	[tilespmem:s22+$0xC3B0] =	vst.add.f32.msk $0xffff, v6  }
0xc9: {  	v6 =	vld [tilespmem:s21+$0x0]  }
0xca: {  	v8 =	vld [tilespmem:s20+$0x0];
	_ =	sdelay $0x1  }
0xcb: {  	v7 =	vld [tilespmem:s22+$0x16040];
	_ =	sdelay $0x2  }
0xcc: {  	v6 =	vadd.f32 v8, v6;
	_ =	sdelay $0x1  }
0xcd: {  	[tilespmem:s22+$0x2740] =	vst.add.f32.msk $0xffff, v6;
	v7 =	vmax.f32 v7, v6;
	v6 =	vmul.f32 v6, v6  }
0xce: {  	[tilespmem:s22+$0x16040] =	vst v7  }
0xcf: {  	[tilespmem:s22+$0xC3C0] =	vst.add.f32.msk $0xffff, v6  }
0xd0: {  	v6 =	vld [tilespmem:s21+$0x10]  }
0xd1: {  	v8 =	vld [tilespmem:s20+$0x10];
	_ =	sdelay $0x1  }
0xd2: {  	v7 =	vld [tilespmem:s22+$0x16050];
	_ =	sdelay $0x2  }
0xd3: {  	v6 =	vadd.f32 v8, v6;
	_ =	sdelay $0x1  }
0xd4: {  	[tilespmem:s22+$0x2750] =	vst.add.f32.msk $0xffff, v6;
	v7 =	vmax.f32 v7, v6;
	v6 =	vmul.f32 v6, v6  }
0xd5: {  	[tilespmem:s22+$0x16050] =	vst v7  }
0xd6: {  	[tilespmem:s22+$0xC3D0] =	vst.add.f32.msk $0xffff, v6  }
0xd7: {  	v6 =	vld [tilespmem:s21+$0x20]  }
0xd8: {  	v8 =	vld [tilespmem:s20+$0x20];
	_ =	sdelay $0x1  }
0xd9: {  	v7 =	vld [tilespmem:s22+$0x16060];
	_ =	sdelay $0x2  }
0xda: {  	v8 =	vadd.f32 v8, v6;
	_ =	sdelay $0x1  }
0xdb: {  	s8 =	smin.u32 s0, $0x10;
	[tilespmem:s22+$0x2760] =	vst.add.f32.msk $0xffff, v8;
	v9 =	vmul.f32 v8, v8;
	v7 =	vmax.f32 v7, v8  }
0xdc: {  	p0 =	sne.s32 s8, $0x1;
	[tilespmem:s22+$0x16060] =	vst v7  }
.Ltmp7:
0xdd: {  	s7 =	sshrl.u32 s22, $0x7;
	[tilespmem:s22+$0xC3E0] =	vst.add.f32.msk $0xffff, v9;
	(pc) =	sbr.rel @!p0 .LBB2_9-.Ltmp7, $4  }
0xde: {  	s6 =	sand.u32 $0xF, s7;
	v8 =	vld [tilespmem:s21+$0x30]  }
0xdf: {  	v7 =	vmov s6;
	v9 =	vld [tilespmem:s20+$0x30]  }
0xe0: {  	vm1 =	veq.s32 v7, v5  }
0xe1: {  	s7 =	sand.u32 $0x1FFFFF0, s7;
	v6 =	vld [tilespmem:s22+$0x16070];
	s6 =	sadd.s32 $0xFFFFFFFF, s8;
	v7 =	vsel vm1, $0x3F800000, v3  }
.LBB2_8:
0xe2: {  	s18 =	sadd.s32 $0x1, s18;
	s20 =	sadd.s32 $0x80, s20;
	s21 =	sadd.s32 $0x80, s21  }
0xe3: {  	p0 =	sne.s32 s6, $0x1;
	s6 =	sadd.s32 $0xFFFFFFFF, s6  }
0xe4: {  	v8 =	vadd.f32 v9, v8;
	_ =	sdelay $0x1  }
0xe5: {  	[tilespmem:s22+$0x2770] =	vst.add.f32.msk $0xffff, v8;
	v9 =	vmul.f32 v8, v8;
	v6 =	vmax.f32 v6, v8  }
0xe6: {  	[tilespmem:s22+$0x16070] =	vst v6  }
0xe7: {  	[tilespmem:s22+$0xC3F0] =	vst.add.f32.msk $0xffff, v9  }
0xe8: {  	[tilespmem:s7+$0x1FC80] =	vst.add.f32.msk $0xffff, v7  }
0xe9: {  	v6 =	vld [tilespmem:s18+$0x0];
	_ =	sdelay $0x4  }
0xea: {  	(v2sf) =	vpush v6, $0x0;
	_ =	sdelay $0x9  }
0xeb: {  	v6 =	vld [tilespmem:s20+$0xFFFFFFC0]  }
0xec: {  	v7 =	vld [tilespmem:s21+$0xFFFFFFC0];
	_ =	sdelay $0x3  }
0xed: {  	s22 =	spop (v2sf)  }
0xee: {  	v6 =	vadd.f32 v6, v7;
	v7 =	vld [tilespmem:s22+$0x16000];
	s7 =	sshrl.u32 s22, $0x7  }
0xef: {  	s8 =	sand.u32 $0xF, s7  }
0xf0: {  	v8 =	vmul.f32 v6, v6;
	v9 =	vmov s8  }
0xf1: {  	vm1 =	veq.s32 v9, v5  }
0xf2: {  	[tilespmem:s22+$0xC380] =	vst.add.f32.msk $0xffff, v8  }
0xf3: {  	[tilespmem:s22+$0x2700] =	vst.add.f32.msk $0xffff, v6;
	v6 =	vmax.f32 v7, v6  }
0xf4: {  	[tilespmem:s22+$0x16000] =	vst v6  }
0xf5: {  	v6 =	vld [tilespmem:s21+$0xFFFFFFD0]  }
0xf6: {  	v7 =	vld [tilespmem:s20+$0xFFFFFFD0];
	_ =	sdelay $0x1  }
0xf7: {  	v8 =	vld [tilespmem:s22+$0x16010];
	_ =	sdelay $0x2  }
0xf8: {  	v6 =	vadd.f32 v7, v6;
	_ =	sdelay $0x1  }
0xf9: {  	[tilespmem:s22+$0x2710] =	vst.add.f32.msk $0xffff, v6;
	v7 =	vmul.f32 v6, v6;
	v6 =	vmax.f32 v8, v6  }
0xfa: {  	[tilespmem:s22+$0x16010] =	vst v6  }
0xfb: {  	[tilespmem:s22+$0xC390] =	vst.add.f32.msk $0xffff, v7  }
0xfc: {  	v6 =	vld [tilespmem:s21+$0xFFFFFFE0]  }
0xfd: {  	v7 =	vld [tilespmem:s20+$0xFFFFFFE0]  }
0xfe: {  	v8 =	vld [tilespmem:s22+$0x16020];
	_ =	sdelay $0x3  }
0xff: {  	v6 =	vadd.f32 v7, v6;
	_ =	sdelay $0x1  }
0x100: {  	[tilespmem:s22+$0x2720] =	vst.add.f32.msk $0xffff, v6;
	v7 =	vmul.f32 v6, v6;
	v6 =	vmax.f32 v8, v6  }
0x101: {  	[tilespmem:s22+$0x16020] =	vst v6;
	v6 =	vld [tilespmem:s22+$0x16030]  }
0x102: {  	[tilespmem:s22+$0xC3A0] =	vst.add.f32.msk $0xffff, v7  }
0x103: {  	v7 =	vld [tilespmem:s21+$0xFFFFFFF0]  }
0x104: {  	v8 =	vld [tilespmem:s20+$0xFFFFFFF0];
	_ =	sdelay $0x4  }
0x105: {  	v7 =	vadd.f32 v8, v7;
	_ =	sdelay $0x1  }
0x106: {  	[tilespmem:s22+$0x2730] =	vst.add.f32.msk $0xffff, v7;
	v8 =	vmul.f32 v7, v7;
	v6 =	vmax.f32 v6, v7  }
0x107: {  	[tilespmem:s22+$0x16030] =	vst v6;
	v6 =	vld [tilespmem:s22+$0x16040]  }
0x108: {  	[tilespmem:s22+$0xC3B0] =	vst.add.f32.msk $0xffff, v8  }
0x109: {  	v7 =	vld [tilespmem:s21+$0x0]  }
0x10a: {  	v8 =	vld [tilespmem:s20+$0x0];
	_ =	sdelay $0x4  }
0x10b: {  	v7 =	vadd.f32 v8, v7;
	_ =	sdelay $0x1  }
0x10c: {  	[tilespmem:s22+$0x2740] =	vst.add.f32.msk $0xffff, v7;
	v8 =	vmul.f32 v7, v7;
	v6 =	vmax.f32 v6, v7  }
0x10d: {  	[tilespmem:s22+$0x16040] =	vst v6;
	v6 =	vld [tilespmem:s22+$0x16050]  }
0x10e: {  	[tilespmem:s22+$0xC3C0] =	vst.add.f32.msk $0xffff, v8  }
0x10f: {  	v7 =	vld [tilespmem:s21+$0x10]  }
0x110: {  	v8 =	vld [tilespmem:s20+$0x10];
	_ =	sdelay $0x4  }
0x111: {  	v7 =	vadd.f32 v8, v7;
	_ =	sdelay $0x1  }
0x112: {  	[tilespmem:s22+$0x2750] =	vst.add.f32.msk $0xffff, v7;
	v8 =	vmul.f32 v7, v7;
	v6 =	vmax.f32 v6, v7  }
0x113: {  	[tilespmem:s22+$0x16050] =	vst v6;
	v7 =	vld [tilespmem:s22+$0x16060]  }
0x114: {  	[tilespmem:s22+$0xC3D0] =	vst.add.f32.msk $0xffff, v8  }
0x115: {  	v6 =	vld [tilespmem:s21+$0x20]  }
0x116: {  	v8 =	vld [tilespmem:s20+$0x20];
	_ =	sdelay $0x4  }
0x117: {  	v8 =	vadd.f32 v8, v6  }
0x118: {  	v6 =	vld [tilespmem:s22+$0x16070]  }
0x119: {  	[tilespmem:s22+$0x2760] =	vst.add.f32.msk $0xffff, v8;
	v9 =	vmul.f32 v8, v8;
	v7 =	vmax.f32 v7, v8  }
0x11a: {  	[tilespmem:s22+$0x16060] =	vst v7  }
.Ltmp8:
0x11b: {  	[tilespmem:s22+$0xC3E0] =	vst.add.f32.msk $0xffff, v9;
	(pc) =	sbr.rel @p0 .LBB2_8-.Ltmp8, $3  }
0x11c: {  	v8 =	vld [tilespmem:s21+$0x30]  }
0x11d: {  	v9 =	vld [tilespmem:s20+$0x30];
	_ =	sdelay $0x1  }
0x11e: {  	s7 =	sand.u32 $0x1FFFFF0, s7;
	v7 =	vsel vm1, $0x3F800000, v3  }
.LBB2_9:
0x11f: {  	_ =	sdelay $0x1  }
0x120: {  	p0 =	slt.u32 s0, $0x11;
	v8 =	vadd.f32 v9, v8  }
.Ltmp9:
0x121: {  	_ = 	snop;
	(pc) =	sbr.rel @p0 .LBB2_13-.Ltmp9, $4  }
0x122: {  	[tilespmem:s22+$0x2770] =	vst.add.f32.msk $0xffff, v8;
	v9 =	vmul.f32 v8, v8;
	v6 =	vmax.f32 v6, v8  }
0x123: {  	[tilespmem:s22+$0x16070] =	vst v6  }
0x124: {  	[tilespmem:s22+$0xC3F0] =	vst.add.f32.msk $0xffff, v9  }
0x125: {  	[tilespmem:s7+$0x1FC80] =	vst.add.f32.msk $0xffff, v7  }
0x126: {  	_ =	swait.ge [sflag:s12], $0x800  }
0x127: {  	[sflag:s12] =	ssyncset.done $0x0  }
0x128: {  	[sflag:s12] =	ssyncadd.s32 $0xFFFFF800  }
0x129: {  	_ =	swait.ge [sflag:s13], $0x800  }
0x12a: {  	[sflag:s13] =	ssyncset.done $0x0  }
0x12b: {  	s18 =	simm.s32 $0x690;
	[sflag:s13] =	ssyncadd.s32 $0xFFFFF800  }
0x12c: {  	v6 =	vld [tilespmem:s18+$0x0];
	_ =	sdelay $0x4  }
0x12d: {  	(v2sf) =	vpush v6, $0x0;
	_ =	sdelay $0x8  }
0x12e: {  	s21 =	simm.s32 $0xF70  }
0x12f: {  	s20 =	simm.s32 $0x1F70;
	v7 =	vld [tilespmem:s21+$0xFFFFFF90]  }
0x130: {  	v6 =	vld [tilespmem:s20+$0xFFFFFF90];
	_ =	sdelay $0x3  }
0x131: {  	s22 =	spop (v2sf)  }
0x132: {  	v6 =	vadd.f32 v6, v7;
	v7 =	vld [tilespmem:s22+$0x16000];
	_ =	sdelay $0x1  }
0x133: {  	v8 =	vmul.f32 v6, v6;
	_ =	sdelay $0x1  }
0x134: {  	[tilespmem:s22+$0xC380] =	vst.add.f32.msk $0xffff, v8  }
0x135: {  	[tilespmem:s22+$0x2700] =	vst.add.f32.msk $0xffff, v6;
	v6 =	vmax.f32 v7, v6  }
0x136: {  	[tilespmem:s22+$0x16000] =	vst v6  }
0x137: {  	v6 =	vld [tilespmem:s21+$0xFFFFFFA0]  }
0x138: {  	v7 =	vld [tilespmem:s20+$0xFFFFFFA0];
	_ =	sdelay $0x1  }
0x139: {  	v8 =	vld [tilespmem:s22+$0x16010];
	_ =	sdelay $0x2  }
0x13a: {  	v6 =	vadd.f32 v7, v6;
	_ =	sdelay $0x1  }
0x13b: {  	[tilespmem:s22+$0x2710] =	vst.add.f32.msk $0xffff, v6;
	v7 =	vmul.f32 v6, v6;
	v6 =	vmax.f32 v8, v6  }
0x13c: {  	[tilespmem:s22+$0x16010] =	vst v6  }
0x13d: {  	[tilespmem:s22+$0xC390] =	vst.add.f32.msk $0xffff, v7  }
0x13e: {  	v6 =	vld [tilespmem:s21+$0xFFFFFFB0]  }
0x13f: {  	v7 =	vld [tilespmem:s20+$0xFFFFFFB0];
	_ =	sdelay $0x1  }
0x140: {  	v8 =	vld [tilespmem:s22+$0x16020];
	_ =	sdelay $0x2  }
0x141: {  	v6 =	vadd.f32 v7, v6;
	_ =	sdelay $0x1  }
0x142: {  	[tilespmem:s22+$0x2720] =	vst.add.f32.msk $0xffff, v6;
	v7 =	vmax.f32 v8, v6;
	v6 =	vmul.f32 v6, v6  }
0x143: {  	[tilespmem:s22+$0x16020] =	vst v7  }
0x144: {  	[tilespmem:s22+$0xC3A0] =	vst.add.f32.msk $0xffff, v6  }
0x145: {  	v6 =	vld [tilespmem:s21+$0xFFFFFFC0]  }
0x146: {  	v8 =	vld [tilespmem:s20+$0xFFFFFFC0];
	_ =	sdelay $0x1  }
0x147: {  	v7 =	vld [tilespmem:s22+$0x16030];
	_ =	sdelay $0x2  }
0x148: {  	v6 =	vadd.f32 v8, v6;
	_ =	sdelay $0x1  }
0x149: {  	[tilespmem:s22+$0x2730] =	vst.add.f32.msk $0xffff, v6;
	v7 =	vmax.f32 v7, v6;
	v6 =	vmul.f32 v6, v6  }
0x14a: {  	[tilespmem:s22+$0x16030] =	vst v7  }
0x14b: {  	[tilespmem:s22+$0xC3B0] =	vst.add.f32.msk $0xffff, v6  }
0x14c: {  	v6 =	vld [tilespmem:s21+$0xFFFFFFD0]  }
0x14d: {  	v8 =	vld [tilespmem:s20+$0xFFFFFFD0];
	_ =	sdelay $0x1  }
0x14e: {  	v7 =	vld [tilespmem:s22+$0x16040];
	_ =	sdelay $0x2  }
0x14f: {  	v6 =	vadd.f32 v8, v6;
	_ =	sdelay $0x1  }
0x150: {  	[tilespmem:s22+$0x2740] =	vst.add.f32.msk $0xffff, v6;
	v7 =	vmax.f32 v7, v6;
	v6 =	vmul.f32 v6, v6  }
0x151: {  	[tilespmem:s22+$0x16040] =	vst v7  }
0x152: {  	[tilespmem:s22+$0xC3C0] =	vst.add.f32.msk $0xffff, v6  }
0x153: {  	v6 =	vld [tilespmem:s21+$0xFFFFFFE0]  }
0x154: {  	v8 =	vld [tilespmem:s20+$0xFFFFFFE0];
	_ =	sdelay $0x1  }
0x155: {  	v7 =	vld [tilespmem:s22+$0x16050];
	_ =	sdelay $0x2  }
0x156: {  	v6 =	vadd.f32 v8, v6;
	_ =	sdelay $0x1  }
0x157: {  	[tilespmem:s22+$0x2750] =	vst.add.f32.msk $0xffff, v6;
	v7 =	vmax.f32 v7, v6;
	v6 =	vmul.f32 v6, v6  }
0x158: {  	[tilespmem:s22+$0x16050] =	vst v7  }
0x159: {  	[tilespmem:s22+$0xC3D0] =	vst.add.f32.msk $0xffff, v6  }
0x15a: {  	v6 =	vld [tilespmem:s21+$0xFFFFFFF0]  }
0x15b: {  	v8 =	vld [tilespmem:s20+$0xFFFFFFF0];
	_ =	sdelay $0x1  }
0x15c: {  	v7 =	vld [tilespmem:s22+$0x16060];
	_ =	sdelay $0x2  }
0x15d: {  	v8 =	vadd.f32 v8, v6;
	_ =	sdelay $0x1  }
0x15e: {  	s0 =	sadd.s32 $0xFFFFFFF0, s0;
	[tilespmem:s22+$0x2760] =	vst.add.f32.msk $0xffff, v8;
	v9 =	vmul.f32 v8, v8;
	v7 =	vmax.f32 v7, v8  }
0x15f: {  	p0 =	sne.s32 s0, $0x1;
	[tilespmem:s22+$0x16060] =	vst v7  }
.Ltmp10:
0x160: {  	s6 =	sshrl.u32 s22, $0x7;
	[tilespmem:s22+$0xC3E0] =	vst.add.f32.msk $0xffff, v9;
	(pc) =	sbr.rel @!p0 .LBB2_12-.Ltmp10, $4  }
0x161: {  	s7 =	sand.u32 $0xF, s6;
	v8 =	vld [tilespmem:s21+$0x0]  }
0x162: {  	v7 =	vmov s7;
	v9 =	vld [tilespmem:s20+$0x0]  }
0x163: {  	vm1 =	veq.s32 v7, v5  }
0x164: {  	s0 =	sadd.s32 $0xFFFFFFFF, s0;
	s6 =	sand.u32 $0x1FFFFF0, s6;
	v6 =	vld [tilespmem:s22+$0x16070];
	v7 =	vsel vm1, $0x3F800000, v3  }
.LBB2_11:
0x165: {  	s18 =	sadd.s32 $0x1, s18;
	s20 =	sadd.s32 $0x80, s20;
	s21 =	sadd.s32 $0x80, s21  }
0x166: {  	p0 =	sne.s32 s0, $0x1;
	s0 =	sadd.s32 $0xFFFFFFFF, s0  }
0x167: {  	v8 =	vadd.f32 v9, v8;
	_ =	sdelay $0x1  }
0x168: {  	[tilespmem:s22+$0x2770] =	vst.add.f32.msk $0xffff, v8;
	v9 =	vmul.f32 v8, v8;
	v6 =	vmax.f32 v6, v8  }
0x169: {  	[tilespmem:s22+$0x16070] =	vst v6  }
0x16a: {  	[tilespmem:s22+$0xC3F0] =	vst.add.f32.msk $0xffff, v9  }
0x16b: {  	[tilespmem:s6+$0x1FC80] =	vst.add.f32.msk $0xffff, v7  }
0x16c: {  	v6 =	vld [tilespmem:s18+$0x0];
	_ =	sdelay $0x4  }
0x16d: {  	(v2sf) =	vpush v6, $0x0;
	_ =	sdelay $0x9  }
0x16e: {  	v6 =	vld [tilespmem:s20+$0xFFFFFF90]  }
0x16f: {  	v7 =	vld [tilespmem:s21+$0xFFFFFF90];
	_ =	sdelay $0x3  }
0x170: {  	s22 =	spop (v2sf)  }
0x171: {  	v6 =	vadd.f32 v6, v7;
	v7 =	vld [tilespmem:s22+$0x16000];
	s6 =	sshrl.u32 s22, $0x7  }
0x172: {  	s7 =	sand.u32 $0xF, s6  }
0x173: {  	v8 =	vmul.f32 v6, v6;
	v9 =	vmov s7  }
0x174: {  	vm1 =	veq.s32 v9, v5  }
0x175: {  	[tilespmem:s22+$0xC380] =	vst.add.f32.msk $0xffff, v8  }
0x176: {  	[tilespmem:s22+$0x2700] =	vst.add.f32.msk $0xffff, v6;
	v6 =	vmax.f32 v7, v6  }
0x177: {  	[tilespmem:s22+$0x16000] =	vst v6  }
0x178: {  	v6 =	vld [tilespmem:s21+$0xFFFFFFA0]  }
0x179: {  	v7 =	vld [tilespmem:s20+$0xFFFFFFA0];
	_ =	sdelay $0x1  }
0x17a: {  	v8 =	vld [tilespmem:s22+$0x16010];
	_ =	sdelay $0x2  }
0x17b: {  	v6 =	vadd.f32 v7, v6;
	_ =	sdelay $0x1  }
0x17c: {  	[tilespmem:s22+$0x2710] =	vst.add.f32.msk $0xffff, v6;
	v7 =	vmul.f32 v6, v6;
	v6 =	vmax.f32 v8, v6  }
0x17d: {  	[tilespmem:s22+$0x16010] =	vst v6  }
0x17e: {  	[tilespmem:s22+$0xC390] =	vst.add.f32.msk $0xffff, v7  }
0x17f: {  	v6 =	vld [tilespmem:s21+$0xFFFFFFB0]  }
0x180: {  	v7 =	vld [tilespmem:s20+$0xFFFFFFB0]  }
0x181: {  	v8 =	vld [tilespmem:s22+$0x16020];
	_ =	sdelay $0x3  }
0x182: {  	v6 =	vadd.f32 v7, v6;
	_ =	sdelay $0x1  }
0x183: {  	[tilespmem:s22+$0x2720] =	vst.add.f32.msk $0xffff, v6;
	v7 =	vmul.f32 v6, v6;
	v6 =	vmax.f32 v8, v6  }
0x184: {  	[tilespmem:s22+$0x16020] =	vst v6;
	v6 =	vld [tilespmem:s22+$0x16030]  }
0x185: {  	[tilespmem:s22+$0xC3A0] =	vst.add.f32.msk $0xffff, v7  }
0x186: {  	v7 =	vld [tilespmem:s21+$0xFFFFFFC0]  }
0x187: {  	v8 =	vld [tilespmem:s20+$0xFFFFFFC0];
	_ =	sdelay $0x4  }
0x188: {  	v7 =	vadd.f32 v8, v7;
	_ =	sdelay $0x1  }
0x189: {  	[tilespmem:s22+$0x2730] =	vst.add.f32.msk $0xffff, v7;
	v8 =	vmul.f32 v7, v7;
	v6 =	vmax.f32 v6, v7  }
0x18a: {  	[tilespmem:s22+$0x16030] =	vst v6;
	v6 =	vld [tilespmem:s22+$0x16040]  }
0x18b: {  	[tilespmem:s22+$0xC3B0] =	vst.add.f32.msk $0xffff, v8  }
0x18c: {  	v7 =	vld [tilespmem:s21+$0xFFFFFFD0]  }
0x18d: {  	v8 =	vld [tilespmem:s20+$0xFFFFFFD0];
	_ =	sdelay $0x4  }
0x18e: {  	v7 =	vadd.f32 v8, v7;
	_ =	sdelay $0x1  }
0x18f: {  	[tilespmem:s22+$0x2740] =	vst.add.f32.msk $0xffff, v7;
	v8 =	vmul.f32 v7, v7;
	v6 =	vmax.f32 v6, v7  }
0x190: {  	[tilespmem:s22+$0x16040] =	vst v6;
	v6 =	vld [tilespmem:s22+$0x16050]  }
0x191: {  	[tilespmem:s22+$0xC3C0] =	vst.add.f32.msk $0xffff, v8  }
0x192: {  	v7 =	vld [tilespmem:s21+$0xFFFFFFE0]  }
0x193: {  	v8 =	vld [tilespmem:s20+$0xFFFFFFE0];
	_ =	sdelay $0x4  }
0x194: {  	v7 =	vadd.f32 v8, v7;
	_ =	sdelay $0x1  }
0x195: {  	[tilespmem:s22+$0x2750] =	vst.add.f32.msk $0xffff, v7;
	v8 =	vmul.f32 v7, v7;
	v6 =	vmax.f32 v6, v7  }
0x196: {  	[tilespmem:s22+$0x16050] =	vst v6;
	v7 =	vld [tilespmem:s22+$0x16060]  }
0x197: {  	[tilespmem:s22+$0xC3D0] =	vst.add.f32.msk $0xffff, v8  }
0x198: {  	v6 =	vld [tilespmem:s21+$0xFFFFFFF0]  }
0x199: {  	v8 =	vld [tilespmem:s20+$0xFFFFFFF0];
	_ =	sdelay $0x4  }
0x19a: {  	v8 =	vadd.f32 v8, v6  }
0x19b: {  	v6 =	vld [tilespmem:s22+$0x16070]  }
0x19c: {  	[tilespmem:s22+$0x2760] =	vst.add.f32.msk $0xffff, v8;
	v9 =	vmul.f32 v8, v8;
	v7 =	vmax.f32 v7, v8  }
0x19d: {  	[tilespmem:s22+$0x16060] =	vst v7  }
.Ltmp11:
0x19e: {  	[tilespmem:s22+$0xC3E0] =	vst.add.f32.msk $0xffff, v9;
	(pc) =	sbr.rel @p0 .LBB2_11-.Ltmp11, $3  }
0x19f: {  	v8 =	vld [tilespmem:s21+$0x0]  }
0x1a0: {  	v9 =	vld [tilespmem:s20+$0x0];
	_ =	sdelay $0x1  }
0x1a1: {  	s6 =	sand.u32 $0x1FFFFF0, s6;
	v7 =	vsel vm1, $0x3F800000, v3  }
.LBB2_12:
0x1a2: {  	_ =	sdelay $0x1  }
0x1a3: {  	v8 =	vadd.f32 v9, v8;
	_ =	sdelay $0x1  }
0x1a4: {  	[tilespmem:s22+$0x2770] =	vst.add.f32.msk $0xffff, v8;
	v9 =	vmul.f32 v8, v8;
	v6 =	vmax.f32 v6, v8  }
0x1a5: {  	[tilespmem:s22+$0x16070] =	vst v6  }
0x1a6: {  	[tilespmem:s22+$0xC3F0] =	vst.add.f32.msk $0xffff, v9  }
0x1a7: {  	[tilespmem:s6+$0x1FC80] =	vst.add.f32.msk $0xffff, v7  }
.LBB2_13:
0x1a8: {  	s0 =	sadd.s32 $0xF, s24  }
0x1a9: {  	p0 =	slt.u32 s0, $0x30  }
.Ltmp12:
0x1aa: {  	_ = 	snop;
	(pc) =	sbr.rel @p0 .LBB2_20-.Ltmp12, $2  }
0x1ab: {  	_ =	sdelay $0x2  }
0x1ac: {  	v6 =	vmov s29  }
.Ltmp13:
0x1ad: {  	(pc) =	sbr.rel .LBB2_15-.Ltmp13, $4  }
0x1ae: {  	_ = 	snop  }
0x1af: {  	s1 =	sadd.s32 s1, s31  }
0x1b0: {  	s1 =	sadd.s32 s30, s1  }
0x1b1: {  	s0 =	sshrl.u32 s0, $0x4;
	s30 =	simm.s32 $0x2;
	s1 =	sadd.s32 $0xFFFFFFE0, s1  }
.LBB2_18:
0x1b2: {  	v9 =	vadd.f32 v10, v9;
	_ =	sdelay $0x1  }
0x1b3: {  	[tilespmem:s21+$0x2770] =	vst.add.f32.msk $0xffff, v9;
	v10 =	vmul.f32 v9, v9;
	v7 =	vmax.f32 v7, v9  }
0x1b4: {  	[tilespmem:s21+$0x16070] =	vst v7  }
0x1b5: {  	[tilespmem:s21+$0xC3F0] =	vst.add.f32.msk $0xffff, v10  }
0x1b6: {  	[tilespmem:s7+$0x1FC80] =	vst.add.f32.msk $0xffff, v8  }
.LBB2_19:
0x1b7: {  	s30 =	sadd.s32 $0x1, s30  }
0x1b8: {  	p0 =	sne.s32 s30, s0  }
.Ltmp14:
0x1b9: {  	_ = 	snop;
	(pc) =	sbr.rel @!p0 .LBB2_20-.Ltmp14, $2  }
0x1ba: {  	_ =	sdelay $0x2  }
0x1bb: {  	s1 =	sadd.s32 $0xFFFFFFF0, s1  }
.LBB2_15:
0x1bc: {  	s6 =	sshll.u32 s30, $0x4  }
0x1bd: {  	v7 =	vld [tilespmem:s6+$0x400];
	_ =	sdelay $0x4  }
0x1be: {  	v7 =	vand.u32 $0x1FF, v7  }
0x1bf: {  	v7 =	vor.u32 v6, v7;
	_ =	sdelay $0x4  }
0x1c0: {  	v7 =	vld.idx.msk [tilespmem:v7+s3+$0x0], $0xffff;
	_ =	sdelay $0x4  }
0x1c1: {  	v8 =	vand.u32 $0x3FFF, v7  }
0x1c2: {  	v7 =	vshrl.u32 v7, $0xE;
	v8 =	vsub.s32 v8, v0  }
0x1c3: {  	v8 =	vshll.u32 v8, $0x7  }
0x1c4: {  	s7 =	sadd.s32 $0x400, s6;
	[tilespmem:$0x680] =	vst v8  }
0x1c5: {  	[tilespmem:s15], [sflag:$0x2] =	stream.indirect.gather [hbm4b:s4+s14], $0x80, s7, s14, $0xb8;
	[tilespmem:$0x1FE00] =	vst v63  }
0x1c6: {  	s6 =	ssub.s32 s24, s6  }
0x1c7: {  	[tilespmem:s16], [sflag:$0x3] =	stream.indirect_vreg.gather [hbm4b:s2+s3], $0x80, v7, vm0, $0xb8;
	[tilespmem:$0x1FE00] =	vst v63  }
0x1c8: {  	p0 =	slt.s32 s6, $0x1;
	_ =	swait.ge [sflag:s12], $0x800  }
.Ltmp15:
0x1c9: {  	[sflag:s12] =	ssyncset.done $0x0;
	(pc) =	sbr.rel @p0 .LBB2_19-.Ltmp15, $4  }
0x1ca: {  	[sflag:s12] =	ssyncadd.s32 $0xFFFFF800  }
0x1cb: {  	_ =	swait.ge [sflag:s13], $0x800  }
0x1cc: {  	[sflag:s13] =	ssyncset.done $0x0  }
0x1cd: {  	[sflag:s13] =	ssyncadd.s32 $0xFFFFF800  }
0x1ce: {  	s31 =	simm.s32 $0x680  }
0x1cf: {  	v7 =	vld [tilespmem:s31+$0x0];
	_ =	sdelay $0x4  }
0x1d0: {  	(v2sf) =	vpush v7, $0x0;
	_ =	sdelay $0x8  }
0x1d1: {  	s20 =	simm.s32 $0x740  }
0x1d2: {  	s18 =	simm.s32 $0x1740;
	v8 =	vld [tilespmem:s20+$0xFFFFFFC0]  }
0x1d3: {  	v7 =	vld [tilespmem:s18+$0xFFFFFFC0];
	_ =	sdelay $0x3  }
0x1d4: {  	s21 =	spop (v2sf)  }
0x1d5: {  	v7 =	vadd.f32 v7, v8;
	v8 =	vld [tilespmem:s21+$0x16000];
	_ =	sdelay $0x1  }
0x1d6: {  	v9 =	vmul.f32 v7, v7;
	_ =	sdelay $0x1  }
0x1d7: {  	[tilespmem:s21+$0xC380] =	vst.add.f32.msk $0xffff, v9  }
0x1d8: {  	[tilespmem:s21+$0x2700] =	vst.add.f32.msk $0xffff, v7;
	v7 =	vmax.f32 v8, v7  }
0x1d9: {  	[tilespmem:s21+$0x16000] =	vst v7  }
0x1da: {  	v7 =	vld [tilespmem:s20+$0xFFFFFFD0]  }
0x1db: {  	v8 =	vld [tilespmem:s18+$0xFFFFFFD0];
	_ =	sdelay $0x1  }
0x1dc: {  	v9 =	vld [tilespmem:s21+$0x16010];
	_ =	sdelay $0x2  }
0x1dd: {  	v7 =	vadd.f32 v8, v7;
	_ =	sdelay $0x1  }
0x1de: {  	[tilespmem:s21+$0x2710] =	vst.add.f32.msk $0xffff, v7;
	v8 =	vmul.f32 v7, v7;
	v7 =	vmax.f32 v9, v7  }
0x1df: {  	[tilespmem:s21+$0x16010] =	vst v7  }
0x1e0: {  	[tilespmem:s21+$0xC390] =	vst.add.f32.msk $0xffff, v8  }
0x1e1: {  	v7 =	vld [tilespmem:s20+$0xFFFFFFE0]  }
0x1e2: {  	v8 =	vld [tilespmem:s18+$0xFFFFFFE0];
	_ =	sdelay $0x1  }
0x1e3: {  	v9 =	vld [tilespmem:s21+$0x16020];
	_ =	sdelay $0x2  }
0x1e4: {  	v7 =	vadd.f32 v8, v7;
	_ =	sdelay $0x1  }
0x1e5: {  	[tilespmem:s21+$0x2720] =	vst.add.f32.msk $0xffff, v7;
	v8 =	vmax.f32 v9, v7;
	v7 =	vmul.f32 v7, v7  }
0x1e6: {  	[tilespmem:s21+$0x16020] =	vst v8  }
0x1e7: {  	[tilespmem:s21+$0xC3A0] =	vst.add.f32.msk $0xffff, v7  }
0x1e8: {  	v7 =	vld [tilespmem:s20+$0xFFFFFFF0]  }
0x1e9: {  	v9 =	vld [tilespmem:s18+$0xFFFFFFF0];
	_ =	sdelay $0x1  }
0x1ea: {  	v8 =	vld [tilespmem:s21+$0x16030];
	_ =	sdelay $0x2  }
0x1eb: {  	v7 =	vadd.f32 v9, v7;
	_ =	sdelay $0x1  }
0x1ec: {  	[tilespmem:s21+$0x2730] =	vst.add.f32.msk $0xffff, v7;
	v8 =	vmax.f32 v8, v7;
	v7 =	vmul.f32 v7, v7  }
0x1ed: {  	[tilespmem:s21+$0x16030] =	vst v8  }
0x1ee: {  	[tilespmem:s21+$0xC3B0] =	vst.add.f32.msk $0xffff, v7  }
0x1ef: {  	v7 =	vld [tilespmem:s20+$0x0]  }
0x1f0: {  	v9 =	vld [tilespmem:s18+$0x0];
	_ =	sdelay $0x1  }
0x1f1: {  	v8 =	vld [tilespmem:s21+$0x16040];
	_ =	sdelay $0x2  }
0x1f2: {  	v7 =	vadd.f32 v9, v7;
	_ =	sdelay $0x1  }
0x1f3: {  	[tilespmem:s21+$0x2740] =	vst.add.f32.msk $0xffff, v7;
	v8 =	vmax.f32 v8, v7;
	v7 =	vmul.f32 v7, v7  }
0x1f4: {  	[tilespmem:s21+$0x16040] =	vst v8  }
0x1f5: {  	[tilespmem:s21+$0xC3C0] =	vst.add.f32.msk $0xffff, v7  }
0x1f6: {  	v7 =	vld [tilespmem:s20+$0x10]  }
0x1f7: {  	v9 =	vld [tilespmem:s18+$0x10];
	_ =	sdelay $0x1  }
0x1f8: {  	v8 =	vld [tilespmem:s21+$0x16050];
	_ =	sdelay $0x2  }
0x1f9: {  	v7 =	vadd.f32 v9, v7;
	_ =	sdelay $0x1  }
0x1fa: {  	[tilespmem:s21+$0x2750] =	vst.add.f32.msk $0xffff, v7;
	v8 =	vmax.f32 v8, v7;
	v7 =	vmul.f32 v7, v7  }
0x1fb: {  	[tilespmem:s21+$0x16050] =	vst v8  }
0x1fc: {  	[tilespmem:s21+$0xC3D0] =	vst.add.f32.msk $0xffff, v7  }
0x1fd: {  	v7 =	vld [tilespmem:s20+$0x20]  }
0x1fe: {  	v9 =	vld [tilespmem:s18+$0x20];
	_ =	sdelay $0x1  }
0x1ff: {  	v8 =	vld [tilespmem:s21+$0x16060];
	_ =	sdelay $0x2  }
0x200: {  	v9 =	vadd.f32 v9, v7;
	_ =	sdelay $0x1  }
0x201: {  	p0 =	sgt.s32 s1, $0x1;
	s6 =	smov.u32 s1;
	[tilespmem:s21+$0x2760] =	vst.add.f32.msk $0xffff, v9;
	v10 =	vmul.f32 v9, v9;
	v8 =	vmax.f32 v8, v9  }
0x202: {  	s6 =	simm.s32 @!p0 $0x1;
	[tilespmem:s21+$0x16060] =	vst v8  }
0x203: {  	s6 =	smin.u32 s6, $0x10;
	[tilespmem:s21+$0xC3E0] =	vst.add.f32.msk $0xffff, v10  }
0x204: {  	p0 =	sne.s32 s6, $0x1;
	v9 =	vld [tilespmem:s20+$0x30]  }
.Ltmp16:
0x205: {  	s7 =	sshrl.u32 s21, $0x7;
	v10 =	vld [tilespmem:s18+$0x30];
	(pc) =	sbr.rel @!p0 .LBB2_18-.Ltmp16, $4  }
0x206: {  	s8 =	sand.u32 $0xF, s7  }
0x207: {  	v7 =	vld [tilespmem:s21+$0x16070];
	v8 =	vmov s8  }
0x208: {  	vm1 =	veq.s32 v8, v5  }
0x209: {  	s6 =	sadd.s32 $0xFFFFFFFF, s6;
	s7 =	sand.u32 $0x1FFFFF0, s7;
	v8 =	vsel vm1, $0x3F800000, v3  }
.LBB2_17:
0x20a: {  	s31 =	sadd.s32 $0x1, s31;
	s18 =	sadd.s32 $0x80, s18;
	s20 =	sadd.s32 $0x80, s20  }
0x20b: {  	p0 =	sne.s32 s6, $0x1;
	s6 =	sadd.s32 $0xFFFFFFFF, s6  }
0x20c: {  	v9 =	vadd.f32 v10, v9;
	_ =	sdelay $0x1  }
0x20d: {  	v10 =	vmul.f32 v9, v9;
	v7 =	vmax.f32 v7, v9;
	[tilespmem:s21+$0x2770] =	vst.add.f32.msk $0xffff, v9  }
0x20e: {  	[tilespmem:s21+$0x16070] =	vst v7  }
0x20f: {  	[tilespmem:s21+$0xC3F0] =	vst.add.f32.msk $0xffff, v10  }
0x210: {  	[tilespmem:s7+$0x1FC80] =	vst.add.f32.msk $0xffff, v8  }
0x211: {  	v7 =	vld [tilespmem:s31+$0x0];
	_ =	sdelay $0x4  }
0x212: {  	(v2sf) =	vpush v7, $0x0;
	_ =	sdelay $0x9  }
0x213: {  	v7 =	vld [tilespmem:s18+$0xFFFFFFC0]  }
0x214: {  	v8 =	vld [tilespmem:s20+$0xFFFFFFC0];
	_ =	sdelay $0x3  }
0x215: {  	s21 =	spop (v2sf)  }
0x216: {  	v7 =	vadd.f32 v7, v8;
	v8 =	vld [tilespmem:s21+$0x16000];
	s7 =	sshrl.u32 s21, $0x7  }
0x217: {  	s8 =	sand.u32 $0xF, s7  }
0x218: {  	v9 =	vmul.f32 v7, v7;
	v10 =	vmov s8  }
0x219: {  	vm1 =	veq.s32 v10, v5  }
0x21a: {  	[tilespmem:s21+$0xC380] =	vst.add.f32.msk $0xffff, v9  }
0x21b: {  	[tilespmem:s21+$0x2700] =	vst.add.f32.msk $0xffff, v7;
	v7 =	vmax.f32 v8, v7  }
0x21c: {  	[tilespmem:s21+$0x16000] =	vst v7  }
0x21d: {  	v7 =	vld [tilespmem:s20+$0xFFFFFFD0]  }
0x21e: {  	v8 =	vld [tilespmem:s18+$0xFFFFFFD0];
	_ =	sdelay $0x1  }
0x21f: {  	v9 =	vld [tilespmem:s21+$0x16010];
	_ =	sdelay $0x2  }
0x220: {  	v7 =	vadd.f32 v8, v7;
	_ =	sdelay $0x1  }
0x221: {  	[tilespmem:s21+$0x2710] =	vst.add.f32.msk $0xffff, v7;
	v8 =	vmul.f32 v7, v7;
	v7 =	vmax.f32 v9, v7  }
0x222: {  	[tilespmem:s21+$0x16010] =	vst v7  }
0x223: {  	[tilespmem:s21+$0xC390] =	vst.add.f32.msk $0xffff, v8  }
0x224: {  	v7 =	vld [tilespmem:s20+$0xFFFFFFE0]  }
0x225: {  	v8 =	vld [tilespmem:s18+$0xFFFFFFE0]  }
0x226: {  	v9 =	vld [tilespmem:s21+$0x16020];
	_ =	sdelay $0x3  }
0x227: {  	v7 =	vadd.f32 v8, v7;
	_ =	sdelay $0x1  }
0x228: {  	[tilespmem:s21+$0x2720] =	vst.add.f32.msk $0xffff, v7;
	v8 =	vmul.f32 v7, v7;
	v7 =	vmax.f32 v9, v7  }
0x229: {  	[tilespmem:s21+$0x16020] =	vst v7;
	v7 =	vld [tilespmem:s21+$0x16030]  }
0x22a: {  	[tilespmem:s21+$0xC3A0] =	vst.add.f32.msk $0xffff, v8  }
0x22b: {  	v8 =	vld [tilespmem:s20+$0xFFFFFFF0]  }
0x22c: {  	v9 =	vld [tilespmem:s18+$0xFFFFFFF0];
	_ =	sdelay $0x4  }
0x22d: {  	v8 =	vadd.f32 v9, v8;
	_ =	sdelay $0x1  }
0x22e: {  	[tilespmem:s21+$0x2730] =	vst.add.f32.msk $0xffff, v8;
	v9 =	vmul.f32 v8, v8;
	v7 =	vmax.f32 v7, v8  }
0x22f: {  	[tilespmem:s21+$0x16030] =	vst v7;
	v7 =	vld [tilespmem:s21+$0x16040]  }
0x230: {  	[tilespmem:s21+$0xC3B0] =	vst.add.f32.msk $0xffff, v9  }
0x231: {  	v8 =	vld [tilespmem:s20+$0x0]  }
0x232: {  	v9 =	vld [tilespmem:s18+$0x0];
	_ =	sdelay $0x4  }
0x233: {  	v8 =	vadd.f32 v9, v8;
	_ =	sdelay $0x1  }
0x234: {  	[tilespmem:s21+$0x2740] =	vst.add.f32.msk $0xffff, v8;
	v9 =	vmul.f32 v8, v8;
	v7 =	vmax.f32 v7, v8  }
0x235: {  	[tilespmem:s21+$0x16040] =	vst v7;
	v7 =	vld [tilespmem:s21+$0x16050]  }
0x236: {  	[tilespmem:s21+$0xC3C0] =	vst.add.f32.msk $0xffff, v9  }
0x237: {  	v8 =	vld [tilespmem:s20+$0x10]  }
0x238: {  	v9 =	vld [tilespmem:s18+$0x10];
	_ =	sdelay $0x4  }
0x239: {  	v8 =	vadd.f32 v9, v8;
	_ =	sdelay $0x1  }
0x23a: {  	[tilespmem:s21+$0x2750] =	vst.add.f32.msk $0xffff, v8;
	v9 =	vmul.f32 v8, v8;
	v7 =	vmax.f32 v7, v8  }
0x23b: {  	[tilespmem:s21+$0x16050] =	vst v7;
	v8 =	vld [tilespmem:s21+$0x16060]  }
0x23c: {  	[tilespmem:s21+$0xC3D0] =	vst.add.f32.msk $0xffff, v9  }
0x23d: {  	v7 =	vld [tilespmem:s20+$0x20]  }
0x23e: {  	v9 =	vld [tilespmem:s18+$0x20];
	_ =	sdelay $0x4  }
0x23f: {  	v9 =	vadd.f32 v9, v7  }
0x240: {  	v7 =	vld [tilespmem:s21+$0x16070]  }
0x241: {  	[tilespmem:s21+$0x2760] =	vst.add.f32.msk $0xffff, v9;
	v10 =	vmul.f32 v9, v9;
	v8 =	vmax.f32 v8, v9  }
0x242: {  	[tilespmem:s21+$0x16060] =	vst v8  }
.Ltmp17:
0x243: {  	[tilespmem:s21+$0xC3E0] =	vst.add.f32.msk $0xffff, v10;
	(pc) =	sbr.rel @p0 .LBB2_17-.Ltmp17, $3  }
0x244: {  	v9 =	vld [tilespmem:s20+$0x30]  }
0x245: {  	v10 =	vld [tilespmem:s18+$0x30];
	_ =	sdelay $0x1  }
0x246: {  	s7 =	sand.u32 $0x1FFFFF0, s7;
	v8 =	vsel vm1, $0x3F800000, v3  }
.Ltmp18:
0x247: {  	_ = 	snop;
	(pc) =	sbr.rel .LBB2_18-.Ltmp18, $1  }
0x248: {  	_ =	sdelay $0x3  }
.LBB2_20:
0x249: {  	p0 =	slt.s32 s24, $0x1  }
.Ltmp19:
0x24a: {  	_ = 	snop;
	(pc) =	sbr.rel @p0 .LBB2_23-.Ltmp19, $1  }
0x24b: {  	_ =	sdelay $0x3  }
0x24c: {  	v7 =	vld [tilespmem:$0x400];
	_ =	sdelay $0x4  }
0x24d: {  	v7 =	vand.u32 $0x1FF, v7  }
0x24e: {  	v7 =	vor.u32 s29, v7;
	_ =	sdelay $0x4  }
0x24f: {  	v7 =	vld.idx.msk [tilespmem:v7+s3+$0x0], $0xffff;
	_ =	sdelay $0x4  }
0x250: {  	v8 =	vand.u32 $0x3FFF, v7  }
0x251: {  	v7 =	vshrl.u32 v7, $0xE;
	v8 =	vsub.s32 v8, v0  }
0x252: {  	v8 =	vshll.u32 v8, $0x7  }
0x253: {  	[tilespmem:$0x680] =	vst v8  }
0x254: {  	[tilespmem:s15], [sflag:$0x2] =	stream.indirect.gather [hbm4b:s4+s14], $0x80, s17, s14, $0xb8;
	[tilespmem:$0x1FE00] =	vst v63  }
0x255: {  	p0 =	slt.u32 s24, $0x11  }
0x256: {  	[tilespmem:s16], [sflag:$0x3] =	stream.indirect_vreg.gather [hbm4b:s2+s3], $0x80, v7, vm0, $0xb8;
	[tilespmem:$0x1FE00] =	vst v63  }
0x257: {  	v7 =	vld @!p0 [tilespmem:$0x410];
	_ =	sdelay $0x4  }
0x258: {  	v7 =	vand.u32 @!p0 $0x1FF, v7  }
0x259: {  	v6 =	vor.u32 @!p0 v6, v7;
	_ =	sdelay $0x3  }
0x25a: {  	s0 =	simm.s32 @!p0 $0x0  }
0x25b: {  	v6 =	vld.idx.msk @!p0 [tilespmem:v6+s0+$0x0], $0xffff;
	_ =	sdelay $0x4  }
0x25c: {  	v7 =	vand.u32 @!p0 $0x3FFF, v6  }
0x25d: {  	p2 =	seq.s32 s28, $0x271;
	v6 =	vshrl.u32 @!p0 v6, $0xE;
	v7 =	vsub.s32 @!p0 v7, v0  }
.Ltmp20:
0x25e: {  	p1 =	slt.s32 s24, $0x20;
	v7 =	vshll.u32 @!p0 v7, $0x7;
	(pc) =	sbr.rel @!p2 .LBB2_22-.Ltmp20, $4  }
0x25f: {  	s1 =	simm.s32 @!p0 $0x10;
	s6 =	simm.s32 @!p0 $0x410;
	s7 =	simm.s32 @!p0 $0xF00;
	[tilespmem:$0x690] =	vst @!p0 v7  }
0x260: {  	[tilespmem:s7], [sflag:$0x2] =	stream.indirect.gather @!p0 [hbm4b:s4+s1], $0x80, s6, s1, $0xb8;
	[tilespmem:$0x1FE00] =	vst v63  }
0x261: {  	vm1 =	vmmov @!p0 $0xffff;
	s24 =	simm.s32 @!p1 $0x20;
	s1 =	simm.s32 @!p0 $0x1F00  }
0x262: {  	[tilespmem:s1], [sflag:$0x3] =	stream.indirect_vreg.gather @!p0 [hbm4b:s2+s0], $0x80, v6, vm1, $0xb8;
	[tilespmem:$0x1FE00] =	vst v63  }
0x263: {  	_ =	swait.ge [sflag:s12], $0x800  }
0x264: {  	[sflag:s12] =	ssyncset.done $0x0  }
0x265: {  	[sflag:s12] =	ssyncadd.s32 $0xFFFFF800  }
0x266: {  	_ =	swait.ge [sflag:s13], $0x800  }
0x267: {  	[sflag:s13] =	ssyncset.done $0x0  }
0x268: {  	s0 =	simm.s32 $0x680;
	[sflag:s13] =	ssyncadd.s32 $0xFFFFF800  }
0x269: {  	v6 =	vld [tilespmem:s0+$0x0];
	_ =	sdelay $0x4  }
0x26a: {  	(v2sf) =	vpush v6, $0x0;
	_ =	sdelay $0x8  }
0x26b: {  	s18 =	simm.s32 $0x740  }
0x26c: {  	s1 =	simm.s32 $0x1740;
	v7 =	vld [tilespmem:s18+$0xFFFFFFC0]  }
0x26d: {  	v6 =	vld [tilespmem:s1+$0xFFFFFFC0];
	_ =	sdelay $0x3  }
0x26e: {  	s20 =	spop (v2sf)  }
0x26f: {  	v6 =	vadd.f32 v6, v7;
	v7 =	vld [tilespmem:s20+$0x16000];
	_ =	sdelay $0x1  }
0x270: {  	v8 =	vmul.f32 v6, v6;
	_ =	sdelay $0x1  }
0x271: {  	[tilespmem:s20+$0xC380] =	vst.add.f32.msk $0xffff, v8  }
0x272: {  	[tilespmem:s20+$0x2700] =	vst.add.f32.msk $0xffff, v6;
	v6 =	vmax.f32 v7, v6  }
0x273: {  	[tilespmem:s20+$0x16000] =	vst v6  }
0x274: {  	v6 =	vld [tilespmem:s18+$0xFFFFFFD0]  }
0x275: {  	v7 =	vld [tilespmem:s1+$0xFFFFFFD0];
	_ =	sdelay $0x1  }
0x276: {  	v8 =	vld [tilespmem:s20+$0x16010];
	_ =	sdelay $0x2  }
0x277: {  	v6 =	vadd.f32 v7, v6;
	_ =	sdelay $0x1  }
0x278: {  	[tilespmem:s20+$0x2710] =	vst.add.f32.msk $0xffff, v6;
	v7 =	vmul.f32 v6, v6;
	v6 =	vmax.f32 v8, v6  }
0x279: {  	[tilespmem:s20+$0x16010] =	vst v6  }
0x27a: {  	[tilespmem:s20+$0xC390] =	vst.add.f32.msk $0xffff, v7  }
0x27b: {  	v6 =	vld [tilespmem:s18+$0xFFFFFFE0]  }
0x27c: {  	v7 =	vld [tilespmem:s1+$0xFFFFFFE0];
	_ =	sdelay $0x1  }
0x27d: {  	v8 =	vld [tilespmem:s20+$0x16020];
	_ =	sdelay $0x2  }
0x27e: {  	v6 =	vadd.f32 v7, v6;
	_ =	sdelay $0x1  }
0x27f: {  	[tilespmem:s20+$0x2720] =	vst.add.f32.msk $0xffff, v6;
	v7 =	vmax.f32 v8, v6;
	v6 =	vmul.f32 v6, v6  }
0x280: {  	[tilespmem:s20+$0x16020] =	vst v7  }
0x281: {  	[tilespmem:s20+$0xC3A0] =	vst.add.f32.msk $0xffff, v6  }
0x282: {  	v6 =	vld [tilespmem:s18+$0xFFFFFFF0]  }
0x283: {  	v8 =	vld [tilespmem:s1+$0xFFFFFFF0];
	_ =	sdelay $0x1  }
0x284: {  	v7 =	vld [tilespmem:s20+$0x16030];
	_ =	sdelay $0x2  }
0x285: {  	v6 =	vadd.f32 v8, v6;
	_ =	sdelay $0x1  }
0x286: {  	[tilespmem:s20+$0x2730] =	vst.add.f32.msk $0xffff, v6;
	v7 =	vmax.f32 v7, v6;
	v6 =	vmul.f32 v6, v6  }
0x287: {  	[tilespmem:s20+$0x16030] =	vst v7  }
0x288: {  	[tilespmem:s20+$0xC3B0] =	vst.add.f32.msk $0xffff, v6  }
0x289: {  	v6 =	vld [tilespmem:s18+$0x0]  }
0x28a: {  	v8 =	vld [tilespmem:s1+$0x0];
	_ =	sdelay $0x1  }
0x28b: {  	v7 =	vld [tilespmem:s20+$0x16040];
	_ =	sdelay $0x2  }
0x28c: {  	v6 =	vadd.f32 v8, v6;
	_ =	sdelay $0x1  }
0x28d: {  	[tilespmem:s20+$0x2740] =	vst.add.f32.msk $0xffff, v6;
	v7 =	vmax.f32 v7, v6;
	v6 =	vmul.f32 v6, v6  }
0x28e: {  	[tilespmem:s20+$0x16040] =	vst v7  }
0x28f: {  	[tilespmem:s20+$0xC3C0] =	vst.add.f32.msk $0xffff, v6  }
0x290: {  	v6 =	vld [tilespmem:s18+$0x10]  }
0x291: {  	v8 =	vld [tilespmem:s1+$0x10];
	_ =	sdelay $0x1  }
0x292: {  	v7 =	vld [tilespmem:s20+$0x16050];
	_ =	sdelay $0x2  }
0x293: {  	v6 =	vadd.f32 v8, v6;
	_ =	sdelay $0x1  }
0x294: {  	[tilespmem:s20+$0x2750] =	vst.add.f32.msk $0xffff, v6;
	v7 =	vmax.f32 v7, v6;
	v6 =	vmul.f32 v6, v6  }
0x295: {  	[tilespmem:s20+$0x16050] =	vst v7  }
0x296: {  	[tilespmem:s20+$0xC3D0] =	vst.add.f32.msk $0xffff, v6  }
0x297: {  	v6 =	vld [tilespmem:s18+$0x20]  }
0x298: {  	v8 =	vld [tilespmem:s1+$0x20];
	_ =	sdelay $0x1  }
0x299: {  	v7 =	vld [tilespmem:s20+$0x16060];
	_ =	sdelay $0x2  }
0x29a: {  	v8 =	vadd.f32 v8, v6;
	_ =	sdelay $0x1  }
0x29b: {  	s8 =	smin.u32 s24, $0x10;
	[tilespmem:s20+$0x2760] =	vst.add.f32.msk $0xffff, v8;
	v9 =	vmul.f32 v8, v8;
	v7 =	vmax.f32 v7, v8  }
0x29c: {  	p1 =	sne.s32 s8, $0x1;
	[tilespmem:s20+$0x16060] =	vst v7  }
.Ltmp21:
0x29d: {  	s7 =	sshrl.u32 s20, $0x7;
	[tilespmem:s20+$0xC3E0] =	vst.add.f32.msk $0xffff, v9;
	(pc) =	sbr.rel @!p1 .LBB2_26-.Ltmp21, $4  }
0x29e: {  	s6 =	sand.u32 $0xF, s7;
	v8 =	vld [tilespmem:s18+$0x30]  }
0x29f: {  	v7 =	vmov s6;
	v9 =	vld [tilespmem:s1+$0x30]  }
0x2a0: {  	vm1 =	veq.s32 v7, v5  }
0x2a1: {  	s7 =	sand.u32 $0x1FFFFF0, s7;
	v6 =	vld [tilespmem:s20+$0x16070];
	s6 =	sadd.s32 $0xFFFFFFFF, s8;
	v7 =	vsel vm1, $0x3F800000, v3  }
.LBB2_25:
0x2a2: {  	s0 =	sadd.s32 $0x1, s0;
	s1 =	sadd.s32 $0x80, s1;
	s18 =	sadd.s32 $0x80, s18  }
0x2a3: {  	p1 =	sne.s32 s6, $0x1;
	s6 =	sadd.s32 $0xFFFFFFFF, s6  }
0x2a4: {  	v8 =	vadd.f32 v9, v8;
	_ =	sdelay $0x1  }
0x2a5: {  	[tilespmem:s20+$0x2770] =	vst.add.f32.msk $0xffff, v8;
	v9 =	vmul.f32 v8, v8;
	v6 =	vmax.f32 v6, v8  }
0x2a6: {  	[tilespmem:s20+$0x16070] =	vst v6  }
0x2a7: {  	[tilespmem:s20+$0xC3F0] =	vst.add.f32.msk $0xffff, v9  }
0x2a8: {  	[tilespmem:s7+$0x1FC80] =	vst.add.f32.msk $0xffff, v7  }
0x2a9: {  	v6 =	vld [tilespmem:s0+$0x0];
	_ =	sdelay $0x4  }
0x2aa: {  	(v2sf) =	vpush v6, $0x0;
	_ =	sdelay $0x9  }
0x2ab: {  	v6 =	vld [tilespmem:s1+$0xFFFFFFC0]  }
0x2ac: {  	v7 =	vld [tilespmem:s18+$0xFFFFFFC0];
	_ =	sdelay $0x3  }
0x2ad: {  	s20 =	spop (v2sf)  }
0x2ae: {  	v6 =	vadd.f32 v6, v7;
	v7 =	vld [tilespmem:s20+$0x16000];
	s7 =	sshrl.u32 s20, $0x7  }
0x2af: {  	s8 =	sand.u32 $0xF, s7  }
0x2b0: {  	v8 =	vmul.f32 v6, v6;
	v9 =	vmov s8  }
0x2b1: {  	vm1 =	veq.s32 v9, v5  }
0x2b2: {  	[tilespmem:s20+$0xC380] =	vst.add.f32.msk $0xffff, v8  }
0x2b3: {  	[tilespmem:s20+$0x2700] =	vst.add.f32.msk $0xffff, v6;
	v6 =	vmax.f32 v7, v6  }
0x2b4: {  	[tilespmem:s20+$0x16000] =	vst v6  }
0x2b5: {  	v6 =	vld [tilespmem:s18+$0xFFFFFFD0]  }
0x2b6: {  	v7 =	vld [tilespmem:s1+$0xFFFFFFD0];
	_ =	sdelay $0x1  }
0x2b7: {  	v8 =	vld [tilespmem:s20+$0x16010];
	_ =	sdelay $0x2  }
0x2b8: {  	v6 =	vadd.f32 v7, v6;
	_ =	sdelay $0x1  }
0x2b9: {  	[tilespmem:s20+$0x2710] =	vst.add.f32.msk $0xffff, v6;
	v7 =	vmul.f32 v6, v6;
	v6 =	vmax.f32 v8, v6  }
0x2ba: {  	[tilespmem:s20+$0x16010] =	vst v6  }
0x2bb: {  	[tilespmem:s20+$0xC390] =	vst.add.f32.msk $0xffff, v7  }
0x2bc: {  	v6 =	vld [tilespmem:s18+$0xFFFFFFE0]  }
0x2bd: {  	v7 =	vld [tilespmem:s1+$0xFFFFFFE0]  }
0x2be: {  	v8 =	vld [tilespmem:s20+$0x16020];
	_ =	sdelay $0x3  }
0x2bf: {  	v6 =	vadd.f32 v7, v6;
	_ =	sdelay $0x1  }
0x2c0: {  	[tilespmem:s20+$0x2720] =	vst.add.f32.msk $0xffff, v6;
	v7 =	vmul.f32 v6, v6;
	v6 =	vmax.f32 v8, v6  }
0x2c1: {  	[tilespmem:s20+$0x16020] =	vst v6;
	v6 =	vld [tilespmem:s20+$0x16030]  }
0x2c2: {  	[tilespmem:s20+$0xC3A0] =	vst.add.f32.msk $0xffff, v7  }
0x2c3: {  	v7 =	vld [tilespmem:s18+$0xFFFFFFF0]  }
0x2c4: {  	v8 =	vld [tilespmem:s1+$0xFFFFFFF0];
	_ =	sdelay $0x4  }
0x2c5: {  	v7 =	vadd.f32 v8, v7;
	_ =	sdelay $0x1  }
0x2c6: {  	[tilespmem:s20+$0x2730] =	vst.add.f32.msk $0xffff, v7;
	v8 =	vmul.f32 v7, v7;
	v6 =	vmax.f32 v6, v7  }
0x2c7: {  	[tilespmem:s20+$0x16030] =	vst v6;
	v6 =	vld [tilespmem:s20+$0x16040]  }
0x2c8: {  	[tilespmem:s20+$0xC3B0] =	vst.add.f32.msk $0xffff, v8  }
0x2c9: {  	v7 =	vld [tilespmem:s18+$0x0]  }
0x2ca: {  	v8 =	vld [tilespmem:s1+$0x0];
	_ =	sdelay $0x4  }
0x2cb: {  	v7 =	vadd.f32 v8, v7;
	_ =	sdelay $0x1  }
0x2cc: {  	[tilespmem:s20+$0x2740] =	vst.add.f32.msk $0xffff, v7;
	v8 =	vmul.f32 v7, v7;
	v6 =	vmax.f32 v6, v7  }
0x2cd: {  	[tilespmem:s20+$0x16040] =	vst v6;
	v6 =	vld [tilespmem:s20+$0x16050]  }
0x2ce: {  	[tilespmem:s20+$0xC3C0] =	vst.add.f32.msk $0xffff, v8  }
0x2cf: {  	v7 =	vld [tilespmem:s18+$0x10]  }
0x2d0: {  	v8 =	vld [tilespmem:s1+$0x10];
	_ =	sdelay $0x4  }
0x2d1: {  	v7 =	vadd.f32 v8, v7;
	_ =	sdelay $0x1  }
0x2d2: {  	[tilespmem:s20+$0x2750] =	vst.add.f32.msk $0xffff, v7;
	v8 =	vmul.f32 v7, v7;
	v6 =	vmax.f32 v6, v7  }
0x2d3: {  	[tilespmem:s20+$0x16050] =	vst v6;
	v7 =	vld [tilespmem:s20+$0x16060]  }
0x2d4: {  	[tilespmem:s20+$0xC3D0] =	vst.add.f32.msk $0xffff, v8  }
0x2d5: {  	v6 =	vld [tilespmem:s18+$0x20]  }
0x2d6: {  	v8 =	vld [tilespmem:s1+$0x20];
	_ =	sdelay $0x4  }
0x2d7: {  	v8 =	vadd.f32 v8, v6  }
0x2d8: {  	v6 =	vld [tilespmem:s20+$0x16070]  }
0x2d9: {  	[tilespmem:s20+$0x2760] =	vst.add.f32.msk $0xffff, v8;
	v9 =	vmul.f32 v8, v8;
	v7 =	vmax.f32 v7, v8  }
0x2da: {  	[tilespmem:s20+$0x16060] =	vst v7  }
.Ltmp22:
0x2db: {  	[tilespmem:s20+$0xC3E0] =	vst.add.f32.msk $0xffff, v9;
	(pc) =	sbr.rel @p1 .LBB2_25-.Ltmp22, $3  }
0x2dc: {  	v8 =	vld [tilespmem:s18+$0x30]  }
0x2dd: {  	v9 =	vld [tilespmem:s1+$0x30];
	_ =	sdelay $0x1  }
0x2de: {  	s7 =	sand.u32 $0x1FFFFF0, s7;
	v7 =	vsel vm1, $0x3F800000, v3  }
.LBB2_26:
0x2df: {  	_ =	sdelay $0x1  }
0x2e0: {  	v8 =	vadd.f32 v9, v8  }
.Ltmp23:
0x2e1: {  	_ = 	snop;
	(pc) =	sbr.rel @p0 .LBB2_30-.Ltmp23, $4  }
0x2e2: {  	[tilespmem:s20+$0x2770] =	vst.add.f32.msk $0xffff, v8;
	v9 =	vmul.f32 v8, v8;
	v6 =	vmax.f32 v6, v8  }
0x2e3: {  	[tilespmem:s20+$0x16070] =	vst v6  }
0x2e4: {  	[tilespmem:s20+$0xC3F0] =	vst.add.f32.msk $0xffff, v9  }
0x2e5: {  	[tilespmem:s7+$0x1FC80] =	vst.add.f32.msk $0xffff, v7  }
0x2e6: {  	_ =	swait.ge [sflag:s12], $0x800  }
0x2e7: {  	[sflag:s12] =	ssyncset.done $0x0  }
0x2e8: {  	[sflag:s12] =	ssyncadd.s32 $0xFFFFF800  }
0x2e9: {  	_ =	swait.ge [sflag:s13], $0x800  }
0x2ea: {  	[sflag:s13] =	ssyncset.done $0x0  }
0x2eb: {  	s0 =	simm.s32 $0x690;
	[sflag:s13] =	ssyncadd.s32 $0xFFFFF800  }
0x2ec: {  	v6 =	vld [tilespmem:s0+$0x0];
	_ =	sdelay $0x4  }
0x2ed: {  	(v2sf) =	vpush v6, $0x0;
	_ =	sdelay $0x8  }
0x2ee: {  	s18 =	simm.s32 $0xF70  }
0x2ef: {  	s1 =	simm.s32 $0x1F70;
	v7 =	vld [tilespmem:s18+$0xFFFFFF90]  }
0x2f0: {  	v6 =	vld [tilespmem:s1+$0xFFFFFF90];
	_ =	sdelay $0x3  }
0x2f1: {  	s20 =	spop (v2sf)  }
0x2f2: {  	v6 =	vadd.f32 v6, v7;
	v7 =	vld [tilespmem:s20+$0x16000];
	_ =	sdelay $0x1  }
0x2f3: {  	v8 =	vmul.f32 v6, v6;
	_ =	sdelay $0x1  }
0x2f4: {  	[tilespmem:s20+$0xC380] =	vst.add.f32.msk $0xffff, v8  }
0x2f5: {  	[tilespmem:s20+$0x2700] =	vst.add.f32.msk $0xffff, v6;
	v6 =	vmax.f32 v7, v6  }
0x2f6: {  	[tilespmem:s20+$0x16000] =	vst v6  }
0x2f7: {  	v6 =	vld [tilespmem:s18+$0xFFFFFFA0]  }
0x2f8: {  	v7 =	vld [tilespmem:s1+$0xFFFFFFA0];
	_ =	sdelay $0x1  }
0x2f9: {  	v8 =	vld [tilespmem:s20+$0x16010];
	_ =	sdelay $0x2  }
0x2fa: {  	v6 =	vadd.f32 v7, v6;
	_ =	sdelay $0x1  }
0x2fb: {  	[tilespmem:s20+$0x2710] =	vst.add.f32.msk $0xffff, v6;
	v7 =	vmul.f32 v6, v6;
	v6 =	vmax.f32 v8, v6  }
0x2fc: {  	[tilespmem:s20+$0x16010] =	vst v6  }
0x2fd: {  	[tilespmem:s20+$0xC390] =	vst.add.f32.msk $0xffff, v7  }
0x2fe: {  	v6 =	vld [tilespmem:s18+$0xFFFFFFB0]  }
0x2ff: {  	v7 =	vld [tilespmem:s1+$0xFFFFFFB0];
	_ =	sdelay $0x1  }
0x300: {  	v8 =	vld [tilespmem:s20+$0x16020];
	_ =	sdelay $0x2  }
0x301: {  	v6 =	vadd.f32 v7, v6;
	_ =	sdelay $0x1  }
0x302: {  	[tilespmem:s20+$0x2720] =	vst.add.f32.msk $0xffff, v6;
	v7 =	vmax.f32 v8, v6;
	v6 =	vmul.f32 v6, v6  }
0x303: {  	[tilespmem:s20+$0x16020] =	vst v7  }
0x304: {  	[tilespmem:s20+$0xC3A0] =	vst.add.f32.msk $0xffff, v6  }
0x305: {  	v6 =	vld [tilespmem:s18+$0xFFFFFFC0]  }
0x306: {  	v8 =	vld [tilespmem:s1+$0xFFFFFFC0];
	_ =	sdelay $0x1  }
0x307: {  	v7 =	vld [tilespmem:s20+$0x16030];
	_ =	sdelay $0x2  }
0x308: {  	v6 =	vadd.f32 v8, v6;
	_ =	sdelay $0x1  }
0x309: {  	[tilespmem:s20+$0x2730] =	vst.add.f32.msk $0xffff, v6;
	v7 =	vmax.f32 v7, v6;
	v6 =	vmul.f32 v6, v6  }
0x30a: {  	[tilespmem:s20+$0x16030] =	vst v7  }
0x30b: {  	[tilespmem:s20+$0xC3B0] =	vst.add.f32.msk $0xffff, v6  }
0x30c: {  	v6 =	vld [tilespmem:s18+$0xFFFFFFD0]  }
0x30d: {  	v8 =	vld [tilespmem:s1+$0xFFFFFFD0];
	_ =	sdelay $0x1  }
0x30e: {  	v7 =	vld [tilespmem:s20+$0x16040];
	_ =	sdelay $0x2  }
0x30f: {  	v6 =	vadd.f32 v8, v6;
	_ =	sdelay $0x1  }
0x310: {  	[tilespmem:s20+$0x2740] =	vst.add.f32.msk $0xffff, v6;
	v7 =	vmax.f32 v7, v6;
	v6 =	vmul.f32 v6, v6  }
0x311: {  	[tilespmem:s20+$0x16040] =	vst v7  }
0x312: {  	[tilespmem:s20+$0xC3C0] =	vst.add.f32.msk $0xffff, v6  }
0x313: {  	v6 =	vld [tilespmem:s18+$0xFFFFFFE0]  }
0x314: {  	v8 =	vld [tilespmem:s1+$0xFFFFFFE0];
	_ =	sdelay $0x1  }
0x315: {  	v7 =	vld [tilespmem:s20+$0x16050];
	_ =	sdelay $0x2  }
0x316: {  	v6 =	vadd.f32 v8, v6;
	_ =	sdelay $0x1  }
0x317: {  	[tilespmem:s20+$0x2750] =	vst.add.f32.msk $0xffff, v6;
	v7 =	vmax.f32 v7, v6;
	v6 =	vmul.f32 v6, v6  }
0x318: {  	[tilespmem:s20+$0x16050] =	vst v7  }
0x319: {  	[tilespmem:s20+$0xC3D0] =	vst.add.f32.msk $0xffff, v6  }
0x31a: {  	v6 =	vld [tilespmem:s18+$0xFFFFFFF0]  }
0x31b: {  	v8 =	vld [tilespmem:s1+$0xFFFFFFF0];
	_ =	sdelay $0x1  }
0x31c: {  	v7 =	vld [tilespmem:s20+$0x16060];
	_ =	sdelay $0x2  }
0x31d: {  	v8 =	vadd.f32 v8, v6;
	_ =	sdelay $0x1  }
0x31e: {  	p0 =	sgt.s32 s24, $0x11;
	[tilespmem:s20+$0x2760] =	vst.add.f32.msk $0xffff, v8;
	v9 =	vmul.f32 v8, v8;
	v7 =	vmax.f32 v7, v8  }
0x31f: {  	s24 =	simm.s32 @!p0 $0x11;
	[tilespmem:s20+$0x16060] =	vst v7  }
0x320: {  	s8 =	sadd.s32 $0xFFFFFFF0, s24;
	[tilespmem:s20+$0xC3E0] =	vst.add.f32.msk $0xffff, v9  }
0x321: {  	p0 =	sne.s32 s8, $0x1;
	v8 =	vld [tilespmem:s18+$0x0]  }
.Ltmp24:
0x322: {  	s7 =	sshrl.u32 s20, $0x7;
	v9 =	vld [tilespmem:s1+$0x0];
	(pc) =	sbr.rel @!p0 .LBB2_29-.Ltmp24, $4  }
0x323: {  	s6 =	sand.u32 $0xF, s7  }
0x324: {  	v6 =	vld [tilespmem:s20+$0x16070];
	v7 =	vmov s6  }
0x325: {  	vm1 =	veq.s32 v7, v5  }
0x326: {  	s7 =	sand.u32 $0x1FFFFF0, s7;
	s6 =	sadd.s32 $0xFFFFFFFF, s8;
	v7 =	vsel vm1, $0x3F800000, v3  }
.LBB2_28:
0x327: {  	s0 =	sadd.s32 $0x1, s0;
	s1 =	sadd.s32 $0x80, s1;
	s18 =	sadd.s32 $0x80, s18  }
0x328: {  	p0 =	sne.s32 s6, $0x1;
	s6 =	sadd.s32 $0xFFFFFFFF, s6  }
0x329: {  	v8 =	vadd.f32 v9, v8;
	_ =	sdelay $0x1  }
0x32a: {  	v9 =	vmul.f32 v8, v8;
	v6 =	vmax.f32 v6, v8;
	[tilespmem:s20+$0x2770] =	vst.add.f32.msk $0xffff, v8  }
0x32b: {  	[tilespmem:s20+$0x16070] =	vst v6  }
0x32c: {  	[tilespmem:s20+$0xC3F0] =	vst.add.f32.msk $0xffff, v9  }
0x32d: {  	[tilespmem:s7+$0x1FC80] =	vst.add.f32.msk $0xffff, v7  }
0x32e: {  	v6 =	vld [tilespmem:s0+$0x0];
	_ =	sdelay $0x4  }
0x32f: {  	(v2sf) =	vpush v6, $0x0;
	_ =	sdelay $0x9  }
0x330: {  	v6 =	vld [tilespmem:s1+$0xFFFFFF90]  }
0x331: {  	v7 =	vld [tilespmem:s18+$0xFFFFFF90];
	_ =	sdelay $0x3  }
0x332: {  	s20 =	spop (v2sf)  }
0x333: {  	v6 =	vadd.f32 v6, v7;
	v7 =	vld [tilespmem:s20+$0x16000];
	s7 =	sshrl.u32 s20, $0x7  }
0x334: {  	s8 =	sand.u32 $0xF, s7  }
0x335: {  	v8 =	vmul.f32 v6, v6;
	v9 =	vmov s8  }
0x336: {  	vm1 =	veq.s32 v9, v5  }
0x337: {  	[tilespmem:s20+$0xC380] =	vst.add.f32.msk $0xffff, v8  }
0x338: {  	[tilespmem:s20+$0x2700] =	vst.add.f32.msk $0xffff, v6;
	v6 =	vmax.f32 v7, v6  }
0x339: {  	[tilespmem:s20+$0x16000] =	vst v6  }
0x33a: {  	v6 =	vld [tilespmem:s18+$0xFFFFFFA0]  }
0x33b: {  	v7 =	vld [tilespmem:s1+$0xFFFFFFA0];
	_ =	sdelay $0x1  }
0x33c: {  	v8 =	vld [tilespmem:s20+$0x16010];
	_ =	sdelay $0x2  }
0x33d: {  	v6 =	vadd.f32 v7, v6;
	_ =	sdelay $0x1  }
0x33e: {  	[tilespmem:s20+$0x2710] =	vst.add.f32.msk $0xffff, v6;
	v7 =	vmul.f32 v6, v6;
	v6 =	vmax.f32 v8, v6  }
0x33f: {  	[tilespmem:s20+$0x16010] =	vst v6  }
0x340: {  	[tilespmem:s20+$0xC390] =	vst.add.f32.msk $0xffff, v7  }
0x341: {  	v6 =	vld [tilespmem:s18+$0xFFFFFFB0]  }
0x342: {  	v7 =	vld [tilespmem:s1+$0xFFFFFFB0]  }
0x343: {  	v8 =	vld [tilespmem:s20+$0x16020];
	_ =	sdelay $0x3  }
0x344: {  	v6 =	vadd.f32 v7, v6;
	_ =	sdelay $0x1  }
0x345: {  	[tilespmem:s20+$0x2720] =	vst.add.f32.msk $0xffff, v6;
	v7 =	vmul.f32 v6, v6;
	v6 =	vmax.f32 v8, v6  }
0x346: {  	[tilespmem:s20+$0x16020] =	vst v6;
	v6 =	vld [tilespmem:s20+$0x16030]  }
0x347: {  	[tilespmem:s20+$0xC3A0] =	vst.add.f32.msk $0xffff, v7  }
0x348: {  	v7 =	vld [tilespmem:s18+$0xFFFFFFC0]  }
0x349: {  	v8 =	vld [tilespmem:s1+$0xFFFFFFC0];
	_ =	sdelay $0x4  }
0x34a: {  	v7 =	vadd.f32 v8, v7;
	_ =	sdelay $0x1  }
0x34b: {  	[tilespmem:s20+$0x2730] =	vst.add.f32.msk $0xffff, v7;
	v8 =	vmul.f32 v7, v7;
	v6 =	vmax.f32 v6, v7  }
0x34c: {  	[tilespmem:s20+$0x16030] =	vst v6;
	v6 =	vld [tilespmem:s20+$0x16040]  }
0x34d: {  	[tilespmem:s20+$0xC3B0] =	vst.add.f32.msk $0xffff, v8  }
0x34e: {  	v7 =	vld [tilespmem:s18+$0xFFFFFFD0]  }
0x34f: {  	v8 =	vld [tilespmem:s1+$0xFFFFFFD0];
	_ =	sdelay $0x4  }
0x350: {  	v7 =	vadd.f32 v8, v7;
	_ =	sdelay $0x1  }
0x351: {  	[tilespmem:s20+$0x2740] =	vst.add.f32.msk $0xffff, v7;
	v8 =	vmul.f32 v7, v7;
	v6 =	vmax.f32 v6, v7  }
0x352: {  	[tilespmem:s20+$0x16040] =	vst v6;
	v6 =	vld [tilespmem:s20+$0x16050]  }
0x353: {  	[tilespmem:s20+$0xC3C0] =	vst.add.f32.msk $0xffff, v8  }
0x354: {  	v7 =	vld [tilespmem:s18+$0xFFFFFFE0]  }
0x355: {  	v8 =	vld [tilespmem:s1+$0xFFFFFFE0];
	_ =	sdelay $0x4  }
0x356: {  	v7 =	vadd.f32 v8, v7;
	_ =	sdelay $0x1  }
0x357: {  	[tilespmem:s20+$0x2750] =	vst.add.f32.msk $0xffff, v7;
	v8 =	vmul.f32 v7, v7;
	v6 =	vmax.f32 v6, v7  }
0x358: {  	[tilespmem:s20+$0x16050] =	vst v6;
	v7 =	vld [tilespmem:s20+$0x16060]  }
0x359: {  	[tilespmem:s20+$0xC3D0] =	vst.add.f32.msk $0xffff, v8  }
0x35a: {  	v6 =	vld [tilespmem:s18+$0xFFFFFFF0]  }
0x35b: {  	v8 =	vld [tilespmem:s1+$0xFFFFFFF0];
	_ =	sdelay $0x4  }
0x35c: {  	v8 =	vadd.f32 v8, v6  }
0x35d: {  	v6 =	vld [tilespmem:s20+$0x16070]  }
0x35e: {  	[tilespmem:s20+$0x2760] =	vst.add.f32.msk $0xffff, v8;
	v9 =	vmul.f32 v8, v8;
	v7 =	vmax.f32 v7, v8  }
0x35f: {  	[tilespmem:s20+$0x16060] =	vst v7  }
.Ltmp25:
0x360: {  	[tilespmem:s20+$0xC3E0] =	vst.add.f32.msk $0xffff, v9;
	(pc) =	sbr.rel @p0 .LBB2_28-.Ltmp25, $3  }
0x361: {  	v8 =	vld [tilespmem:s18+$0x0]  }
0x362: {  	v9 =	vld [tilespmem:s1+$0x0];
	_ =	sdelay $0x1  }
0x363: {  	s7 =	sand.u32 $0x1FFFFF0, s7;
	v7 =	vsel vm1, $0x3F800000, v3  }
.Ltmp26:
0x364: {  	_ = 	snop;
	(pc) =	sbr.rel .LBB2_29-.Ltmp26, $1  }
0x365: {  	_ =	sdelay $0x3  }
.LBB2_31:
0x366: {  	_ =	sfence.sel $0x180000  }
0x367: {  	[bflag:$0x0] =	sbarrier.arrive $0xFFFF  }
0x368: {  	_ =	strace $0x90000047  }
0x369: {  	s0 =	stileid.u32;
	[bflag:$0x2] =	sbarrier.arrive $0xFFFF  }
0x36a: {  	p0 =	sne.s32 s0, $0x0;
	s0 =	rddreg [dreg:$0x2]  }
0x36b: {  	s0 =	sadd.s32 @!p0 $0x100000, s0  }
0x36c: {  	[sflag:s0] =	ssyncadd.tile.s32 @!p0 $0x1;
	_ =	shalt  }
.Lfunc_end2:
_tile_overlayer_lowered:
.L_overlay_start_2:
0x36d: {  	(tag) =	ssettag $0x2  }
0x36e: {  	s0 =	rddreg [dreg:$0x0];
	s2 =	stileid.u32  }
0x36f: {  	s1 =	rddreg [dreg:$0x1];
	p0 =	sne.s32 s2, $0x0  }
0x370: {  	s3 =	rddreg [dreg:$0x2];
	[bflag:$0x3] =	sbarrier.arrive $0xFFFF;
	s2 =	simm.s32 @!p0 $0x1C04  }
0x371: {  	[timem:s3], [sflag:s2] =	dma.local @!p0 [hbm:s0], s1  }
0x372: {  	s0 =	simm.s32 @!p0 $0x4  }
0x373: {  	_ =	swait.ge @!p0 [sflag:s0], s1  }
0x374: {  	s1 =	ssub.s32 @!p0 $0x0, s1;
	[sflag:s0] =	ssyncset.done @!p0 $0x0  }
0x375: {  	[sflag:s0] =	ssyncadd.s32 @!p0 s1  }
0x376: {  	[bflag:$0x3] =	sbarrier.arrive $0xFFFF  }
0x377: {  	_ =	shalt  }

</sc_bundles>
